<compile_context>
chip_gen: v7x
topology: tpu7x:2x2x1
jax: 0.10.2.dev20260603
libtpu: 0.0.44.dev20260713+nightly
codegen_flags: <defaults>
</compile_context>

<pallas_src>
import functools

import jax
import jax.numpy as jnp
from jax import lax
from jax.experimental import pallas as pl
from jax.experimental.pallas import tpu as pltpu
from jax.experimental.pallas import tpu_sc as plsc

_N = 10000
_E = 160000
_NT = 16
_CH = 128
_NCH = 84
_EPT = _NCH * _CH
_EPAD = _NT * _EPT
_ACC = 10112
_ZPT = _ACC // _NT
_WBA = 624
_WBL = _N - 15 * _WBA
_R = 1000
_CW = 0.25



def _sc_mesh():
    return plsc.VectorSubcoreMesh(core_axis_name="c", subcore_axis_name="s")


def _ds(start, size, mult):
    return pl.ds(pl.multiple_of(start, mult), size)


def _writeback(sid, acc_sh, out):
    @pl.when(sid < 15)
    def _():
        off = _ds(sid * _WBA, _WBA, 16)
        pltpu.sync_copy(acc_sh.at[off], out.at[off])

    @pl.when(sid == 15)
    def _():
        off = pl.ds(15 * _WBA, _WBL)
        pltpu.sync_copy(acc_sh.at[off], out.at[off])


def _make_deg_kernel():
    @functools.partial(
        pl.kernel,
        mesh=_sc_mesh(),
        out_type=jax.ShapeDtypeStruct((_N, 128), jnp.float32),
        scratch_types=[
            pltpu.VMEM((_CH,), jnp.int32),
            pltpu.VMEM((_CH,), jnp.int32),
            pltpu.VMEM((_CH,), jnp.int32),
            pltpu.VMEM((_CH,), jnp.int32),
            pltpu.VMEM((_CH, 128), jnp.float32),
            pltpu.VMEM_SHARED((_ACC, 128), jnp.float32),
            pltpu.SemaphoreType.DMA,
            pltpu.SemaphoreType.DMA,
            pltpu.SemaphoreType.DMA,
            pltpu.SemaphoreType.DMA,
            pltpu.SemaphoreType.DMA,
            pltpu.SemaphoreType.DMA,
        ],
    )
    def deg_kernel(dstp, ones_hbm, z_hbm, out,
                   d0, d1, d2, d3, ones_v, acc_sh,
                   si0, si1, si2, si3, ss0, ss1):
        cid = lax.axis_index("c")
        sid = lax.axis_index("s")
        dv = (d0, d1, d2, d3)
        semi = (si0, si1, si2, si3)
        sems = (ss0, ss1)

        def idx_load(g, k):
            pltpu.async_copy(dstp.at[_ds(sid * _EPT + g * _CH, _CH, 128)],
                             dv[k], semi[k])

        def idx_wait(g, k):
            pltpu.make_async_copy(
                dstp.at[_ds(sid * _EPT + g * _CH, _CH, 128)],
                dv[k], semi[k]).wait()

        @pl.when(cid == 0)
        def _():
            pltpu.sync_copy(z_hbm, acc_sh.at[_ds(sid * _ZPT, _ZPT, 8)])
            pltpu.sync_copy(ones_hbm, ones_v)
            plsc.subcore_barrier()
            idx_load(0, 0)
            idx_load(1, 1)

            def quad(q, carry):
                for b in range(4):
                    g = q * 4 + b

                    @pl.when(g >= 2)
                    def _():
                        pltpu.make_async_copy(
                            ones_v, acc_sh.at[dv[(b + 2) % 4]],
                            sems[b % 2]).wait()

                    idx_wait(g, b)
                    pltpu.async_copy(ones_v, acc_sh.at[dv[b]],
                                     sems[b % 2], add=True)

                    @pl.when(g + 2 < _NCH)
                    def _():
                        idx_load(g + 2, (b + 2) % 4)
                return carry

            lax.fori_loop(0, _NCH // 4, quad, 0)
            for b in (2, 3):
                pltpu.make_async_copy(ones_v, acc_sh.at[dv[b]],
                                      sems[b % 2]).wait()
            plsc.subcore_barrier()
            _writeback(sid, acc_sh, out)

    return deg_kernel


def _agg_pipeline(nch, base, srcp, dstp, hs, sv, dv, rows, semi, semg,
                  sems, acc_sh):
    def idx_load(g, k):
        off = _ds(base + g * _CH, _CH, 128)
        pltpu.async_copy(srcp.at[off], sv[k], semi[k])
        pltpu.async_copy(dstp.at[off], dv[k], semi[k])

    def idx_wait(g, k):
        off = _ds(base + g * _CH, _CH, 128)
        pltpu.make_async_copy(srcp.at[off], sv[k], semi[k]).wait()
        pltpu.make_async_copy(dstp.at[off], dv[k], semi[k]).wait()

    idx_load(0, 0)
    idx_load(1, 1)
    idx_wait(0, 0)
    pltpu.async_copy(hs.at[sv[0]], rows[0], semg[0])

    def quad(q, carry):
        for b in range(4):
            g = q * 4 + b
            pltpu.make_async_copy(hs.at[sv[b]], rows[b % 2],
                                  semg[b % 2]).wait()
            pltpu.async_copy(rows[b % 2], acc_sh.at[dv[b]],
                             sems[b % 2], add=True)

            @pl.when(g >= 1)
            def _():
                pltpu.make_async_copy(rows[(b + 1) % 2],
                                      acc_sh.at[dv[(b + 3) % 4]],
                                      sems[(b + 1) % 2]).wait()

            @pl.when(g + 1 < nch)
            def _():
                idx_wait(g + 1, (b + 1) % 4)
                pltpu.async_copy(hs.at[sv[(b + 1) % 4]],
                                 rows[(b + 1) % 2], semg[(b + 1) % 2])

            @pl.when(g + 2 < nch)
            def _():
                idx_load(g + 2, (b + 2) % 4)
        return carry

    lax.fori_loop(0, nch // 4, quad, 0)
    pltpu.make_async_copy(rows[1], acc_sh.at[dv[3]], sems[1]).wait()


_AGG_SCRATCH = [
    pltpu.VMEM((_CH,), jnp.int32),
    pltpu.VMEM((_CH,), jnp.int32),
    pltpu.VMEM((_CH,), jnp.int32),
    pltpu.VMEM((_CH,), jnp.int32),
    pltpu.VMEM((_CH,), jnp.int32),
    pltpu.VMEM((_CH,), jnp.int32),
    pltpu.VMEM((_CH,), jnp.int32),
    pltpu.VMEM((_CH,), jnp.int32),
    pltpu.VMEM((_CH, 128), jnp.float32),
    pltpu.VMEM((_CH, 128), jnp.float32),
    pltpu.VMEM_SHARED((_ACC, 128), jnp.float32),
] + [pltpu.SemaphoreType.DMA] * 8


def _make_agg_fs_kernel():
    sds = jax.ShapeDtypeStruct((_N, 128), jnp.float32)

    @functools.partial(
        pl.kernel,
        mesh=_sc_mesh(),
        out_type=(sds, sds),
        scratch_types=list(_AGG_SCRATCH),
    )
    def agg_kernel(hs0, hs1, srcp, dstp, z_hbm, out0, out1,
                   s0, s1, s2, s3, d0, d1, d2, d3, rows0, rows1, acc_sh,
                   i0, i1, i2, i3, g0, g1, c0, c1):
        cid = lax.axis_index("c")
        sid = lax.axis_index("s")

        def run(hs, out):
            pltpu.sync_copy(z_hbm, acc_sh.at[_ds(sid * _ZPT, _ZPT, 8)])
            plsc.subcore_barrier()
            _agg_pipeline(_NCH, sid * _EPT, srcp, dstp, hs,
                          (s0, s1, s2, s3), (d0, d1, d2, d3),
                          (rows0, rows1), (i0, i1, i2, i3), (g0, g1),
                          (c0, c1), acc_sh)
            plsc.subcore_barrier()
            _writeback(sid, acc_sh, out)

        @pl.when(cid == 0)
        def _():
            run(hs0, out0)

        @pl.when(cid == 1)
        def _():
            run(hs1, out1)

    return agg_kernel


def _make_agg_es_kernel():
    @functools.partial(
        pl.kernel,
        mesh=_sc_mesh(),
        out_type=jax.ShapeDtypeStruct((_N, 128), jnp.float32),
        scratch_types=list(_AGG_SCRATCH),
    )
    def agg_kernel(hs, srcp, dstp, z_hbm, out,
                   s0, s1, s2, s3, d0, d1, d2, d3, rows0, rows1, acc_sh,
                   i0, i1, i2, i3, g0, g1, c0, c1):
        cid = lax.axis_index("c")
        sid = lax.axis_index("s")

        @pl.when(cid == 0)
        def _():
            pltpu.sync_copy(z_hbm, acc_sh.at[_ds(sid * _ZPT, _ZPT, 8)])
            plsc.subcore_barrier()
            _agg_pipeline(_NCH, sid * _EPT, srcp, dstp, hs,
                          (s0, s1, s2, s3), (d0, d1, d2, d3),
                          (rows0, rows1), (i0, i1, i2, i3), (g0, g1),
                          (c0, c1), acc_sh)
            plsc.subcore_barrier()
            _writeback(sid, acc_sh, out)

    return agg_kernel



def _selu(x):
    alpha = 1.6732632423543772848170429916717
    scale = 1.0507009873554804934193349852946
    return scale * jnp.where(x > 0, x, alpha * (jnp.exp(x) - 1.0))


def _rvq(h, cb):
    residual = h
    sse = jnp.float32(0.0)
    idxs = []
    for i in range(cb.shape[0]):
        cn = cb[i]
        rn = residual / (jnp.sqrt(jnp.sum(residual * residual, axis=1,
                                          keepdims=True)) + 1e-8)
        sim = lax.dot_general(rn, cn, (((1,), (1,)), ((), ())),
                              preferred_element_type=jnp.float32)
        m = jnp.max(sim, axis=1, keepdims=True)
        io = lax.broadcasted_iota(jnp.int32, sim.shape, 1)
        idx = jnp.min(jnp.where(sim >= m, io, jnp.int32(1 << 30)), axis=1)
        oh = (io == idx[:, None]).astype(jnp.float32)
        q = lax.dot_general(oh, cn, (((1,), (0,)), ((), ())),
                            precision=lax.Precision.HIGHEST,
                            preferred_element_type=jnp.float32)
        diff = q - residual
        sse = sse + jnp.sum(diff * diff)
        residual = residual - q
        idxs.append(idx)
    return idxs, sse


def _mm_body(x_ref, w_ref, o_ref):
    o_ref[...] = jnp.dot(x_ref[...], w_ref[...],
                         preferred_element_type=jnp.float32)


def _scale_body(dinv_ref, h_ref, o0_ref, o1_ref):
    h = h_ref[...] * dinv_ref[...]
    half = h.shape[1] // 2
    o0_ref[...] = h[:, :half]
    o1_ref[...] = h[:, half:]


def _pre_b_body(dinv_ref, a0, a1, b_ref, o_ref):
    h = jnp.concatenate([a0[...], a1[...]], axis=1)
    o_ref[...] = h * dinv_ref[...] + b_ref[...]


def _pre_c_body(dinv_ref, p_ref, b_ref, o_ref):
    o_ref[...] = p_ref[...] * dinv_ref[...] + b_ref[...]


def _post_body(dinv_ref, h_ref, cb_ref, w_ref, i0, i1, i2, sse_ref, o_ref):
    k = pl.program_id(0)
    h = h_ref[...]
    idxs, sse = _rvq(h, cb_ref[...])
    i0[...] = idxs[0][:, None]
    i1[...] = idxs[1][:, None]
    i2[...] = idxs[2][:, None]

    @pl.when(k == 0)
    def _():
        sse_ref[0, 0] = 0.0

    sse_ref[0, 0] += sse
    o_ref[...] = jnp.dot(h, w_ref[...],
                         preferred_element_type=jnp.float32) * dinv_ref[...]


def _final_stage_body(dinv_ref, p_ref, b_ref, cb_ref,
                      i0, i1, i2, sse_ref, h_ref, ssum_ref):
    k = pl.program_id(0)
    h = p_ref[...] * dinv_ref[...] + b_ref[...]
    idxs, sse = _rvq(h, cb_ref[...])
    i0[...] = idxs[0][:, None]
    i1[...] = idxs[1][:, None]
    i2[...] = idxs[2][:, None]

    @pl.when(k == 0)
    def _():
        sse_ref[0, 0] = 0.0
        ssum_ref[0, 0] = 0.0

    sse_ref[0, 0] += sse
    ssum_ref[0, 0] += jnp.sum(h)
    h_ref[...] = h


def _out_body(h_ref, s_ref, o_ref):
    t = jnp.tanh(h_ref[...] / s_ref[0, 0]) ** 2
    dn = jnp.maximum(
        jnp.sqrt(jnp.sum(t * t, axis=1, keepdims=True)), 1e-12)
    o_ref[...] = t / dn


def _row_spec(cols):
    return pl.BlockSpec((_R, cols), lambda i: (i, 0))


def _full_spec(shape):
    ndim = len(shape)
    return pl.BlockSpec(shape, lambda i: (0,) * ndim)


def _smem_spec():
    return pl.BlockSpec(memory_space=pltpu.SMEM)


_GRID = _N // _R
_F32 = jnp.float32
_I32 = jnp.int32


def _mm1(x, W1):
    return pl.pallas_call(
        _mm_body,
        grid=(_GRID,),
        in_specs=[_row_spec(256), _full_spec((256, 256))],
        out_specs=_row_spec(256),
        out_shape=jax.ShapeDtypeStruct((_N, 256), _F32),
    )(x, W1)


def _scale_split(dinv, h1p):
    return pl.pallas_call(
        _scale_body,
        grid=(_GRID,),
        in_specs=[_row_spec(1), _row_spec(256)],
        out_specs=[_row_spec(128), _row_spec(128)],
        out_shape=[jax.ShapeDtypeStruct((_N, 128), _F32),
                   jax.ShapeDtypeStruct((_N, 128), _F32)],
    )(dinv, h1p)


def _pre_b(dinv, a0, a1, b):
    return pl.pallas_call(
        _pre_b_body,
        grid=(_GRID,),
        in_specs=[_row_spec(1), _row_spec(128), _row_spec(128),
                  _full_spec((1, 256))],
        out_specs=_row_spec(256),
        out_shape=jax.ShapeDtypeStruct((_N, 256), _F32),
    )(dinv, a0, a1, b.reshape(1, 256))


def _pre_c(dinv, p, b):
    return pl.pallas_call(
        _pre_c_body,
        grid=(_GRID,),
        in_specs=[_row_spec(1), _row_spec(128), _full_spec((1, 128))],
        out_specs=_row_spec(128),
        out_shape=jax.ShapeDtypeStruct((_N, 128), _F32),
    )(dinv, p, b.reshape(1, 128))


def _post(dinv, h, cb, W):
    d = h.shape[1]
    dn = W.shape[1]
    return pl.pallas_call(
        _post_body,
        grid=(_GRID,),
        in_specs=[_row_spec(1), _row_spec(d), _full_spec((3, 16, d)),
                  _full_spec((d, dn))],
        out_specs=[_row_spec(1), _row_spec(1), _row_spec(1),
                   _smem_spec(), _row_spec(dn)],
        out_shape=[jax.ShapeDtypeStruct((_N, 1), _I32),
                   jax.ShapeDtypeStruct((_N, 1), _I32),
                   jax.ShapeDtypeStruct((_N, 1), _I32),
                   jax.ShapeDtypeStruct((1, 1), _F32),
                   jax.ShapeDtypeStruct((_N, dn), _F32)],
    )(dinv, h, cb, W)


def _final_stage(dinv, p, b, cb):
    return pl.pallas_call(
        _final_stage_body,
        grid=(_GRID,),
        in_specs=[_row_spec(1), _row_spec(128),
                  _full_spec((1, 128)), _full_spec((3, 16, 128))],
        out_specs=[_row_spec(1), _row_spec(1), _row_spec(1),
                   _smem_spec(), _row_spec(128), _smem_spec()],
        out_shape=[jax.ShapeDtypeStruct((_N, 1), _I32),
                   jax.ShapeDtypeStruct((_N, 1), _I32),
                   jax.ShapeDtypeStruct((_N, 1), _I32),
                   jax.ShapeDtypeStruct((1, 1), _F32),
                   jax.ShapeDtypeStruct((_N, 128), _F32),
                   jax.ShapeDtypeStruct((1, 1), _F32)],
    )(dinv, p, b.reshape(1, 128), cb)


def _final_out(h3, ssum):
    return pl.pallas_call(
        _out_body,
        grid=(_GRID,),
        in_specs=[_row_spec(128), _smem_spec()],
        out_specs=_row_spec(128),
        out_shape=jax.ShapeDtypeStruct((_N, 128), _F32),
    )(h3, ssum)



def kernel(x, edge_index, W1, b1, W2, b2, W3, b3, cb0, cb1, cb2):
    src = edge_index[0].astype(_I32)
    dst = edge_index[1].astype(_I32)
    loop = jnp.arange(_N, dtype=_I32)
    pad = _EPAD - _E - _N
    srcp = jnp.concatenate([src, loop, jnp.zeros((pad,), _I32)])
    dstp = jnp.concatenate([dst, loop, jnp.full((pad,), _N, _I32)])

    def _cn(cb):
        return cb / (jnp.linalg.norm(cb, axis=-1, keepdims=True) + 1e-8)

    cn0, cn1, cn2 = _cn(cb0), _cn(cb1), _cn(cb2)

    deg_k = _make_deg_kernel()
    agg_fs = _make_agg_fs_kernel()
    agg_es = _make_agg_es_kernel()

    ones128 = jnp.ones((_CH, 128), _F32)
    z128 = jnp.zeros((_ZPT, 128), _F32)

    deg16 = deg_k(dstp, ones128, z128)
    deg = deg16[:, 0]
    dinv = jnp.where(deg > 0, lax.rsqrt(jnp.maximum(deg, 1e-12)),
                     0.0).reshape(_N, 1)
    h1p = _mm1(x, W1)
    hs1_0, hs1_1 = _scale_split(dinv, h1p)

    agg1_0, agg1_1 = agg_fs(hs1_0, hs1_1, srcp, dstp, z128)
    h1 = jax.nn.selu(_pre_b(dinv, agg1_0, agg1_1, b1))
    ia0, ia1, ia2, sse0, hs2 = _post(dinv, h1, cn0, W2)

    agg2 = agg_es(hs2, srcp, dstp, z128)
    h2 = jax.nn.selu(_pre_c(dinv, agg2, b2))
    ib0, ib1, ib2, sse1, hs3 = _post(dinv, h2, cn1, W3)

    agg3 = agg_es(hs3, srcp, dstp, z128)
    ic0, ic1, ic2, sse2, h3, ssum = _final_stage(dinv, agg3, b3, cn2)

    out = _final_out(h3, ssum)

    total_loss = _CW * (sse0[0, 0] / (_N * 256)
                        + sse1[0, 0] / (_N * 128)
                        + sse2[0, 0] / (_N * 128))
    ids = jnp.concatenate(
        [ia0, ia1, ia2, ib0, ib1, ib2, ic0, ic1, ic2], axis=1)
    return (out, total_loss, ids)

# --- scband reference (transcript-rebuilt; emitter-appended) ---
"""Pipeline reference for scband-gnn-13657996001676 (READ-ONLY COPY).

The authoritative reference and input builder live on the scoring server;
editing this copy changes nothing except your own understanding.
"""

import jax, jax.numpy as jnp
import numpy as np

N_NODES = 10000
N_EDGES = 160000
IN_DIM = 256
OUT_DIM = 128
NUM_CODE = 16
NUM_RES_LAYERS = 3
COMMIT_W = 0.25


def _gcn_conv(x, src, dst, W, b, n):
    # PyG GCNConv: linear transform, add self loops, sym-normalized scatter-add aggregation
    h = x @ W
    loop = jnp.arange(n, dtype=src.dtype)
    s = jnp.concatenate([src, loop])
    d = jnp.concatenate([dst, loop])
    deg = jax.ops.segment_sum(jnp.ones(s.shape[0], dtype=h.dtype), d, num_segments=n)
    dinv = jnp.where(deg > 0, jax.lax.rsqrt(jnp.maximum(deg, 1e-12)), 0.0)
    norm = dinv[s] * dinv[d]
    msgs = jnp.take(h, s, axis=0) * norm[:, None]
    out = jax.ops.segment_sum(msgs, d, num_segments=n)
    return out + b


def _residual_vq(x, codebooks):
    # Residual VQ with cosine-sim codebook lookup (kmeans/EMA-style: codebook not grad-trained,
    # commitment loss pulls encoder output toward detached quantized vector).
    residual = x
    total_loss = jnp.asarray(0.0, x.dtype)
    idxs = []
    for i in range(codebooks.shape[0]):
        cb = codebooks[i]
        rn = residual / (jnp.linalg.norm(residual, axis=-1, keepdims=True) + 1e-8)
        cn = cb / (jnp.linalg.norm(cb, axis=-1, keepdims=True) + 1e-8)
        sim = rn @ cn.T
        idx = jnp.argmax(sim, axis=-1)
        q = jnp.take(cn, idx, axis=0)
        total_loss = total_loss + COMMIT_W * jnp.mean((jax.lax.stop_gradient(q) - residual) ** 2)
        residual = residual - jax.lax.stop_gradient(q)
        idxs.append(idx)
    return jnp.stack(idxs, axis=1), total_loss


def setup_inputs(seed: int = 0):
    key = jax.random.key(seed)
    ks = jax.random.split(key, 12)
    x = jax.random.normal(ks[0], (N_NODES, IN_DIM), dtype=jnp.float32)
    edge_index = jax.random.randint(ks[1], (2, N_EDGES), 0, N_NODES)

    def glorot(k, shape):
        lim = float(np.sqrt(6.0 / (shape[0] + shape[1])))
        return jax.random.uniform(k, shape, dtype=jnp.float32, minval=-lim, maxval=lim)

    W1 = glorot(ks[2], (IN_DIM, 256))
    b1 = jnp.zeros((256,), jnp.float32)
    W2 = glorot(ks[3], (256, 128))
    b2 = jnp.zeros((128,), jnp.float32)
    W3 = glorot(ks[4], (128, OUT_DIM))
    b3 = jnp.zeros((OUT_DIM,), jnp.float32)
    cb0 = jax.random.normal(ks[5], (NUM_RES_LAYERS, NUM_CODE, 256), dtype=jnp.float32)
    cb1 = jax.random.normal(ks[6], (NUM_RES_LAYERS, NUM_CODE, 128), dtype=jnp.float32)
    cb2 = jax.random.normal(ks[7], (NUM_RES_LAYERS, NUM_CODE, OUT_DIM), dtype=jnp.float32)
    return {"x": x, "edge_index": edge_index, "W1": W1, "b1": b1, "W2": W2, "b2": b2,
            "W3": W3, "b3": b3, "cb0": cb0, "cb1": cb1, "cb2": cb2}


def reference(x, edge_index, W1, b1, W2, b2, W3, b3, cb0, cb1, cb2):
    src = edge_index[0]
    dst = edge_index[1]
    n = x.shape[0]
    # conv1 -> selu -> dropout(eval=identity) -> RVQ(256)
    h = jax.nn.selu(_gcn_conv(x, src, dst, W1, b1, n))
    ids0, l0 = _residual_vq(h, cb0)
    # conv2 -> selu -> dropout(eval=identity) -> RVQ(128)
    h = jax.nn.selu(_gcn_conv(h, src, dst, W2, b2, n))
    ids1, l1 = _residual_vq(h, cb1)
    # conv3 -> RVQ(out_dim)
    h = _gcn_conv(h, src, dst, W3, b3, n)
    ids2, l2 = _residual_vq(h, cb2)
    total_commit_loss = l0 + l1 + l2
    id_list_concat = jnp.concatenate([ids0, ids1, ids2], axis=1)
    out = h / jnp.sum(h)
    out = jnp.tanh(out) ** 2
    denom = jnp.maximum(jnp.linalg.norm(out, axis=-1, keepdims=True), 1e-12)
    out = out / denom
    return (out, total_commit_loss, id_list_concat)

if __name__ == "__main__":
    import jax
    _d = setup_inputs()
    print(jax.jit(kernel)(*tuple(_d.values())))

</pallas_src>

<mosaic_0001>
#map = affine_map<(d0, d1) -> (0, 0)>
#map1 = affine_map<(d0, d1) -> (0)>
module attributes {stable_mosaic.version = 14 : i64} {
  func.func @agg_kernel(%arg0: i32, %arg1: i32, %arg2: memref<10000x128xf32, #tpu.memory_space<hbm>>, %arg3: memref<172032xi32, #tpu.memory_space<hbm>>, %arg4: memref<172032xi32, #tpu.memory_space<hbm>>, %arg5: memref<632x128xf32, #tpu.memory_space<hbm>>, %arg6: memref<10000x128xf32, #tpu.memory_space<hbm>>, %arg7: memref<128xi32, #tpu.memory_space<vmem>>, %arg8: memref<128xi32, #tpu.memory_space<vmem>>, %arg9: memref<128xi32, #tpu.memory_space<vmem>>, %arg10: memref<128xi32, #tpu.memory_space<vmem>>, %arg11: memref<128xi32, #tpu.memory_space<vmem>>, %arg12: memref<128xi32, #tpu.memory_space<vmem>>, %arg13: memref<128xi32, #tpu.memory_space<vmem>>, %arg14: memref<128xi32, #tpu.memory_space<vmem>>, %arg15: memref<128x128xf32, #tpu.memory_space<vmem>>, %arg16: memref<128x128xf32, #tpu.memory_space<vmem>>, %arg17: memref<10112x128xf32, #tpu.memory_space<vmem_shared>>, %arg18: memref<!tpu.dma_semaphore, #tpu.memory_space<semaphore_mem>>, %arg19: memref<!tpu.dma_semaphore, #tpu.memory_space<semaphore_mem>>, %arg20: memref<!tpu.dma_semaphore, #tpu.memory_space<semaphore_mem>>, %arg21: memref<!tpu.dma_semaphore, #tpu.memory_space<semaphore_mem>>, %arg22: memref<!tpu.dma_semaphore, #tpu.memory_space<semaphore_mem>>, %arg23: memref<!tpu.dma_semaphore, #tpu.memory_space<semaphore_mem>>, %arg24: memref<!tpu.dma_semaphore, #tpu.memory_space<semaphore_mem>>, %arg25: memref<!tpu.dma_semaphore, #tpu.memory_space<semaphore_mem>>) attributes {dimension_semantics = [#tpu.dimension_semantics<core_parallel>, #tpu.dimension_semantics<subcore_parallel>], iteration_bounds = array<i64: 2, 16>, scalar_prefetch = 0 : i64, scratch_operands = 19 : i64, tpu.core_type = #tpu.core_type<sc_vector_subcore>, window_params = [{transform_indices = #map}, {transform_indices = #map1}, {transform_indices = #map1}, {transform_indices = #map}, {transform_indices = #map}]} {
    %eq3A = arith.constant 0 : i32
    %eq3A_0 = arith.cmpi eq, %arg0, %eq3A : i32
    %convert_element_type3A = arith.extui %eq3A_0 : i1 to i32
    %cond3A = arith.constant 0 : i32
    %cond3A_1 = arith.cmpi ne, %convert_element_type3A, %cond3A : i32
    scf.if %cond3A_1 {
      %mul3A = arith.constant 632 : i32
      %mul3A_2 = arith.muli %arg1, %mul3A : i32
      %multiple_of3A = tpu.assume_multiple %mul3A_2, 8 : i32
      "tpu.region"() ({
        %run_scoped3A = tpu.sem_alloc : memref<!tpu.dma_semaphore, #tpu.memory_space<semaphore_mem>>
        %dma_start3A_44 = arith.constant 0 : i32
        %dma_start3A_45 = tpu.memref_slice %arg17[%multiple_of3A, %dma_start3A_44] : memref<10112x128xf32, #tpu.memory_space<vmem_shared>> -> memref<632x128xf32, #tpu.memory_space<vmem_shared>>
        tpu.enqueue_dma source(%arg5 : memref<632x128xf32, #tpu.memory_space<hbm>>) target(%dma_start3A_45 : memref<632x128xf32, #tpu.memory_space<vmem_shared>>) target_semaphore(%run_scoped3A : memref<!tpu.dma_semaphore, #tpu.memory_space<semaphore_mem>>)
        %dma_wait3A_46 = arith.constant 0 : i32
        %dma_wait3A_47 = tpu.memref_slice %arg17[%multiple_of3A, %dma_wait3A_46] : memref<10112x128xf32, #tpu.memory_space<vmem_shared>> -> memref<632x128xf32, #tpu.memory_space<vmem_shared>>
        tpu.wait_dma2 semaphore(%run_scoped3A : memref<!tpu.dma_semaphore, #tpu.memory_space<semaphore_mem>>) src(%arg5 : memref<632x128xf32, #tpu.memory_space<hbm>>) dst(%dma_wait3A_47 : memref<632x128xf32, #tpu.memory_space<vmem_shared>>)
        tpu.yield
      }) : () -> ()
      %barrier3A = arith.constant 0 : index
      tpu.barrier barrier_id(%barrier3A)
      %mul3A_3 = arith.constant 10752 : i32
      %mul3A_4 = arith.muli %arg1, %mul3A_3 : i32
      %add3A = arith.constant 0 : i32
      %add3A_5 = arith.addi %mul3A_4, %add3A : i32
      %multiple_of3A_6 = tpu.assume_multiple %add3A_5, 128 : i32
      %dma_start3A = tpu.memref_slice %arg3[%multiple_of3A_6] : memref<172032xi32, #tpu.memory_space<hbm>> -> memref<128xi32, #tpu.memory_space<hbm>>
      %dma_start3A_7 = tpu.memref_slice %arg3[%multiple_of3A_6] : memref<172032xi32, #tpu.memory_space<hbm>> -> memref<128xi32, #tpu.memory_space<hbm>>
      tpu.enqueue_dma source(%dma_start3A_7 : memref<128xi32, #tpu.memory_space<hbm>>) target(%arg7 : memref<128xi32, #tpu.memory_space<vmem>>) target_semaphore(%arg18 : memref<!tpu.dma_semaphore, #tpu.memory_space<semaphore_mem>>)
      %dma_start3A_8 = tpu.memref_slice %arg4[%multiple_of3A_6] : memref<172032xi32, #tpu.memory_space<hbm>> -> memref<128xi32, #tpu.memory_space<hbm>>
      %dma_start3A_9 = tpu.memref_slice %arg4[%multiple_of3A_6] : memref<172032xi32, #tpu.memory_space<hbm>> -> memref<128xi32, #tpu.memory_space<hbm>>
      tpu.enqueue_dma source(%dma_start3A_9 : memref<128xi32, #tpu.memory_space<hbm>>) target(%arg11 : memref<128xi32, #tpu.memory_space<vmem>>) target_semaphore(%arg18 : memref<!tpu.dma_semaphore, #tpu.memory_space<semaphore_mem>>)
      %add3A_10 = arith.constant 128 : i32
      %add3A_11 = arith.addi %mul3A_4, %add3A_10 : i32
      %multiple_of3A_12 = tpu.assume_multiple %add3A_11, 128 : i32
      %dma_start3A_13 = tpu.memref_slice %arg3[%multiple_of3A_12] : memref<172032xi32, #tpu.memory_space<hbm>> -> memref<128xi32, #tpu.memory_space<hbm>>
      %dma_start3A_14 = tpu.memref_slice %arg3[%multiple_of3A_12] : memref<172032xi32, #tpu.memory_space<hbm>> -> memref<128xi32, #tpu.memory_space<hbm>>
      tpu.enqueue_dma source(%dma_start3A_14 : memref<128xi32, #tpu.memory_space<hbm>>) target(%arg8 : memref<128xi32, #tpu.memory_space<vmem>>) target_semaphore(%arg19 : memref<!tpu.dma_semaphore, #tpu.memory_space<semaphore_mem>>)
      %dma_start3A_15 = tpu.memref_slice %arg4[%multiple_of3A_12] : memref<172032xi32, #tpu.memory_space<hbm>> -> memref<128xi32, #tpu.memory_space<hbm>>
      %dma_start3A_16 = tpu.memref_slice %arg4[%multiple_of3A_12] : memref<172032xi32, #tpu.memory_space<hbm>> -> memref<128xi32, #tpu.memory_space<hbm>>
      tpu.enqueue_dma source(%dma_start3A_16 : memref<128xi32, #tpu.memory_space<hbm>>) target(%arg12 : memref<128xi32, #tpu.memory_space<vmem>>) target_semaphore(%arg19 : memref<!tpu.dma_semaphore, #tpu.memory_space<semaphore_mem>>)
      %add3A_17 = arith.constant 0 : i32
      %add3A_18 = arith.addi %mul3A_4, %add3A_17 : i32
      %multiple_of3A_19 = tpu.assume_multiple %add3A_18, 128 : i32
      %dma_wait3A = tpu.memref_slice %arg3[%multiple_of3A_19] : memref<172032xi32, #tpu.memory_space<hbm>> -> memref<128xi32, #tpu.memory_space<hbm>>
      %dma_wait3A_20 = tpu.memref_slice %arg3[%multiple_of3A_19] : memref<172032xi32, #tpu.memory_space<hbm>> -> memref<128xi32, #tpu.memory_space<hbm>>
      tpu.wait_dma2 semaphore(%arg18 : memref<!tpu.dma_semaphore, #tpu.memory_space<semaphore_mem>>) src(%dma_wait3A_20 : memref<128xi32, #tpu.memory_space<hbm>>) dst(%arg7 : memref<128xi32, #tpu.memory_space<vmem>>)
      %dma_wait3A_21 = tpu.memref_slice %arg4[%multiple_of3A_19] : memref<172032xi32, #tpu.memory_space<hbm>> -> memref<128xi32, #tpu.memory_space<hbm>>
      %dma_wait3A_22 = tpu.memref_slice %arg4[%multiple_of3A_19] : memref<172032xi32, #tpu.memory_space<hbm>> -> memref<128xi32, #tpu.memory_space<hbm>>
      tpu.wait_dma2 semaphore(%arg18 : memref<!tpu.dma_semaphore, #tpu.memory_space<semaphore_mem>>) src(%dma_wait3A_22 : memref<128xi32, #tpu.memory_space<hbm>>) dst(%arg11 : memref<128xi32, #tpu.memory_space<vmem>>)
      %dma_start3A_23 = arith.constant 0 : i32
      %dma_start3A_24 = arith.constant 0 : i32
      %dma_start3A_25 = tpu.memref_slice %arg2[%dma_start3A_23, %dma_start3A_24] : memref<10000x128xf32, #tpu.memory_space<hbm>> -> memref<10000x128xf32, #tpu.memory_space<hbm>>
      tpu.enqueue_indirect_dma source(%dma_start3A_25 : memref<10000x128xf32, #tpu.memory_space<hbm>>) target(%arg15 : memref<128x128xf32, #tpu.memory_space<vmem>>) offsets(%arg7 : memref<128xi32, #tpu.memory_space<vmem>>) semaphore(%arg22 : memref<!tpu.dma_semaphore, #tpu.memory_space<semaphore_mem>>)
      %scan3A = arith.constant 0 : i32
      %scan3A_26 = arith.constant 0 : i32
      %scan3A_27 = arith.constant 21 : i32
      %scan3A_28 = arith.addi %scan3A_26, %scan3A_27 : i32
      %scan3A_29 = arith.constant 1 : i32
      scf.for %scan3A_44 = %scan3A_26 to %scan3A_28 step %scan3A_29  : i32 {
        %mul3A_45 = arith.constant 4 : i32
        %mul3A_46 = arith.muli %scan3A_44, %mul3A_45 : i32
        %add3A_47 = arith.constant 0 : i32
        %add3A_48 = arith.addi %mul3A_46, %add3A_47 : i32
        %dma_wait3A_49 = arith.constant 0 : i32
        %dma_wait3A_50 = arith.constant 0 : i32
        %dma_wait3A_51 = tpu.memref_slice %arg2[%dma_wait3A_49, %dma_wait3A_50] : memref<10000x128xf32, #tpu.memory_space<hbm>> -> memref<10000x128xf32, #tpu.memory_space<hbm>>
        tpu.wait_indirect_dma semaphore(%arg22 : memref<!tpu.dma_semaphore, #tpu.memory_space<semaphore_mem>>) src(%dma_wait3A_51 : memref<10000x128xf32, #tpu.memory_space<hbm>>) dst(%arg15 : memref<128x128xf32, #tpu.memory_space<vmem>>)
        %dma_start3A_52 = arith.constant 0 : i32
        %dma_start3A_53 = arith.constant 0 : i32
        %dma_start3A_54 = tpu.memref_slice %arg17[%dma_start3A_52, %dma_start3A_53] : memref<10112x128xf32, #tpu.memory_space<vmem_shared>> -> memref<10112x128xf32, #tpu.memory_space<vmem_shared>>
        tpu.enqueue_indirect_dma source(%arg15 : memref<128x128xf32, #tpu.memory_space<vmem>>) target(%dma_start3A_54 : memref<10112x128xf32, #tpu.memory_space<vmem_shared>>) offsets(%arg11 : memref<128xi32, #tpu.memory_space<vmem>>) semaphore(%arg24 : memref<!tpu.dma_semaphore, #tpu.memory_space<semaphore_mem>>) {add = true}
        %ge3A = arith.constant 1 : i32
        %ge3A_55 = arith.cmpi sge, %add3A_48, %ge3A : i32
        %convert_element_type3A_56 = arith.extui %ge3A_55 : i1 to i32
        %cond3A_57 = arith.constant 0 : i32
        %cond3A_58 = arith.cmpi ne, %convert_element_type3A_56, %cond3A_57 : i32
        scf.if %cond3A_58 {
          %dma_wait3A_160 = arith.constant 0 : i32
          %dma_wait3A_161 = arith.constant 0 : i32
          %dma_wait3A_162 = tpu.memref_slice %arg17[%dma_wait3A_160, %dma_wait3A_161] : memref<10112x128xf32, #tpu.memory_space<vmem_shared>> -> memref<10112x128xf32, #tpu.memory_space<vmem_shared>>
          tpu.wait_indirect_dma semaphore(%arg25 : memref<!tpu.dma_semaphore, #tpu.memory_space<semaphore_mem>>) src(%arg16 : memref<128x128xf32, #tpu.memory_space<vmem>>) dst(%dma_wait3A_162 : memref<10112x128xf32, #tpu.memory_space<vmem_shared>>)
        } else {
        }
        %add3A_59 = arith.constant 1 : i32
        %add3A_60 = arith.addi %add3A_48, %add3A_59 : i32
        %lt3A_61 = arith.constant 84 : i32
        %lt3A_62 = arith.cmpi slt, %add3A_60, %lt3A_61 : i32
        %convert_element_type3A_63 = arith.extui %lt3A_62 : i1 to i32
        %cond3A_64 = arith.constant 0 : i32
        %cond3A_65 = arith.cmpi ne, %convert_element_type3A_63, %cond3A_64 : i32
        scf.if %cond3A_65 {
          %add3A_160 = arith.constant 1 : i32
          %add3A_161 = arith.addi %add3A_48, %add3A_160 : i32
          %mul3A_162 = arith.constant 128 : i32
          %mul3A_163 = arith.muli %add3A_161, %mul3A_162 : i32
          %add3A_164 = arith.addi %mul3A_4, %mul3A_163 : i32
          %multiple_of3A_165 = tpu.assume_multiple %add3A_164, 128 : i32
          %dma_wait3A_166 = tpu.memref_slice %arg3[%multiple_of3A_165] : memref<172032xi32, #tpu.memory_space<hbm>> -> memref<128xi32, #tpu.memory_space<hbm>>
          %dma_wait3A_167 = tpu.memref_slice %arg3[%multiple_of3A_165] : memref<172032xi32, #tpu.memory_space<hbm>> -> memref<128xi32, #tpu.memory_space<hbm>>
          tpu.wait_dma2 semaphore(%arg19 : memref<!tpu.dma_semaphore, #tpu.memory_space<semaphore_mem>>) src(%dma_wait3A_167 : memref<128xi32, #tpu.memory_space<hbm>>) dst(%arg8 : memref<128xi32, #tpu.memory_space<vmem>>)
          %dma_wait3A_168 = tpu.memref_slice %arg4[%multiple_of3A_165] : memref<172032xi32, #tpu.memory_space<hbm>> -> memref<128xi32, #tpu.memory_space<hbm>>
          %dma_wait3A_169 = tpu.memref_slice %arg4[%multiple_of3A_165] : memref<172032xi32, #tpu.memory_space<hbm>> -> memref<128xi32, #tpu.memory_space<hbm>>
          tpu.wait_dma2 semaphore(%arg19 : memref<!tpu.dma_semaphore, #tpu.memory_space<semaphore_mem>>) src(%dma_wait3A_169 : memref<128xi32, #tpu.memory_space<hbm>>) dst(%arg12 : memref<128xi32, #tpu.memory_space<vmem>>)
          %dma_start3A_170 = arith.constant 0 : i32
          %dma_start3A_171 = arith.constant 0 : i32
          %dma_start3A_172 = tpu.memref_slice %arg2[%dma_start3A_170, %dma_start3A_171] : memref<10000x128xf32, #tpu.memory_space<hbm>> -> memref<10000x128xf32, #tpu.memory_space<hbm>>
          tpu.enqueue_indirect_dma source(%dma_start3A_172 : memref<10000x128xf32, #tpu.memory_space<hbm>>) target(%arg16 : memref<128x128xf32, #tpu.memory_space<vmem>>) offsets(%arg8 : memref<128xi32, #tpu.memory_space<vmem>>) semaphore(%arg23 : memref<!tpu.dma_semaphore, #tpu.memory_space<semaphore_mem>>)
        } else {
        }
        %add3A_66 = arith.constant 2 : i32
        %add3A_67 = arith.addi %add3A_48, %add3A_66 : i32
        %lt3A_68 = arith.constant 84 : i32
        %lt3A_69 = arith.cmpi slt, %add3A_67, %lt3A_68 : i32
        %convert_element_type3A_70 = arith.extui %lt3A_69 : i1 to i32
        %cond3A_71 = arith.constant 0 : i32
        %cond3A_72 = arith.cmpi ne, %convert_element_type3A_70, %cond3A_71 : i32
        scf.if %cond3A_72 {
          %add3A_160 = arith.constant 2 : i32
          %add3A_161 = arith.addi %add3A_48, %add3A_160 : i32
          %mul3A_162 = arith.constant 128 : i32
          %mul3A_163 = arith.muli %add3A_161, %mul3A_162 : i32
          %add3A_164 = arith.addi %mul3A_4, %mul3A_163 : i32
          %multiple_of3A_165 = tpu.assume_multiple %add3A_164, 128 : i32
          %dma_start3A_166 = tpu.memref_slice %arg3[%multiple_of3A_165] : memref<172032xi32, #tpu.memory_space<hbm>> -> memref<128xi32, #tpu.memory_space<hbm>>
          %dma_start3A_167 = tpu.memref_slice %arg3[%multiple_of3A_165] : memref<172032xi32, #tpu.memory_space<hbm>> -> memref<128xi32, #tpu.memory_space<hbm>>
          tpu.enqueue_dma source(%dma_start3A_167 : memref<128xi32, #tpu.memory_space<hbm>>) target(%arg9 : memref<128xi32, #tpu.memory_space<vmem>>) target_semaphore(%arg20 : memref<!tpu.dma_semaphore, #tpu.memory_space<semaphore_mem>>)
          %dma_start3A_168 = tpu.memref_slice %arg4[%multiple_of3A_165] : memref<172032xi32, #tpu.memory_space<hbm>> -> memref<128xi32, #tpu.memory_space<hbm>>
          %dma_start3A_169 = tpu.memref_slice %arg4[%multiple_of3A_165] : memref<172032xi32, #tpu.memory_space<hbm>> -> memref<128xi32, #tpu.memory_space<hbm>>
          tpu.enqueue_dma source(%dma_start3A_169 : memref<128xi32, #tpu.memory_space<hbm>>) target(%arg13 : memref<128xi32, #tpu.memory_space<vmem>>) target_semaphore(%arg20 : memref<!tpu.dma_semaphore, #tpu.memory_space<semaphore_mem>>)
        } else {
        }
        %mul3A_73 = arith.constant 4 : i32
        %mul3A_74 = arith.muli %scan3A_44, %mul3A_73 : i32
        %add3A_75 = arith.constant 1 : i32
        %add3A_76 = arith.addi %mul3A_74, %add3A_75 : i32
        %dma_wait3A_77 = arith.constant 0 : i32
        %dma_wait3A_78 = arith.constant 0 : i32
        %dma_wait3A_79 = tpu.memref_slice %arg2[%dma_wait3A_77, %dma_wait3A_78] : memref<10000x128xf32, #tpu.memory_space<hbm>> -> memref<10000x128xf32, #tpu.memory_space<hbm>>
        tpu.wait_indirect_dma semaphore(%arg23 : memref<!tpu.dma_semaphore, #tpu.memory_space<semaphore_mem>>) src(%dma_wait3A_79 : memref<10000x128xf32, #tpu.memory_space<hbm>>) dst(%arg16 : memref<128x128xf32, #tpu.memory_space<vmem>>)
        %dma_start3A_80 = arith.constant 0 : i32
        %dma_start3A_81 = arith.constant 0 : i32
        %dma_start3A_82 = tpu.memref_slice %arg17[%dma_start3A_80, %dma_start3A_81] : memref<10112x128xf32, #tpu.memory_space<vmem_shared>> -> memref<10112x128xf32, #tpu.memory_space<vmem_shared>>
        tpu.enqueue_indirect_dma source(%arg16 : memref<128x128xf32, #tpu.memory_space<vmem>>) target(%dma_start3A_82 : memref<10112x128xf32, #tpu.memory_space<vmem_shared>>) offsets(%arg12 : memref<128xi32, #tpu.memory_space<vmem>>) semaphore(%arg25 : memref<!tpu.dma_semaphore, #tpu.memory_space<semaphore_mem>>) {add = true}
        %ge3A_83 = arith.constant 1 : i32
        %ge3A_84 = arith.cmpi sge, %add3A_76, %ge3A_83 : i32
        %convert_element_type3A_85 = arith.extui %ge3A_84 : i1 to i32
        %cond3A_86 = arith.constant 0 : i32
        %cond3A_87 = arith.cmpi ne, %convert_element_type3A_85, %cond3A_86 : i32
        scf.if %cond3A_87 {
          %dma_wait3A_160 = arith.constant 0 : i32
          %dma_wait3A_161 = arith.constant 0 : i32
          %dma_wait3A_162 = tpu.memref_slice %arg17[%dma_wait3A_160, %dma_wait3A_161] : memref<10112x128xf32, #tpu.memory_space<vmem_shared>> -> memref<10112x128xf32, #tpu.memory_space<vmem_shared>>
          tpu.wait_indirect_dma semaphore(%arg24 : memref<!tpu.dma_semaphore, #tpu.memory_space<semaphore_mem>>) src(%arg15 : memref<128x128xf32, #tpu.memory_space<vmem>>) dst(%dma_wait3A_162 : memref<10112x128xf32, #tpu.memory_space<vmem_shared>>)
        } else {
        }
        %add3A_88 = arith.constant 1 : i32
        %add3A_89 = arith.addi %add3A_76, %add3A_88 : i32
        %lt3A_90 = arith.constant 84 : i32
        %lt3A_91 = arith.cmpi slt, %add3A_89, %lt3A_90 : i32
        %convert_element_type3A_92 = arith.extui %lt3A_91 : i1 to i32
        %cond3A_93 = arith.constant 0 : i32
        %cond3A_94 = arith.cmpi ne, %convert_element_type3A_92, %cond3A_93 : i32
        scf.if %cond3A_94 {
          %add3A_160 = arith.constant 1 : i32
          %add3A_161 = arith.addi %add3A_76, %add3A_160 : i32
          %mul3A_162 = arith.constant 128 : i32
          %mul3A_163 = arith.muli %add3A_161, %mul3A_162 : i32
          %add3A_164 = arith.addi %mul3A_4, %mul3A_163 : i32
          %multiple_of3A_165 = tpu.assume_multiple %add3A_164, 128 : i32
          %dma_wait3A_166 = tpu.memref_slice %arg3[%multiple_of3A_165] : memref<172032xi32, #tpu.memory_space<hbm>> -> memref<128xi32, #tpu.memory_space<hbm>>
          %dma_wait3A_167 = tpu.memref_slice %arg3[%multiple_of3A_165] : memref<172032xi32, #tpu.memory_space<hbm>> -> memref<128xi32, #tpu.memory_space<hbm>>
          tpu.wait_dma2 semaphore(%arg20 : memref<!tpu.dma_semaphore, #tpu.memory_space<semaphore_mem>>) src(%dma_wait3A_167 : memref<128xi32, #tpu.memory_space<hbm>>) dst(%arg9 : memref<128xi32, #tpu.memory_space<vmem>>)
          %dma_wait3A_168 = tpu.memref_slice %arg4[%multiple_of3A_165] : memref<172032xi32, #tpu.memory_space<hbm>> -> memref<128xi32, #tpu.memory_space<hbm>>
          %dma_wait3A_169 = tpu.memref_slice %arg4[%multiple_of3A_165] : memref<172032xi32, #tpu.memory_space<hbm>> -> memref<128xi32, #tpu.memory_space<hbm>>
          tpu.wait_dma2 semaphore(%arg20 : memref<!tpu.dma_semaphore, #tpu.memory_space<semaphore_mem>>) src(%dma_wait3A_169 : memref<128xi32, #tpu.memory_space<hbm>>) dst(%arg13 : memref<128xi32, #tpu.memory_space<vmem>>)
          %dma_start3A_170 = arith.constant 0 : i32
          %dma_start3A_171 = arith.constant 0 : i32
          %dma_start3A_172 = tpu.memref_slice %arg2[%dma_start3A_170, %dma_start3A_171] : memref<10000x128xf32, #tpu.memory_space<hbm>> -> memref<10000x128xf32, #tpu.memory_space<hbm>>
          tpu.enqueue_indirect_dma source(%dma_start3A_172 : memref<10000x128xf32, #tpu.memory_space<hbm>>) target(%arg15 : memref<128x128xf32, #tpu.memory_space<vmem>>) offsets(%arg9 : memref<128xi32, #tpu.memory_space<vmem>>) semaphore(%arg22 : memref<!tpu.dma_semaphore, #tpu.memory_space<semaphore_mem>>)
        } else {
        }
        %add3A_95 = arith.constant 2 : i32
        %add3A_96 = arith.addi %add3A_76, %add3A_95 : i32
        %lt3A_97 = arith.constant 84 : i32
        %lt3A_98 = arith.cmpi slt, %add3A_96, %lt3A_97 : i32
        %convert_element_type3A_99 = arith.extui %lt3A_98 : i1 to i32
        %cond3A_100 = arith.constant 0 : i32
        %cond3A_101 = arith.cmpi ne, %convert_element_type3A_99, %cond3A_100 : i32
        scf.if %cond3A_101 {
          %add3A_160 = arith.constant 2 : i32
          %add3A_161 = arith.addi %add3A_76, %add3A_160 : i32
          %mul3A_162 = arith.constant 128 : i32
          %mul3A_163 = arith.muli %add3A_161, %mul3A_162 : i32
          %add3A_164 = arith.addi %mul3A_4, %mul3A_163 : i32
          %multiple_of3A_165 = tpu.assume_multiple %add3A_164, 128 : i32
          %dma_start3A_166 = tpu.memref_slice %arg3[%multiple_of3A_165] : memref<172032xi32, #tpu.memory_space<hbm>> -> memref<128xi32, #tpu.memory_space<hbm>>
          %dma_start3A_167 = tpu.memref_slice %arg3[%multiple_of3A_165] : memref<172032xi32, #tpu.memory_space<hbm>> -> memref<128xi32, #tpu.memory_space<hbm>>
          tpu.enqueue_dma source(%dma_start3A_167 : memref<128xi32, #tpu.memory_space<hbm>>) target(%arg10 : memref<128xi32, #tpu.memory_space<vmem>>) target_semaphore(%arg21 : memref<!tpu.dma_semaphore, #tpu.memory_space<semaphore_mem>>)
          %dma_start3A_168 = tpu.memref_slice %arg4[%multiple_of3A_165] : memref<172032xi32, #tpu.memory_space<hbm>> -> memref<128xi32, #tpu.memory_space<hbm>>
          %dma_start3A_169 = tpu.memref_slice %arg4[%multiple_of3A_165] : memref<172032xi32, #tpu.memory_space<hbm>> -> memref<128xi32, #tpu.memory_space<hbm>>
          tpu.enqueue_dma source(%dma_start3A_169 : memref<128xi32, #tpu.memory_space<hbm>>) target(%arg14 : memref<128xi32, #tpu.memory_space<vmem>>) target_semaphore(%arg21 : memref<!tpu.dma_semaphore, #tpu.memory_space<semaphore_mem>>)
        } else {
        }
        %mul3A_102 = arith.constant 4 : i32
        %mul3A_103 = arith.muli %scan3A_44, %mul3A_102 : i32
        %add3A_104 = arith.constant 2 : i32
        %add3A_105 = arith.addi %mul3A_103, %add3A_104 : i32
        %dma_wait3A_106 = arith.constant 0 : i32
        %dma_wait3A_107 = arith.constant 0 : i32
        %dma_wait3A_108 = tpu.memref_slice %arg2[%dma_wait3A_106, %dma_wait3A_107] : memref<10000x128xf32, #tpu.memory_space<hbm>> -> memref<10000x128xf32, #tpu.memory_space<hbm>>
        tpu.wait_indirect_dma semaphore(%arg22 : memref<!tpu.dma_semaphore, #tpu.memory_space<semaphore_mem>>) src(%dma_wait3A_108 : memref<10000x128xf32, #tpu.memory_space<hbm>>) dst(%arg15 : memref<128x128xf32, #tpu.memory_space<vmem>>)
        %dma_start3A_109 = arith.constant 0 : i32
        %dma_start3A_110 = arith.constant 0 : i32
        %dma_start3A_111 = tpu.memref_slice %arg17[%dma_start3A_109, %dma_start3A_110] : memref<10112x128xf32, #tpu.memory_space<vmem_shared>> -> memref<10112x128xf32, #tpu.memory_space<vmem_shared>>
        tpu.enqueue_indirect_dma source(%arg15 : memref<128x128xf32, #tpu.memory_space<vmem>>) target(%dma_start3A_111 : memref<10112x128xf32, #tpu.memory_space<vmem_shared>>) offsets(%arg13 : memref<128xi32, #tpu.memory_space<vmem>>) semaphore(%arg24 : memref<!tpu.dma_semaphore, #tpu.memory_space<semaphore_mem>>) {add = true}
        %ge3A_112 = arith.constant 1 : i32
        %ge3A_113 = arith.cmpi sge, %add3A_105, %ge3A_112 : i32
        %convert_element_type3A_114 = arith.extui %ge3A_113 : i1 to i32
        %cond3A_115 = arith.constant 0 : i32
        %cond3A_116 = arith.cmpi ne, %convert_element_type3A_114, %cond3A_115 : i32
        scf.if %cond3A_116 {
          %dma_wait3A_160 = arith.constant 0 : i32
          %dma_wait3A_161 = arith.constant 0 : i32
          %dma_wait3A_162 = tpu.memref_slice %arg17[%dma_wait3A_160, %dma_wait3A_161] : memref<10112x128xf32, #tpu.memory_space<vmem_shared>> -> memref<10112x128xf32, #tpu.memory_space<vmem_shared>>
          tpu.wait_indirect_dma semaphore(%arg25 : memref<!tpu.dma_semaphore, #tpu.memory_space<semaphore_mem>>) src(%arg16 : memref<128x128xf32, #tpu.memory_space<vmem>>) dst(%dma_wait3A_162 : memref<10112x128xf32, #tpu.memory_space<vmem_shared>>)
        } else {
        }
        %add3A_117 = arith.constant 1 : i32
        %add3A_118 = arith.addi %add3A_105, %add3A_117 : i32
        %lt3A_119 = arith.constant 84 : i32
        %lt3A_120 = arith.cmpi slt, %add3A_118, %lt3A_119 : i32
        %convert_element_type3A_121 = arith.extui %lt3A_120 : i1 to i32
        %cond3A_122 = arith.constant 0 : i32
        %cond3A_123 = arith.cmpi ne, %convert_element_type3A_121, %cond3A_122 : i32
        scf.if %cond3A_123 {
          %add3A_160 = arith.constant 1 : i32
          %add3A_161 = arith.addi %add3A_105, %add3A_160 : i32
          %mul3A_162 = arith.constant 128 : i32
          %mul3A_163 = arith.muli %add3A_161, %mul3A_162 : i32
          %add3A_164 = arith.addi %mul3A_4, %mul3A_163 : i32
          %multiple_of3A_165 = tpu.assume_multiple %add3A_164, 128 : i32
          %dma_wait3A_166 = tpu.memref_slice %arg3[%multiple_of3A_165] : memref<172032xi32, #tpu.memory_space<hbm>> -> memref<128xi32, #tpu.memory_space<hbm>>
          %dma_wait3A_167 = tpu.memref_slice %arg3[%multiple_of3A_165] : memref<172032xi32, #tpu.memory_space<hbm>> -> memref<128xi32, #tpu.memory_space<hbm>>
          tpu.wait_dma2 semaphore(%arg21 : memref<!tpu.dma_semaphore, #tpu.memory_space<semaphore_mem>>) src(%dma_wait3A_167 : memref<128xi32, #tpu.memory_space<hbm>>) dst(%arg10 : memref<128xi32, #tpu.memory_space<vmem>>)
          %dma_wait3A_168 = tpu.memref_slice %arg4[%multiple_of3A_165] : memref<172032xi32, #tpu.memory_space<hbm>> -> memref<128xi32, #tpu.memory_space<hbm>>
          %dma_wait3A_169 = tpu.memref_slice %arg4[%multiple_of3A_165] : memref<172032xi32, #tpu.memory_space<hbm>> -> memref<128xi32, #tpu.memory_space<hbm>>
          tpu.wait_dma2 semaphore(%arg21 : memref<!tpu.dma_semaphore, #tpu.memory_space<semaphore_mem>>) src(%dma_wait3A_169 : memref<128xi32, #tpu.memory_space<hbm>>) dst(%arg14 : memref<128xi32, #tpu.memory_space<vmem>>)
          %dma_start3A_170 = arith.constant 0 : i32
          %dma_start3A_171 = arith.constant 0 : i32
          %dma_start3A_172 = tpu.memref_slice %arg2[%dma_start3A_170, %dma_start3A_171] : memref<10000x128xf32, #tpu.memory_space<hbm>> -> memref<10000x128xf32, #tpu.memory_space<hbm>>
          tpu.enqueue_indirect_dma source(%dma_start3A_172 : memref<10000x128xf32, #tpu.memory_space<hbm>>) target(%arg16 : memref<128x128xf32, #tpu.memory_space<vmem>>) offsets(%arg10 : memref<128xi32, #tpu.memory_space<vmem>>) semaphore(%arg23 : memref<!tpu.dma_semaphore, #tpu.memory_space<semaphore_mem>>)
        } else {
        }
        %add3A_124 = arith.constant 2 : i32
        %add3A_125 = arith.addi %add3A_105, %add3A_124 : i32
        %lt3A_126 = arith.constant 84 : i32
        %lt3A_127 = arith.cmpi slt, %add3A_125, %lt3A_126 : i32
        %convert_element_type3A_128 = arith.extui %lt3A_127 : i1 to i32
        %cond3A_129 = arith.constant 0 : i32
        %cond3A_130 = arith.cmpi ne, %convert_element_type3A_128, %cond3A_129 : i32
        scf.if %cond3A_130 {
          %add3A_160 = arith.constant 2 : i32
          %add3A_161 = arith.addi %add3A_105, %add3A_160 : i32
          %mul3A_162 = arith.constant 128 : i32
          %mul3A_163 = arith.muli %add3A_161, %mul3A_162 : i32
          %add3A_164 = arith.addi %mul3A_4, %mul3A_163 : i32
          %multiple_of3A_165 = tpu.assume_multiple %add3A_164, 128 : i32
          %dma_start3A_166 = tpu.memref_slice %arg3[%multiple_of3A_165] : memref<172032xi32, #tpu.memory_space<hbm>> -> memref<128xi32, #tpu.memory_space<hbm>>
          %dma_start3A_167 = tpu.memref_slice %arg3[%multiple_of3A_165] : memref<172032xi32, #tpu.memory_space<hbm>> -> memref<128xi32, #tpu.memory_space<hbm>>
          tpu.enqueue_dma source(%dma_start3A_167 : memref<128xi32, #tpu.memory_space<hbm>>) target(%arg7 : memref<128xi32, #tpu.memory_space<vmem>>) target_semaphore(%arg18 : memref<!tpu.dma_semaphore, #tpu.memory_space<semaphore_mem>>)
          %dma_start3A_168 = tpu.memref_slice %arg4[%multiple_of3A_165] : memref<172032xi32, #tpu.memory_space<hbm>> -> memref<128xi32, #tpu.memory_space<hbm>>
          %dma_start3A_169 = tpu.memref_slice %arg4[%multiple_of3A_165] : memref<172032xi32, #tpu.memory_space<hbm>> -> memref<128xi32, #tpu.memory_space<hbm>>
          tpu.enqueue_dma source(%dma_start3A_169 : memref<128xi32, #tpu.memory_space<hbm>>) target(%arg11 : memref<128xi32, #tpu.memory_space<vmem>>) target_semaphore(%arg18 : memref<!tpu.dma_semaphore, #tpu.memory_space<semaphore_mem>>)
        } else {
        }
        %mul3A_131 = arith.constant 4 : i32
        %mul3A_132 = arith.muli %scan3A_44, %mul3A_131 : i32
        %add3A_133 = arith.constant 3 : i32
        %add3A_134 = arith.addi %mul3A_132, %add3A_133 : i32
        %dma_wait3A_135 = arith.constant 0 : i32
        %dma_wait3A_136 = arith.constant 0 : i32
        %dma_wait3A_137 = tpu.memref_slice %arg2[%dma_wait3A_135, %dma_wait3A_136] : memref<10000x128xf32, #tpu.memory_space<hbm>> -> memref<10000x128xf32, #tpu.memory_space<hbm>>
        tpu.wait_indirect_dma semaphore(%arg23 : memref<!tpu.dma_semaphore, #tpu.memory_space<semaphore_mem>>) src(%dma_wait3A_137 : memref<10000x128xf32, #tpu.memory_space<hbm>>) dst(%arg16 : memref<128x128xf32, #tpu.memory_space<vmem>>)
        %dma_start3A_138 = arith.constant 0 : i32
        %dma_start3A_139 = arith.constant 0 : i32
        %dma_start3A_140 = tpu.memref_slice %arg17[%dma_start3A_138, %dma_start3A_139] : memref<10112x128xf32, #tpu.memory_space<vmem_shared>> -> memref<10112x128xf32, #tpu.memory_space<vmem_shared>>
        tpu.enqueue_indirect_dma source(%arg16 : memref<128x128xf32, #tpu.memory_space<vmem>>) target(%dma_start3A_140 : memref<10112x128xf32, #tpu.memory_space<vmem_shared>>) offsets(%arg14 : memref<128xi32, #tpu.memory_space<vmem>>) semaphore(%arg25 : memref<!tpu.dma_semaphore, #tpu.memory_space<semaphore_mem>>) {add = true}
        %ge3A_141 = arith.constant 1 : i32
        %ge3A_142 = arith.cmpi sge, %add3A_134, %ge3A_141 : i32
        %convert_element_type3A_143 = arith.extui %ge3A_142 : i1 to i32
        %cond3A_144 = arith.constant 0 : i32
        %cond3A_145 = arith.cmpi ne, %convert_element_type3A_143, %cond3A_144 : i32
        scf.if %cond3A_145 {
          %dma_wait3A_160 = arith.constant 0 : i32
          %dma_wait3A_161 = arith.constant 0 : i32
          %dma_wait3A_162 = tpu.memref_slice %arg17[%dma_wait3A_160, %dma_wait3A_161] : memref<10112x128xf32, #tpu.memory_space<vmem_shared>> -> memref<10112x128xf32, #tpu.memory_space<vmem_shared>>
          tpu.wait_indirect_dma semaphore(%arg24 : memref<!tpu.dma_semaphore, #tpu.memory_space<semaphore_mem>>) src(%arg15 : memref<128x128xf32, #tpu.memory_space<vmem>>) dst(%dma_wait3A_162 : memref<10112x128xf32, #tpu.memory_space<vmem_shared>>)
        } else {
        }
        %add3A_146 = arith.constant 1 : i32
        %add3A_147 = arith.addi %add3A_134, %add3A_146 : i32
        %lt3A_148 = arith.constant 84 : i32
        %lt3A_149 = arith.cmpi slt, %add3A_147, %lt3A_148 : i32
        %convert_element_type3A_150 = arith.extui %lt3A_149 : i1 to i32
        %cond3A_151 = arith.constant 0 : i32
        %cond3A_152 = arith.cmpi ne, %convert_element_type3A_150, %cond3A_151 : i32
        scf.if %cond3A_152 {
          %add3A_160 = arith.constant 1 : i32
          %add3A_161 = arith.addi %add3A_134, %add3A_160 : i32
          %mul3A_162 = arith.constant 128 : i32
          %mul3A_163 = arith.muli %add3A_161, %mul3A_162 : i32
          %add3A_164 = arith.addi %mul3A_4, %mul3A_163 : i32
          %multiple_of3A_165 = tpu.assume_multiple %add3A_164, 128 : i32
          %dma_wait3A_166 = tpu.memref_slice %arg3[%multiple_of3A_165] : memref<172032xi32, #tpu.memory_space<hbm>> -> memref<128xi32, #tpu.memory_space<hbm>>
          %dma_wait3A_167 = tpu.memref_slice %arg3[%multiple_of3A_165] : memref<172032xi32, #tpu.memory_space<hbm>> -> memref<128xi32, #tpu.memory_space<hbm>>
          tpu.wait_dma2 semaphore(%arg18 : memref<!tpu.dma_semaphore, #tpu.memory_space<semaphore_mem>>) src(%dma_wait3A_167 : memref<128xi32, #tpu.memory_space<hbm>>) dst(%arg7 : memref<128xi32, #tpu.memory_space<vmem>>)
          %dma_wait3A_168 = tpu.memref_slice %arg4[%multiple_of3A_165] : memref<172032xi32, #tpu.memory_space<hbm>> -> memref<128xi32, #tpu.memory_space<hbm>>
          %dma_wait3A_169 = tpu.memref_slice %arg4[%multiple_of3A_165] : memref<172032xi32, #tpu.memory_space<hbm>> -> memref<128xi32, #tpu.memory_space<hbm>>
          tpu.wait_dma2 semaphore(%arg18 : memref<!tpu.dma_semaphore, #tpu.memory_space<semaphore_mem>>) src(%dma_wait3A_169 : memref<128xi32, #tpu.memory_space<hbm>>) dst(%arg11 : memref<128xi32, #tpu.memory_space<vmem>>)
          %dma_start3A_170 = arith.constant 0 : i32
          %dma_start3A_171 = arith.constant 0 : i32
          %dma_start3A_172 = tpu.memref_slice %arg2[%dma_start3A_170, %dma_start3A_171] : memref<10000x128xf32, #tpu.memory_space<hbm>> -> memref<10000x128xf32, #tpu.memory_space<hbm>>
          tpu.enqueue_indirect_dma source(%dma_start3A_172 : memref<10000x128xf32, #tpu.memory_space<hbm>>) target(%arg15 : memref<128x128xf32, #tpu.memory_space<vmem>>) offsets(%arg7 : memref<128xi32, #tpu.memory_space<vmem>>) semaphore(%arg22 : memref<!tpu.dma_semaphore, #tpu.memory_space<semaphore_mem>>)
        } else {
        }
        %add3A_153 = arith.constant 2 : i32
        %add3A_154 = arith.addi %add3A_134, %add3A_153 : i32
        %lt3A_155 = arith.constant 84 : i32
        %lt3A_156 = arith.cmpi slt, %add3A_154, %lt3A_155 : i32
        %convert_element_type3A_157 = arith.extui %lt3A_156 : i1 to i32
        %cond3A_158 = arith.constant 0 : i32
        %cond3A_159 = arith.cmpi ne, %convert_element_type3A_157, %cond3A_158 : i32
        scf.if %cond3A_159 {
          %add3A_160 = arith.constant 2 : i32
          %add3A_161 = arith.addi %add3A_134, %add3A_160 : i32
          %mul3A_162 = arith.constant 128 : i32
          %mul3A_163 = arith.muli %add3A_161, %mul3A_162 : i32
          %add3A_164 = arith.addi %mul3A_4, %mul3A_163 : i32
          %multiple_of3A_165 = tpu.assume_multiple %add3A_164, 128 : i32
          %dma_start3A_166 = tpu.memref_slice %arg3[%multiple_of3A_165] : memref<172032xi32, #tpu.memory_space<hbm>> -> memref<128xi32, #tpu.memory_space<hbm>>
          %dma_start3A_167 = tpu.memref_slice %arg3[%multiple_of3A_165] : memref<172032xi32, #tpu.memory_space<hbm>> -> memref<128xi32, #tpu.memory_space<hbm>>
          tpu.enqueue_dma source(%dma_start3A_167 : memref<128xi32, #tpu.memory_space<hbm>>) target(%arg8 : memref<128xi32, #tpu.memory_space<vmem>>) target_semaphore(%arg19 : memref<!tpu.dma_semaphore, #tpu.memory_space<semaphore_mem>>)
          %dma_start3A_168 = tpu.memref_slice %arg4[%multiple_of3A_165] : memref<172032xi32, #tpu.memory_space<hbm>> -> memref<128xi32, #tpu.memory_space<hbm>>
          %dma_start3A_169 = tpu.memref_slice %arg4[%multiple_of3A_165] : memref<172032xi32, #tpu.memory_space<hbm>> -> memref<128xi32, #tpu.memory_space<hbm>>
          tpu.enqueue_dma source(%dma_start3A_169 : memref<128xi32, #tpu.memory_space<hbm>>) target(%arg12 : memref<128xi32, #tpu.memory_space<vmem>>) target_semaphore(%arg19 : memref<!tpu.dma_semaphore, #tpu.memory_space<semaphore_mem>>)
        } else {
        }
      }
      %scan3A_30 = arith.constant 21 : i32
      %dma_wait3A_31 = arith.constant 0 : i32
      %dma_wait3A_32 = arith.constant 0 : i32
      %dma_wait3A_33 = tpu.memref_slice %arg17[%dma_wait3A_31, %dma_wait3A_32] : memref<10112x128xf32, #tpu.memory_space<vmem_shared>> -> memref<10112x128xf32, #tpu.memory_space<vmem_shared>>
      tpu.wait_indirect_dma semaphore(%arg25 : memref<!tpu.dma_semaphore, #tpu.memory_space<semaphore_mem>>) src(%arg16 : memref<128x128xf32, #tpu.memory_space<vmem>>) dst(%dma_wait3A_33 : memref<10112x128xf32, #tpu.memory_space<vmem_shared>>)
      %barrier3A_34 = arith.constant 0 : index
      tpu.barrier barrier_id(%barrier3A_34)
      %lt3A = arith.constant 15 : i32
      %lt3A_35 = arith.cmpi slt, %arg1, %lt3A : i32
      %convert_element_type3A_36 = arith.extui %lt3A_35 : i1 to i32
      %cond3A_37 = arith.constant 0 : i32
      %cond3A_38 = arith.cmpi ne, %convert_element_type3A_36, %cond3A_37 : i32
      scf.if %cond3A_38 {
        %mul3A_44 = arith.constant 624 : i32
        %mul3A_45 = arith.muli %arg1, %mul3A_44 : i32
        %multiple_of3A_46 = tpu.assume_multiple %mul3A_45, 16 : i32
        "tpu.region"() ({
          %run_scoped3A = tpu.sem_alloc : memref<!tpu.dma_semaphore, #tpu.memory_space<semaphore_mem>>
          %dma_start3A_47 = arith.constant 0 : i32
          %dma_start3A_48 = tpu.memref_slice %arg6[%multiple_of3A_46, %dma_start3A_47] : memref<10000x128xf32, #tpu.memory_space<hbm>> -> memref<624x128xf32, #tpu.memory_space<hbm>>
          %dma_start3A_49 = arith.constant 0 : i32
          %dma_start3A_50 = tpu.memref_slice %arg17[%multiple_of3A_46, %dma_start3A_49] : memref<10112x128xf32, #tpu.memory_space<vmem_shared>> -> memref<624x128xf32, #tpu.memory_space<vmem_shared>>
          tpu.enqueue_dma source(%dma_start3A_50 : memref<624x128xf32, #tpu.memory_space<vmem_shared>>) target(%dma_start3A_48 : memref<624x128xf32, #tpu.memory_space<hbm>>) target_semaphore(%run_scoped3A : memref<!tpu.dma_semaphore, #tpu.memory_space<semaphore_mem>>)
          %dma_wait3A_51 = arith.constant 0 : i32
          %dma_wait3A_52 = tpu.memref_slice %arg6[%multiple_of3A_46, %dma_wait3A_51] : memref<10000x128xf32, #tpu.memory_space<hbm>> -> memref<624x128xf32, #tpu.memory_space<hbm>>
          %dma_wait3A_53 = arith.constant 0 : i32
          %dma_wait3A_54 = tpu.memref_slice %arg17[%multiple_of3A_46, %dma_wait3A_53] : memref<10112x128xf32, #tpu.memory_space<vmem_shared>> -> memref<624x128xf32, #tpu.memory_space<vmem_shared>>
          tpu.wait_dma2 semaphore(%run_scoped3A : memref<!tpu.dma_semaphore, #tpu.memory_space<semaphore_mem>>) src(%dma_wait3A_54 : memref<624x128xf32, #tpu.memory_space<vmem_shared>>) dst(%dma_wait3A_52 : memref<624x128xf32, #tpu.memory_space<hbm>>)
          tpu.yield
        }) : () -> ()
      } else {
      }
      %eq3A_39 = arith.constant 15 : i32
      %eq3A_40 = arith.cmpi eq, %arg1, %eq3A_39 : i32
      %convert_element_type3A_41 = arith.extui %eq3A_40 : i1 to i32
      %cond3A_42 = arith.constant 0 : i32
      %cond3A_43 = arith.cmpi ne, %convert_element_type3A_41, %cond3A_42 : i32
      scf.if %cond3A_43 {
        "tpu.region"() ({
          %run_scoped3A = tpu.sem_alloc : memref<!tpu.dma_semaphore, #tpu.memory_space<semaphore_mem>>
          %dma_start3A_44 = arith.constant 9360 : i32
          %dma_start3A_45 = arith.constant 0 : i32
          %dma_start3A_46 = tpu.memref_slice %arg6[%dma_start3A_44, %dma_start3A_45] : memref<10000x128xf32, #tpu.memory_space<hbm>> -> memref<640x128xf32, #tpu.memory_space<hbm>>
          %dma_start3A_47 = arith.constant 9360 : i32
          %dma_start3A_48 = arith.constant 0 : i32
          %dma_start3A_49 = tpu.memref_slice %arg17[%dma_start3A_47, %dma_start3A_48] : memref<10112x128xf32, #tpu.memory_space<vmem_shared>> -> memref<640x128xf32, #tpu.memory_space<vmem_shared>>
          tpu.enqueue_dma source(%dma_start3A_49 : memref<640x128xf32, #tpu.memory_space<vmem_shared>>) target(%dma_start3A_46 : memref<640x128xf32, #tpu.memory_space<hbm>>) target_semaphore(%run_scoped3A : memref<!tpu.dma_semaphore, #tpu.memory_space<semaphore_mem>>)
          %dma_wait3A_50 = arith.constant 9360 : i32
          %dma_wait3A_51 = arith.constant 0 : i32
          %dma_wait3A_52 = tpu.memref_slice %arg6[%dma_wait3A_50, %dma_wait3A_51] : memref<10000x128xf32, #tpu.memory_space<hbm>> -> memref<640x128xf32, #tpu.memory_space<hbm>>
          %dma_wait3A_53 = arith.constant 9360 : i32
          %dma_wait3A_54 = arith.constant 0 : i32
          %dma_wait3A_55 = tpu.memref_slice %arg17[%dma_wait3A_53, %dma_wait3A_54] : memref<10112x128xf32, #tpu.memory_space<vmem_shared>> -> memref<640x128xf32, #tpu.memory_space<vmem_shared>>
          tpu.wait_dma2 semaphore(%run_scoped3A : memref<!tpu.dma_semaphore, #tpu.memory_space<semaphore_mem>>) src(%dma_wait3A_55 : memref<640x128xf32, #tpu.memory_space<vmem_shared>>) dst(%dma_wait3A_52 : memref<640x128xf32, #tpu.memory_space<hbm>>)
          tpu.yield
        }) : () -> ()
      } else {
      }
    } else {
    }
    return
  }
}

#map = affine_map<(d0, d1) -> (0)>
#map1 = affine_map<(d0, d1) -> (0, 0)>
module attributes {stable_mosaic.version = 14 : i64} {
  func.func @deg_kernel(%arg0: i32, %arg1: i32, %arg2: memref<172032xi32, #tpu.memory_space<hbm>>, %arg3: memref<128x128xf32, #tpu.memory_space<hbm>>, %arg4: memref<632x128xf32, #tpu.memory_space<hbm>>, %arg5: memref<10000x128xf32, #tpu.memory_space<hbm>>, %arg6: memref<128xi32, #tpu.memory_space<vmem>>, %arg7: memref<128xi32, #tpu.memory_space<vmem>>, %arg8: memref<128xi32, #tpu.memory_space<vmem>>, %arg9: memref<128xi32, #tpu.memory_space<vmem>>, %arg10: memref<128x128xf32, #tpu.memory_space<vmem>>, %arg11: memref<10112x128xf32, #tpu.memory_space<vmem_shared>>, %arg12: memref<!tpu.dma_semaphore, #tpu.memory_space<semaphore_mem>>, %arg13: memref<!tpu.dma_semaphore, #tpu.memory_space<semaphore_mem>>, %arg14: memref<!tpu.dma_semaphore, #tpu.memory_space<semaphore_mem>>, %arg15: memref<!tpu.dma_semaphore, #tpu.memory_space<semaphore_mem>>, %arg16: memref<!tpu.dma_semaphore, #tpu.memory_space<semaphore_mem>>, %arg17: memref<!tpu.dma_semaphore, #tpu.memory_space<semaphore_mem>>) attributes {dimension_semantics = [#tpu.dimension_semantics<core_parallel>, #tpu.dimension_semantics<subcore_parallel>], iteration_bounds = array<i64: 2, 16>, scalar_prefetch = 0 : i64, scratch_operands = 12 : i64, tpu.core_type = #tpu.core_type<sc_vector_subcore>, window_params = [{transform_indices = #map}, {transform_indices = #map1}, {transform_indices = #map1}, {transform_indices = #map1}]} {
    %eq3A = arith.constant 0 : i32
    %eq3A_0 = arith.cmpi eq, %arg0, %eq3A : i32
    %convert_element_type3A = arith.extui %eq3A_0 : i1 to i32
    %cond3A = arith.constant 0 : i32
    %cond3A_1 = arith.cmpi ne, %convert_element_type3A, %cond3A : i32
    scf.if %cond3A_1 {
      %mul3A = arith.constant 632 : i32
      %mul3A_2 = arith.muli %arg1, %mul3A : i32
      %multiple_of3A = tpu.assume_multiple %mul3A_2, 8 : i32
      "tpu.region"() ({
        %run_scoped3A = tpu.sem_alloc : memref<!tpu.dma_semaphore, #tpu.memory_space<semaphore_mem>>
        %dma_start3A_35 = arith.constant 0 : i32
        %dma_start3A_36 = tpu.memref_slice %arg11[%multiple_of3A, %dma_start3A_35] : memref<10112x128xf32, #tpu.memory_space<vmem_shared>> -> memref<632x128xf32, #tpu.memory_space<vmem_shared>>
        tpu.enqueue_dma source(%arg4 : memref<632x128xf32, #tpu.memory_space<hbm>>) target(%dma_start3A_36 : memref<632x128xf32, #tpu.memory_space<vmem_shared>>) target_semaphore(%run_scoped3A : memref<!tpu.dma_semaphore, #tpu.memory_space<semaphore_mem>>)
        %dma_wait3A_37 = arith.constant 0 : i32
        %dma_wait3A_38 = tpu.memref_slice %arg11[%multiple_of3A, %dma_wait3A_37] : memref<10112x128xf32, #tpu.memory_space<vmem_shared>> -> memref<632x128xf32, #tpu.memory_space<vmem_shared>>
        tpu.wait_dma2 semaphore(%run_scoped3A : memref<!tpu.dma_semaphore, #tpu.memory_space<semaphore_mem>>) src(%arg4 : memref<632x128xf32, #tpu.memory_space<hbm>>) dst(%dma_wait3A_38 : memref<632x128xf32, #tpu.memory_space<vmem_shared>>)
        tpu.yield
      }) : () -> ()
      "tpu.region"() ({
        %run_scoped3A = tpu.sem_alloc : memref<!tpu.dma_semaphore, #tpu.memory_space<semaphore_mem>>
        tpu.enqueue_dma source(%arg3 : memref<128x128xf32, #tpu.memory_space<hbm>>) target(%arg10 : memref<128x128xf32, #tpu.memory_space<vmem>>) target_semaphore(%run_scoped3A : memref<!tpu.dma_semaphore, #tpu.memory_space<semaphore_mem>>)
        tpu.wait_dma2 semaphore(%run_scoped3A : memref<!tpu.dma_semaphore, #tpu.memory_space<semaphore_mem>>) src(%arg3 : memref<128x128xf32, #tpu.memory_space<hbm>>) dst(%arg10 : memref<128x128xf32, #tpu.memory_space<vmem>>)
        tpu.yield
      }) : () -> ()
      %barrier3A = arith.constant 0 : index
      tpu.barrier barrier_id(%barrier3A)
      %mul3A_3 = arith.constant 10752 : i32
      %mul3A_4 = arith.muli %arg1, %mul3A_3 : i32
      %add3A = arith.constant 0 : i32
      %add3A_5 = arith.addi %mul3A_4, %add3A : i32
      %multiple_of3A_6 = tpu.assume_multiple %add3A_5, 128 : i32
      %dma_start3A = tpu.memref_slice %arg2[%multiple_of3A_6] : memref<172032xi32, #tpu.memory_space<hbm>> -> memref<128xi32, #tpu.memory_space<hbm>>
      %dma_start3A_7 = tpu.memref_slice %arg2[%multiple_of3A_6] : memref<172032xi32, #tpu.memory_space<hbm>> -> memref<128xi32, #tpu.memory_space<hbm>>
      tpu.enqueue_dma source(%dma_start3A_7 : memref<128xi32, #tpu.memory_space<hbm>>) target(%arg6 : memref<128xi32, #tpu.memory_space<vmem>>) target_semaphore(%arg12 : memref<!tpu.dma_semaphore, #tpu.memory_space<semaphore_mem>>)
      %mul3A_8 = arith.constant 10752 : i32
      %mul3A_9 = arith.muli %arg1, %mul3A_8 : i32
      %add3A_10 = arith.constant 128 : i32
      %add3A_11 = arith.addi %mul3A_9, %add3A_10 : i32
      %multiple_of3A_12 = tpu.assume_multiple %add3A_11, 128 : i32
      %dma_start3A_13 = tpu.memref_slice %arg2[%multiple_of3A_12] : memref<172032xi32, #tpu.memory_space<hbm>> -> memref<128xi32, #tpu.memory_space<hbm>>
      %dma_start3A_14 = tpu.memref_slice %arg2[%multiple_of3A_12] : memref<172032xi32, #tpu.memory_space<hbm>> -> memref<128xi32, #tpu.memory_space<hbm>>
      tpu.enqueue_dma source(%dma_start3A_14 : memref<128xi32, #tpu.memory_space<hbm>>) target(%arg7 : memref<128xi32, #tpu.memory_space<vmem>>) target_semaphore(%arg13 : memref<!tpu.dma_semaphore, #tpu.memory_space<semaphore_mem>>)
      %scan3A = arith.constant 0 : i32
      %scan3A_15 = arith.constant 0 : i32
      %scan3A_16 = arith.constant 21 : i32
      %scan3A_17 = arith.addi %scan3A_15, %scan3A_16 : i32
      %scan3A_18 = arith.constant 1 : i32
      scf.for %scan3A_35 = %scan3A_15 to %scan3A_17 step %scan3A_18  : i32 {
        %mul3A_36 = arith.constant 4 : i32
        %mul3A_37 = arith.muli %scan3A_35, %mul3A_36 : i32
        %add3A_38 = arith.constant 0 : i32
        %add3A_39 = arith.addi %mul3A_37, %add3A_38 : i32
        %ge3A = arith.constant 2 : i32
        %ge3A_40 = arith.cmpi sge, %add3A_39, %ge3A : i32
        %convert_element_type3A_41 = arith.extui %ge3A_40 : i1 to i32
        %cond3A_42 = arith.constant 0 : i32
        %cond3A_43 = arith.cmpi ne, %convert_element_type3A_41, %cond3A_42 : i32
        scf.if %cond3A_43 {
          %dma_wait3A_143 = arith.constant 0 : i32
          %dma_wait3A_144 = arith.constant 0 : i32
          %dma_wait3A_145 = tpu.memref_slice %arg11[%dma_wait3A_143, %dma_wait3A_144] : memref<10112x128xf32, #tpu.memory_space<vmem_shared>> -> memref<10112x128xf32, #tpu.memory_space<vmem_shared>>
          tpu.wait_indirect_dma semaphore(%arg16 : memref<!tpu.dma_semaphore, #tpu.memory_space<semaphore_mem>>) src(%arg10 : memref<128x128xf32, #tpu.memory_space<vmem>>) dst(%dma_wait3A_145 : memref<10112x128xf32, #tpu.memory_space<vmem_shared>>)
        } else {
        }
        %mul3A_44 = arith.constant 10752 : i32
        %mul3A_45 = arith.muli %arg1, %mul3A_44 : i32
        %mul3A_46 = arith.constant 128 : i32
        %mul3A_47 = arith.muli %add3A_39, %mul3A_46 : i32
        %add3A_48 = arith.addi %mul3A_45, %mul3A_47 : i32
        %multiple_of3A_49 = tpu.assume_multiple %add3A_48, 128 : i32
        %dma_wait3A_50 = tpu.memref_slice %arg2[%multiple_of3A_49] : memref<172032xi32, #tpu.memory_space<hbm>> -> memref<128xi32, #tpu.memory_space<hbm>>
        %dma_wait3A_51 = tpu.memref_slice %arg2[%multiple_of3A_49] : memref<172032xi32, #tpu.memory_space<hbm>> -> memref<128xi32, #tpu.memory_space<hbm>>
        tpu.wait_dma2 semaphore(%arg12 : memref<!tpu.dma_semaphore, #tpu.memory_space<semaphore_mem>>) src(%dma_wait3A_51 : memref<128xi32, #tpu.memory_space<hbm>>) dst(%arg6 : memref<128xi32, #tpu.memory_space<vmem>>)
        %dma_start3A_52 = arith.constant 0 : i32
        %dma_start3A_53 = arith.constant 0 : i32
        %dma_start3A_54 = tpu.memref_slice %arg11[%dma_start3A_52, %dma_start3A_53] : memref<10112x128xf32, #tpu.memory_space<vmem_shared>> -> memref<10112x128xf32, #tpu.memory_space<vmem_shared>>
        tpu.enqueue_indirect_dma source(%arg10 : memref<128x128xf32, #tpu.memory_space<vmem>>) target(%dma_start3A_54 : memref<10112x128xf32, #tpu.memory_space<vmem_shared>>) offsets(%arg6 : memref<128xi32, #tpu.memory_space<vmem>>) semaphore(%arg16 : memref<!tpu.dma_semaphore, #tpu.memory_space<semaphore_mem>>) {add = true}
        %add3A_55 = arith.constant 2 : i32
        %add3A_56 = arith.addi %add3A_39, %add3A_55 : i32
        %lt3A_57 = arith.constant 84 : i32
        %lt3A_58 = arith.cmpi slt, %add3A_56, %lt3A_57 : i32
        %convert_element_type3A_59 = arith.extui %lt3A_58 : i1 to i32
        %cond3A_60 = arith.constant 0 : i32
        %cond3A_61 = arith.cmpi ne, %convert_element_type3A_59, %cond3A_60 : i32
        scf.if %cond3A_61 {
          %add3A_143 = arith.constant 2 : i32
          %add3A_144 = arith.addi %add3A_39, %add3A_143 : i32
          %mul3A_145 = arith.constant 10752 : i32
          %mul3A_146 = arith.muli %arg1, %mul3A_145 : i32
          %mul3A_147 = arith.constant 128 : i32
          %mul3A_148 = arith.muli %add3A_144, %mul3A_147 : i32
          %add3A_149 = arith.addi %mul3A_146, %mul3A_148 : i32
          %multiple_of3A_150 = tpu.assume_multiple %add3A_149, 128 : i32
          %dma_start3A_151 = tpu.memref_slice %arg2[%multiple_of3A_150] : memref<172032xi32, #tpu.memory_space<hbm>> -> memref<128xi32, #tpu.memory_space<hbm>>
          %dma_start3A_152 = tpu.memref_slice %arg2[%multiple_of3A_150] : memref<172032xi32, #tpu.memory_space<hbm>> -> memref<128xi32, #tpu.memory_space<hbm>>
          tpu.enqueue_dma source(%dma_start3A_152 : memref<128xi32, #tpu.memory_space<hbm>>) target(%arg8 : memref<128xi32, #tpu.memory_space<vmem>>) target_semaphore(%arg14 : memref<!tpu.dma_semaphore, #tpu.memory_space<semaphore_mem>>)
        } else {
        }
        %mul3A_62 = arith.constant 4 : i32
        %mul3A_63 = arith.muli %scan3A_35, %mul3A_62 : i32
        %add3A_64 = arith.constant 1 : i32
        %add3A_65 = arith.addi %mul3A_63, %add3A_64 : i32
        %ge3A_66 = arith.constant 2 : i32
        %ge3A_67 = arith.cmpi sge, %add3A_65, %ge3A_66 : i32
        %convert_element_type3A_68 = arith.extui %ge3A_67 : i1 to i32
        %cond3A_69 = arith.constant 0 : i32
        %cond3A_70 = arith.cmpi ne, %convert_element_type3A_68, %cond3A_69 : i32
        scf.if %cond3A_70 {
          %dma_wait3A_143 = arith.constant 0 : i32
          %dma_wait3A_144 = arith.constant 0 : i32
          %dma_wait3A_145 = tpu.memref_slice %arg11[%dma_wait3A_143, %dma_wait3A_144] : memref<10112x128xf32, #tpu.memory_space<vmem_shared>> -> memref<10112x128xf32, #tpu.memory_space<vmem_shared>>
          tpu.wait_indirect_dma semaphore(%arg17 : memref<!tpu.dma_semaphore, #tpu.memory_space<semaphore_mem>>) src(%arg10 : memref<128x128xf32, #tpu.memory_space<vmem>>) dst(%dma_wait3A_145 : memref<10112x128xf32, #tpu.memory_space<vmem_shared>>)
        } else {
        }
        %mul3A_71 = arith.constant 10752 : i32
        %mul3A_72 = arith.muli %arg1, %mul3A_71 : i32
        %mul3A_73 = arith.constant 128 : i32
        %mul3A_74 = arith.muli %add3A_65, %mul3A_73 : i32
        %add3A_75 = arith.addi %mul3A_72, %mul3A_74 : i32
        %multiple_of3A_76 = tpu.assume_multiple %add3A_75, 128 : i32
        %dma_wait3A_77 = tpu.memref_slice %arg2[%multiple_of3A_76] : memref<172032xi32, #tpu.memory_space<hbm>> -> memref<128xi32, #tpu.memory_space<hbm>>
        %dma_wait3A_78 = tpu.memref_slice %arg2[%multiple_of3A_76] : memref<172032xi32, #tpu.memory_space<hbm>> -> memref<128xi32, #tpu.memory_space<hbm>>
        tpu.wait_dma2 semaphore(%arg13 : memref<!tpu.dma_semaphore, #tpu.memory_space<semaphore_mem>>) src(%dma_wait3A_78 : memref<128xi32, #tpu.memory_space<hbm>>) dst(%arg7 : memref<128xi32, #tpu.memory_space<vmem>>)
        %dma_start3A_79 = arith.constant 0 : i32
        %dma_start3A_80 = arith.constant 0 : i32
        %dma_start3A_81 = tpu.memref_slice %arg11[%dma_start3A_79, %dma_start3A_80] : memref<10112x128xf32, #tpu.memory_space<vmem_shared>> -> memref<10112x128xf32, #tpu.memory_space<vmem_shared>>
        tpu.enqueue_indirect_dma source(%arg10 : memref<128x128xf32, #tpu.memory_space<vmem>>) target(%dma_start3A_81 : memref<10112x128xf32, #tpu.memory_space<vmem_shared>>) offsets(%arg7 : memref<128xi32, #tpu.memory_space<vmem>>) semaphore(%arg17 : memref<!tpu.dma_semaphore, #tpu.memory_space<semaphore_mem>>) {add = true}
        %add3A_82 = arith.constant 2 : i32
        %add3A_83 = arith.addi %add3A_65, %add3A_82 : i32
        %lt3A_84 = arith.constant 84 : i32
        %lt3A_85 = arith.cmpi slt, %add3A_83, %lt3A_84 : i32
        %convert_element_type3A_86 = arith.extui %lt3A_85 : i1 to i32
        %cond3A_87 = arith.constant 0 : i32
        %cond3A_88 = arith.cmpi ne, %convert_element_type3A_86, %cond3A_87 : i32
        scf.if %cond3A_88 {
          %add3A_143 = arith.constant 2 : i32
          %add3A_144 = arith.addi %add3A_65, %add3A_143 : i32
          %mul3A_145 = arith.constant 10752 : i32
          %mul3A_146 = arith.muli %arg1, %mul3A_145 : i32
          %mul3A_147 = arith.constant 128 : i32
          %mul3A_148 = arith.muli %add3A_144, %mul3A_147 : i32
          %add3A_149 = arith.addi %mul3A_146, %mul3A_148 : i32
          %multiple_of3A_150 = tpu.assume_multiple %add3A_149, 128 : i32
          %dma_start3A_151 = tpu.memref_slice %arg2[%multiple_of3A_150] : memref<172032xi32, #tpu.memory_space<hbm>> -> memref<128xi32, #tpu.memory_space<hbm>>
          %dma_start3A_152 = tpu.memref_slice %arg2[%multiple_of3A_150] : memref<172032xi32, #tpu.memory_space<hbm>> -> memref<128xi32, #tpu.memory_space<hbm>>
          tpu.enqueue_dma source(%dma_start3A_152 : memref<128xi32, #tpu.memory_space<hbm>>) target(%arg9 : memref<128xi32, #tpu.memory_space<vmem>>) target_semaphore(%arg15 : memref<!tpu.dma_semaphore, #tpu.memory_space<semaphore_mem>>)
        } else {
        }
        %mul3A_89 = arith.constant 4 : i32
        %mul3A_90 = arith.muli %scan3A_35, %mul3A_89 : i32
        %add3A_91 = arith.constant 2 : i32
        %add3A_92 = arith.addi %mul3A_90, %add3A_91 : i32
        %ge3A_93 = arith.constant 2 : i32
        %ge3A_94 = arith.cmpi sge, %add3A_92, %ge3A_93 : i32
        %convert_element_type3A_95 = arith.extui %ge3A_94 : i1 to i32
        %cond3A_96 = arith.constant 0 : i32
        %cond3A_97 = arith.cmpi ne, %convert_element_type3A_95, %cond3A_96 : i32
        scf.if %cond3A_97 {
          %dma_wait3A_143 = arith.constant 0 : i32
          %dma_wait3A_144 = arith.constant 0 : i32
          %dma_wait3A_145 = tpu.memref_slice %arg11[%dma_wait3A_143, %dma_wait3A_144] : memref<10112x128xf32, #tpu.memory_space<vmem_shared>> -> memref<10112x128xf32, #tpu.memory_space<vmem_shared>>
          tpu.wait_indirect_dma semaphore(%arg16 : memref<!tpu.dma_semaphore, #tpu.memory_space<semaphore_mem>>) src(%arg10 : memref<128x128xf32, #tpu.memory_space<vmem>>) dst(%dma_wait3A_145 : memref<10112x128xf32, #tpu.memory_space<vmem_shared>>)
        } else {
        }
        %mul3A_98 = arith.constant 10752 : i32
        %mul3A_99 = arith.muli %arg1, %mul3A_98 : i32
        %mul3A_100 = arith.constant 128 : i32
        %mul3A_101 = arith.muli %add3A_92, %mul3A_100 : i32
        %add3A_102 = arith.addi %mul3A_99, %mul3A_101 : i32
        %multiple_of3A_103 = tpu.assume_multiple %add3A_102, 128 : i32
        %dma_wait3A_104 = tpu.memref_slice %arg2[%multiple_of3A_103] : memref<172032xi32, #tpu.memory_space<hbm>> -> memref<128xi32, #tpu.memory_space<hbm>>
        %dma_wait3A_105 = tpu.memref_slice %arg2[%multiple_of3A_103] : memref<172032xi32, #tpu.memory_space<hbm>> -> memref<128xi32, #tpu.memory_space<hbm>>
        tpu.wait_dma2 semaphore(%arg14 : memref<!tpu.dma_semaphore, #tpu.memory_space<semaphore_mem>>) src(%dma_wait3A_105 : memref<128xi32, #tpu.memory_space<hbm>>) dst(%arg8 : memref<128xi32, #tpu.memory_space<vmem>>)
        %dma_start3A_106 = arith.constant 0 : i32
        %dma_start3A_107 = arith.constant 0 : i32
        %dma_start3A_108 = tpu.memref_slice %arg11[%dma_start3A_106, %dma_start3A_107] : memref<10112x128xf32, #tpu.memory_space<vmem_shared>> -> memref<10112x128xf32, #tpu.memory_space<vmem_shared>>
        tpu.enqueue_indirect_dma source(%arg10 : memref<128x128xf32, #tpu.memory_space<vmem>>) target(%dma_start3A_108 : memref<10112x128xf32, #tpu.memory_space<vmem_shared>>) offsets(%arg8 : memref<128xi32, #tpu.memory_space<vmem>>) semaphore(%arg16 : memref<!tpu.dma_semaphore, #tpu.memory_space<semaphore_mem>>) {add = true}
        %add3A_109 = arith.constant 2 : i32
        %add3A_110 = arith.addi %add3A_92, %add3A_109 : i32
        %lt3A_111 = arith.constant 84 : i32
        %lt3A_112 = arith.cmpi slt, %add3A_110, %lt3A_111 : i32
        %convert_element_type3A_113 = arith.extui %lt3A_112 : i1 to i32
        %cond3A_114 = arith.constant 0 : i32
        %cond3A_115 = arith.cmpi ne, %convert_element_type3A_113, %cond3A_114 : i32
        scf.if %cond3A_115 {
          %add3A_143 = arith.constant 2 : i32
          %add3A_144 = arith.addi %add3A_92, %add3A_143 : i32
          %mul3A_145 = arith.constant 10752 : i32
          %mul3A_146 = arith.muli %arg1, %mul3A_145 : i32
          %mul3A_147 = arith.constant 128 : i32
          %mul3A_148 = arith.muli %add3A_144, %mul3A_147 : i32
          %add3A_149 = arith.addi %mul3A_146, %mul3A_148 : i32
          %multiple_of3A_150 = tpu.assume_multiple %add3A_149, 128 : i32
          %dma_start3A_151 = tpu.memref_slice %arg2[%multiple_of3A_150] : memref<172032xi32, #tpu.memory_space<hbm>> -> memref<128xi32, #tpu.memory_space<hbm>>
          %dma_start3A_152 = tpu.memref_slice %arg2[%multiple_of3A_150] : memref<172032xi32, #tpu.memory_space<hbm>> -> memref<128xi32, #tpu.memory_space<hbm>>
          tpu.enqueue_dma source(%dma_start3A_152 : memref<128xi32, #tpu.memory_space<hbm>>) target(%arg6 : memref<128xi32, #tpu.memory_space<vmem>>) target_semaphore(%arg12 : memref<!tpu.dma_semaphore, #tpu.memory_space<semaphore_mem>>)
        } else {
        }
        %mul3A_116 = arith.constant 4 : i32
        %mul3A_117 = arith.muli %scan3A_35, %mul3A_116 : i32
        %add3A_118 = arith.constant 3 : i32
        %add3A_119 = arith.addi %mul3A_117, %add3A_118 : i32
        %ge3A_120 = arith.constant 2 : i32
        %ge3A_121 = arith.cmpi sge, %add3A_119, %ge3A_120 : i32
        %convert_element_type3A_122 = arith.extui %ge3A_121 : i1 to i32
        %cond3A_123 = arith.constant 0 : i32
        %cond3A_124 = arith.cmpi ne, %convert_element_type3A_122, %cond3A_123 : i32
        scf.if %cond3A_124 {
          %dma_wait3A_143 = arith.constant 0 : i32
          %dma_wait3A_144 = arith.constant 0 : i32
          %dma_wait3A_145 = tpu.memref_slice %arg11[%dma_wait3A_143, %dma_wait3A_144] : memref<10112x128xf32, #tpu.memory_space<vmem_shared>> -> memref<10112x128xf32, #tpu.memory_space<vmem_shared>>
          tpu.wait_indirect_dma semaphore(%arg17 : memref<!tpu.dma_semaphore, #tpu.memory_space<semaphore_mem>>) src(%arg10 : memref<128x128xf32, #tpu.memory_space<vmem>>) dst(%dma_wait3A_145 : memref<10112x128xf32, #tpu.memory_space<vmem_shared>>)
        } else {
        }
        %mul3A_125 = arith.constant 10752 : i32
        %mul3A_126 = arith.muli %arg1, %mul3A_125 : i32
        %mul3A_127 = arith.constant 128 : i32
        %mul3A_128 = arith.muli %add3A_119, %mul3A_127 : i32
        %add3A_129 = arith.addi %mul3A_126, %mul3A_128 : i32
        %multiple_of3A_130 = tpu.assume_multiple %add3A_129, 128 : i32
        %dma_wait3A_131 = tpu.memref_slice %arg2[%multiple_of3A_130] : memref<172032xi32, #tpu.memory_space<hbm>> -> memref<128xi32, #tpu.memory_space<hbm>>
        %dma_wait3A_132 = tpu.memref_slice %arg2[%multiple_of3A_130] : memref<172032xi32, #tpu.memory_space<hbm>> -> memref<128xi32, #tpu.memory_space<hbm>>
        tpu.wait_dma2 semaphore(%arg15 : memref<!tpu.dma_semaphore, #tpu.memory_space<semaphore_mem>>) src(%dma_wait3A_132 : memref<128xi32, #tpu.memory_space<hbm>>) dst(%arg9 : memref<128xi32, #tpu.memory_space<vmem>>)
        %dma_start3A_133 = arith.constant 0 : i32
        %dma_start3A_134 = arith.constant 0 : i32
        %dma_start3A_135 = tpu.memref_slice %arg11[%dma_start3A_133, %dma_start3A_134] : memref<10112x128xf32, #tpu.memory_space<vmem_shared>> -> memref<10112x128xf32, #tpu.memory_space<vmem_shared>>
        tpu.enqueue_indirect_dma source(%arg10 : memref<128x128xf32, #tpu.memory_space<vmem>>) target(%dma_start3A_135 : memref<10112x128xf32, #tpu.memory_space<vmem_shared>>) offsets(%arg9 : memref<128xi32, #tpu.memory_space<vmem>>) semaphore(%arg17 : memref<!tpu.dma_semaphore, #tpu.memory_space<semaphore_mem>>) {add = true}
        %add3A_136 = arith.constant 2 : i32
        %add3A_137 = arith.addi %add3A_119, %add3A_136 : i32
        %lt3A_138 = arith.constant 84 : i32
        %lt3A_139 = arith.cmpi slt, %add3A_137, %lt3A_138 : i32
        %convert_element_type3A_140 = arith.extui %lt3A_139 : i1 to i32
        %cond3A_141 = arith.constant 0 : i32
        %cond3A_142 = arith.cmpi ne, %convert_element_type3A_140, %cond3A_141 : i32
        scf.if %cond3A_142 {
          %add3A_143 = arith.constant 2 : i32
          %add3A_144 = arith.addi %add3A_119, %add3A_143 : i32
          %mul3A_145 = arith.constant 10752 : i32
          %mul3A_146 = arith.muli %arg1, %mul3A_145 : i32
          %mul3A_147 = arith.constant 128 : i32
          %mul3A_148 = arith.muli %add3A_144, %mul3A_147 : i32
          %add3A_149 = arith.addi %mul3A_146, %mul3A_148 : i32
          %multiple_of3A_150 = tpu.assume_multiple %add3A_149, 128 : i32
          %dma_start3A_151 = tpu.memref_slice %arg2[%multiple_of3A_150] : memref<172032xi32, #tpu.memory_space<hbm>> -> memref<128xi32, #tpu.memory_space<hbm>>
          %dma_start3A_152 = tpu.memref_slice %arg2[%multiple_of3A_150] : memref<172032xi32, #tpu.memory_space<hbm>> -> memref<128xi32, #tpu.memory_space<hbm>>
          tpu.enqueue_dma source(%dma_start3A_152 : memref<128xi32, #tpu.memory_space<hbm>>) target(%arg7 : memref<128xi32, #tpu.memory_space<vmem>>) target_semaphore(%arg13 : memref<!tpu.dma_semaphore, #tpu.memory_space<semaphore_mem>>)
        } else {
        }
      }
      %scan3A_19 = arith.constant 21 : i32
      %dma_wait3A = arith.constant 0 : i32
      %dma_wait3A_20 = arith.constant 0 : i32
      %dma_wait3A_21 = tpu.memref_slice %arg11[%dma_wait3A, %dma_wait3A_20] : memref<10112x128xf32, #tpu.memory_space<vmem_shared>> -> memref<10112x128xf32, #tpu.memory_space<vmem_shared>>
      tpu.wait_indirect_dma semaphore(%arg16 : memref<!tpu.dma_semaphore, #tpu.memory_space<semaphore_mem>>) src(%arg10 : memref<128x128xf32, #tpu.memory_space<vmem>>) dst(%dma_wait3A_21 : memref<10112x128xf32, #tpu.memory_space<vmem_shared>>)
      %dma_wait3A_22 = arith.constant 0 : i32
      %dma_wait3A_23 = arith.constant 0 : i32
      %dma_wait3A_24 = tpu.memref_slice %arg11[%dma_wait3A_22, %dma_wait3A_23] : memref<10112x128xf32, #tpu.memory_space<vmem_shared>> -> memref<10112x128xf32, #tpu.memory_space<vmem_shared>>
      tpu.wait_indirect_dma semaphore(%arg17 : memref<!tpu.dma_semaphore, #tpu.memory_space<semaphore_mem>>) src(%arg10 : memref<128x128xf32, #tpu.memory_space<vmem>>) dst(%dma_wait3A_24 : memref<10112x128xf32, #tpu.memory_space<vmem_shared>>)
      %barrier3A_25 = arith.constant 0 : index
      tpu.barrier barrier_id(%barrier3A_25)
      %lt3A = arith.constant 15 : i32
      %lt3A_26 = arith.cmpi slt, %arg1, %lt3A : i32
      %convert_element_type3A_27 = arith.extui %lt3A_26 : i1 to i32
      %cond3A_28 = arith.constant 0 : i32
      %cond3A_29 = arith.cmpi ne, %convert_element_type3A_27, %cond3A_28 : i32
      scf.if %cond3A_29 {
        %mul3A_35 = arith.constant 624 : i32
        %mul3A_36 = arith.muli %arg1, %mul3A_35 : i32
        %multiple_of3A_37 = tpu.assume_multiple %mul3A_36, 16 : i32
        "tpu.region"() ({
          %run_scoped3A = tpu.sem_alloc : memref<!tpu.dma_semaphore, #tpu.memory_space<semaphore_mem>>
          %dma_start3A_38 = arith.constant 0 : i32
          %dma_start3A_39 = tpu.memref_slice %arg5[%multiple_of3A_37, %dma_start3A_38] : memref<10000x128xf32, #tpu.memory_space<hbm>> -> memref<624x128xf32, #tpu.memory_space<hbm>>
          %dma_start3A_40 = arith.constant 0 : i32
          %dma_start3A_41 = tpu.memref_slice %arg11[%multiple_of3A_37, %dma_start3A_40] : memref<10112x128xf32, #tpu.memory_space<vmem_shared>> -> memref<624x128xf32, #tpu.memory_space<vmem_shared>>
          tpu.enqueue_dma source(%dma_start3A_41 : memref<624x128xf32, #tpu.memory_space<vmem_shared>>) target(%dma_start3A_39 : memref<624x128xf32, #tpu.memory_space<hbm>>) target_semaphore(%run_scoped3A : memref<!tpu.dma_semaphore, #tpu.memory_space<semaphore_mem>>)
          %dma_wait3A_42 = arith.constant 0 : i32
          %dma_wait3A_43 = tpu.memref_slice %arg5[%multiple_of3A_37, %dma_wait3A_42] : memref<10000x128xf32, #tpu.memory_space<hbm>> -> memref<624x128xf32, #tpu.memory_space<hbm>>
          %dma_wait3A_44 = arith.constant 0 : i32
          %dma_wait3A_45 = tpu.memref_slice %arg11[%multiple_of3A_37, %dma_wait3A_44] : memref<10112x128xf32, #tpu.memory_space<vmem_shared>> -> memref<624x128xf32, #tpu.memory_space<vmem_shared>>
          tpu.wait_dma2 semaphore(%run_scoped3A : memref<!tpu.dma_semaphore, #tpu.memory_space<semaphore_mem>>) src(%dma_wait3A_45 : memref<624x128xf32, #tpu.memory_space<vmem_shared>>) dst(%dma_wait3A_43 : memref<624x128xf32, #tpu.memory_space<hbm>>)
          tpu.yield
        }) : () -> ()
      } else {
      }
      %eq3A_30 = arith.constant 15 : i32
      %eq3A_31 = arith.cmpi eq, %arg1, %eq3A_30 : i32
      %convert_element_type3A_32 = arith.extui %eq3A_31 : i1 to i32
      %cond3A_33 = arith.constant 0 : i32
      %cond3A_34 = arith.cmpi ne, %convert_element_type3A_32, %cond3A_33 : i32
      scf.if %cond3A_34 {
        "tpu.region"() ({
          %run_scoped3A = tpu.sem_alloc : memref<!tpu.dma_semaphore, #tpu.memory_space<semaphore_mem>>
          %dma_start3A_35 = arith.constant 9360 : i32
          %dma_start3A_36 = arith.constant 0 : i32
          %dma_start3A_37 = tpu.memref_slice %arg5[%dma_start3A_35, %dma_start3A_36] : memref<10000x128xf32, #tpu.memory_space<hbm>> -> memref<640x128xf32, #tpu.memory_space<hbm>>
          %dma_start3A_38 = arith.constant 9360 : i32
          %dma_start3A_39 = arith.constant 0 : i32
          %dma_start3A_40 = tpu.memref_slice %arg11[%dma_start3A_38, %dma_start3A_39] : memref<10112x128xf32, #tpu.memory_space<vmem_shared>> -> memref<640x128xf32, #tpu.memory_space<vmem_shared>>
          tpu.enqueue_dma source(%dma_start3A_40 : memref<640x128xf32, #tpu.memory_space<vmem_shared>>) target(%dma_start3A_37 : memref<640x128xf32, #tpu.memory_space<hbm>>) target_semaphore(%run_scoped3A : memref<!tpu.dma_semaphore, #tpu.memory_space<semaphore_mem>>)
          %dma_wait3A_41 = arith.constant 9360 : i32
          %dma_wait3A_42 = arith.constant 0 : i32
          %dma_wait3A_43 = tpu.memref_slice %arg5[%dma_wait3A_41, %dma_wait3A_42] : memref<10000x128xf32, #tpu.memory_space<hbm>> -> memref<640x128xf32, #tpu.memory_space<hbm>>
          %dma_wait3A_44 = arith.constant 9360 : i32
          %dma_wait3A_45 = arith.constant 0 : i32
          %dma_wait3A_46 = tpu.memref_slice %arg11[%dma_wait3A_44, %dma_wait3A_45] : memref<10112x128xf32, #tpu.memory_space<vmem_shared>> -> memref<640x128xf32, #tpu.memory_space<vmem_shared>>
          tpu.wait_dma2 semaphore(%run_scoped3A : memref<!tpu.dma_semaphore, #tpu.memory_space<semaphore_mem>>) src(%dma_wait3A_46 : memref<640x128xf32, #tpu.memory_space<vmem_shared>>) dst(%dma_wait3A_43 : memref<640x128xf32, #tpu.memory_space<hbm>>)
          tpu.yield
        }) : () -> ()
      } else {
      }
    } else {
    }
    return
  }
}

#map = affine_map<(d0, d1) -> (0, 0)>
#map1 = affine_map<(d0, d1) -> (0)>
module attributes {stable_mosaic.version = 14 : i64} {
  func.func @agg_kernel(%arg0: i32, %arg1: i32, %arg2: memref<10000x128xf32, #tpu.memory_space<hbm>>, %arg3: memref<172032xi32, #tpu.memory_space<hbm>>, %arg4: memref<172032xi32, #tpu.memory_space<hbm>>, %arg5: memref<632x128xf32, #tpu.memory_space<hbm>>, %arg6: memref<10000x128xf32, #tpu.memory_space<hbm>>, %arg7: memref<128xi32, #tpu.memory_space<vmem>>, %arg8: memref<128xi32, #tpu.memory_space<vmem>>, %arg9: memref<128xi32, #tpu.memory_space<vmem>>, %arg10: memref<128xi32, #tpu.memory_space<vmem>>, %arg11: memref<128xi32, #tpu.memory_space<vmem>>, %arg12: memref<128xi32, #tpu.memory_space<vmem>>, %arg13: memref<128xi32, #tpu.memory_space<vmem>>, %arg14: memref<128xi32, #tpu.memory_space<vmem>>, %arg15: memref<128x128xf32, #tpu.memory_space<vmem>>, %arg16: memref<128x128xf32, #tpu.memory_space<vmem>>, %arg17: memref<10112x128xf32, #tpu.memory_space<vmem_shared>>, %arg18: memref<!tpu.dma_semaphore, #tpu.memory_space<semaphore_mem>>, %arg19: memref<!tpu.dma_semaphore, #tpu.memory_space<semaphore_mem>>, %arg20: memref<!tpu.dma_semaphore, #tpu.memory_space<semaphore_mem>>, %arg21: memref<!tpu.dma_semaphore, #tpu.memory_space<semaphore_mem>>, %arg22: memref<!tpu.dma_semaphore, #tpu.memory_space<semaphore_mem>>, %arg23: memref<!tpu.dma_semaphore, #tpu.memory_space<semaphore_mem>>, %arg24: memref<!tpu.dma_semaphore, #tpu.memory_space<semaphore_mem>>, %arg25: memref<!tpu.dma_semaphore, #tpu.memory_space<semaphore_mem>>) attributes {dimension_semantics = [#tpu.dimension_semantics<core_parallel>, #tpu.dimension_semantics<subcore_parallel>], iteration_bounds = array<i64: 2, 16>, scalar_prefetch = 0 : i64, scratch_operands = 19 : i64, tpu.core_type = #tpu.core_type<sc_vector_subcore>, window_params = [{transform_indices = #map}, {transform_indices = #map1}, {transform_indices = #map1}, {transform_indices = #map}, {transform_indices = #map}]} {
    %eq3A = arith.constant 0 : i32
    %eq3A_0 = arith.cmpi eq, %arg0, %eq3A : i32
    %convert_element_type3A = arith.extui %eq3A_0 : i1 to i32
    %cond3A = arith.constant 0 : i32
    %cond3A_1 = arith.cmpi ne, %convert_element_type3A, %cond3A : i32
    scf.if %cond3A_1 {
      %mul3A = arith.constant 632 : i32
      %mul3A_2 = arith.muli %arg1, %mul3A : i32
      %multiple_of3A = tpu.assume_multiple %mul3A_2, 8 : i32
      "tpu.region"() ({
        %run_scoped3A = tpu.sem_alloc : memref<!tpu.dma_semaphore, #tpu.memory_space<semaphore_mem>>
        %dma_start3A_44 = arith.constant 0 : i32
        %dma_start3A_45 = tpu.memref_slice %arg17[%multiple_of3A, %dma_start3A_44] : memref<10112x128xf32, #tpu.memory_space<vmem_shared>> -> memref<632x128xf32, #tpu.memory_space<vmem_shared>>
        tpu.enqueue_dma source(%arg5 : memref<632x128xf32, #tpu.memory_space<hbm>>) target(%dma_start3A_45 : memref<632x128xf32, #tpu.memory_space<vmem_shared>>) target_semaphore(%run_scoped3A : memref<!tpu.dma_semaphore, #tpu.memory_space<semaphore_mem>>)
        %dma_wait3A_46 = arith.constant 0 : i32
        %dma_wait3A_47 = tpu.memref_slice %arg17[%multiple_of3A, %dma_wait3A_46] : memref<10112x128xf32, #tpu.memory_space<vmem_shared>> -> memref<632x128xf32, #tpu.memory_space<vmem_shared>>
        tpu.wait_dma2 semaphore(%run_scoped3A : memref<!tpu.dma_semaphore, #tpu.memory_space<semaphore_mem>>) src(%arg5 : memref<632x128xf32, #tpu.memory_space<hbm>>) dst(%dma_wait3A_47 : memref<632x128xf32, #tpu.memory_space<vmem_shared>>)
        tpu.yield
      }) : () -> ()
      %barrier3A = arith.constant 0 : index
      tpu.barrier barrier_id(%barrier3A)
      %mul3A_3 = arith.constant 10752 : i32
      %mul3A_4 = arith.muli %arg1, %mul3A_3 : i32
      %add3A = arith.constant 0 : i32
      %add3A_5 = arith.addi %mul3A_4, %add3A : i32
      %multiple_of3A_6 = tpu.assume_multiple %add3A_5, 128 : i32
      %dma_start3A = tpu.memref_slice %arg3[%multiple_of3A_6] : memref<172032xi32, #tpu.memory_space<hbm>> -> memref<128xi32, #tpu.memory_space<hbm>>
      %dma_start3A_7 = tpu.memref_slice %arg3[%multiple_of3A_6] : memref<172032xi32, #tpu.memory_space<hbm>> -> memref<128xi32, #tpu.memory_space<hbm>>
      tpu.enqueue_dma source(%dma_start3A_7 : memref<128xi32, #tpu.memory_space<hbm>>) target(%arg7 : memref<128xi32, #tpu.memory_space<vmem>>) target_semaphore(%arg18 : memref<!tpu.dma_semaphore, #tpu.memory_space<semaphore_mem>>)
      %dma_start3A_8 = tpu.memref_slice %arg4[%multiple_of3A_6] : memref<172032xi32, #tpu.memory_space<hbm>> -> memref<128xi32, #tpu.memory_space<hbm>>
      %dma_start3A_9 = tpu.memref_slice %arg4[%multiple_of3A_6] : memref<172032xi32, #tpu.memory_space<hbm>> -> memref<128xi32, #tpu.memory_space<hbm>>
      tpu.enqueue_dma source(%dma_start3A_9 : memref<128xi32, #tpu.memory_space<hbm>>) target(%arg11 : memref<128xi32, #tpu.memory_space<vmem>>) target_semaphore(%arg18 : memref<!tpu.dma_semaphore, #tpu.memory_space<semaphore_mem>>)
      %add3A_10 = arith.constant 128 : i32
      %add3A_11 = arith.addi %mul3A_4, %add3A_10 : i32
      %multiple_of3A_12 = tpu.assume_multiple %add3A_11, 128 : i32
      %dma_start3A_13 = tpu.memref_slice %arg3[%multiple_of3A_12] : memref<172032xi32, #tpu.memory_space<hbm>> -> memref<128xi32, #tpu.memory_space<hbm>>
      %dma_start3A_14 = tpu.memref_slice %arg3[%multiple_of3A_12] : memref<172032xi32, #tpu.memory_space<hbm>> -> memref<128xi32, #tpu.memory_space<hbm>>
      tpu.enqueue_dma source(%dma_start3A_14 : memref<128xi32, #tpu.memory_space<hbm>>) target(%arg8 : memref<128xi32, #tpu.memory_space<vmem>>) target_semaphore(%arg19 : memref<!tpu.dma_semaphore, #tpu.memory_space<semaphore_mem>>)
      %dma_start3A_15 = tpu.memref_slice %arg4[%multiple_of3A_12] : memref<172032xi32, #tpu.memory_space<hbm>> -> memref<128xi32, #tpu.memory_space<hbm>>
      %dma_start3A_16 = tpu.memref_slice %arg4[%multiple_of3A_12] : memref<172032xi32, #tpu.memory_space<hbm>> -> memref<128xi32, #tpu.memory_space<hbm>>
      tpu.enqueue_dma source(%dma_start3A_16 : memref<128xi32, #tpu.memory_space<hbm>>) target(%arg12 : memref<128xi32, #tpu.memory_space<vmem>>) target_semaphore(%arg19 : memref<!tpu.dma_semaphore, #tpu.memory_space<semaphore_mem>>)
      %add3A_17 = arith.constant 0 : i32
      %add3A_18 = arith.addi %mul3A_4, %add3A_17 : i32
      %multiple_of3A_19 = tpu.assume_multiple %add3A_18, 128 : i32
      %dma_wait3A = tpu.memref_slice %arg3[%multiple_of3A_19] : memref<172032xi32, #tpu.memory_space<hbm>> -> memref<128xi32, #tpu.memory_space<hbm>>
      %dma_wait3A_20 = tpu.memref_slice %arg3[%multiple_of3A_19] : memref<172032xi32, #tpu.memory_space<hbm>> -> memref<128xi32, #tpu.memory_space<hbm>>
      tpu.wait_dma2 semaphore(%arg18 : memref<!tpu.dma_semaphore, #tpu.memory_space<semaphore_mem>>) src(%dma_wait3A_20 : memref<128xi32, #tpu.memory_space<hbm>>) dst(%arg7 : memref<128xi32, #tpu.memory_space<vmem>>)
      %dma_wait3A_21 = tpu.memref_slice %arg4[%multiple_of3A_19] : memref<172032xi32, #tpu.memory_space<hbm>> -> memref<128xi32, #tpu.memory_space<hbm>>
      %dma_wait3A_22 = tpu.memref_slice %arg4[%multiple_of3A_19] : memref<172032xi32, #tpu.memory_space<hbm>> -> memref<128xi32, #tpu.memory_space<hbm>>
      tpu.wait_dma2 semaphore(%arg18 : memref<!tpu.dma_semaphore, #tpu.memory_space<semaphore_mem>>) src(%dma_wait3A_22 : memref<128xi32, #tpu.memory_space<hbm>>) dst(%arg11 : memref<128xi32, #tpu.memory_space<vmem>>)
      %dma_start3A_23 = arith.constant 0 : i32
      %dma_start3A_24 = arith.constant 0 : i32
      %dma_start3A_25 = tpu.memref_slice %arg2[%dma_start3A_23, %dma_start3A_24] : memref<10000x128xf32, #tpu.memory_space<hbm>> -> memref<10000x128xf32, #tpu.memory_space<hbm>>
      tpu.enqueue_indirect_dma source(%dma_start3A_25 : memref<10000x128xf32, #tpu.memory_space<hbm>>) target(%arg15 : memref<128x128xf32, #tpu.memory_space<vmem>>) offsets(%arg7 : memref<128xi32, #tpu.memory_space<vmem>>) semaphore(%arg22 : memref<!tpu.dma_semaphore, #tpu.memory_space<semaphore_mem>>)
      %scan3A = arith.constant 0 : i32
      %scan3A_26 = arith.constant 0 : i32
      %scan3A_27 = arith.constant 21 : i32
      %scan3A_28 = arith.addi %scan3A_26, %scan3A_27 : i32
      %scan3A_29 = arith.constant 1 : i32
      scf.for %scan3A_44 = %scan3A_26 to %scan3A_28 step %scan3A_29  : i32 {
        %mul3A_45 = arith.constant 4 : i32
        %mul3A_46 = arith.muli %scan3A_44, %mul3A_45 : i32
        %add3A_47 = arith.constant 0 : i32
        %add3A_48 = arith.addi %mul3A_46, %add3A_47 : i32
        %dma_wait3A_49 = arith.constant 0 : i32
        %dma_wait3A_50 = arith.constant 0 : i32
        %dma_wait3A_51 = tpu.memref_slice %arg2[%dma_wait3A_49, %dma_wait3A_50] : memref<10000x128xf32, #tpu.memory_space<hbm>> -> memref<10000x128xf32, #tpu.memory_space<hbm>>
        tpu.wait_indirect_dma semaphore(%arg22 : memref<!tpu.dma_semaphore, #tpu.memory_space<semaphore_mem>>) src(%dma_wait3A_51 : memref<10000x128xf32, #tpu.memory_space<hbm>>) dst(%arg15 : memref<128x128xf32, #tpu.memory_space<vmem>>)
        %dma_start3A_52 = arith.constant 0 : i32
        %dma_start3A_53 = arith.constant 0 : i32
        %dma_start3A_54 = tpu.memref_slice %arg17[%dma_start3A_52, %dma_start3A_53] : memref<10112x128xf32, #tpu.memory_space<vmem_shared>> -> memref<10112x128xf32, #tpu.memory_space<vmem_shared>>
        tpu.enqueue_indirect_dma source(%arg15 : memref<128x128xf32, #tpu.memory_space<vmem>>) target(%dma_start3A_54 : memref<10112x128xf32, #tpu.memory_space<vmem_shared>>) offsets(%arg11 : memref<128xi32, #tpu.memory_space<vmem>>) semaphore(%arg24 : memref<!tpu.dma_semaphore, #tpu.memory_space<semaphore_mem>>) {add = true}
        %ge3A = arith.constant 1 : i32
        %ge3A_55 = arith.cmpi sge, %add3A_48, %ge3A : i32
        %convert_element_type3A_56 = arith.extui %ge3A_55 : i1 to i32
        %cond3A_57 = arith.constant 0 : i32
        %cond3A_58 = arith.cmpi ne, %convert_element_type3A_56, %cond3A_57 : i32
        scf.if %cond3A_58 {
          %dma_wait3A_160 = arith.constant 0 : i32
          %dma_wait3A_161 = arith.constant 0 : i32
          %dma_wait3A_162 = tpu.memref_slice %arg17[%dma_wait3A_160, %dma_wait3A_161] : memref<10112x128xf32, #tpu.memory_space<vmem_shared>> -> memref<10112x128xf32, #tpu.memory_space<vmem_shared>>
          tpu.wait_indirect_dma semaphore(%arg25 : memref<!tpu.dma_semaphore, #tpu.memory_space<semaphore_mem>>) src(%arg16 : memref<128x128xf32, #tpu.memory_space<vmem>>) dst(%dma_wait3A_162 : memref<10112x128xf32, #tpu.memory_space<vmem_shared>>)
        } else {
        }
        %add3A_59 = arith.constant 1 : i32
        %add3A_60 = arith.addi %add3A_48, %add3A_59 : i32
        %lt3A_61 = arith.constant 84 : i32
        %lt3A_62 = arith.cmpi slt, %add3A_60, %lt3A_61 : i32
        %convert_element_type3A_63 = arith.extui %lt3A_62 : i1 to i32
        %cond3A_64 = arith.constant 0 : i32
        %cond3A_65 = arith.cmpi ne, %convert_element_type3A_63, %cond3A_64 : i32
        scf.if %cond3A_65 {
          %add3A_160 = arith.constant 1 : i32
          %add3A_161 = arith.addi %add3A_48, %add3A_160 : i32
          %mul3A_162 = arith.constant 128 : i32
          %mul3A_163 = arith.muli %add3A_161, %mul3A_162 : i32
          %add3A_164 = arith.addi %mul3A_4, %mul3A_163 : i32
          %multiple_of3A_165 = tpu.assume_multiple %add3A_164, 128 : i32
          %dma_wait3A_166 = tpu.memref_slice %arg3[%multiple_of3A_165] : memref<172032xi32, #tpu.memory_space<hbm>> -> memref<128xi32, #tpu.memory_space<hbm>>
          %dma_wait3A_167 = tpu.memref_slice %arg3[%multiple_of3A_165] : memref<172032xi32, #tpu.memory_space<hbm>> -> memref<128xi32, #tpu.memory_space<hbm>>
          tpu.wait_dma2 semaphore(%arg19 : memref<!tpu.dma_semaphore, #tpu.memory_space<semaphore_mem>>) src(%dma_wait3A_167 : memref<128xi32, #tpu.memory_space<hbm>>) dst(%arg8 : memref<128xi32, #tpu.memory_space<vmem>>)
          %dma_wait3A_168 = tpu.memref_slice %arg4[%multiple_of3A_165] : memref<172032xi32, #tpu.memory_space<hbm>> -> memref<128xi32, #tpu.memory_space<hbm>>
          %dma_wait3A_169 = tpu.memref_slice %arg4[%multiple_of3A_165] : memref<172032xi32, #tpu.memory_space<hbm>> -> memref<128xi32, #tpu.memory_space<hbm>>
          tpu.wait_dma2 semaphore(%arg19 : memref<!tpu.dma_semaphore, #tpu.memory_space<semaphore_mem>>) src(%dma_wait3A_169 : memref<128xi32, #tpu.memory_space<hbm>>) dst(%arg12 : memref<128xi32, #tpu.memory_space<vmem>>)
          %dma_start3A_170 = arith.constant 0 : i32
          %dma_start3A_171 = arith.constant 0 : i32
          %dma_start3A_172 = tpu.memref_slice %arg2[%dma_start3A_170, %dma_start3A_171] : memref<10000x128xf32, #tpu.memory_space<hbm>> -> memref<10000x128xf32, #tpu.memory_space<hbm>>
          tpu.enqueue_indirect_dma source(%dma_start3A_172 : memref<10000x128xf32, #tpu.memory_space<hbm>>) target(%arg16 : memref<128x128xf32, #tpu.memory_space<vmem>>) offsets(%arg8 : memref<128xi32, #tpu.memory_space<vmem>>) semaphore(%arg23 : memref<!tpu.dma_semaphore, #tpu.memory_space<semaphore_mem>>)
        } else {
        }
        %add3A_66 = arith.constant 2 : i32
        %add3A_67 = arith.addi %add3A_48, %add3A_66 : i32
        %lt3A_68 = arith.constant 84 : i32
        %lt3A_69 = arith.cmpi slt, %add3A_67, %lt3A_68 : i32
        %convert_element_type3A_70 = arith.extui %lt3A_69 : i1 to i32
        %cond3A_71 = arith.constant 0 : i32
        %cond3A_72 = arith.cmpi ne, %convert_element_type3A_70, %cond3A_71 : i32
        scf.if %cond3A_72 {
          %add3A_160 = arith.constant 2 : i32
          %add3A_161 = arith.addi %add3A_48, %add3A_160 : i32
          %mul3A_162 = arith.constant 128 : i32
          %mul3A_163 = arith.muli %add3A_161, %mul3A_162 : i32
          %add3A_164 = arith.addi %mul3A_4, %mul3A_163 : i32
          %multiple_of3A_165 = tpu.assume_multiple %add3A_164, 128 : i32
          %dma_start3A_166 = tpu.memref_slice %arg3[%multiple_of3A_165] : memref<172032xi32, #tpu.memory_space<hbm>> -> memref<128xi32, #tpu.memory_space<hbm>>
          %dma_start3A_167 = tpu.memref_slice %arg3[%multiple_of3A_165] : memref<172032xi32, #tpu.memory_space<hbm>> -> memref<128xi32, #tpu.memory_space<hbm>>
          tpu.enqueue_dma source(%dma_start3A_167 : memref<128xi32, #tpu.memory_space<hbm>>) target(%arg9 : memref<128xi32, #tpu.memory_space<vmem>>) target_semaphore(%arg20 : memref<!tpu.dma_semaphore, #tpu.memory_space<semaphore_mem>>)
          %dma_start3A_168 = tpu.memref_slice %arg4[%multiple_of3A_165] : memref<172032xi32, #tpu.memory_space<hbm>> -> memref<128xi32, #tpu.memory_space<hbm>>
          %dma_start3A_169 = tpu.memref_slice %arg4[%multiple_of3A_165] : memref<172032xi32, #tpu.memory_space<hbm>> -> memref<128xi32, #tpu.memory_space<hbm>>
          tpu.enqueue_dma source(%dma_start3A_169 : memref<128xi32, #tpu.memory_space<hbm>>) target(%arg13 : memref<128xi32, #tpu.memory_space<vmem>>) target_semaphore(%arg20 : memref<!tpu.dma_semaphore, #tpu.memory_space<semaphore_mem>>)
        } else {
        }
        %mul3A_73 = arith.constant 4 : i32
        %mul3A_74 = arith.muli %scan3A_44, %mul3A_73 : i32
        %add3A_75 = arith.constant 1 : i32
        %add3A_76 = arith.addi %mul3A_74, %add3A_75 : i32
        %dma_wait3A_77 = arith.constant 0 : i32
        %dma_wait3A_78 = arith.constant 0 : i32
        %dma_wait3A_79 = tpu.memref_slice %arg2[%dma_wait3A_77, %dma_wait3A_78] : memref<10000x128xf32, #tpu.memory_space<hbm>> -> memref<10000x128xf32, #tpu.memory_space<hbm>>
        tpu.wait_indirect_dma semaphore(%arg23 : memref<!tpu.dma_semaphore, #tpu.memory_space<semaphore_mem>>) src(%dma_wait3A_79 : memref<10000x128xf32, #tpu.memory_space<hbm>>) dst(%arg16 : memref<128x128xf32, #tpu.memory_space<vmem>>)
        %dma_start3A_80 = arith.constant 0 : i32
        %dma_start3A_81 = arith.constant 0 : i32
        %dma_start3A_82 = tpu.memref_slice %arg17[%dma_start3A_80, %dma_start3A_81] : memref<10112x128xf32, #tpu.memory_space<vmem_shared>> -> memref<10112x128xf32, #tpu.memory_space<vmem_shared>>
        tpu.enqueue_indirect_dma source(%arg16 : memref<128x128xf32, #tpu.memory_space<vmem>>) target(%dma_start3A_82 : memref<10112x128xf32, #tpu.memory_space<vmem_shared>>) offsets(%arg12 : memref<128xi32, #tpu.memory_space<vmem>>) semaphore(%arg25 : memref<!tpu.dma_semaphore, #tpu.memory_space<semaphore_mem>>) {add = true}
        %ge3A_83 = arith.constant 1 : i32
        %ge3A_84 = arith.cmpi sge, %add3A_76, %ge3A_83 : i32
        %convert_element_type3A_85 = arith.extui %ge3A_84 : i1 to i32
        %cond3A_86 = arith.constant 0 : i32
        %cond3A_87 = arith.cmpi ne, %convert_element_type3A_85, %cond3A_86 : i32
        scf.if %cond3A_87 {
          %dma_wait3A_160 = arith.constant 0 : i32
          %dma_wait3A_161 = arith.constant 0 : i32
          %dma_wait3A_162 = tpu.memref_slice %arg17[%dma_wait3A_160, %dma_wait3A_161] : memref<10112x128xf32, #tpu.memory_space<vmem_shared>> -> memref<10112x128xf32, #tpu.memory_space<vmem_shared>>
          tpu.wait_indirect_dma semaphore(%arg24 : memref<!tpu.dma_semaphore, #tpu.memory_space<semaphore_mem>>) src(%arg15 : memref<128x128xf32, #tpu.memory_space<vmem>>) dst(%dma_wait3A_162 : memref<10112x128xf32, #tpu.memory_space<vmem_shared>>)
        } else {
        }
        %add3A_88 = arith.constant 1 : i32
        %add3A_89 = arith.addi %add3A_76, %add3A_88 : i32
        %lt3A_90 = arith.constant 84 : i32
        %lt3A_91 = arith.cmpi slt, %add3A_89, %lt3A_90 : i32
        %convert_element_type3A_92 = arith.extui %lt3A_91 : i1 to i32
        %cond3A_93 = arith.constant 0 : i32
        %cond3A_94 = arith.cmpi ne, %convert_element_type3A_92, %cond3A_93 : i32
        scf.if %cond3A_94 {
          %add3A_160 = arith.constant 1 : i32
          %add3A_161 = arith.addi %add3A_76, %add3A_160 : i32
          %mul3A_162 = arith.constant 128 : i32
          %mul3A_163 = arith.muli %add3A_161, %mul3A_162 : i32
          %add3A_164 = arith.addi %mul3A_4, %mul3A_163 : i32
          %multiple_of3A_165 = tpu.assume_multiple %add3A_164, 128 : i32
          %dma_wait3A_166 = tpu.memref_slice %arg3[%multiple_of3A_165] : memref<172032xi32, #tpu.memory_space<hbm>> -> memref<128xi32, #tpu.memory_space<hbm>>
          %dma_wait3A_167 = tpu.memref_slice %arg3[%multiple_of3A_165] : memref<172032xi32, #tpu.memory_space<hbm>> -> memref<128xi32, #tpu.memory_space<hbm>>
          tpu.wait_dma2 semaphore(%arg20 : memref<!tpu.dma_semaphore, #tpu.memory_space<semaphore_mem>>) src(%dma_wait3A_167 : memref<128xi32, #tpu.memory_space<hbm>>) dst(%arg9 : memref<128xi32, #tpu.memory_space<vmem>>)
          %dma_wait3A_168 = tpu.memref_slice %arg4[%multiple_of3A_165] : memref<172032xi32, #tpu.memory_space<hbm>> -> memref<128xi32, #tpu.memory_space<hbm>>
          %dma_wait3A_169 = tpu.memref_slice %arg4[%multiple_of3A_165] : memref<172032xi32, #tpu.memory_space<hbm>> -> memref<128xi32, #tpu.memory_space<hbm>>
          tpu.wait_dma2 semaphore(%arg20 : memref<!tpu.dma_semaphore, #tpu.memory_space<semaphore_mem>>) src(%dma_wait3A_169 : memref<128xi32, #tpu.memory_space<hbm>>) dst(%arg13 : memref<128xi32, #tpu.memory_space<vmem>>)
          %dma_start3A_170 = arith.constant 0 : i32
          %dma_start3A_171 = arith.constant 0 : i32
          %dma_start3A_172 = tpu.memref_slice %arg2[%dma_start3A_170, %dma_start3A_171] : memref<10000x128xf32, #tpu.memory_space<hbm>> -> memref<10000x128xf32, #tpu.memory_space<hbm>>
          tpu.enqueue_indirect_dma source(%dma_start3A_172 : memref<10000x128xf32, #tpu.memory_space<hbm>>) target(%arg15 : memref<128x128xf32, #tpu.memory_space<vmem>>) offsets(%arg9 : memref<128xi32, #tpu.memory_space<vmem>>) semaphore(%arg22 : memref<!tpu.dma_semaphore, #tpu.memory_space<semaphore_mem>>)
        } else {
        }
        %add3A_95 = arith.constant 2 : i32
        %add3A_96 = arith.addi %add3A_76, %add3A_95 : i32
        %lt3A_97 = arith.constant 84 : i32
        %lt3A_98 = arith.cmpi slt, %add3A_96, %lt3A_97 : i32
        %convert_element_type3A_99 = arith.extui %lt3A_98 : i1 to i32
        %cond3A_100 = arith.constant 0 : i32
        %cond3A_101 = arith.cmpi ne, %convert_element_type3A_99, %cond3A_100 : i32
        scf.if %cond3A_101 {
          %add3A_160 = arith.constant 2 : i32
          %add3A_161 = arith.addi %add3A_76, %add3A_160 : i32
          %mul3A_162 = arith.constant 128 : i32
          %mul3A_163 = arith.muli %add3A_161, %mul3A_162 : i32
          %add3A_164 = arith.addi %mul3A_4, %mul3A_163 : i32
          %multiple_of3A_165 = tpu.assume_multiple %add3A_164, 128 : i32
          %dma_start3A_166 = tpu.memref_slice %arg3[%multiple_of3A_165] : memref<172032xi32, #tpu.memory_space<hbm>> -> memref<128xi32, #tpu.memory_space<hbm>>
          %dma_start3A_167 = tpu.memref_slice %arg3[%multiple_of3A_165] : memref<172032xi32, #tpu.memory_space<hbm>> -> memref<128xi32, #tpu.memory_space<hbm>>
          tpu.enqueue_dma source(%dma_start3A_167 : memref<128xi32, #tpu.memory_space<hbm>>) target(%arg10 : memref<128xi32, #tpu.memory_space<vmem>>) target_semaphore(%arg21 : memref<!tpu.dma_semaphore, #tpu.memory_space<semaphore_mem>>)
          %dma_start3A_168 = tpu.memref_slice %arg4[%multiple_of3A_165] : memref<172032xi32, #tpu.memory_space<hbm>> -> memref<128xi32, #tpu.memory_space<hbm>>
          %dma_start3A_169 = tpu.memref_slice %arg4[%multiple_of3A_165] : memref<172032xi32, #tpu.memory_space<hbm>> -> memref<128xi32, #tpu.memory_space<hbm>>
          tpu.enqueue_dma source(%dma_start3A_169 : memref<128xi32, #tpu.memory_space<hbm>>) target(%arg14 : memref<128xi32, #tpu.memory_space<vmem>>) target_semaphore(%arg21 : memref<!tpu.dma_semaphore, #tpu.memory_space<semaphore_mem>>)
        } else {
        }
        %mul3A_102 = arith.constant 4 : i32
        %mul3A_103 = arith.muli %scan3A_44, %mul3A_102 : i32
        %add3A_104 = arith.constant 2 : i32
        %add3A_105 = arith.addi %mul3A_103, %add3A_104 : i32
        %dma_wait3A_106 = arith.constant 0 : i32
        %dma_wait3A_107 = arith.constant 0 : i32
        %dma_wait3A_108 = tpu.memref_slice %arg2[%dma_wait3A_106, %dma_wait3A_107] : memref<10000x128xf32, #tpu.memory_space<hbm>> -> memref<10000x128xf32, #tpu.memory_space<hbm>>
        tpu.wait_indirect_dma semaphore(%arg22 : memref<!tpu.dma_semaphore, #tpu.memory_space<semaphore_mem>>) src(%dma_wait3A_108 : memref<10000x128xf32, #tpu.memory_space<hbm>>) dst(%arg15 : memref<128x128xf32, #tpu.memory_space<vmem>>)
        %dma_start3A_109 = arith.constant 0 : i32
        %dma_start3A_110 = arith.constant 0 : i32
        %dma_start3A_111 = tpu.memref_slice %arg17[%dma_start3A_109, %dma_start3A_110] : memref<10112x128xf32, #tpu.memory_space<vmem_shared>> -> memref<10112x128xf32, #tpu.memory_space<vmem_shared>>
        tpu.enqueue_indirect_dma source(%arg15 : memref<128x128xf32, #tpu.memory_space<vmem>>) target(%dma_start3A_111 : memref<10112x128xf32, #tpu.memory_space<vmem_shared>>) offsets(%arg13 : memref<128xi32, #tpu.memory_space<vmem>>) semaphore(%arg24 : memref<!tpu.dma_semaphore, #tpu.memory_space<semaphore_mem>>) {add = true}
        %ge3A_112 = arith.constant 1 : i32
        %ge3A_113 = arith.cmpi sge, %add3A_105, %ge3A_112 : i32
        %convert_element_type3A_114 = arith.extui %ge3A_113 : i1 to i32
        %cond3A_115 = arith.constant 0 : i32
        %cond3A_116 = arith.cmpi ne, %convert_element_type3A_114, %cond3A_115 : i32
        scf.if %cond3A_116 {
          %dma_wait3A_160 = arith.constant 0 : i32
          %dma_wait3A_161 = arith.constant 0 : i32
          %dma_wait3A_162 = tpu.memref_slice %arg17[%dma_wait3A_160, %dma_wait3A_161] : memref<10112x128xf32, #tpu.memory_space<vmem_shared>> -> memref<10112x128xf32, #tpu.memory_space<vmem_shared>>
          tpu.wait_indirect_dma semaphore(%arg25 : memref<!tpu.dma_semaphore, #tpu.memory_space<semaphore_mem>>) src(%arg16 : memref<128x128xf32, #tpu.memory_space<vmem>>) dst(%dma_wait3A_162 : memref<10112x128xf32, #tpu.memory_space<vmem_shared>>)
        } else {
        }
        %add3A_117 = arith.constant 1 : i32
        %add3A_118 = arith.addi %add3A_105, %add3A_117 : i32
        %lt3A_119 = arith.constant 84 : i32
        %lt3A_120 = arith.cmpi slt, %add3A_118, %lt3A_119 : i32
        %convert_element_type3A_121 = arith.extui %lt3A_120 : i1 to i32
        %cond3A_122 = arith.constant 0 : i32
        %cond3A_123 = arith.cmpi ne, %convert_element_type3A_121, %cond3A_122 : i32
        scf.if %cond3A_123 {
          %add3A_160 = arith.constant 1 : i32
          %add3A_161 = arith.addi %add3A_105, %add3A_160 : i32
          %mul3A_162 = arith.constant 128 : i32
          %mul3A_163 = arith.muli %add3A_161, %mul3A_162 : i32
          %add3A_164 = arith.addi %mul3A_4, %mul3A_163 : i32
          %multiple_of3A_165 = tpu.assume_multiple %add3A_164, 128 : i32
          %dma_wait3A_166 = tpu.memref_slice %arg3[%multiple_of3A_165] : memref<172032xi32, #tpu.memory_space<hbm>> -> memref<128xi32, #tpu.memory_space<hbm>>
          %dma_wait3A_167 = tpu.memref_slice %arg3[%multiple_of3A_165] : memref<172032xi32, #tpu.memory_space<hbm>> -> memref<128xi32, #tpu.memory_space<hbm>>
          tpu.wait_dma2 semaphore(%arg21 : memref<!tpu.dma_semaphore, #tpu.memory_space<semaphore_mem>>) src(%dma_wait3A_167 : memref<128xi32, #tpu.memory_space<hbm>>) dst(%arg10 : memref<128xi32, #tpu.memory_space<vmem>>)
          %dma_wait3A_168 = tpu.memref_slice %arg4[%multiple_of3A_165] : memref<172032xi32, #tpu.memory_space<hbm>> -> memref<128xi32, #tpu.memory_space<hbm>>
          %dma_wait3A_169 = tpu.memref_slice %arg4[%multiple_of3A_165] : memref<172032xi32, #tpu.memory_space<hbm>> -> memref<128xi32, #tpu.memory_space<hbm>>
          tpu.wait_dma2 semaphore(%arg21 : memref<!tpu.dma_semaphore, #tpu.memory_space<semaphore_mem>>) src(%dma_wait3A_169 : memref<128xi32, #tpu.memory_space<hbm>>) dst(%arg14 : memref<128xi32, #tpu.memory_space<vmem>>)
          %dma_start3A_170 = arith.constant 0 : i32
          %dma_start3A_171 = arith.constant 0 : i32
          %dma_start3A_172 = tpu.memref_slice %arg2[%dma_start3A_170, %dma_start3A_171] : memref<10000x128xf32, #tpu.memory_space<hbm>> -> memref<10000x128xf32, #tpu.memory_space<hbm>>
          tpu.enqueue_indirect_dma source(%dma_start3A_172 : memref<10000x128xf32, #tpu.memory_space<hbm>>) target(%arg16 : memref<128x128xf32, #tpu.memory_space<vmem>>) offsets(%arg10 : memref<128xi32, #tpu.memory_space<vmem>>) semaphore(%arg23 : memref<!tpu.dma_semaphore, #tpu.memory_space<semaphore_mem>>)
        } else {
        }
        %add3A_124 = arith.constant 2 : i32
        %add3A_125 = arith.addi %add3A_105, %add3A_124 : i32
        %lt3A_126 = arith.constant 84 : i32
        %lt3A_127 = arith.cmpi slt, %add3A_125, %lt3A_126 : i32
        %convert_element_type3A_128 = arith.extui %lt3A_127 : i1 to i32
        %cond3A_129 = arith.constant 0 : i32
        %cond3A_130 = arith.cmpi ne, %convert_element_type3A_128, %cond3A_129 : i32
        scf.if %cond3A_130 {
          %add3A_160 = arith.constant 2 : i32
          %add3A_161 = arith.addi %add3A_105, %add3A_160 : i32
          %mul3A_162 = arith.constant 128 : i32
          %mul3A_163 = arith.muli %add3A_161, %mul3A_162 : i32
          %add3A_164 = arith.addi %mul3A_4, %mul3A_163 : i32
          %multiple_of3A_165 = tpu.assume_multiple %add3A_164, 128 : i32
          %dma_start3A_166 = tpu.memref_slice %arg3[%multiple_of3A_165] : memref<172032xi32, #tpu.memory_space<hbm>> -> memref<128xi32, #tpu.memory_space<hbm>>
          %dma_start3A_167 = tpu.memref_slice %arg3[%multiple_of3A_165] : memref<172032xi32, #tpu.memory_space<hbm>> -> memref<128xi32, #tpu.memory_space<hbm>>
          tpu.enqueue_dma source(%dma_start3A_167 : memref<128xi32, #tpu.memory_space<hbm>>) target(%arg7 : memref<128xi32, #tpu.memory_space<vmem>>) target_semaphore(%arg18 : memref<!tpu.dma_semaphore, #tpu.memory_space<semaphore_mem>>)
          %dma_start3A_168 = tpu.memref_slice %arg4[%multiple_of3A_165] : memref<172032xi32, #tpu.memory_space<hbm>> -> memref<128xi32, #tpu.memory_space<hbm>>
          %dma_start3A_169 = tpu.memref_slice %arg4[%multiple_of3A_165] : memref<172032xi32, #tpu.memory_space<hbm>> -> memref<128xi32, #tpu.memory_space<hbm>>
          tpu.enqueue_dma source(%dma_start3A_169 : memref<128xi32, #tpu.memory_space<hbm>>) target(%arg11 : memref<128xi32, #tpu.memory_space<vmem>>) target_semaphore(%arg18 : memref<!tpu.dma_semaphore, #tpu.memory_space<semaphore_mem>>)
        } else {
        }
        %mul3A_131 = arith.constant 4 : i32
        %mul3A_132 = arith.muli %scan3A_44, %mul3A_131 : i32
        %add3A_133 = arith.constant 3 : i32
        %add3A_134 = arith.addi %mul3A_132, %add3A_133 : i32
        %dma_wait3A_135 = arith.constant 0 : i32
        %dma_wait3A_136 = arith.constant 0 : i32
        %dma_wait3A_137 = tpu.memref_slice %arg2[%dma_wait3A_135, %dma_wait3A_136] : memref<10000x128xf32, #tpu.memory_space<hbm>> -> memref<10000x128xf32, #tpu.memory_space<hbm>>
        tpu.wait_indirect_dma semaphore(%arg23 : memref<!tpu.dma_semaphore, #tpu.memory_space<semaphore_mem>>) src(%dma_wait3A_137 : memref<10000x128xf32, #tpu.memory_space<hbm>>) dst(%arg16 : memref<128x128xf32, #tpu.memory_space<vmem>>)
        %dma_start3A_138 = arith.constant 0 : i32
        %dma_start3A_139 = arith.constant 0 : i32
        %dma_start3A_140 = tpu.memref_slice %arg17[%dma_start3A_138, %dma_start3A_139] : memref<10112x128xf32, #tpu.memory_space<vmem_shared>> -> memref<10112x128xf32, #tpu.memory_space<vmem_shared>>
        tpu.enqueue_indirect_dma source(%arg16 : memref<128x128xf32, #tpu.memory_space<vmem>>) target(%dma_start3A_140 : memref<10112x128xf32, #tpu.memory_space<vmem_shared>>) offsets(%arg14 : memref<128xi32, #tpu.memory_space<vmem>>) semaphore(%arg25 : memref<!tpu.dma_semaphore, #tpu.memory_space<semaphore_mem>>) {add = true}
        %ge3A_141 = arith.constant 1 : i32
        %ge3A_142 = arith.cmpi sge, %add3A_134, %ge3A_141 : i32
        %convert_element_type3A_143 = arith.extui %ge3A_142 : i1 to i32
        %cond3A_144 = arith.constant 0 : i32
        %cond3A_145 = arith.cmpi ne, %convert_element_type3A_143, %cond3A_144 : i32
        scf.if %cond3A_145 {
          %dma_wait3A_160 = arith.constant 0 : i32
          %dma_wait3A_161 = arith.constant 0 : i32
          %dma_wait3A_162 = tpu.memref_slice %arg17[%dma_wait3A_160, %dma_wait3A_161] : memref<10112x128xf32, #tpu.memory_space<vmem_shared>> -> memref<10112x128xf32, #tpu.memory_space<vmem_shared>>
          tpu.wait_indirect_dma semaphore(%arg24 : memref<!tpu.dma_semaphore, #tpu.memory_space<semaphore_mem>>) src(%arg15 : memref<128x128xf32, #tpu.memory_space<vmem>>) dst(%dma_wait3A_162 : memref<10112x128xf32, #tpu.memory_space<vmem_shared>>)
        } else {
        }
        %add3A_146 = arith.constant 1 : i32
        %add3A_147 = arith.addi %add3A_134, %add3A_146 : i32
        %lt3A_148 = arith.constant 84 : i32
        %lt3A_149 = arith.cmpi slt, %add3A_147, %lt3A_148 : i32
        %convert_element_type3A_150 = arith.extui %lt3A_149 : i1 to i32
        %cond3A_151 = arith.constant 0 : i32
        %cond3A_152 = arith.cmpi ne, %convert_element_type3A_150, %cond3A_151 : i32
        scf.if %cond3A_152 {
          %add3A_160 = arith.constant 1 : i32
          %add3A_161 = arith.addi %add3A_134, %add3A_160 : i32
          %mul3A_162 = arith.constant 128 : i32
          %mul3A_163 = arith.muli %add3A_161, %mul3A_162 : i32
          %add3A_164 = arith.addi %mul3A_4, %mul3A_163 : i32
          %multiple_of3A_165 = tpu.assume_multiple %add3A_164, 128 : i32
          %dma_wait3A_166 = tpu.memref_slice %arg3[%multiple_of3A_165] : memref<172032xi32, #tpu.memory_space<hbm>> -> memref<128xi32, #tpu.memory_space<hbm>>
          %dma_wait3A_167 = tpu.memref_slice %arg3[%multiple_of3A_165] : memref<172032xi32, #tpu.memory_space<hbm>> -> memref<128xi32, #tpu.memory_space<hbm>>
          tpu.wait_dma2 semaphore(%arg18 : memref<!tpu.dma_semaphore, #tpu.memory_space<semaphore_mem>>) src(%dma_wait3A_167 : memref<128xi32, #tpu.memory_space<hbm>>) dst(%arg7 : memref<128xi32, #tpu.memory_space<vmem>>)
          %dma_wait3A_168 = tpu.memref_slice %arg4[%multiple_of3A_165] : memref<172032xi32, #tpu.memory_space<hbm>> -> memref<128xi32, #tpu.memory_space<hbm>>
          %dma_wait3A_169 = tpu.memref_slice %arg4[%multiple_of3A_165] : memref<172032xi32, #tpu.memory_space<hbm>> -> memref<128xi32, #tpu.memory_space<hbm>>
          tpu.wait_dma2 semaphore(%arg18 : memref<!tpu.dma_semaphore, #tpu.memory_space<semaphore_mem>>) src(%dma_wait3A_169 : memref<128xi32, #tpu.memory_space<hbm>>) dst(%arg11 : memref<128xi32, #tpu.memory_space<vmem>>)
          %dma_start3A_170 = arith.constant 0 : i32
          %dma_start3A_171 = arith.constant 0 : i32
          %dma_start3A_172 = tpu.memref_slice %arg2[%dma_start3A_170, %dma_start3A_171] : memref<10000x128xf32, #tpu.memory_space<hbm>> -> memref<10000x128xf32, #tpu.memory_space<hbm>>
          tpu.enqueue_indirect_dma source(%dma_start3A_172 : memref<10000x128xf32, #tpu.memory_space<hbm>>) target(%arg15 : memref<128x128xf32, #tpu.memory_space<vmem>>) offsets(%arg7 : memref<128xi32, #tpu.memory_space<vmem>>) semaphore(%arg22 : memref<!tpu.dma_semaphore, #tpu.memory_space<semaphore_mem>>)
        } else {
        }
        %add3A_153 = arith.constant 2 : i32
        %add3A_154 = arith.addi %add3A_134, %add3A_153 : i32
        %lt3A_155 = arith.constant 84 : i32
        %lt3A_156 = arith.cmpi slt, %add3A_154, %lt3A_155 : i32
        %convert_element_type3A_157 = arith.extui %lt3A_156 : i1 to i32
        %cond3A_158 = arith.constant 0 : i32
        %cond3A_159 = arith.cmpi ne, %convert_element_type3A_157, %cond3A_158 : i32
        scf.if %cond3A_159 {
          %add3A_160 = arith.constant 2 : i32
          %add3A_161 = arith.addi %add3A_134, %add3A_160 : i32
          %mul3A_162 = arith.constant 128 : i32
          %mul3A_163 = arith.muli %add3A_161, %mul3A_162 : i32
          %add3A_164 = arith.addi %mul3A_4, %mul3A_163 : i32
          %multiple_of3A_165 = tpu.assume_multiple %add3A_164, 128 : i32
          %dma_start3A_166 = tpu.memref_slice %arg3[%multiple_of3A_165] : memref<172032xi32, #tpu.memory_space<hbm>> -> memref<128xi32, #tpu.memory_space<hbm>>
          %dma_start3A_167 = tpu.memref_slice %arg3[%multiple_of3A_165] : memref<172032xi32, #tpu.memory_space<hbm>> -> memref<128xi32, #tpu.memory_space<hbm>>
          tpu.enqueue_dma source(%dma_start3A_167 : memref<128xi32, #tpu.memory_space<hbm>>) target(%arg8 : memref<128xi32, #tpu.memory_space<vmem>>) target_semaphore(%arg19 : memref<!tpu.dma_semaphore, #tpu.memory_space<semaphore_mem>>)
          %dma_start3A_168 = tpu.memref_slice %arg4[%multiple_of3A_165] : memref<172032xi32, #tpu.memory_space<hbm>> -> memref<128xi32, #tpu.memory_space<hbm>>
          %dma_start3A_169 = tpu.memref_slice %arg4[%multiple_of3A_165] : memref<172032xi32, #tpu.memory_space<hbm>> -> memref<128xi32, #tpu.memory_space<hbm>>
          tpu.enqueue_dma source(%dma_start3A_169 : memref<128xi32, #tpu.memory_space<hbm>>) target(%arg12 : memref<128xi32, #tpu.memory_space<vmem>>) target_semaphore(%arg19 : memref<!tpu.dma_semaphore, #tpu.memory_space<semaphore_mem>>)
        } else {
        }
      }
      %scan3A_30 = arith.constant 21 : i32
      %dma_wait3A_31 = arith.constant 0 : i32
      %dma_wait3A_32 = arith.constant 0 : i32
      %dma_wait3A_33 = tpu.memref_slice %arg17[%dma_wait3A_31, %dma_wait3A_32] : memref<10112x128xf32, #tpu.memory_space<vmem_shared>> -> memref<10112x128xf32, #tpu.memory_space<vmem_shared>>
      tpu.wait_indirect_dma semaphore(%arg25 : memref<!tpu.dma_semaphore, #tpu.memory_space<semaphore_mem>>) src(%arg16 : memref<128x128xf32, #tpu.memory_space<vmem>>) dst(%dma_wait3A_33 : memref<10112x128xf32, #tpu.memory_space<vmem_shared>>)
      %barrier3A_34 = arith.constant 0 : index
      tpu.barrier barrier_id(%barrier3A_34)
      %lt3A = arith.constant 15 : i32
      %lt3A_35 = arith.cmpi slt, %arg1, %lt3A : i32
      %convert_element_type3A_36 = arith.extui %lt3A_35 : i1 to i32
      %cond3A_37 = arith.constant 0 : i32
      %cond3A_38 = arith.cmpi ne, %convert_element_type3A_36, %cond3A_37 : i32
      scf.if %cond3A_38 {
        %mul3A_44 = arith.constant 624 : i32
        %mul3A_45 = arith.muli %arg1, %mul3A_44 : i32
        %multiple_of3A_46 = tpu.assume_multiple %mul3A_45, 16 : i32
        "tpu.region"() ({
          %run_scoped3A = tpu.sem_alloc : memref<!tpu.dma_semaphore, #tpu.memory_space<semaphore_mem>>
          %dma_start3A_47 = arith.constant 0 : i32
          %dma_start3A_48 = tpu.memref_slice %arg6[%multiple_of3A_46, %dma_start3A_47] : memref<10000x128xf32, #tpu.memory_space<hbm>> -> memref<624x128xf32, #tpu.memory_space<hbm>>
          %dma_start3A_49 = arith.constant 0 : i32
          %dma_start3A_50 = tpu.memref_slice %arg17[%multiple_of3A_46, %dma_start3A_49] : memref<10112x128xf32, #tpu.memory_space<vmem_shared>> -> memref<624x128xf32, #tpu.memory_space<vmem_shared>>
          tpu.enqueue_dma source(%dma_start3A_50 : memref<624x128xf32, #tpu.memory_space<vmem_shared>>) target(%dma_start3A_48 : memref<624x128xf32, #tpu.memory_space<hbm>>) target_semaphore(%run_scoped3A : memref<!tpu.dma_semaphore, #tpu.memory_space<semaphore_mem>>)
          %dma_wait3A_51 = arith.constant 0 : i32
          %dma_wait3A_52 = tpu.memref_slice %arg6[%multiple_of3A_46, %dma_wait3A_51] : memref<10000x128xf32, #tpu.memory_space<hbm>> -> memref<624x128xf32, #tpu.memory_space<hbm>>
          %dma_wait3A_53 = arith.constant 0 : i32
          %dma_wait3A_54 = tpu.memref_slice %arg17[%multiple_of3A_46, %dma_wait3A_53] : memref<10112x128xf32, #tpu.memory_space<vmem_shared>> -> memref<624x128xf32, #tpu.memory_space<vmem_shared>>
          tpu.wait_dma2 semaphore(%run_scoped3A : memref<!tpu.dma_semaphore, #tpu.memory_space<semaphore_mem>>) src(%dma_wait3A_54 : memref<624x128xf32, #tpu.memory_space<vmem_shared>>) dst(%dma_wait3A_52 : memref<624x128xf32, #tpu.memory_space<hbm>>)
          tpu.yield
        }) : () -> ()
      } else {
      }
      %eq3A_39 = arith.constant 15 : i32
      %eq3A_40 = arith.cmpi eq, %arg1, %eq3A_39 : i32
      %convert_element_type3A_41 = arith.extui %eq3A_40 : i1 to i32
      %cond3A_42 = arith.constant 0 : i32
      %cond3A_43 = arith.cmpi ne, %convert_element_type3A_41, %cond3A_42 : i32
      scf.if %cond3A_43 {
        "tpu.region"() ({
          %run_scoped3A = tpu.sem_alloc : memref<!tpu.dma_semaphore, #tpu.memory_space<semaphore_mem>>
          %dma_start3A_44 = arith.constant 9360 : i32
          %dma_start3A_45 = arith.constant 0 : i32
          %dma_start3A_46 = tpu.memref_slice %arg6[%dma_start3A_44, %dma_start3A_45] : memref<10000x128xf32, #tpu.memory_space<hbm>> -> memref<640x128xf32, #tpu.memory_space<hbm>>
          %dma_start3A_47 = arith.constant 9360 : i32
          %dma_start3A_48 = arith.constant 0 : i32
          %dma_start3A_49 = tpu.memref_slice %arg17[%dma_start3A_47, %dma_start3A_48] : memref<10112x128xf32, #tpu.memory_space<vmem_shared>> -> memref<640x128xf32, #tpu.memory_space<vmem_shared>>
          tpu.enqueue_dma source(%dma_start3A_49 : memref<640x128xf32, #tpu.memory_space<vmem_shared>>) target(%dma_start3A_46 : memref<640x128xf32, #tpu.memory_space<hbm>>) target_semaphore(%run_scoped3A : memref<!tpu.dma_semaphore, #tpu.memory_space<semaphore_mem>>)
          %dma_wait3A_50 = arith.constant 9360 : i32
          %dma_wait3A_51 = arith.constant 0 : i32
          %dma_wait3A_52 = tpu.memref_slice %arg6[%dma_wait3A_50, %dma_wait3A_51] : memref<10000x128xf32, #tpu.memory_space<hbm>> -> memref<640x128xf32, #tpu.memory_space<hbm>>
          %dma_wait3A_53 = arith.constant 9360 : i32
          %dma_wait3A_54 = arith.constant 0 : i32
          %dma_wait3A_55 = tpu.memref_slice %arg17[%dma_wait3A_53, %dma_wait3A_54] : memref<10112x128xf32, #tpu.memory_space<vmem_shared>> -> memref<640x128xf32, #tpu.memory_space<vmem_shared>>
          tpu.wait_dma2 semaphore(%run_scoped3A : memref<!tpu.dma_semaphore, #tpu.memory_space<semaphore_mem>>) src(%dma_wait3A_55 : memref<640x128xf32, #tpu.memory_space<vmem_shared>>) dst(%dma_wait3A_52 : memref<640x128xf32, #tpu.memory_space<hbm>>)
          tpu.yield
        }) : () -> ()
      } else {
      }
    } else {
    }
    return
  }
}

#map = affine_map<(d0, d1) -> (0, 0)>
#map1 = affine_map<(d0, d1) -> (0)>
module attributes {stable_mosaic.version = 14 : i64} {
  func.func @agg_kernel(%arg0: i32, %arg1: i32, %arg2: memref<10000x128xf32, #tpu.memory_space<hbm>>, %arg3: memref<10000x128xf32, #tpu.memory_space<hbm>>, %arg4: memref<172032xi32, #tpu.memory_space<hbm>>, %arg5: memref<172032xi32, #tpu.memory_space<hbm>>, %arg6: memref<632x128xf32, #tpu.memory_space<hbm>>, %arg7: memref<10000x128xf32, #tpu.memory_space<hbm>>, %arg8: memref<10000x128xf32, #tpu.memory_space<hbm>>, %arg9: memref<128xi32, #tpu.memory_space<vmem>>, %arg10: memref<128xi32, #tpu.memory_space<vmem>>, %arg11: memref<128xi32, #tpu.memory_space<vmem>>, %arg12: memref<128xi32, #tpu.memory_space<vmem>>, %arg13: memref<128xi32, #tpu.memory_space<vmem>>, %arg14: memref<128xi32, #tpu.memory_space<vmem>>, %arg15: memref<128xi32, #tpu.memory_space<vmem>>, %arg16: memref<128xi32, #tpu.memory_space<vmem>>, %arg17: memref<128x128xf32, #tpu.memory_space<vmem>>, %arg18: memref<128x128xf32, #tpu.memory_space<vmem>>, %arg19: memref<10112x128xf32, #tpu.memory_space<vmem_shared>>, %arg20: memref<!tpu.dma_semaphore, #tpu.memory_space<semaphore_mem>>, %arg21: memref<!tpu.dma_semaphore, #tpu.memory_space<semaphore_mem>>, %arg22: memref<!tpu.dma_semaphore, #tpu.memory_space<semaphore_mem>>, %arg23: memref<!tpu.dma_semaphore, #tpu.memory_space<semaphore_mem>>, %arg24: memref<!tpu.dma_semaphore, #tpu.memory_space<semaphore_mem>>, %arg25: memref<!tpu.dma_semaphore, #tpu.memory_space<semaphore_mem>>, %arg26: memref<!tpu.dma_semaphore, #tpu.memory_space<semaphore_mem>>, %arg27: memref<!tpu.dma_semaphore, #tpu.memory_space<semaphore_mem>>) attributes {dimension_semantics = [#tpu.dimension_semantics<core_parallel>, #tpu.dimension_semantics<subcore_parallel>], iteration_bounds = array<i64: 2, 16>, scalar_prefetch = 0 : i64, scratch_operands = 19 : i64, tpu.core_type = #tpu.core_type<sc_vector_subcore>, window_params = [{transform_indices = #map}, {transform_indices = #map}, {transform_indices = #map1}, {transform_indices = #map1}, {transform_indices = #map}, {transform_indices = #map}, {transform_indices = #map}]} {
    %eq3A = arith.constant 0 : i32
    %eq3A_0 = arith.cmpi eq, %arg0, %eq3A : i32
    %convert_element_type3A = arith.extui %eq3A_0 : i1 to i32
    %cond3A = arith.constant 0 : i32
    %cond3A_1 = arith.cmpi ne, %convert_element_type3A, %cond3A : i32
    scf.if %cond3A_1 {
      %mul3A = arith.constant 632 : i32
      %mul3A_7 = arith.muli %arg1, %mul3A : i32
      %multiple_of3A = tpu.assume_multiple %mul3A_7, 8 : i32
      "tpu.region"() ({
        %run_scoped3A = tpu.sem_alloc : memref<!tpu.dma_semaphore, #tpu.memory_space<semaphore_mem>>
        %dma_start3A_49 = arith.constant 0 : i32
        %dma_start3A_50 = tpu.memref_slice %arg19[%multiple_of3A, %dma_start3A_49] : memref<10112x128xf32, #tpu.memory_space<vmem_shared>> -> memref<632x128xf32, #tpu.memory_space<vmem_shared>>
        tpu.enqueue_dma source(%arg6 : memref<632x128xf32, #tpu.memory_space<hbm>>) target(%dma_start3A_50 : memref<632x128xf32, #tpu.memory_space<vmem_shared>>) target_semaphore(%run_scoped3A : memref<!tpu.dma_semaphore, #tpu.memory_space<semaphore_mem>>)
        %dma_wait3A_51 = arith.constant 0 : i32
        %dma_wait3A_52 = tpu.memref_slice %arg19[%multiple_of3A, %dma_wait3A_51] : memref<10112x128xf32, #tpu.memory_space<vmem_shared>> -> memref<632x128xf32, #tpu.memory_space<vmem_shared>>
        tpu.wait_dma2 semaphore(%run_scoped3A : memref<!tpu.dma_semaphore, #tpu.memory_space<semaphore_mem>>) src(%arg6 : memref<632x128xf32, #tpu.memory_space<hbm>>) dst(%dma_wait3A_52 : memref<632x128xf32, #tpu.memory_space<vmem_shared>>)
        tpu.yield
      }) : () -> ()
      %barrier3A = arith.constant 0 : index
      tpu.barrier barrier_id(%barrier3A)
      %mul3A_8 = arith.constant 10752 : i32
      %mul3A_9 = arith.muli %arg1, %mul3A_8 : i32
      %add3A = arith.constant 0 : i32
      %add3A_10 = arith.addi %mul3A_9, %add3A : i32
      %multiple_of3A_11 = tpu.assume_multiple %add3A_10, 128 : i32
      %dma_start3A = tpu.memref_slice %arg4[%multiple_of3A_11] : memref<172032xi32, #tpu.memory_space<hbm>> -> memref<128xi32, #tpu.memory_space<hbm>>
      %dma_start3A_12 = tpu.memref_slice %arg4[%multiple_of3A_11] : memref<172032xi32, #tpu.memory_space<hbm>> -> memref<128xi32, #tpu.memory_space<hbm>>
      tpu.enqueue_dma source(%dma_start3A_12 : memref<128xi32, #tpu.memory_space<hbm>>) target(%arg9 : memref<128xi32, #tpu.memory_space<vmem>>) target_semaphore(%arg20 : memref<!tpu.dma_semaphore, #tpu.memory_space<semaphore_mem>>)
      %dma_start3A_13 = tpu.memref_slice %arg5[%multiple_of3A_11] : memref<172032xi32, #tpu.memory_space<hbm>> -> memref<128xi32, #tpu.memory_space<hbm>>
      %dma_start3A_14 = tpu.memref_slice %arg5[%multiple_of3A_11] : memref<172032xi32, #tpu.memory_space<hbm>> -> memref<128xi32, #tpu.memory_space<hbm>>
      tpu.enqueue_dma source(%dma_start3A_14 : memref<128xi32, #tpu.memory_space<hbm>>) target(%arg13 : memref<128xi32, #tpu.memory_space<vmem>>) target_semaphore(%arg20 : memref<!tpu.dma_semaphore, #tpu.memory_space<semaphore_mem>>)
      %add3A_15 = arith.constant 128 : i32
      %add3A_16 = arith.addi %mul3A_9, %add3A_15 : i32
      %multiple_of3A_17 = tpu.assume_multiple %add3A_16, 128 : i32
      %dma_start3A_18 = tpu.memref_slice %arg4[%multiple_of3A_17] : memref<172032xi32, #tpu.memory_space<hbm>> -> memref<128xi32, #tpu.memory_space<hbm>>
      %dma_start3A_19 = tpu.memref_slice %arg4[%multiple_of3A_17] : memref<172032xi32, #tpu.memory_space<hbm>> -> memref<128xi32, #tpu.memory_space<hbm>>
      tpu.enqueue_dma source(%dma_start3A_19 : memref<128xi32, #tpu.memory_space<hbm>>) target(%arg10 : memref<128xi32, #tpu.memory_space<vmem>>) target_semaphore(%arg21 : memref<!tpu.dma_semaphore, #tpu.memory_space<semaphore_mem>>)
      %dma_start3A_20 = tpu.memref_slice %arg5[%multiple_of3A_17] : memref<172032xi32, #tpu.memory_space<hbm>> -> memref<128xi32, #tpu.memory_space<hbm>>
      %dma_start3A_21 = tpu.memref_slice %arg5[%multiple_of3A_17] : memref<172032xi32, #tpu.memory_space<hbm>> -> memref<128xi32, #tpu.memory_space<hbm>>
      tpu.enqueue_dma source(%dma_start3A_21 : memref<128xi32, #tpu.memory_space<hbm>>) target(%arg14 : memref<128xi32, #tpu.memory_space<vmem>>) target_semaphore(%arg21 : memref<!tpu.dma_semaphore, #tpu.memory_space<semaphore_mem>>)
      %add3A_22 = arith.constant 0 : i32
      %add3A_23 = arith.addi %mul3A_9, %add3A_22 : i32
      %multiple_of3A_24 = tpu.assume_multiple %add3A_23, 128 : i32
      %dma_wait3A = tpu.memref_slice %arg4[%multiple_of3A_24] : memref<172032xi32, #tpu.memory_space<hbm>> -> memref<128xi32, #tpu.memory_space<hbm>>
      %dma_wait3A_25 = tpu.memref_slice %arg4[%multiple_of3A_24] : memref<172032xi32, #tpu.memory_space<hbm>> -> memref<128xi32, #tpu.memory_space<hbm>>
      tpu.wait_dma2 semaphore(%arg20 : memref<!tpu.dma_semaphore, #tpu.memory_space<semaphore_mem>>) src(%dma_wait3A_25 : memref<128xi32, #tpu.memory_space<hbm>>) dst(%arg9 : memref<128xi32, #tpu.memory_space<vmem>>)
      %dma_wait3A_26 = tpu.memref_slice %arg5[%multiple_of3A_24] : memref<172032xi32, #tpu.memory_space<hbm>> -> memref<128xi32, #tpu.memory_space<hbm>>
      %dma_wait3A_27 = tpu.memref_slice %arg5[%multiple_of3A_24] : memref<172032xi32, #tpu.memory_space<hbm>> -> memref<128xi32, #tpu.memory_space<hbm>>
      tpu.wait_dma2 semaphore(%arg20 : memref<!tpu.dma_semaphore, #tpu.memory_space<semaphore_mem>>) src(%dma_wait3A_27 : memref<128xi32, #tpu.memory_space<hbm>>) dst(%arg13 : memref<128xi32, #tpu.memory_space<vmem>>)
      %dma_start3A_28 = arith.constant 0 : i32
      %dma_start3A_29 = arith.constant 0 : i32
      %dma_start3A_30 = tpu.memref_slice %arg2[%dma_start3A_28, %dma_start3A_29] : memref<10000x128xf32, #tpu.memory_space<hbm>> -> memref<10000x128xf32, #tpu.memory_space<hbm>>
      tpu.enqueue_indirect_dma source(%dma_start3A_30 : memref<10000x128xf32, #tpu.memory_space<hbm>>) target(%arg17 : memref<128x128xf32, #tpu.memory_space<vmem>>) offsets(%arg9 : memref<128xi32, #tpu.memory_space<vmem>>) semaphore(%arg24 : memref<!tpu.dma_semaphore, #tpu.memory_space<semaphore_mem>>)
      %scan3A = arith.constant 0 : i32
      %scan3A_31 = arith.constant 0 : i32
      %scan3A_32 = arith.constant 21 : i32
      %scan3A_33 = arith.addi %scan3A_31, %scan3A_32 : i32
      %scan3A_34 = arith.constant 1 : i32
      scf.for %scan3A_49 = %scan3A_31 to %scan3A_33 step %scan3A_34  : i32 {
        %mul3A_50 = arith.constant 4 : i32
        %mul3A_51 = arith.muli %scan3A_49, %mul3A_50 : i32
        %add3A_52 = arith.constant 0 : i32
        %add3A_53 = arith.addi %mul3A_51, %add3A_52 : i32
        %dma_wait3A_54 = arith.constant 0 : i32
        %dma_wait3A_55 = arith.constant 0 : i32
        %dma_wait3A_56 = tpu.memref_slice %arg2[%dma_wait3A_54, %dma_wait3A_55] : memref<10000x128xf32, #tpu.memory_space<hbm>> -> memref<10000x128xf32, #tpu.memory_space<hbm>>
        tpu.wait_indirect_dma semaphore(%arg24 : memref<!tpu.dma_semaphore, #tpu.memory_space<semaphore_mem>>) src(%dma_wait3A_56 : memref<10000x128xf32, #tpu.memory_space<hbm>>) dst(%arg17 : memref<128x128xf32, #tpu.memory_space<vmem>>)
        %dma_start3A_57 = arith.constant 0 : i32
        %dma_start3A_58 = arith.constant 0 : i32
        %dma_start3A_59 = tpu.memref_slice %arg19[%dma_start3A_57, %dma_start3A_58] : memref<10112x128xf32, #tpu.memory_space<vmem_shared>> -> memref<10112x128xf32, #tpu.memory_space<vmem_shared>>
        tpu.enqueue_indirect_dma source(%arg17 : memref<128x128xf32, #tpu.memory_space<vmem>>) target(%dma_start3A_59 : memref<10112x128xf32, #tpu.memory_space<vmem_shared>>) offsets(%arg13 : memref<128xi32, #tpu.memory_space<vmem>>) semaphore(%arg26 : memref<!tpu.dma_semaphore, #tpu.memory_space<semaphore_mem>>) {add = true}
        %ge3A = arith.constant 1 : i32
        %ge3A_60 = arith.cmpi sge, %add3A_53, %ge3A : i32
        %convert_element_type3A_61 = arith.extui %ge3A_60 : i1 to i32
        %cond3A_62 = arith.constant 0 : i32
        %cond3A_63 = arith.cmpi ne, %convert_element_type3A_61, %cond3A_62 : i32
        scf.if %cond3A_63 {
          %dma_wait3A_165 = arith.constant 0 : i32
          %dma_wait3A_166 = arith.constant 0 : i32
          %dma_wait3A_167 = tpu.memref_slice %arg19[%dma_wait3A_165, %dma_wait3A_166] : memref<10112x128xf32, #tpu.memory_space<vmem_shared>> -> memref<10112x128xf32, #tpu.memory_space<vmem_shared>>
          tpu.wait_indirect_dma semaphore(%arg27 : memref<!tpu.dma_semaphore, #tpu.memory_space<semaphore_mem>>) src(%arg18 : memref<128x128xf32, #tpu.memory_space<vmem>>) dst(%dma_wait3A_167 : memref<10112x128xf32, #tpu.memory_space<vmem_shared>>)
        } else {
        }
        %add3A_64 = arith.constant 1 : i32
        %add3A_65 = arith.addi %add3A_53, %add3A_64 : i32
        %lt3A_66 = arith.constant 84 : i32
        %lt3A_67 = arith.cmpi slt, %add3A_65, %lt3A_66 : i32
        %convert_element_type3A_68 = arith.extui %lt3A_67 : i1 to i32
        %cond3A_69 = arith.constant 0 : i32
        %cond3A_70 = arith.cmpi ne, %convert_element_type3A_68, %cond3A_69 : i32
        scf.if %cond3A_70 {
          %add3A_165 = arith.constant 1 : i32
          %add3A_166 = arith.addi %add3A_53, %add3A_165 : i32
          %mul3A_167 = arith.constant 128 : i32
          %mul3A_168 = arith.muli %add3A_166, %mul3A_167 : i32
          %add3A_169 = arith.addi %mul3A_9, %mul3A_168 : i32
          %multiple_of3A_170 = tpu.assume_multiple %add3A_169, 128 : i32
          %dma_wait3A_171 = tpu.memref_slice %arg4[%multiple_of3A_170] : memref<172032xi32, #tpu.memory_space<hbm>> -> memref<128xi32, #tpu.memory_space<hbm>>
          %dma_wait3A_172 = tpu.memref_slice %arg4[%multiple_of3A_170] : memref<172032xi32, #tpu.memory_space<hbm>> -> memref<128xi32, #tpu.memory_space<hbm>>
          tpu.wait_dma2 semaphore(%arg21 : memref<!tpu.dma_semaphore, #tpu.memory_space<semaphore_mem>>) src(%dma_wait3A_172 : memref<128xi32, #tpu.memory_space<hbm>>) dst(%arg10 : memref<128xi32, #tpu.memory_space<vmem>>)
          %dma_wait3A_173 = tpu.memref_slice %arg5[%multiple_of3A_170] : memref<172032xi32, #tpu.memory_space<hbm>> -> memref<128xi32, #tpu.memory_space<hbm>>
          %dma_wait3A_174 = tpu.memref_slice %arg5[%multiple_of3A_170] : memref<172032xi32, #tpu.memory_space<hbm>> -> memref<128xi32, #tpu.memory_space<hbm>>
          tpu.wait_dma2 semaphore(%arg21 : memref<!tpu.dma_semaphore, #tpu.memory_space<semaphore_mem>>) src(%dma_wait3A_174 : memref<128xi32, #tpu.memory_space<hbm>>) dst(%arg14 : memref<128xi32, #tpu.memory_space<vmem>>)
          %dma_start3A_175 = arith.constant 0 : i32
          %dma_start3A_176 = arith.constant 0 : i32
          %dma_start3A_177 = tpu.memref_slice %arg2[%dma_start3A_175, %dma_start3A_176] : memref<10000x128xf32, #tpu.memory_space<hbm>> -> memref<10000x128xf32, #tpu.memory_space<hbm>>
          tpu.enqueue_indirect_dma source(%dma_start3A_177 : memref<10000x128xf32, #tpu.memory_space<hbm>>) target(%arg18 : memref<128x128xf32, #tpu.memory_space<vmem>>) offsets(%arg10 : memref<128xi32, #tpu.memory_space<vmem>>) semaphore(%arg25 : memref<!tpu.dma_semaphore, #tpu.memory_space<semaphore_mem>>)
        } else {
        }
        %add3A_71 = arith.constant 2 : i32
        %add3A_72 = arith.addi %add3A_53, %add3A_71 : i32
        %lt3A_73 = arith.constant 84 : i32
        %lt3A_74 = arith.cmpi slt, %add3A_72, %lt3A_73 : i32
        %convert_element_type3A_75 = arith.extui %lt3A_74 : i1 to i32
        %cond3A_76 = arith.constant 0 : i32
        %cond3A_77 = arith.cmpi ne, %convert_element_type3A_75, %cond3A_76 : i32
        scf.if %cond3A_77 {
          %add3A_165 = arith.constant 2 : i32
          %add3A_166 = arith.addi %add3A_53, %add3A_165 : i32
          %mul3A_167 = arith.constant 128 : i32
          %mul3A_168 = arith.muli %add3A_166, %mul3A_167 : i32
          %add3A_169 = arith.addi %mul3A_9, %mul3A_168 : i32
          %multiple_of3A_170 = tpu.assume_multiple %add3A_169, 128 : i32
          %dma_start3A_171 = tpu.memref_slice %arg4[%multiple_of3A_170] : memref<172032xi32, #tpu.memory_space<hbm>> -> memref<128xi32, #tpu.memory_space<hbm>>
          %dma_start3A_172 = tpu.memref_slice %arg4[%multiple_of3A_170] : memref<172032xi32, #tpu.memory_space<hbm>> -> memref<128xi32, #tpu.memory_space<hbm>>
          tpu.enqueue_dma source(%dma_start3A_172 : memref<128xi32, #tpu.memory_space<hbm>>) target(%arg11 : memref<128xi32, #tpu.memory_space<vmem>>) target_semaphore(%arg22 : memref<!tpu.dma_semaphore, #tpu.memory_space<semaphore_mem>>)
          %dma_start3A_173 = tpu.memref_slice %arg5[%multiple_of3A_170] : memref<172032xi32, #tpu.memory_space<hbm>> -> memref<128xi32, #tpu.memory_space<hbm>>
          %dma_start3A_174 = tpu.memref_slice %arg5[%multiple_of3A_170] : memref<172032xi32, #tpu.memory_space<hbm>> -> memref<128xi32, #tpu.memory_space<hbm>>
          tpu.enqueue_dma source(%dma_start3A_174 : memref<128xi32, #tpu.memory_space<hbm>>) target(%arg15 : memref<128xi32, #tpu.memory_space<vmem>>) target_semaphore(%arg22 : memref<!tpu.dma_semaphore, #tpu.memory_space<semaphore_mem>>)
        } else {
        }
        %mul3A_78 = arith.constant 4 : i32
        %mul3A_79 = arith.muli %scan3A_49, %mul3A_78 : i32
        %add3A_80 = arith.constant 1 : i32
        %add3A_81 = arith.addi %mul3A_79, %add3A_80 : i32
        %dma_wait3A_82 = arith.constant 0 : i32
        %dma_wait3A_83 = arith.constant 0 : i32
        %dma_wait3A_84 = tpu.memref_slice %arg2[%dma_wait3A_82, %dma_wait3A_83] : memref<10000x128xf32, #tpu.memory_space<hbm>> -> memref<10000x128xf32, #tpu.memory_space<hbm>>
        tpu.wait_indirect_dma semaphore(%arg25 : memref<!tpu.dma_semaphore, #tpu.memory_space<semaphore_mem>>) src(%dma_wait3A_84 : memref<10000x128xf32, #tpu.memory_space<hbm>>) dst(%arg18 : memref<128x128xf32, #tpu.memory_space<vmem>>)
        %dma_start3A_85 = arith.constant 0 : i32
        %dma_start3A_86 = arith.constant 0 : i32
        %dma_start3A_87 = tpu.memref_slice %arg19[%dma_start3A_85, %dma_start3A_86] : memref<10112x128xf32, #tpu.memory_space<vmem_shared>> -> memref<10112x128xf32, #tpu.memory_space<vmem_shared>>
        tpu.enqueue_indirect_dma source(%arg18 : memref<128x128xf32, #tpu.memory_space<vmem>>) target(%dma_start3A_87 : memref<10112x128xf32, #tpu.memory_space<vmem_shared>>) offsets(%arg14 : memref<128xi32, #tpu.memory_space<vmem>>) semaphore(%arg27 : memref<!tpu.dma_semaphore, #tpu.memory_space<semaphore_mem>>) {add = true}
        %ge3A_88 = arith.constant 1 : i32
        %ge3A_89 = arith.cmpi sge, %add3A_81, %ge3A_88 : i32
        %convert_element_type3A_90 = arith.extui %ge3A_89 : i1 to i32
        %cond3A_91 = arith.constant 0 : i32
        %cond3A_92 = arith.cmpi ne, %convert_element_type3A_90, %cond3A_91 : i32
        scf.if %cond3A_92 {
          %dma_wait3A_165 = arith.constant 0 : i32
          %dma_wait3A_166 = arith.constant 0 : i32
          %dma_wait3A_167 = tpu.memref_slice %arg19[%dma_wait3A_165, %dma_wait3A_166] : memref<10112x128xf32, #tpu.memory_space<vmem_shared>> -> memref<10112x128xf32, #tpu.memory_space<vmem_shared>>
          tpu.wait_indirect_dma semaphore(%arg26 : memref<!tpu.dma_semaphore, #tpu.memory_space<semaphore_mem>>) src(%arg17 : memref<128x128xf32, #tpu.memory_space<vmem>>) dst(%dma_wait3A_167 : memref<10112x128xf32, #tpu.memory_space<vmem_shared>>)
        } else {
        }
        %add3A_93 = arith.constant 1 : i32
        %add3A_94 = arith.addi %add3A_81, %add3A_93 : i32
        %lt3A_95 = arith.constant 84 : i32
        %lt3A_96 = arith.cmpi slt, %add3A_94, %lt3A_95 : i32
        %convert_element_type3A_97 = arith.extui %lt3A_96 : i1 to i32
        %cond3A_98 = arith.constant 0 : i32
        %cond3A_99 = arith.cmpi ne, %convert_element_type3A_97, %cond3A_98 : i32
        scf.if %cond3A_99 {
          %add3A_165 = arith.constant 1 : i32
          %add3A_166 = arith.addi %add3A_81, %add3A_165 : i32
          %mul3A_167 = arith.constant 128 : i32
          %mul3A_168 = arith.muli %add3A_166, %mul3A_167 : i32
          %add3A_169 = arith.addi %mul3A_9, %mul3A_168 : i32
          %multiple_of3A_170 = tpu.assume_multiple %add3A_169, 128 : i32
          %dma_wait3A_171 = tpu.memref_slice %arg4[%multiple_of3A_170] : memref<172032xi32, #tpu.memory_space<hbm>> -> memref<128xi32, #tpu.memory_space<hbm>>
          %dma_wait3A_172 = tpu.memref_slice %arg4[%multiple_of3A_170] : memref<172032xi32, #tpu.memory_space<hbm>> -> memref<128xi32, #tpu.memory_space<hbm>>
          tpu.wait_dma2 semaphore(%arg22 : memref<!tpu.dma_semaphore, #tpu.memory_space<semaphore_mem>>) src(%dma_wait3A_172 : memref<128xi32, #tpu.memory_space<hbm>>) dst(%arg11 : memref<128xi32, #tpu.memory_space<vmem>>)
          %dma_wait3A_173 = tpu.memref_slice %arg5[%multiple_of3A_170] : memref<172032xi32, #tpu.memory_space<hbm>> -> memref<128xi32, #tpu.memory_space<hbm>>
          %dma_wait3A_174 = tpu.memref_slice %arg5[%multiple_of3A_170] : memref<172032xi32, #tpu.memory_space<hbm>> -> memref<128xi32, #tpu.memory_space<hbm>>
          tpu.wait_dma2 semaphore(%arg22 : memref<!tpu.dma_semaphore, #tpu.memory_space<semaphore_mem>>) src(%dma_wait3A_174 : memref<128xi32, #tpu.memory_space<hbm>>) dst(%arg15 : memref<128xi32, #tpu.memory_space<vmem>>)
          %dma_start3A_175 = arith.constant 0 : i32
          %dma_start3A_176 = arith.constant 0 : i32
          %dma_start3A_177 = tpu.memref_slice %arg2[%dma_start3A_175, %dma_start3A_176] : memref<10000x128xf32, #tpu.memory_space<hbm>> -> memref<10000x128xf32, #tpu.memory_space<hbm>>
          tpu.enqueue_indirect_dma source(%dma_start3A_177 : memref<10000x128xf32, #tpu.memory_space<hbm>>) target(%arg17 : memref<128x128xf32, #tpu.memory_space<vmem>>) offsets(%arg11 : memref<128xi32, #tpu.memory_space<vmem>>) semaphore(%arg24 : memref<!tpu.dma_semaphore, #tpu.memory_space<semaphore_mem>>)
        } else {
        }
        %add3A_100 = arith.constant 2 : i32
        %add3A_101 = arith.addi %add3A_81, %add3A_100 : i32
        %lt3A_102 = arith.constant 84 : i32
        %lt3A_103 = arith.cmpi slt, %add3A_101, %lt3A_102 : i32
        %convert_element_type3A_104 = arith.extui %lt3A_103 : i1 to i32
        %cond3A_105 = arith.constant 0 : i32
        %cond3A_106 = arith.cmpi ne, %convert_element_type3A_104, %cond3A_105 : i32
        scf.if %cond3A_106 {
          %add3A_165 = arith.constant 2 : i32
          %add3A_166 = arith.addi %add3A_81, %add3A_165 : i32
          %mul3A_167 = arith.constant 128 : i32
          %mul3A_168 = arith.muli %add3A_166, %mul3A_167 : i32
          %add3A_169 = arith.addi %mul3A_9, %mul3A_168 : i32
          %multiple_of3A_170 = tpu.assume_multiple %add3A_169, 128 : i32
          %dma_start3A_171 = tpu.memref_slice %arg4[%multiple_of3A_170] : memref<172032xi32, #tpu.memory_space<hbm>> -> memref<128xi32, #tpu.memory_space<hbm>>
          %dma_start3A_172 = tpu.memref_slice %arg4[%multiple_of3A_170] : memref<172032xi32, #tpu.memory_space<hbm>> -> memref<128xi32, #tpu.memory_space<hbm>>
          tpu.enqueue_dma source(%dma_start3A_172 : memref<128xi32, #tpu.memory_space<hbm>>) target(%arg12 : memref<128xi32, #tpu.memory_space<vmem>>) target_semaphore(%arg23 : memref<!tpu.dma_semaphore, #tpu.memory_space<semaphore_mem>>)
          %dma_start3A_173 = tpu.memref_slice %arg5[%multiple_of3A_170] : memref<172032xi32, #tpu.memory_space<hbm>> -> memref<128xi32, #tpu.memory_space<hbm>>
          %dma_start3A_174 = tpu.memref_slice %arg5[%multiple_of3A_170] : memref<172032xi32, #tpu.memory_space<hbm>> -> memref<128xi32, #tpu.memory_space<hbm>>
          tpu.enqueue_dma source(%dma_start3A_174 : memref<128xi32, #tpu.memory_space<hbm>>) target(%arg16 : memref<128xi32, #tpu.memory_space<vmem>>) target_semaphore(%arg23 : memref<!tpu.dma_semaphore, #tpu.memory_space<semaphore_mem>>)
        } else {
        }
        %mul3A_107 = arith.constant 4 : i32
        %mul3A_108 = arith.muli %scan3A_49, %mul3A_107 : i32
        %add3A_109 = arith.constant 2 : i32
        %add3A_110 = arith.addi %mul3A_108, %add3A_109 : i32
        %dma_wait3A_111 = arith.constant 0 : i32
        %dma_wait3A_112 = arith.constant 0 : i32
        %dma_wait3A_113 = tpu.memref_slice %arg2[%dma_wait3A_111, %dma_wait3A_112] : memref<10000x128xf32, #tpu.memory_space<hbm>> -> memref<10000x128xf32, #tpu.memory_space<hbm>>
        tpu.wait_indirect_dma semaphore(%arg24 : memref<!tpu.dma_semaphore, #tpu.memory_space<semaphore_mem>>) src(%dma_wait3A_113 : memref<10000x128xf32, #tpu.memory_space<hbm>>) dst(%arg17 : memref<128x128xf32, #tpu.memory_space<vmem>>)
        %dma_start3A_114 = arith.constant 0 : i32
        %dma_start3A_115 = arith.constant 0 : i32
        %dma_start3A_116 = tpu.memref_slice %arg19[%dma_start3A_114, %dma_start3A_115] : memref<10112x128xf32, #tpu.memory_space<vmem_shared>> -> memref<10112x128xf32, #tpu.memory_space<vmem_shared>>
        tpu.enqueue_indirect_dma source(%arg17 : memref<128x128xf32, #tpu.memory_space<vmem>>) target(%dma_start3A_116 : memref<10112x128xf32, #tpu.memory_space<vmem_shared>>) offsets(%arg15 : memref<128xi32, #tpu.memory_space<vmem>>) semaphore(%arg26 : memref<!tpu.dma_semaphore, #tpu.memory_space<semaphore_mem>>) {add = true}
        %ge3A_117 = arith.constant 1 : i32
        %ge3A_118 = arith.cmpi sge, %add3A_110, %ge3A_117 : i32
        %convert_element_type3A_119 = arith.extui %ge3A_118 : i1 to i32
        %cond3A_120 = arith.constant 0 : i32
        %cond3A_121 = arith.cmpi ne, %convert_element_type3A_119, %cond3A_120 : i32
        scf.if %cond3A_121 {
          %dma_wait3A_165 = arith.constant 0 : i32
          %dma_wait3A_166 = arith.constant 0 : i32
          %dma_wait3A_167 = tpu.memref_slice %arg19[%dma_wait3A_165, %dma_wait3A_166] : memref<10112x128xf32, #tpu.memory_space<vmem_shared>> -> memref<10112x128xf32, #tpu.memory_space<vmem_shared>>
          tpu.wait_indirect_dma semaphore(%arg27 : memref<!tpu.dma_semaphore, #tpu.memory_space<semaphore_mem>>) src(%arg18 : memref<128x128xf32, #tpu.memory_space<vmem>>) dst(%dma_wait3A_167 : memref<10112x128xf32, #tpu.memory_space<vmem_shared>>)
        } else {
        }
        %add3A_122 = arith.constant 1 : i32
        %add3A_123 = arith.addi %add3A_110, %add3A_122 : i32
        %lt3A_124 = arith.constant 84 : i32
        %lt3A_125 = arith.cmpi slt, %add3A_123, %lt3A_124 : i32
        %convert_element_type3A_126 = arith.extui %lt3A_125 : i1 to i32
        %cond3A_127 = arith.constant 0 : i32
        %cond3A_128 = arith.cmpi ne, %convert_element_type3A_126, %cond3A_127 : i32
        scf.if %cond3A_128 {
          %add3A_165 = arith.constant 1 : i32
          %add3A_166 = arith.addi %add3A_110, %add3A_165 : i32
          %mul3A_167 = arith.constant 128 : i32
          %mul3A_168 = arith.muli %add3A_166, %mul3A_167 : i32
          %add3A_169 = arith.addi %mul3A_9, %mul3A_168 : i32
          %multiple_of3A_170 = tpu.assume_multiple %add3A_169, 128 : i32
          %dma_wait3A_171 = tpu.memref_slice %arg4[%multiple_of3A_170] : memref<172032xi32, #tpu.memory_space<hbm>> -> memref<128xi32, #tpu.memory_space<hbm>>
          %dma_wait3A_172 = tpu.memref_slice %arg4[%multiple_of3A_170] : memref<172032xi32, #tpu.memory_space<hbm>> -> memref<128xi32, #tpu.memory_space<hbm>>
          tpu.wait_dma2 semaphore(%arg23 : memref<!tpu.dma_semaphore, #tpu.memory_space<semaphore_mem>>) src(%dma_wait3A_172 : memref<128xi32, #tpu.memory_space<hbm>>) dst(%arg12 : memref<128xi32, #tpu.memory_space<vmem>>)
          %dma_wait3A_173 = tpu.memref_slice %arg5[%multiple_of3A_170] : memref<172032xi32, #tpu.memory_space<hbm>> -> memref<128xi32, #tpu.memory_space<hbm>>
          %dma_wait3A_174 = tpu.memref_slice %arg5[%multiple_of3A_170] : memref<172032xi32, #tpu.memory_space<hbm>> -> memref<128xi32, #tpu.memory_space<hbm>>
          tpu.wait_dma2 semaphore(%arg23 : memref<!tpu.dma_semaphore, #tpu.memory_space<semaphore_mem>>) src(%dma_wait3A_174 : memref<128xi32, #tpu.memory_space<hbm>>) dst(%arg16 : memref<128xi32, #tpu.memory_space<vmem>>)
          %dma_start3A_175 = arith.constant 0 : i32
          %dma_start3A_176 = arith.constant 0 : i32
          %dma_start3A_177 = tpu.memref_slice %arg2[%dma_start3A_175, %dma_start3A_176] : memref<10000x128xf32, #tpu.memory_space<hbm>> -> memref<10000x128xf32, #tpu.memory_space<hbm>>
          tpu.enqueue_indirect_dma source(%dma_start3A_177 : memref<10000x128xf32, #tpu.memory_space<hbm>>) target(%arg18 : memref<128x128xf32, #tpu.memory_space<vmem>>) offsets(%arg12 : memref<128xi32, #tpu.memory_space<vmem>>) semaphore(%arg25 : memref<!tpu.dma_semaphore, #tpu.memory_space<semaphore_mem>>)
        } else {
        }
        %add3A_129 = arith.constant 2 : i32
        %add3A_130 = arith.addi %add3A_110, %add3A_129 : i32
        %lt3A_131 = arith.constant 84 : i32
        %lt3A_132 = arith.cmpi slt, %add3A_130, %lt3A_131 : i32
        %convert_element_type3A_133 = arith.extui %lt3A_132 : i1 to i32
        %cond3A_134 = arith.constant 0 : i32
        %cond3A_135 = arith.cmpi ne, %convert_element_type3A_133, %cond3A_134 : i32
        scf.if %cond3A_135 {
          %add3A_165 = arith.constant 2 : i32
          %add3A_166 = arith.addi %add3A_110, %add3A_165 : i32
          %mul3A_167 = arith.constant 128 : i32
          %mul3A_168 = arith.muli %add3A_166, %mul3A_167 : i32
          %add3A_169 = arith.addi %mul3A_9, %mul3A_168 : i32
          %multiple_of3A_170 = tpu.assume_multiple %add3A_169, 128 : i32
          %dma_start3A_171 = tpu.memref_slice %arg4[%multiple_of3A_170] : memref<172032xi32, #tpu.memory_space<hbm>> -> memref<128xi32, #tpu.memory_space<hbm>>
          %dma_start3A_172 = tpu.memref_slice %arg4[%multiple_of3A_170] : memref<172032xi32, #tpu.memory_space<hbm>> -> memref<128xi32, #tpu.memory_space<hbm>>
          tpu.enqueue_dma source(%dma_start3A_172 : memref<128xi32, #tpu.memory_space<hbm>>) target(%arg9 : memref<128xi32, #tpu.memory_space<vmem>>) target_semaphore(%arg20 : memref<!tpu.dma_semaphore, #tpu.memory_space<semaphore_mem>>)
          %dma_start3A_173 = tpu.memref_slice %arg5[%multiple_of3A_170] : memref<172032xi32, #tpu.memory_space<hbm>> -> memref<128xi32, #tpu.memory_space<hbm>>
          %dma_start3A_174 = tpu.memref_slice %arg5[%multiple_of3A_170] : memref<172032xi32, #tpu.memory_space<hbm>> -> memref<128xi32, #tpu.memory_space<hbm>>
          tpu.enqueue_dma source(%dma_start3A_174 : memref<128xi32, #tpu.memory_space<hbm>>) target(%arg13 : memref<128xi32, #tpu.memory_space<vmem>>) target_semaphore(%arg20 : memref<!tpu.dma_semaphore, #tpu.memory_space<semaphore_mem>>)
        } else {
        }
        %mul3A_136 = arith.constant 4 : i32
        %mul3A_137 = arith.muli %scan3A_49, %mul3A_136 : i32
        %add3A_138 = arith.constant 3 : i32
        %add3A_139 = arith.addi %mul3A_137, %add3A_138 : i32
        %dma_wait3A_140 = arith.constant 0 : i32
        %dma_wait3A_141 = arith.constant 0 : i32
        %dma_wait3A_142 = tpu.memref_slice %arg2[%dma_wait3A_140, %dma_wait3A_141] : memref<10000x128xf32, #tpu.memory_space<hbm>> -> memref<10000x128xf32, #tpu.memory_space<hbm>>
        tpu.wait_indirect_dma semaphore(%arg25 : memref<!tpu.dma_semaphore, #tpu.memory_space<semaphore_mem>>) src(%dma_wait3A_142 : memref<10000x128xf32, #tpu.memory_space<hbm>>) dst(%arg18 : memref<128x128xf32, #tpu.memory_space<vmem>>)
        %dma_start3A_143 = arith.constant 0 : i32
        %dma_start3A_144 = arith.constant 0 : i32
        %dma_start3A_145 = tpu.memref_slice %arg19[%dma_start3A_143, %dma_start3A_144] : memref<10112x128xf32, #tpu.memory_space<vmem_shared>> -> memref<10112x128xf32, #tpu.memory_space<vmem_shared>>
        tpu.enqueue_indirect_dma source(%arg18 : memref<128x128xf32, #tpu.memory_space<vmem>>) target(%dma_start3A_145 : memref<10112x128xf32, #tpu.memory_space<vmem_shared>>) offsets(%arg16 : memref<128xi32, #tpu.memory_space<vmem>>) semaphore(%arg27 : memref<!tpu.dma_semaphore, #tpu.memory_space<semaphore_mem>>) {add = true}
        %ge3A_146 = arith.constant 1 : i32
        %ge3A_147 = arith.cmpi sge, %add3A_139, %ge3A_146 : i32
        %convert_element_type3A_148 = arith.extui %ge3A_147 : i1 to i32
        %cond3A_149 = arith.constant 0 : i32
        %cond3A_150 = arith.cmpi ne, %convert_element_type3A_148, %cond3A_149 : i32
        scf.if %cond3A_150 {
          %dma_wait3A_165 = arith.constant 0 : i32
          %dma_wait3A_166 = arith.constant 0 : i32
          %dma_wait3A_167 = tpu.memref_slice %arg19[%dma_wait3A_165, %dma_wait3A_166] : memref<10112x128xf32, #tpu.memory_space<vmem_shared>> -> memref<10112x128xf32, #tpu.memory_space<vmem_shared>>
          tpu.wait_indirect_dma semaphore(%arg26 : memref<!tpu.dma_semaphore, #tpu.memory_space<semaphore_mem>>) src(%arg17 : memref<128x128xf32, #tpu.memory_space<vmem>>) dst(%dma_wait3A_167 : memref<10112x128xf32, #tpu.memory_space<vmem_shared>>)
        } else {
        }
        %add3A_151 = arith.constant 1 : i32
        %add3A_152 = arith.addi %add3A_139, %add3A_151 : i32
        %lt3A_153 = arith.constant 84 : i32
        %lt3A_154 = arith.cmpi slt, %add3A_152, %lt3A_153 : i32
        %convert_element_type3A_155 = arith.extui %lt3A_154 : i1 to i32
        %cond3A_156 = arith.constant 0 : i32
        %cond3A_157 = arith.cmpi ne, %convert_element_type3A_155, %cond3A_156 : i32
        scf.if %cond3A_157 {
          %add3A_165 = arith.constant 1 : i32
          %add3A_166 = arith.addi %add3A_139, %add3A_165 : i32
          %mul3A_167 = arith.constant 128 : i32
          %mul3A_168 = arith.muli %add3A_166, %mul3A_167 : i32
          %add3A_169 = arith.addi %mul3A_9, %mul3A_168 : i32
          %multiple_of3A_170 = tpu.assume_multiple %add3A_169, 128 : i32
          %dma_wait3A_171 = tpu.memref_slice %arg4[%multiple_of3A_170] : memref<172032xi32, #tpu.memory_space<hbm>> -> memref<128xi32, #tpu.memory_space<hbm>>
          %dma_wait3A_172 = tpu.memref_slice %arg4[%multiple_of3A_170] : memref<172032xi32, #tpu.memory_space<hbm>> -> memref<128xi32, #tpu.memory_space<hbm>>
          tpu.wait_dma2 semaphore(%arg20 : memref<!tpu.dma_semaphore, #tpu.memory_space<semaphore_mem>>) src(%dma_wait3A_172 : memref<128xi32, #tpu.memory_space<hbm>>) dst(%arg9 : memref<128xi32, #tpu.memory_space<vmem>>)
          %dma_wait3A_173 = tpu.memref_slice %arg5[%multiple_of3A_170] : memref<172032xi32, #tpu.memory_space<hbm>> -> memref<128xi32, #tpu.memory_space<hbm>>
          %dma_wait3A_174 = tpu.memref_slice %arg5[%multiple_of3A_170] : memref<172032xi32, #tpu.memory_space<hbm>> -> memref<128xi32, #tpu.memory_space<hbm>>
          tpu.wait_dma2 semaphore(%arg20 : memref<!tpu.dma_semaphore, #tpu.memory_space<semaphore_mem>>) src(%dma_wait3A_174 : memref<128xi32, #tpu.memory_space<hbm>>) dst(%arg13 : memref<128xi32, #tpu.memory_space<vmem>>)
          %dma_start3A_175 = arith.constant 0 : i32
          %dma_start3A_176 = arith.constant 0 : i32
          %dma_start3A_177 = tpu.memref_slice %arg2[%dma_start3A_175, %dma_start3A_176] : memref<10000x128xf32, #tpu.memory_space<hbm>> -> memref<10000x128xf32, #tpu.memory_space<hbm>>
          tpu.enqueue_indirect_dma source(%dma_start3A_177 : memref<10000x128xf32, #tpu.memory_space<hbm>>) target(%arg17 : memref<128x128xf32, #tpu.memory_space<vmem>>) offsets(%arg9 : memref<128xi32, #tpu.memory_space<vmem>>) semaphore(%arg24 : memref<!tpu.dma_semaphore, #tpu.memory_space<semaphore_mem>>)
        } else {
        }
        %add3A_158 = arith.constant 2 : i32
        %add3A_159 = arith.addi %add3A_139, %add3A_158 : i32
        %lt3A_160 = arith.constant 84 : i32
        %lt3A_161 = arith.cmpi slt, %add3A_159, %lt3A_160 : i32
        %convert_element_type3A_162 = arith.extui %lt3A_161 : i1 to i32
        %cond3A_163 = arith.constant 0 : i32
        %cond3A_164 = arith.cmpi ne, %convert_element_type3A_162, %cond3A_163 : i32
        scf.if %cond3A_164 {
          %add3A_165 = arith.constant 2 : i32
          %add3A_166 = arith.addi %add3A_139, %add3A_165 : i32
          %mul3A_167 = arith.constant 128 : i32
          %mul3A_168 = arith.muli %add3A_166, %mul3A_167 : i32
          %add3A_169 = arith.addi %mul3A_9, %mul3A_168 : i32
          %multiple_of3A_170 = tpu.assume_multiple %add3A_169, 128 : i32
          %dma_start3A_171 = tpu.memref_slice %arg4[%multiple_of3A_170] : memref<172032xi32, #tpu.memory_space<hbm>> -> memref<128xi32, #tpu.memory_space<hbm>>
          %dma_start3A_172 = tpu.memref_slice %arg4[%multiple_of3A_170] : memref<172032xi32, #tpu.memory_space<hbm>> -> memref<128xi32, #tpu.memory_space<hbm>>
          tpu.enqueue_dma source(%dma_start3A_172 : memref<128xi32, #tpu.memory_space<hbm>>) target(%arg10 : memref<128xi32, #tpu.memory_space<vmem>>) target_semaphore(%arg21 : memref<!tpu.dma_semaphore, #tpu.memory_space<semaphore_mem>>)
          %dma_start3A_173 = tpu.memref_slice %arg5[%multiple_of3A_170] : memref<172032xi32, #tpu.memory_space<hbm>> -> memref<128xi32, #tpu.memory_space<hbm>>
          %dma_start3A_174 = tpu.memref_slice %arg5[%multiple_of3A_170] : memref<172032xi32, #tpu.memory_space<hbm>> -> memref<128xi32, #tpu.memory_space<hbm>>
          tpu.enqueue_dma source(%dma_start3A_174 : memref<128xi32, #tpu.memory_space<hbm>>) target(%arg14 : memref<128xi32, #tpu.memory_space<vmem>>) target_semaphore(%arg21 : memref<!tpu.dma_semaphore, #tpu.memory_space<semaphore_mem>>)
        } else {
        }
      }
      %scan3A_35 = arith.constant 21 : i32
      %dma_wait3A_36 = arith.constant 0 : i32
      %dma_wait3A_37 = arith.constant 0 : i32
      %dma_wait3A_38 = tpu.memref_slice %arg19[%dma_wait3A_36, %dma_wait3A_37] : memref<10112x128xf32, #tpu.memory_space<vmem_shared>> -> memref<10112x128xf32, #tpu.memory_space<vmem_shared>>
      tpu.wait_indirect_dma semaphore(%arg27 : memref<!tpu.dma_semaphore, #tpu.memory_space<semaphore_mem>>) src(%arg18 : memref<128x128xf32, #tpu.memory_space<vmem>>) dst(%dma_wait3A_38 : memref<10112x128xf32, #tpu.memory_space<vmem_shared>>)
      %barrier3A_39 = arith.constant 0 : index
      tpu.barrier barrier_id(%barrier3A_39)
      %lt3A = arith.constant 15 : i32
      %lt3A_40 = arith.cmpi slt, %arg1, %lt3A : i32
      %convert_element_type3A_41 = arith.extui %lt3A_40 : i1 to i32
      %cond3A_42 = arith.constant 0 : i32
      %cond3A_43 = arith.cmpi ne, %convert_element_type3A_41, %cond3A_42 : i32
      scf.if %cond3A_43 {
        %mul3A_49 = arith.constant 624 : i32
        %mul3A_50 = arith.muli %arg1, %mul3A_49 : i32
        %multiple_of3A_51 = tpu.assume_multiple %mul3A_50, 16 : i32
        "tpu.region"() ({
          %run_scoped3A = tpu.sem_alloc : memref<!tpu.dma_semaphore, #tpu.memory_space<semaphore_mem>>
          %dma_start3A_52 = arith.constant 0 : i32
          %dma_start3A_53 = tpu.memref_slice %arg7[%multiple_of3A_51, %dma_start3A_52] : memref<10000x128xf32, #tpu.memory_space<hbm>> -> memref<624x128xf32, #tpu.memory_space<hbm>>
          %dma_start3A_54 = arith.constant 0 : i32
          %dma_start3A_55 = tpu.memref_slice %arg19[%multiple_of3A_51, %dma_start3A_54] : memref<10112x128xf32, #tpu.memory_space<vmem_shared>> -> memref<624x128xf32, #tpu.memory_space<vmem_shared>>
          tpu.enqueue_dma source(%dma_start3A_55 : memref<624x128xf32, #tpu.memory_space<vmem_shared>>) target(%dma_start3A_53 : memref<624x128xf32, #tpu.memory_space<hbm>>) target_semaphore(%run_scoped3A : memref<!tpu.dma_semaphore, #tpu.memory_space<semaphore_mem>>)
          %dma_wait3A_56 = arith.constant 0 : i32
          %dma_wait3A_57 = tpu.memref_slice %arg7[%multiple_of3A_51, %dma_wait3A_56] : memref<10000x128xf32, #tpu.memory_space<hbm>> -> memref<624x128xf32, #tpu.memory_space<hbm>>
          %dma_wait3A_58 = arith.constant 0 : i32
          %dma_wait3A_59 = tpu.memref_slice %arg19[%multiple_of3A_51, %dma_wait3A_58] : memref<10112x128xf32, #tpu.memory_space<vmem_shared>> -> memref<624x128xf32, #tpu.memory_space<vmem_shared>>
          tpu.wait_dma2 semaphore(%run_scoped3A : memref<!tpu.dma_semaphore, #tpu.memory_space<semaphore_mem>>) src(%dma_wait3A_59 : memref<624x128xf32, #tpu.memory_space<vmem_shared>>) dst(%dma_wait3A_57 : memref<624x128xf32, #tpu.memory_space<hbm>>)
          tpu.yield
        }) : () -> ()
      } else {
      }
      %eq3A_44 = arith.constant 15 : i32
      %eq3A_45 = arith.cmpi eq, %arg1, %eq3A_44 : i32
      %convert_element_type3A_46 = arith.extui %eq3A_45 : i1 to i32
      %cond3A_47 = arith.constant 0 : i32
      %cond3A_48 = arith.cmpi ne, %convert_element_type3A_46, %cond3A_47 : i32
      scf.if %cond3A_48 {
        "tpu.region"() ({
          %run_scoped3A = tpu.sem_alloc : memref<!tpu.dma_semaphore, #tpu.memory_space<semaphore_mem>>
          %dma_start3A_49 = arith.constant 9360 : i32
          %dma_start3A_50 = arith.constant 0 : i32
          %dma_start3A_51 = tpu.memref_slice %arg7[%dma_start3A_49, %dma_start3A_50] : memref<10000x128xf32, #tpu.memory_space<hbm>> -> memref<640x128xf32, #tpu.memory_space<hbm>>
          %dma_start3A_52 = arith.constant 9360 : i32
          %dma_start3A_53 = arith.constant 0 : i32
          %dma_start3A_54 = tpu.memref_slice %arg19[%dma_start3A_52, %dma_start3A_53] : memref<10112x128xf32, #tpu.memory_space<vmem_shared>> -> memref<640x128xf32, #tpu.memory_space<vmem_shared>>
          tpu.enqueue_dma source(%dma_start3A_54 : memref<640x128xf32, #tpu.memory_space<vmem_shared>>) target(%dma_start3A_51 : memref<640x128xf32, #tpu.memory_space<hbm>>) target_semaphore(%run_scoped3A : memref<!tpu.dma_semaphore, #tpu.memory_space<semaphore_mem>>)
          %dma_wait3A_55 = arith.constant 9360 : i32
          %dma_wait3A_56 = arith.constant 0 : i32
          %dma_wait3A_57 = tpu.memref_slice %arg7[%dma_wait3A_55, %dma_wait3A_56] : memref<10000x128xf32, #tpu.memory_space<hbm>> -> memref<640x128xf32, #tpu.memory_space<hbm>>
          %dma_wait3A_58 = arith.constant 9360 : i32
          %dma_wait3A_59 = arith.constant 0 : i32
          %dma_wait3A_60 = tpu.memref_slice %arg19[%dma_wait3A_58, %dma_wait3A_59] : memref<10112x128xf32, #tpu.memory_space<vmem_shared>> -> memref<640x128xf32, #tpu.memory_space<vmem_shared>>
          tpu.wait_dma2 semaphore(%run_scoped3A : memref<!tpu.dma_semaphore, #tpu.memory_space<semaphore_mem>>) src(%dma_wait3A_60 : memref<640x128xf32, #tpu.memory_space<vmem_shared>>) dst(%dma_wait3A_57 : memref<640x128xf32, #tpu.memory_space<hbm>>)
          tpu.yield
        }) : () -> ()
      } else {
      }
    } else {
    }
    %eq3A_2 = arith.constant 1 : i32
    %eq3A_3 = arith.cmpi eq, %arg0, %eq3A_2 : i32
    %convert_element_type3A_4 = arith.extui %eq3A_3 : i1 to i32
    %cond3A_5 = arith.constant 0 : i32
    %cond3A_6 = arith.cmpi ne, %convert_element_type3A_4, %cond3A_5 : i32
    scf.if %cond3A_6 {
      %mul3A = arith.constant 632 : i32
      %mul3A_7 = arith.muli %arg1, %mul3A : i32
      %multiple_of3A = tpu.assume_multiple %mul3A_7, 8 : i32
      "tpu.region"() ({
        %run_scoped3A = tpu.sem_alloc : memref<!tpu.dma_semaphore, #tpu.memory_space<semaphore_mem>>
        %dma_start3A_49 = arith.constant 0 : i32
        %dma_start3A_50 = tpu.memref_slice %arg19[%multiple_of3A, %dma_start3A_49] : memref<10112x128xf32, #tpu.memory_space<vmem_shared>> -> memref<632x128xf32, #tpu.memory_space<vmem_shared>>
        tpu.enqueue_dma source(%arg6 : memref<632x128xf32, #tpu.memory_space<hbm>>) target(%dma_start3A_50 : memref<632x128xf32, #tpu.memory_space<vmem_shared>>) target_semaphore(%run_scoped3A : memref<!tpu.dma_semaphore, #tpu.memory_space<semaphore_mem>>)
        %dma_wait3A_51 = arith.constant 0 : i32
        %dma_wait3A_52 = tpu.memref_slice %arg19[%multiple_of3A, %dma_wait3A_51] : memref<10112x128xf32, #tpu.memory_space<vmem_shared>> -> memref<632x128xf32, #tpu.memory_space<vmem_shared>>
        tpu.wait_dma2 semaphore(%run_scoped3A : memref<!tpu.dma_semaphore, #tpu.memory_space<semaphore_mem>>) src(%arg6 : memref<632x128xf32, #tpu.memory_space<hbm>>) dst(%dma_wait3A_52 : memref<632x128xf32, #tpu.memory_space<vmem_shared>>)
        tpu.yield
      }) : () -> ()
      %barrier3A = arith.constant 0 : index
      tpu.barrier barrier_id(%barrier3A)
      %mul3A_8 = arith.constant 10752 : i32
      %mul3A_9 = arith.muli %arg1, %mul3A_8 : i32
      %add3A = arith.constant 0 : i32
      %add3A_10 = arith.addi %mul3A_9, %add3A : i32
      %multiple_of3A_11 = tpu.assume_multiple %add3A_10, 128 : i32
      %dma_start3A = tpu.memref_slice %arg4[%multiple_of3A_11] : memref<172032xi32, #tpu.memory_space<hbm>> -> memref<128xi32, #tpu.memory_space<hbm>>
      %dma_start3A_12 = tpu.memref_slice %arg4[%multiple_of3A_11] : memref<172032xi32, #tpu.memory_space<hbm>> -> memref<128xi32, #tpu.memory_space<hbm>>
      tpu.enqueue_dma source(%dma_start3A_12 : memref<128xi32, #tpu.memory_space<hbm>>) target(%arg9 : memref<128xi32, #tpu.memory_space<vmem>>) target_semaphore(%arg20 : memref<!tpu.dma_semaphore, #tpu.memory_space<semaphore_mem>>)
      %dma_start3A_13 = tpu.memref_slice %arg5[%multiple_of3A_11] : memref<172032xi32, #tpu.memory_space<hbm>> -> memref<128xi32, #tpu.memory_space<hbm>>
      %dma_start3A_14 = tpu.memref_slice %arg5[%multiple_of3A_11] : memref<172032xi32, #tpu.memory_space<hbm>> -> memref<128xi32, #tpu.memory_space<hbm>>
      tpu.enqueue_dma source(%dma_start3A_14 : memref<128xi32, #tpu.memory_space<hbm>>) target(%arg13 : memref<128xi32, #tpu.memory_space<vmem>>) target_semaphore(%arg20 : memref<!tpu.dma_semaphore, #tpu.memory_space<semaphore_mem>>)
      %add3A_15 = arith.constant 128 : i32
      %add3A_16 = arith.addi %mul3A_9, %add3A_15 : i32
      %multiple_of3A_17 = tpu.assume_multiple %add3A_16, 128 : i32
      %dma_start3A_18 = tpu.memref_slice %arg4[%multiple_of3A_17] : memref<172032xi32, #tpu.memory_space<hbm>> -> memref<128xi32, #tpu.memory_space<hbm>>
      %dma_start3A_19 = tpu.memref_slice %arg4[%multiple_of3A_17] : memref<172032xi32, #tpu.memory_space<hbm>> -> memref<128xi32, #tpu.memory_space<hbm>>
      tpu.enqueue_dma source(%dma_start3A_19 : memref<128xi32, #tpu.memory_space<hbm>>) target(%arg10 : memref<128xi32, #tpu.memory_space<vmem>>) target_semaphore(%arg21 : memref<!tpu.dma_semaphore, #tpu.memory_space<semaphore_mem>>)
      %dma_start3A_20 = tpu.memref_slice %arg5[%multiple_of3A_17] : memref<172032xi32, #tpu.memory_space<hbm>> -> memref<128xi32, #tpu.memory_space<hbm>>
      %dma_start3A_21 = tpu.memref_slice %arg5[%multiple_of3A_17] : memref<172032xi32, #tpu.memory_space<hbm>> -> memref<128xi32, #tpu.memory_space<hbm>>
      tpu.enqueue_dma source(%dma_start3A_21 : memref<128xi32, #tpu.memory_space<hbm>>) target(%arg14 : memref<128xi32, #tpu.memory_space<vmem>>) target_semaphore(%arg21 : memref<!tpu.dma_semaphore, #tpu.memory_space<semaphore_mem>>)
      %add3A_22 = arith.constant 0 : i32
      %add3A_23 = arith.addi %mul3A_9, %add3A_22 : i32
      %multiple_of3A_24 = tpu.assume_multiple %add3A_23, 128 : i32
      %dma_wait3A = tpu.memref_slice %arg4[%multiple_of3A_24] : memref<172032xi32, #tpu.memory_space<hbm>> -> memref<128xi32, #tpu.memory_space<hbm>>
      %dma_wait3A_25 = tpu.memref_slice %arg4[%multiple_of3A_24] : memref<172032xi32, #tpu.memory_space<hbm>> -> memref<128xi32, #tpu.memory_space<hbm>>
      tpu.wait_dma2 semaphore(%arg20 : memref<!tpu.dma_semaphore, #tpu.memory_space<semaphore_mem>>) src(%dma_wait3A_25 : memref<128xi32, #tpu.memory_space<hbm>>) dst(%arg9 : memref<128xi32, #tpu.memory_space<vmem>>)
      %dma_wait3A_26 = tpu.memref_slice %arg5[%multiple_of3A_24] : memref<172032xi32, #tpu.memory_space<hbm>> -> memref<128xi32, #tpu.memory_space<hbm>>
      %dma_wait3A_27 = tpu.memref_slice %arg5[%multiple_of3A_24] : memref<172032xi32, #tpu.memory_space<hbm>> -> memref<128xi32, #tpu.memory_space<hbm>>
      tpu.wait_dma2 semaphore(%arg20 : memref<!tpu.dma_semaphore, #tpu.memory_space<semaphore_mem>>) src(%dma_wait3A_27 : memref<128xi32, #tpu.memory_space<hbm>>) dst(%arg13 : memref<128xi32, #tpu.memory_space<vmem>>)
      %dma_start3A_28 = arith.constant 0 : i32
      %dma_start3A_29 = arith.constant 0 : i32
      %dma_start3A_30 = tpu.memref_slice %arg3[%dma_start3A_28, %dma_start3A_29] : memref<10000x128xf32, #tpu.memory_space<hbm>> -> memref<10000x128xf32, #tpu.memory_space<hbm>>
      tpu.enqueue_indirect_dma source(%dma_start3A_30 : memref<10000x128xf32, #tpu.memory_space<hbm>>) target(%arg17 : memref<128x128xf32, #tpu.memory_space<vmem>>) offsets(%arg9 : memref<128xi32, #tpu.memory_space<vmem>>) semaphore(%arg24 : memref<!tpu.dma_semaphore, #tpu.memory_space<semaphore_mem>>)
      %scan3A = arith.constant 0 : i32
      %scan3A_31 = arith.constant 0 : i32
      %scan3A_32 = arith.constant 21 : i32
      %scan3A_33 = arith.addi %scan3A_31, %scan3A_32 : i32
      %scan3A_34 = arith.constant 1 : i32
      scf.for %scan3A_49 = %scan3A_31 to %scan3A_33 step %scan3A_34  : i32 {
        %mul3A_50 = arith.constant 4 : i32
        %mul3A_51 = arith.muli %scan3A_49, %mul3A_50 : i32
        %add3A_52 = arith.constant 0 : i32
        %add3A_53 = arith.addi %mul3A_51, %add3A_52 : i32
        %dma_wait3A_54 = arith.constant 0 : i32
        %dma_wait3A_55 = arith.constant 0 : i32
        %dma_wait3A_56 = tpu.memref_slice %arg3[%dma_wait3A_54, %dma_wait3A_55] : memref<10000x128xf32, #tpu.memory_space<hbm>> -> memref<10000x128xf32, #tpu.memory_space<hbm>>
        tpu.wait_indirect_dma semaphore(%arg24 : memref<!tpu.dma_semaphore, #tpu.memory_space<semaphore_mem>>) src(%dma_wait3A_56 : memref<10000x128xf32, #tpu.memory_space<hbm>>) dst(%arg17 : memref<128x128xf32, #tpu.memory_space<vmem>>)
        %dma_start3A_57 = arith.constant 0 : i32
        %dma_start3A_58 = arith.constant 0 : i32
        %dma_start3A_59 = tpu.memref_slice %arg19[%dma_start3A_57, %dma_start3A_58] : memref<10112x128xf32, #tpu.memory_space<vmem_shared>> -> memref<10112x128xf32, #tpu.memory_space<vmem_shared>>
        tpu.enqueue_indirect_dma source(%arg17 : memref<128x128xf32, #tpu.memory_space<vmem>>) target(%dma_start3A_59 : memref<10112x128xf32, #tpu.memory_space<vmem_shared>>) offsets(%arg13 : memref<128xi32, #tpu.memory_space<vmem>>) semaphore(%arg26 : memref<!tpu.dma_semaphore, #tpu.memory_space<semaphore_mem>>) {add = true}
        %ge3A = arith.constant 1 : i32
        %ge3A_60 = arith.cmpi sge, %add3A_53, %ge3A : i32
        %convert_element_type3A_61 = arith.extui %ge3A_60 : i1 to i32
        %cond3A_62 = arith.constant 0 : i32
        %cond3A_63 = arith.cmpi ne, %convert_element_type3A_61, %cond3A_62 : i32
        scf.if %cond3A_63 {
          %dma_wait3A_165 = arith.constant 0 : i32
          %dma_wait3A_166 = arith.constant 0 : i32
          %dma_wait3A_167 = tpu.memref_slice %arg19[%dma_wait3A_165, %dma_wait3A_166] : memref<10112x128xf32, #tpu.memory_space<vmem_shared>> -> memref<10112x128xf32, #tpu.memory_space<vmem_shared>>
          tpu.wait_indirect_dma semaphore(%arg27 : memref<!tpu.dma_semaphore, #tpu.memory_space<semaphore_mem>>) src(%arg18 : memref<128x128xf32, #tpu.memory_space<vmem>>) dst(%dma_wait3A_167 : memref<10112x128xf32, #tpu.memory_space<vmem_shared>>)
        } else {
        }
        %add3A_64 = arith.constant 1 : i32
        %add3A_65 = arith.addi %add3A_53, %add3A_64 : i32
        %lt3A_66 = arith.constant 84 : i32
        %lt3A_67 = arith.cmpi slt, %add3A_65, %lt3A_66 : i32
        %convert_element_type3A_68 = arith.extui %lt3A_67 : i1 to i32
        %cond3A_69 = arith.constant 0 : i32
        %cond3A_70 = arith.cmpi ne, %convert_element_type3A_68, %cond3A_69 : i32
        scf.if %cond3A_70 {
          %add3A_165 = arith.constant 1 : i32
          %add3A_166 = arith.addi %add3A_53, %add3A_165 : i32
          %mul3A_167 = arith.constant 128 : i32
          %mul3A_168 = arith.muli %add3A_166, %mul3A_167 : i32
          %add3A_169 = arith.addi %mul3A_9, %mul3A_168 : i32
          %multiple_of3A_170 = tpu.assume_multiple %add3A_169, 128 : i32
          %dma_wait3A_171 = tpu.memref_slice %arg4[%multiple_of3A_170] : memref<172032xi32, #tpu.memory_space<hbm>> -> memref<128xi32, #tpu.memory_space<hbm>>
          %dma_wait3A_172 = tpu.memref_slice %arg4[%multiple_of3A_170] : memref<172032xi32, #tpu.memory_space<hbm>> -> memref<128xi32, #tpu.memory_space<hbm>>
          tpu.wait_dma2 semaphore(%arg21 : memref<!tpu.dma_semaphore, #tpu.memory_space<semaphore_mem>>) src(%dma_wait3A_172 : memref<128xi32, #tpu.memory_space<hbm>>) dst(%arg10 : memref<128xi32, #tpu.memory_space<vmem>>)
          %dma_wait3A_173 = tpu.memref_slice %arg5[%multiple_of3A_170] : memref<172032xi32, #tpu.memory_space<hbm>> -> memref<128xi32, #tpu.memory_space<hbm>>
          %dma_wait3A_174 = tpu.memref_slice %arg5[%multiple_of3A_170] : memref<172032xi32, #tpu.memory_space<hbm>> -> memref<128xi32, #tpu.memory_space<hbm>>
          tpu.wait_dma2 semaphore(%arg21 : memref<!tpu.dma_semaphore, #tpu.memory_space<semaphore_mem>>) src(%dma_wait3A_174 : memref<128xi32, #tpu.memory_space<hbm>>) dst(%arg14 : memref<128xi32, #tpu.memory_space<vmem>>)
          %dma_start3A_175 = arith.constant 0 : i32
          %dma_start3A_176 = arith.constant 0 : i32
          %dma_start3A_177 = tpu.memref_slice %arg3[%dma_start3A_175, %dma_start3A_176] : memref<10000x128xf32, #tpu.memory_space<hbm>> -> memref<10000x128xf32, #tpu.memory_space<hbm>>
          tpu.enqueue_indirect_dma source(%dma_start3A_177 : memref<10000x128xf32, #tpu.memory_space<hbm>>) target(%arg18 : memref<128x128xf32, #tpu.memory_space<vmem>>) offsets(%arg10 : memref<128xi32, #tpu.memory_space<vmem>>) semaphore(%arg25 : memref<!tpu.dma_semaphore, #tpu.memory_space<semaphore_mem>>)
        } else {
        }
        %add3A_71 = arith.constant 2 : i32
        %add3A_72 = arith.addi %add3A_53, %add3A_71 : i32
        %lt3A_73 = arith.constant 84 : i32
        %lt3A_74 = arith.cmpi slt, %add3A_72, %lt3A_73 : i32
        %convert_element_type3A_75 = arith.extui %lt3A_74 : i1 to i32
        %cond3A_76 = arith.constant 0 : i32
        %cond3A_77 = arith.cmpi ne, %convert_element_type3A_75, %cond3A_76 : i32
        scf.if %cond3A_77 {
          %add3A_165 = arith.constant 2 : i32
          %add3A_166 = arith.addi %add3A_53, %add3A_165 : i32
          %mul3A_167 = arith.constant 128 : i32
          %mul3A_168 = arith.muli %add3A_166, %mul3A_167 : i32
          %add3A_169 = arith.addi %mul3A_9, %mul3A_168 : i32
          %multiple_of3A_170 = tpu.assume_multiple %add3A_169, 128 : i32
          %dma_start3A_171 = tpu.memref_slice %arg4[%multiple_of3A_170] : memref<172032xi32, #tpu.memory_space<hbm>> -> memref<128xi32, #tpu.memory_space<hbm>>
          %dma_start3A_172 = tpu.memref_slice %arg4[%multiple_of3A_170] : memref<172032xi32, #tpu.memory_space<hbm>> -> memref<128xi32, #tpu.memory_space<hbm>>
          tpu.enqueue_dma source(%dma_start3A_172 : memref<128xi32, #tpu.memory_space<hbm>>) target(%arg11 : memref<128xi32, #tpu.memory_space<vmem>>) target_semaphore(%arg22 : memref<!tpu.dma_semaphore, #tpu.memory_space<semaphore_mem>>)
          %dma_start3A_173 = tpu.memref_slice %arg5[%multiple_of3A_170] : memref<172032xi32, #tpu.memory_space<hbm>> -> memref<128xi32, #tpu.memory_space<hbm>>
          %dma_start3A_174 = tpu.memref_slice %arg5[%multiple_of3A_170] : memref<172032xi32, #tpu.memory_space<hbm>> -> memref<128xi32, #tpu.memory_space<hbm>>
          tpu.enqueue_dma source(%dma_start3A_174 : memref<128xi32, #tpu.memory_space<hbm>>) target(%arg15 : memref<128xi32, #tpu.memory_space<vmem>>) target_semaphore(%arg22 : memref<!tpu.dma_semaphore, #tpu.memory_space<semaphore_mem>>)
        } else {
        }
        %mul3A_78 = arith.constant 4 : i32
        %mul3A_79 = arith.muli %scan3A_49, %mul3A_78 : i32
        %add3A_80 = arith.constant 1 : i32
        %add3A_81 = arith.addi %mul3A_79, %add3A_80 : i32
        %dma_wait3A_82 = arith.constant 0 : i32
        %dma_wait3A_83 = arith.constant 0 : i32
        %dma_wait3A_84 = tpu.memref_slice %arg3[%dma_wait3A_82, %dma_wait3A_83] : memref<10000x128xf32, #tpu.memory_space<hbm>> -> memref<10000x128xf32, #tpu.memory_space<hbm>>
        tpu.wait_indirect_dma semaphore(%arg25 : memref<!tpu.dma_semaphore, #tpu.memory_space<semaphore_mem>>) src(%dma_wait3A_84 : memref<10000x128xf32, #tpu.memory_space<hbm>>) dst(%arg18 : memref<128x128xf32, #tpu.memory_space<vmem>>)
        %dma_start3A_85 = arith.constant 0 : i32
        %dma_start3A_86 = arith.constant 0 : i32
        %dma_start3A_87 = tpu.memref_slice %arg19[%dma_start3A_85, %dma_start3A_86] : memref<10112x128xf32, #tpu.memory_space<vmem_shared>> -> memref<10112x128xf32, #tpu.memory_space<vmem_shared>>
        tpu.enqueue_indirect_dma source(%arg18 : memref<128x128xf32, #tpu.memory_space<vmem>>) target(%dma_start3A_87 : memref<10112x128xf32, #tpu.memory_space<vmem_shared>>) offsets(%arg14 : memref<128xi32, #tpu.memory_space<vmem>>) semaphore(%arg27 : memref<!tpu.dma_semaphore, #tpu.memory_space<semaphore_mem>>) {add = true}
        %ge3A_88 = arith.constant 1 : i32
        %ge3A_89 = arith.cmpi sge, %add3A_81, %ge3A_88 : i32
        %convert_element_type3A_90 = arith.extui %ge3A_89 : i1 to i32
        %cond3A_91 = arith.constant 0 : i32
        %cond3A_92 = arith.cmpi ne, %convert_element_type3A_90, %cond3A_91 : i32
        scf.if %cond3A_92 {
          %dma_wait3A_165 = arith.constant 0 : i32
          %dma_wait3A_166 = arith.constant 0 : i32
          %dma_wait3A_167 = tpu.memref_slice %arg19[%dma_wait3A_165, %dma_wait3A_166] : memref<10112x128xf32, #tpu.memory_space<vmem_shared>> -> memref<10112x128xf32, #tpu.memory_space<vmem_shared>>
          tpu.wait_indirect_dma semaphore(%arg26 : memref<!tpu.dma_semaphore, #tpu.memory_space<semaphore_mem>>) src(%arg17 : memref<128x128xf32, #tpu.memory_space<vmem>>) dst(%dma_wait3A_167 : memref<10112x128xf32, #tpu.memory_space<vmem_shared>>)
        } else {
        }
        %add3A_93 = arith.constant 1 : i32
        %add3A_94 = arith.addi %add3A_81, %add3A_93 : i32
        %lt3A_95 = arith.constant 84 : i32
        %lt3A_96 = arith.cmpi slt, %add3A_94, %lt3A_95 : i32
        %convert_element_type3A_97 = arith.extui %lt3A_96 : i1 to i32
        %cond3A_98 = arith.constant 0 : i32
        %cond3A_99 = arith.cmpi ne, %convert_element_type3A_97, %cond3A_98 : i32
        scf.if %cond3A_99 {
          %add3A_165 = arith.constant 1 : i32
          %add3A_166 = arith.addi %add3A_81, %add3A_165 : i32
          %mul3A_167 = arith.constant 128 : i32
          %mul3A_168 = arith.muli %add3A_166, %mul3A_167 : i32
          %add3A_169 = arith.addi %mul3A_9, %mul3A_168 : i32
          %multiple_of3A_170 = tpu.assume_multiple %add3A_169, 128 : i32
          %dma_wait3A_171 = tpu.memref_slice %arg4[%multiple_of3A_170] : memref<172032xi32, #tpu.memory_space<hbm>> -> memref<128xi32, #tpu.memory_space<hbm>>
          %dma_wait3A_172 = tpu.memref_slice %arg4[%multiple_of3A_170] : memref<172032xi32, #tpu.memory_space<hbm>> -> memref<128xi32, #tpu.memory_space<hbm>>
          tpu.wait_dma2 semaphore(%arg22 : memref<!tpu.dma_semaphore, #tpu.memory_space<semaphore_mem>>) src(%dma_wait3A_172 : memref<128xi32, #tpu.memory_space<hbm>>) dst(%arg11 : memref<128xi32, #tpu.memory_space<vmem>>)
          %dma_wait3A_173 = tpu.memref_slice %arg5[%multiple_of3A_170] : memref<172032xi32, #tpu.memory_space<hbm>> -> memref<128xi32, #tpu.memory_space<hbm>>
          %dma_wait3A_174 = tpu.memref_slice %arg5[%multiple_of3A_170] : memref<172032xi32, #tpu.memory_space<hbm>> -> memref<128xi32, #tpu.memory_space<hbm>>
          tpu.wait_dma2 semaphore(%arg22 : memref<!tpu.dma_semaphore, #tpu.memory_space<semaphore_mem>>) src(%dma_wait3A_174 : memref<128xi32, #tpu.memory_space<hbm>>) dst(%arg15 : memref<128xi32, #tpu.memory_space<vmem>>)
          %dma_start3A_175 = arith.constant 0 : i32
          %dma_start3A_176 = arith.constant 0 : i32
          %dma_start3A_177 = tpu.memref_slice %arg3[%dma_start3A_175, %dma_start3A_176] : memref<10000x128xf32, #tpu.memory_space<hbm>> -> memref<10000x128xf32, #tpu.memory_space<hbm>>
          tpu.enqueue_indirect_dma source(%dma_start3A_177 : memref<10000x128xf32, #tpu.memory_space<hbm>>) target(%arg17 : memref<128x128xf32, #tpu.memory_space<vmem>>) offsets(%arg11 : memref<128xi32, #tpu.memory_space<vmem>>) semaphore(%arg24 : memref<!tpu.dma_semaphore, #tpu.memory_space<semaphore_mem>>)
        } else {
        }
        %add3A_100 = arith.constant 2 : i32
        %add3A_101 = arith.addi %add3A_81, %add3A_100 : i32
        %lt3A_102 = arith.constant 84 : i32
        %lt3A_103 = arith.cmpi slt, %add3A_101, %lt3A_102 : i32
        %convert_element_type3A_104 = arith.extui %lt3A_103 : i1 to i32
        %cond3A_105 = arith.constant 0 : i32
        %cond3A_106 = arith.cmpi ne, %convert_element_type3A_104, %cond3A_105 : i32
        scf.if %cond3A_106 {
          %add3A_165 = arith.constant 2 : i32
          %add3A_166 = arith.addi %add3A_81, %add3A_165 : i32
          %mul3A_167 = arith.constant 128 : i32
          %mul3A_168 = arith.muli %add3A_166, %mul3A_167 : i32
          %add3A_169 = arith.addi %mul3A_9, %mul3A_168 : i32
          %multiple_of3A_170 = tpu.assume_multiple %add3A_169, 128 : i32
          %dma_start3A_171 = tpu.memref_slice %arg4[%multiple_of3A_170] : memref<172032xi32, #tpu.memory_space<hbm>> -> memref<128xi32, #tpu.memory_space<hbm>>
          %dma_start3A_172 = tpu.memref_slice %arg4[%multiple_of3A_170] : memref<172032xi32, #tpu.memory_space<hbm>> -> memref<128xi32, #tpu.memory_space<hbm>>
          tpu.enqueue_dma source(%dma_start3A_172 : memref<128xi32, #tpu.memory_space<hbm>>) target(%arg12 : memref<128xi32, #tpu.memory_space<vmem>>) target_semaphore(%arg23 : memref<!tpu.dma_semaphore, #tpu.memory_space<semaphore_mem>>)
          %dma_start3A_173 = tpu.memref_slice %arg5[%multiple_of3A_170] : memref<172032xi32, #tpu.memory_space<hbm>> -> memref<128xi32, #tpu.memory_space<hbm>>
          %dma_start3A_174 = tpu.memref_slice %arg5[%multiple_of3A_170] : memref<172032xi32, #tpu.memory_space<hbm>> -> memref<128xi32, #tpu.memory_space<hbm>>
          tpu.enqueue_dma source(%dma_start3A_174 : memref<128xi32, #tpu.memory_space<hbm>>) target(%arg16 : memref<128xi32, #tpu.memory_space<vmem>>) target_semaphore(%arg23 : memref<!tpu.dma_semaphore, #tpu.memory_space<semaphore_mem>>)
        } else {
        }
        %mul3A_107 = arith.constant 4 : i32
        %mul3A_108 = arith.muli %scan3A_49, %mul3A_107 : i32
        %add3A_109 = arith.constant 2 : i32
        %add3A_110 = arith.addi %mul3A_108, %add3A_109 : i32
        %dma_wait3A_111 = arith.constant 0 : i32
        %dma_wait3A_112 = arith.constant 0 : i32
        %dma_wait3A_113 = tpu.memref_slice %arg3[%dma_wait3A_111, %dma_wait3A_112] : memref<10000x128xf32, #tpu.memory_space<hbm>> -> memref<10000x128xf32, #tpu.memory_space<hbm>>
        tpu.wait_indirect_dma semaphore(%arg24 : memref<!tpu.dma_semaphore, #tpu.memory_space<semaphore_mem>>) src(%dma_wait3A_113 : memref<10000x128xf32, #tpu.memory_space<hbm>>) dst(%arg17 : memref<128x128xf32, #tpu.memory_space<vmem>>)
        %dma_start3A_114 = arith.constant 0 : i32
        %dma_start3A_115 = arith.constant 0 : i32
        %dma_start3A_116 = tpu.memref_slice %arg19[%dma_start3A_114, %dma_start3A_115] : memref<10112x128xf32, #tpu.memory_space<vmem_shared>> -> memref<10112x128xf32, #tpu.memory_space<vmem_shared>>
        tpu.enqueue_indirect_dma source(%arg17 : memref<128x128xf32, #tpu.memory_space<vmem>>) target(%dma_start3A_116 : memref<10112x128xf32, #tpu.memory_space<vmem_shared>>) offsets(%arg15 : memref<128xi32, #tpu.memory_space<vmem>>) semaphore(%arg26 : memref<!tpu.dma_semaphore, #tpu.memory_space<semaphore_mem>>) {add = true}
        %ge3A_117 = arith.constant 1 : i32
        %ge3A_118 = arith.cmpi sge, %add3A_110, %ge3A_117 : i32
        %convert_element_type3A_119 = arith.extui %ge3A_118 : i1 to i32
        %cond3A_120 = arith.constant 0 : i32
        %cond3A_121 = arith.cmpi ne, %convert_element_type3A_119, %cond3A_120 : i32
        scf.if %cond3A_121 {
          %dma_wait3A_165 = arith.constant 0 : i32
          %dma_wait3A_166 = arith.constant 0 : i32
          %dma_wait3A_167 = tpu.memref_slice %arg19[%dma_wait3A_165, %dma_wait3A_166] : memref<10112x128xf32, #tpu.memory_space<vmem_shared>> -> memref<10112x128xf32, #tpu.memory_space<vmem_shared>>
          tpu.wait_indirect_dma semaphore(%arg27 : memref<!tpu.dma_semaphore, #tpu.memory_space<semaphore_mem>>) src(%arg18 : memref<128x128xf32, #tpu.memory_space<vmem>>) dst(%dma_wait3A_167 : memref<10112x128xf32, #tpu.memory_space<vmem_shared>>)
        } else {
        }
        %add3A_122 = arith.constant 1 : i32
        %add3A_123 = arith.addi %add3A_110, %add3A_122 : i32
        %lt3A_124 = arith.constant 84 : i32
        %lt3A_125 = arith.cmpi slt, %add3A_123, %lt3A_124 : i32
        %convert_element_type3A_126 = arith.extui %lt3A_125 : i1 to i32
        %cond3A_127 = arith.constant 0 : i32
        %cond3A_128 = arith.cmpi ne, %convert_element_type3A_126, %cond3A_127 : i32
        scf.if %cond3A_128 {
          %add3A_165 = arith.constant 1 : i32
          %add3A_166 = arith.addi %add3A_110, %add3A_165 : i32
          %mul3A_167 = arith.constant 128 : i32
          %mul3A_168 = arith.muli %add3A_166, %mul3A_167 : i32
          %add3A_169 = arith.addi %mul3A_9, %mul3A_168 : i32
          %multiple_of3A_170 = tpu.assume_multiple %add3A_169, 128 : i32
          %dma_wait3A_171 = tpu.memref_slice %arg4[%multiple_of3A_170] : memref<172032xi32, #tpu.memory_space<hbm>> -> memref<128xi32, #tpu.memory_space<hbm>>
          %dma_wait3A_172 = tpu.memref_slice %arg4[%multiple_of3A_170] : memref<172032xi32, #tpu.memory_space<hbm>> -> memref<128xi32, #tpu.memory_space<hbm>>
          tpu.wait_dma2 semaphore(%arg23 : memref<!tpu.dma_semaphore, #tpu.memory_space<semaphore_mem>>) src(%dma_wait3A_172 : memref<128xi32, #tpu.memory_space<hbm>>) dst(%arg12 : memref<128xi32, #tpu.memory_space<vmem>>)
          %dma_wait3A_173 = tpu.memref_slice %arg5[%multiple_of3A_170] : memref<172032xi32, #tpu.memory_space<hbm>> -> memref<128xi32, #tpu.memory_space<hbm>>
          %dma_wait3A_174 = tpu.memref_slice %arg5[%multiple_of3A_170] : memref<172032xi32, #tpu.memory_space<hbm>> -> memref<128xi32, #tpu.memory_space<hbm>>
          tpu.wait_dma2 semaphore(%arg23 : memref<!tpu.dma_semaphore, #tpu.memory_space<semaphore_mem>>) src(%dma_wait3A_174 : memref<128xi32, #tpu.memory_space<hbm>>) dst(%arg16 : memref<128xi32, #tpu.memory_space<vmem>>)
          %dma_start3A_175 = arith.constant 0 : i32
          %dma_start3A_176 = arith.constant 0 : i32
          %dma_start3A_177 = tpu.memref_slice %arg3[%dma_start3A_175, %dma_start3A_176] : memref<10000x128xf32, #tpu.memory_space<hbm>> -> memref<10000x128xf32, #tpu.memory_space<hbm>>
          tpu.enqueue_indirect_dma source(%dma_start3A_177 : memref<10000x128xf32, #tpu.memory_space<hbm>>) target(%arg18 : memref<128x128xf32, #tpu.memory_space<vmem>>) offsets(%arg12 : memref<128xi32, #tpu.memory_space<vmem>>) semaphore(%arg25 : memref<!tpu.dma_semaphore, #tpu.memory_space<semaphore_mem>>)
        } else {
        }
        %add3A_129 = arith.constant 2 : i32
        %add3A_130 = arith.addi %add3A_110, %add3A_129 : i32
        %lt3A_131 = arith.constant 84 : i32
        %lt3A_132 = arith.cmpi slt, %add3A_130, %lt3A_131 : i32
        %convert_element_type3A_133 = arith.extui %lt3A_132 : i1 to i32
        %cond3A_134 = arith.constant 0 : i32
        %cond3A_135 = arith.cmpi ne, %convert_element_type3A_133, %cond3A_134 : i32
        scf.if %cond3A_135 {
          %add3A_165 = arith.constant 2 : i32
          %add3A_166 = arith.addi %add3A_110, %add3A_165 : i32
          %mul3A_167 = arith.constant 128 : i32
          %mul3A_168 = arith.muli %add3A_166, %mul3A_167 : i32
          %add3A_169 = arith.addi %mul3A_9, %mul3A_168 : i32
          %multiple_of3A_170 = tpu.assume_multiple %add3A_169, 128 : i32
          %dma_start3A_171 = tpu.memref_slice %arg4[%multiple_of3A_170] : memref<172032xi32, #tpu.memory_space<hbm>> -> memref<128xi32, #tpu.memory_space<hbm>>
          %dma_start3A_172 = tpu.memref_slice %arg4[%multiple_of3A_170] : memref<172032xi32, #tpu.memory_space<hbm>> -> memref<128xi32, #tpu.memory_space<hbm>>
          tpu.enqueue_dma source(%dma_start3A_172 : memref<128xi32, #tpu.memory_space<hbm>>) target(%arg9 : memref<128xi32, #tpu.memory_space<vmem>>) target_semaphore(%arg20 : memref<!tpu.dma_semaphore, #tpu.memory_space<semaphore_mem>>)
          %dma_start3A_173 = tpu.memref_slice %arg5[%multiple_of3A_170] : memref<172032xi32, #tpu.memory_space<hbm>> -> memref<128xi32, #tpu.memory_space<hbm>>
          %dma_start3A_174 = tpu.memref_slice %arg5[%multiple_of3A_170] : memref<172032xi32, #tpu.memory_space<hbm>> -> memref<128xi32, #tpu.memory_space<hbm>>
          tpu.enqueue_dma source(%dma_start3A_174 : memref<128xi32, #tpu.memory_space<hbm>>) target(%arg13 : memref<128xi32, #tpu.memory_space<vmem>>) target_semaphore(%arg20 : memref<!tpu.dma_semaphore, #tpu.memory_space<semaphore_mem>>)
        } else {
        }
        %mul3A_136 = arith.constant 4 : i32
        %mul3A_137 = arith.muli %scan3A_49, %mul3A_136 : i32
        %add3A_138 = arith.constant 3 : i32
        %add3A_139 = arith.addi %mul3A_137, %add3A_138 : i32
        %dma_wait3A_140 = arith.constant 0 : i32
        %dma_wait3A_141 = arith.constant 0 : i32
        %dma_wait3A_142 = tpu.memref_slice %arg3[%dma_wait3A_140, %dma_wait3A_141] : memref<10000x128xf32, #tpu.memory_space<hbm>> -> memref<10000x128xf32, #tpu.memory_space<hbm>>
        tpu.wait_indirect_dma semaphore(%arg25 : memref<!tpu.dma_semaphore, #tpu.memory_space<semaphore_mem>>) src(%dma_wait3A_142 : memref<10000x128xf32, #tpu.memory_space<hbm>>) dst(%arg18 : memref<128x128xf32, #tpu.memory_space<vmem>>)
        %dma_start3A_143 = arith.constant 0 : i32
        %dma_start3A_144 = arith.constant 0 : i32
        %dma_start3A_145 = tpu.memref_slice %arg19[%dma_start3A_143, %dma_start3A_144] : memref<10112x128xf32, #tpu.memory_space<vmem_shared>> -> memref<10112x128xf32, #tpu.memory_space<vmem_shared>>
        tpu.enqueue_indirect_dma source(%arg18 : memref<128x128xf32, #tpu.memory_space<vmem>>) target(%dma_start3A_145 : memref<10112x128xf32, #tpu.memory_space<vmem_shared>>) offsets(%arg16 : memref<128xi32, #tpu.memory_space<vmem>>) semaphore(%arg27 : memref<!tpu.dma_semaphore, #tpu.memory_space<semaphore_mem>>) {add = true}
        %ge3A_146 = arith.constant 1 : i32
        %ge3A_147 = arith.cmpi sge, %add3A_139, %ge3A_146 : i32
        %convert_element_type3A_148 = arith.extui %ge3A_147 : i1 to i32
        %cond3A_149 = arith.constant 0 : i32
        %cond3A_150 = arith.cmpi ne, %convert_element_type3A_148, %cond3A_149 : i32
        scf.if %cond3A_150 {
          %dma_wait3A_165 = arith.constant 0 : i32
          %dma_wait3A_166 = arith.constant 0 : i32
          %dma_wait3A_167 = tpu.memref_slice %arg19[%dma_wait3A_165, %dma_wait3A_166] : memref<10112x128xf32, #tpu.memory_space<vmem_shared>> -> memref<10112x128xf32, #tpu.memory_space<vmem_shared>>
          tpu.wait_indirect_dma semaphore(%arg26 : memref<!tpu.dma_semaphore, #tpu.memory_space<semaphore_mem>>) src(%arg17 : memref<128x128xf32, #tpu.memory_space<vmem>>) dst(%dma_wait3A_167 : memref<10112x128xf32, #tpu.memory_space<vmem_shared>>)
        } else {
        }
        %add3A_151 = arith.constant 1 : i32
        %add3A_152 = arith.addi %add3A_139, %add3A_151 : i32
        %lt3A_153 = arith.constant 84 : i32
        %lt3A_154 = arith.cmpi slt, %add3A_152, %lt3A_153 : i32
        %convert_element_type3A_155 = arith.extui %lt3A_154 : i1 to i32
        %cond3A_156 = arith.constant 0 : i32
        %cond3A_157 = arith.cmpi ne, %convert_element_type3A_155, %cond3A_156 : i32
        scf.if %cond3A_157 {
          %add3A_165 = arith.constant 1 : i32
          %add3A_166 = arith.addi %add3A_139, %add3A_165 : i32
          %mul3A_167 = arith.constant 128 : i32
          %mul3A_168 = arith.muli %add3A_166, %mul3A_167 : i32
          %add3A_169 = arith.addi %mul3A_9, %mul3A_168 : i32
          %multiple_of3A_170 = tpu.assume_multiple %add3A_169, 128 : i32
          %dma_wait3A_171 = tpu.memref_slice %arg4[%multiple_of3A_170] : memref<172032xi32, #tpu.memory_space<hbm>> -> memref<128xi32, #tpu.memory_space<hbm>>
          %dma_wait3A_172 = tpu.memref_slice %arg4[%multiple_of3A_170] : memref<172032xi32, #tpu.memory_space<hbm>> -> memref<128xi32, #tpu.memory_space<hbm>>
          tpu.wait_dma2 semaphore(%arg20 : memref<!tpu.dma_semaphore, #tpu.memory_space<semaphore_mem>>) src(%dma_wait3A_172 : memref<128xi32, #tpu.memory_space<hbm>>) dst(%arg9 : memref<128xi32, #tpu.memory_space<vmem>>)
          %dma_wait3A_173 = tpu.memref_slice %arg5[%multiple_of3A_170] : memref<172032xi32, #tpu.memory_space<hbm>> -> memref<128xi32, #tpu.memory_space<hbm>>
          %dma_wait3A_174 = tpu.memref_slice %arg5[%multiple_of3A_170] : memref<172032xi32, #tpu.memory_space<hbm>> -> memref<128xi32, #tpu.memory_space<hbm>>
          tpu.wait_dma2 semaphore(%arg20 : memref<!tpu.dma_semaphore, #tpu.memory_space<semaphore_mem>>) src(%dma_wait3A_174 : memref<128xi32, #tpu.memory_space<hbm>>) dst(%arg13 : memref<128xi32, #tpu.memory_space<vmem>>)
          %dma_start3A_175 = arith.constant 0 : i32
          %dma_start3A_176 = arith.constant 0 : i32
          %dma_start3A_177 = tpu.memref_slice %arg3[%dma_start3A_175, %dma_start3A_176] : memref<10000x128xf32, #tpu.memory_space<hbm>> -> memref<10000x128xf32, #tpu.memory_space<hbm>>
          tpu.enqueue_indirect_dma source(%dma_start3A_177 : memref<10000x128xf32, #tpu.memory_space<hbm>>) target(%arg17 : memref<128x128xf32, #tpu.memory_space<vmem>>) offsets(%arg9 : memref<128xi32, #tpu.memory_space<vmem>>) semaphore(%arg24 : memref<!tpu.dma_semaphore, #tpu.memory_space<semaphore_mem>>)
        } else {
        }
        %add3A_158 = arith.constant 2 : i32
        %add3A_159 = arith.addi %add3A_139, %add3A_158 : i32
        %lt3A_160 = arith.constant 84 : i32
        %lt3A_161 = arith.cmpi slt, %add3A_159, %lt3A_160 : i32
        %convert_element_type3A_162 = arith.extui %lt3A_161 : i1 to i32
        %cond3A_163 = arith.constant 0 : i32
        %cond3A_164 = arith.cmpi ne, %convert_element_type3A_162, %cond3A_163 : i32
        scf.if %cond3A_164 {
          %add3A_165 = arith.constant 2 : i32
          %add3A_166 = arith.addi %add3A_139, %add3A_165 : i32
          %mul3A_167 = arith.constant 128 : i32
          %mul3A_168 = arith.muli %add3A_166, %mul3A_167 : i32
          %add3A_169 = arith.addi %mul3A_9, %mul3A_168 : i32
          %multiple_of3A_170 = tpu.assume_multiple %add3A_169, 128 : i32
          %dma_start3A_171 = tpu.memref_slice %arg4[%multiple_of3A_170] : memref<172032xi32, #tpu.memory_space<hbm>> -> memref<128xi32, #tpu.memory_space<hbm>>
          %dma_start3A_172 = tpu.memref_slice %arg4[%multiple_of3A_170] : memref<172032xi32, #tpu.memory_space<hbm>> -> memref<128xi32, #tpu.memory_space<hbm>>
          tpu.enqueue_dma source(%dma_start3A_172 : memref<128xi32, #tpu.memory_space<hbm>>) target(%arg10 : memref<128xi32, #tpu.memory_space<vmem>>) target_semaphore(%arg21 : memref<!tpu.dma_semaphore, #tpu.memory_space<semaphore_mem>>)
          %dma_start3A_173 = tpu.memref_slice %arg5[%multiple_of3A_170] : memref<172032xi32, #tpu.memory_space<hbm>> -> memref<128xi32, #tpu.memory_space<hbm>>
          %dma_start3A_174 = tpu.memref_slice %arg5[%multiple_of3A_170] : memref<172032xi32, #tpu.memory_space<hbm>> -> memref<128xi32, #tpu.memory_space<hbm>>
          tpu.enqueue_dma source(%dma_start3A_174 : memref<128xi32, #tpu.memory_space<hbm>>) target(%arg14 : memref<128xi32, #tpu.memory_space<vmem>>) target_semaphore(%arg21 : memref<!tpu.dma_semaphore, #tpu.memory_space<semaphore_mem>>)
        } else {
        }
      }
      %scan3A_35 = arith.constant 21 : i32
      %dma_wait3A_36 = arith.constant 0 : i32
      %dma_wait3A_37 = arith.constant 0 : i32
      %dma_wait3A_38 = tpu.memref_slice %arg19[%dma_wait3A_36, %dma_wait3A_37] : memref<10112x128xf32, #tpu.memory_space<vmem_shared>> -> memref<10112x128xf32, #tpu.memory_space<vmem_shared>>
      tpu.wait_indirect_dma semaphore(%arg27 : memref<!tpu.dma_semaphore, #tpu.memory_space<semaphore_mem>>) src(%arg18 : memref<128x128xf32, #tpu.memory_space<vmem>>) dst(%dma_wait3A_38 : memref<10112x128xf32, #tpu.memory_space<vmem_shared>>)
      %barrier3A_39 = arith.constant 0 : index
      tpu.barrier barrier_id(%barrier3A_39)
      %lt3A = arith.constant 15 : i32
      %lt3A_40 = arith.cmpi slt, %arg1, %lt3A : i32
      %convert_element_type3A_41 = arith.extui %lt3A_40 : i1 to i32
      %cond3A_42 = arith.constant 0 : i32
      %cond3A_43 = arith.cmpi ne, %convert_element_type3A_41, %cond3A_42 : i32
      scf.if %cond3A_43 {
        %mul3A_49 = arith.constant 624 : i32
        %mul3A_50 = arith.muli %arg1, %mul3A_49 : i32
        %multiple_of3A_51 = tpu.assume_multiple %mul3A_50, 16 : i32
        "tpu.region"() ({
          %run_scoped3A = tpu.sem_alloc : memref<!tpu.dma_semaphore, #tpu.memory_space<semaphore_mem>>
          %dma_start3A_52 = arith.constant 0 : i32
          %dma_start3A_53 = tpu.memref_slice %arg8[%multiple_of3A_51, %dma_start3A_52] : memref<10000x128xf32, #tpu.memory_space<hbm>> -> memref<624x128xf32, #tpu.memory_space<hbm>>
          %dma_start3A_54 = arith.constant 0 : i32
          %dma_start3A_55 = tpu.memref_slice %arg19[%multiple_of3A_51, %dma_start3A_54] : memref<10112x128xf32, #tpu.memory_space<vmem_shared>> -> memref<624x128xf32, #tpu.memory_space<vmem_shared>>
          tpu.enqueue_dma source(%dma_start3A_55 : memref<624x128xf32, #tpu.memory_space<vmem_shared>>) target(%dma_start3A_53 : memref<624x128xf32, #tpu.memory_space<hbm>>) target_semaphore(%run_scoped3A : memref<!tpu.dma_semaphore, #tpu.memory_space<semaphore_mem>>)
          %dma_wait3A_56 = arith.constant 0 : i32
          %dma_wait3A_57 = tpu.memref_slice %arg8[%multiple_of3A_51, %dma_wait3A_56] : memref<10000x128xf32, #tpu.memory_space<hbm>> -> memref<624x128xf32, #tpu.memory_space<hbm>>
          %dma_wait3A_58 = arith.constant 0 : i32
          %dma_wait3A_59 = tpu.memref_slice %arg19[%multiple_of3A_51, %dma_wait3A_58] : memref<10112x128xf32, #tpu.memory_space<vmem_shared>> -> memref<624x128xf32, #tpu.memory_space<vmem_shared>>
          tpu.wait_dma2 semaphore(%run_scoped3A : memref<!tpu.dma_semaphore, #tpu.memory_space<semaphore_mem>>) src(%dma_wait3A_59 : memref<624x128xf32, #tpu.memory_space<vmem_shared>>) dst(%dma_wait3A_57 : memref<624x128xf32, #tpu.memory_space<hbm>>)
          tpu.yield
        }) : () -> ()
      } else {
      }
      %eq3A_44 = arith.constant 15 : i32
      %eq3A_45 = arith.cmpi eq, %arg1, %eq3A_44 : i32
      %convert_element_type3A_46 = arith.extui %eq3A_45 : i1 to i32
      %cond3A_47 = arith.constant 0 : i32
      %cond3A_48 = arith.cmpi ne, %convert_element_type3A_46, %cond3A_47 : i32
      scf.if %cond3A_48 {
        "tpu.region"() ({
          %run_scoped3A = tpu.sem_alloc : memref<!tpu.dma_semaphore, #tpu.memory_space<semaphore_mem>>
          %dma_start3A_49 = arith.constant 9360 : i32
          %dma_start3A_50 = arith.constant 0 : i32
          %dma_start3A_51 = tpu.memref_slice %arg8[%dma_start3A_49, %dma_start3A_50] : memref<10000x128xf32, #tpu.memory_space<hbm>> -> memref<640x128xf32, #tpu.memory_space<hbm>>
          %dma_start3A_52 = arith.constant 9360 : i32
          %dma_start3A_53 = arith.constant 0 : i32
          %dma_start3A_54 = tpu.memref_slice %arg19[%dma_start3A_52, %dma_start3A_53] : memref<10112x128xf32, #tpu.memory_space<vmem_shared>> -> memref<640x128xf32, #tpu.memory_space<vmem_shared>>
          tpu.enqueue_dma source(%dma_start3A_54 : memref<640x128xf32, #tpu.memory_space<vmem_shared>>) target(%dma_start3A_51 : memref<640x128xf32, #tpu.memory_space<hbm>>) target_semaphore(%run_scoped3A : memref<!tpu.dma_semaphore, #tpu.memory_space<semaphore_mem>>)
          %dma_wait3A_55 = arith.constant 9360 : i32
          %dma_wait3A_56 = arith.constant 0 : i32
          %dma_wait3A_57 = tpu.memref_slice %arg8[%dma_wait3A_55, %dma_wait3A_56] : memref<10000x128xf32, #tpu.memory_space<hbm>> -> memref<640x128xf32, #tpu.memory_space<hbm>>
          %dma_wait3A_58 = arith.constant 9360 : i32
          %dma_wait3A_59 = arith.constant 0 : i32
          %dma_wait3A_60 = tpu.memref_slice %arg19[%dma_wait3A_58, %dma_wait3A_59] : memref<10112x128xf32, #tpu.memory_space<vmem_shared>> -> memref<640x128xf32, #tpu.memory_space<vmem_shared>>
          tpu.wait_dma2 semaphore(%run_scoped3A : memref<!tpu.dma_semaphore, #tpu.memory_space<semaphore_mem>>) src(%dma_wait3A_60 : memref<640x128xf32, #tpu.memory_space<vmem_shared>>) dst(%dma_wait3A_57 : memref<640x128xf32, #tpu.memory_space<hbm>>)
          tpu.yield
        }) : () -> ()
      } else {
      }
    } else {
    }
    return
  }
}

module attributes {stable_mosaic.version = 14 : i64} {
  func.func @_mm_body(%arg0: i32, %arg1: memref<1000x256xf32, #tpu.memory_space<vmem>>, %arg2: memref<256x256xf32, #tpu.memory_space<vmem>>, %arg3: memref<1000x256xf32, #tpu.memory_space<vmem>>) attributes {dimension_semantics = [#tpu.dimension_semantics<arbitrary>], iteration_bounds = array<i64: 10>, scalar_prefetch = 0 : i64, scratch_operands = 0 : i64, tpu.core_type = #tpu.core_type<tc>, window_params = [{transform_indices = @transform_0, window_bounds = array<i64: 1000, 256>}, {pipeline_mode = #tpu.pipeline_mode<synchronous>, transform_indices = @transform_1, window_bounds = array<i64: 256, 256>}, {transform_indices = @transform_2, window_bounds = array<i64: 1000, 256>}]} {
    %get3A = arith.constant 0 : index
    %get3A_0 = arith.constant 0 : index
    %get3A_1 = vector.load %arg1[%get3A, %get3A_0] : memref<1000x256xf32, #tpu.memory_space<vmem>>, vector<1000x256xf32>
    %get3A_2 = arith.constant 0 : index
    %get3A_3 = arith.constant 0 : index
    %get3A_4 = vector.load %arg2[%get3A_2, %get3A_3] : memref<256x256xf32, #tpu.memory_space<vmem>>, vector<256x256xf32>
    %dot_general3A = arith.constant dense<0.000000e+00> : vector<1000x256xf32>
    %dot_general3A_5 = tpu.matmul %get3A_1, %get3A_4, %dot_general3A {dimension_numbers = #tpu.dot_dimension_numbers<[1], [0], [0], [1], [0, 0, 1, 1], [], []>, transpose_lhs_hint = false} : vector<1000x256xf32>, vector<256x256xf32>, vector<1000x256xf32> -> vector<1000x256xf32>
    %swap3A = arith.constant 0 : index
    %swap3A_6 = arith.constant 0 : index
    %swap3A_7 = vector.load %arg3[%swap3A, %swap3A_6] : memref<1000x256xf32, #tpu.memory_space<vmem>>, vector<1000x256xf32>
    tpu.vector_store %arg3[%swap3A, %swap3A_6], %dot_general3A_5 {strides = array<i32>} : memref<1000x256xf32, #tpu.memory_space<vmem>>, vector<1000x256xf32>,
    return
  }
  func.func @transform_0(%arg0: i32) -> (i32, i32) {
    %c0_i32 = arith.constant 0 : i32
    %c0_i32_0 = arith.constant 0 : i32
    return %arg0, %c0_i32 : i32, i32
  }
  func.func @transform_1(%arg0: i32) -> (i32, i32) {
    %c0_i32 = arith.constant 0 : i32
    %c0_i32_0 = arith.constant 0 : i32
    %c0_i32_1 = arith.constant 0 : i32
    return %c0_i32, %c0_i32_0 : i32, i32
  }
  func.func @transform_2(%arg0: i32) -> (i32, i32) {
    %c0_i32 = arith.constant 0 : i32
    %c0_i32_0 = arith.constant 0 : i32
    return %arg0, %c0_i32 : i32, i32
  }
}

module attributes {stable_mosaic.version = 14 : i64} {
  func.func @_scale_body(%arg0: i32, %arg1: memref<1000x1xf32, #tpu.memory_space<vmem>>, %arg2: memref<1000x256xf32, #tpu.memory_space<vmem>>, %arg3: memref<1000x128xf32, #tpu.memory_space<vmem>>, %arg4: memref<1000x128xf32, #tpu.memory_space<vmem>>) attributes {dimension_semantics = [#tpu.dimension_semantics<arbitrary>], iteration_bounds = array<i64: 10>, scalar_prefetch = 0 : i64, scratch_operands = 0 : i64, tpu.core_type = #tpu.core_type<tc>, window_params = [{transform_indices = @transform_0, window_bounds = array<i64: 1000, 1>}, {transform_indices = @transform_1, window_bounds = array<i64: 1000, 256>}, {transform_indices = @transform_2, window_bounds = array<i64: 1000, 128>}, {transform_indices = @transform_3, window_bounds = array<i64: 1000, 128>}]} {
    %get3A = arith.constant 0 : index
    %get3A_0 = arith.constant 0 : index
    %get3A_1 = vector.load %arg2[%get3A, %get3A_0] : memref<1000x256xf32, #tpu.memory_space<vmem>>, vector<1000x256xf32>
    %get3A_2 = arith.constant 0 : index
    %get3A_3 = arith.constant 0 : index
    %get3A_4 = vector.load %arg1[%get3A_2, %get3A_3] : memref<1000x1xf32, #tpu.memory_space<vmem>>, vector<1000x1xf32>
    %mul3A = vector.broadcast %get3A_4 : vector<1000x1xf32> to vector<1000x256xf32>
    %mul3A_5 = arith.mulf %get3A_1, %mul3A : vector<1000x256xf32>
    %slice3A = vector.extract_strided_slice %mul3A_5 {offsets = [0, 0], sizes = [1000, 128], strides = [1, 1]} : vector<1000x256xf32> to vector<1000x128xf32>
    %swap3A = arith.constant 0 : index
    %swap3A_6 = arith.constant 0 : index
    %swap3A_7 = vector.load %arg3[%swap3A, %swap3A_6] : memref<1000x128xf32, #tpu.memory_space<vmem>>, vector<1000x128xf32>
    tpu.vector_store %arg3[%swap3A, %swap3A_6], %slice3A {strides = array<i32>} : memref<1000x128xf32, #tpu.memory_space<vmem>>, vector<1000x128xf32>,
    %slice3A_8 = vector.extract_strided_slice %mul3A_5 {offsets = [0, 128], sizes = [1000, 128], strides = [1, 1]} : vector<1000x256xf32> to vector<1000x128xf32>
    %swap3A_9 = arith.constant 0 : index
    %swap3A_10 = arith.constant 0 : index
    %swap3A_11 = vector.load %arg4[%swap3A_9, %swap3A_10] : memref<1000x128xf32, #tpu.memory_space<vmem>>, vector<1000x128xf32>
    tpu.vector_store %arg4[%swap3A_9, %swap3A_10], %slice3A_8 {strides = array<i32>} : memref<1000x128xf32, #tpu.memory_space<vmem>>, vector<1000x128xf32>,
    return
  }
  func.func @transform_0(%arg0: i32) -> (i32, i32) {
    %c0_i32 = arith.constant 0 : i32
    %c0_i32_0 = arith.constant 0 : i32
    return %arg0, %c0_i32 : i32, i32
  }
  func.func @transform_1(%arg0: i32) -> (i32, i32) {
    %c0_i32 = arith.constant 0 : i32
    %c0_i32_0 = arith.constant 0 : i32
    return %arg0, %c0_i32 : i32, i32
  }
  func.func @transform_2(%arg0: i32) -> (i32, i32) {
    %c0_i32 = arith.constant 0 : i32
    %c0_i32_0 = arith.constant 0 : i32
    return %arg0, %c0_i32 : i32, i32
  }
  func.func @transform_3(%arg0: i32) -> (i32, i32) {
    %c0_i32 = arith.constant 0 : i32
    %c0_i32_0 = arith.constant 0 : i32
    return %arg0, %c0_i32 : i32, i32
  }
}

module attributes {stable_mosaic.version = 14 : i64} {
  func.func @_pre_b_body(%arg0: i32, %arg1: memref<1000x1xf32, #tpu.memory_space<vmem>>, %arg2: memref<1000x128xf32, #tpu.memory_space<vmem>>, %arg3: memref<1000x128xf32, #tpu.memory_space<vmem>>, %arg4: memref<1x256xf32, #tpu.memory_space<vmem>>, %arg5: memref<1000x256xf32, #tpu.memory_space<vmem>>) attributes {dimension_semantics = [#tpu.dimension_semantics<arbitrary>], iteration_bounds = array<i64: 10>, scalar_prefetch = 0 : i64, scratch_operands = 0 : i64, tpu.core_type = #tpu.core_type<tc>, window_params = [{transform_indices = @transform_0, window_bounds = array<i64: 1000, 1>}, {transform_indices = @transform_1, window_bounds = array<i64: 1000, 128>}, {transform_indices = @transform_2, window_bounds = array<i64: 1000, 128>}, {pipeline_mode = #tpu.pipeline_mode<synchronous>, transform_indices = @transform_3, window_bounds = array<i64: 1, 256>}, {transform_indices = @transform_4, window_bounds = array<i64: 1000, 256>}]} {
    %get3A = arith.constant 0 : index
    %get3A_0 = arith.constant 0 : index
    %get3A_1 = vector.load %arg2[%get3A, %get3A_0] : memref<1000x128xf32, #tpu.memory_space<vmem>>, vector<1000x128xf32>
    %get3A_2 = arith.constant 0 : index
    %get3A_3 = arith.constant 0 : index
    %get3A_4 = vector.load %arg3[%get3A_2, %get3A_3] : memref<1000x128xf32, #tpu.memory_space<vmem>>, vector<1000x128xf32>
    %concatenate3A = tpu.concatenate %get3A_1, %get3A_4 in 1 : vector<1000x128xf32>, vector<1000x128xf32> -> vector<1000x256xf32>
    %get3A_5 = arith.constant 0 : index
    %get3A_6 = arith.constant 0 : index
    %get3A_7 = vector.load %arg1[%get3A_5, %get3A_6] : memref<1000x1xf32, #tpu.memory_space<vmem>>, vector<1000x1xf32>
    %mul3A = vector.broadcast %get3A_7 : vector<1000x1xf32> to vector<1000x256xf32>
    %mul3A_8 = arith.mulf %concatenate3A, %mul3A : vector<1000x256xf32>
    %get3A_9 = arith.constant 0 : index
    %get3A_10 = arith.constant 0 : index
    %get3A_11 = vector.load %arg4[%get3A_9, %get3A_10] : memref<1x256xf32, #tpu.memory_space<vmem>>, vector<1x256xf32>
    %add3A = vector.broadcast %get3A_11 : vector<1x256xf32> to vector<1000x256xf32>
    %add3A_12 = arith.addf %mul3A_8, %add3A : vector<1000x256xf32>
    %swap3A = arith.constant 0 : index
    %swap3A_13 = arith.constant 0 : index
    %swap3A_14 = vector.load %arg5[%swap3A, %swap3A_13] : memref<1000x256xf32, #tpu.memory_space<vmem>>, vector<1000x256xf32>
    tpu.vector_store %arg5[%swap3A, %swap3A_13], %add3A_12 {strides = array<i32>} : memref<1000x256xf32, #tpu.memory_space<vmem>>, vector<1000x256xf32>,
    return
  }
  func.func @transform_0(%arg0: i32) -> (i32, i32) {
    %c0_i32 = arith.constant 0 : i32
    %c0_i32_0 = arith.constant 0 : i32
    return %arg0, %c0_i32 : i32, i32
  }
  func.func @transform_1(%arg0: i32) -> (i32, i32) {
    %c0_i32 = arith.constant 0 : i32
    %c0_i32_0 = arith.constant 0 : i32
    return %arg0, %c0_i32 : i32, i32
  }
  func.func @transform_2(%arg0: i32) -> (i32, i32) {
    %c0_i32 = arith.constant 0 : i32
    %c0_i32_0 = arith.constant 0 : i32
    return %arg0, %c0_i32 : i32, i32
  }
  func.func @transform_3(%arg0: i32) -> (i32, i32) {
    %c0_i32 = arith.constant 0 : i32
    %c0_i32_0 = arith.constant 0 : i32
    %c0_i32_1 = arith.constant 0 : i32
    return %c0_i32, %c0_i32_0 : i32, i32
  }
  func.func @transform_4(%arg0: i32) -> (i32, i32) {
    %c0_i32 = arith.constant 0 : i32
    %c0_i32_0 = arith.constant 0 : i32
    return %arg0, %c0_i32 : i32, i32
  }
}

module attributes {stable_mosaic.version = 14 : i64} {
  func.func @_post_body(%arg0: i32, %arg1: memref<1000x1xf32, #tpu.memory_space<vmem>>, %arg2: memref<1000x256xf32, #tpu.memory_space<vmem>>, %arg3: memref<3x16x256xf32, #tpu.memory_space<vmem>>, %arg4: memref<256x128xf32, #tpu.memory_space<vmem>>, %arg5: memref<1000x1xi32, #tpu.memory_space<vmem>>, %arg6: memref<1000x1xi32, #tpu.memory_space<vmem>>, %arg7: memref<1000x1xi32, #tpu.memory_space<vmem>>, %arg8: memref<1x1xf32, #tpu.memory_space<smem>>, %arg9: memref<1000x128xf32, #tpu.memory_space<vmem>>) attributes {dimension_semantics = [#tpu.dimension_semantics<arbitrary>], iteration_bounds = array<i64: 10>, scalar_prefetch = 0 : i64, scratch_operands = 0 : i64, tpu.core_type = #tpu.core_type<tc>, window_params = [{transform_indices = @transform_0, window_bounds = array<i64: 1000, 1>}, {transform_indices = @transform_1, window_bounds = array<i64: 1000, 256>}, {pipeline_mode = #tpu.pipeline_mode<synchronous>, transform_indices = @transform_2, window_bounds = array<i64: 3, 16, 256>}, {pipeline_mode = #tpu.pipeline_mode<synchronous>, transform_indices = @transform_3, window_bounds = array<i64: 256, 128>}, {transform_indices = @transform_4, window_bounds = array<i64: 1000, 1>}, {transform_indices = @transform_5, window_bounds = array<i64: 1000, 1>}, {transform_indices = @transform_6, window_bounds = array<i64: 1000, 1>}, {transform_indices = @transform_7, window_bounds = array<i64: 1, 1>}, {transform_indices = @transform_8, window_bounds = array<i64: 1000, 128>}]} {
    %get3A = arith.constant 0 : index
    %get3A_0 = arith.constant 0 : index
    %get3A_1 = vector.load %arg2[%get3A, %get3A_0] : memref<1000x256xf32, #tpu.memory_space<vmem>>, vector<1000x256xf32>
    %get3A_2 = arith.constant 0 : index
    %get3A_3 = arith.constant 0 : index
    %get3A_4 = arith.constant 0 : index
    %get3A_5 = vector.load %arg3[%get3A_2, %get3A_3, %get3A_4] : memref<3x16x256xf32, #tpu.memory_space<vmem>>, vector<3x16x256xf32>
    %slice3A = vector.extract_strided_slice %get3A_5 {offsets = [0, 0, 0], sizes = [1, 16, 256], strides = [1, 1, 1]} : vector<3x16x256xf32> to vector<1x16x256xf32>
    %squeeze3A = vector.shape_cast %slice3A : vector<1x16x256xf32> to vector<16x256xf32>
    %mul3A = arith.mulf %get3A_1, %get3A_1 : vector<1000x256xf32>
    %reduce_sum3A = arith.constant dense<0.000000e+00> : vector<1000xf32>
    %reduce_sum3A_6 = vector.multi_reduction <add>, %mul3A, %reduce_sum3A [1] : vector<1000x256xf32> to vector<1000xf32>
    %broadcast_in_dim3A = vector.shape_cast %reduce_sum3A_6 : vector<1000xf32> to vector<1000x1xf32>
    %sqrt3A = math.sqrt %broadcast_in_dim3A : vector<1000x1xf32>
    %add3A = arith.constant 9.99999993E-9 : f32
    %add3A_7 = vector.broadcast %add3A : f32 to vector<1000x1xf32>
    %add3A_8 = arith.addf %sqrt3A, %add3A_7 : vector<1000x1xf32>
    %div3A = vector.broadcast %add3A_8 : vector<1000x1xf32> to vector<1000x256xf32>
    %div3A_9 = arith.divf %get3A_1, %div3A : vector<1000x256xf32>
    %dot_general3A = arith.constant dense<0.000000e+00> : vector<1000x16xf32>
    %dot_general3A_10 = tpu.matmul %div3A_9, %squeeze3A, %dot_general3A {dimension_numbers = #tpu.dot_dimension_numbers<[1], [1], [0], [0], [0, 0, 1, 0], [], []>, transpose_lhs_hint = false} : vector<1000x256xf32>, vector<16x256xf32>, vector<1000x16xf32> -> vector<1000x16xf32>
    %reduce_max3A = arith.constant dense<0xFF800000> : vector<1000xf32>
    %reduce_max3A_11 = vector.multi_reduction <maximumf>, %dot_general3A_10, %reduce_max3A [1] : vector<1000x16xf32> to vector<1000xf32>
    %broadcast_in_dim3A_12 = vector.shape_cast %reduce_max3A_11 : vector<1000xf32> to vector<1000x1xf32>
    %iota3A = tpu.iota {dimensions = array<i32: 1>} : vector<1000x16xi32>
    %ge3A = vector.broadcast %broadcast_in_dim3A_12 : vector<1000x1xf32> to vector<1000x16xf32>
    %ge3A_13 = arith.cmpf oge, %dot_general3A_10, %ge3A : vector<1000x16xf32>
    %jit3A = arith.constant 1073741824 : i32
    %broadcast_in_dim3A_14 = vector.broadcast %jit3A : i32 to vector<1000x16xi32>
    %select_n3A = arith.select %ge3A_13, %iota3A, %broadcast_in_dim3A_14 : vector<1000x16xi1>, vector<1000x16xi32>
    %reduce_min3A = arith.constant dense<2147483647> : vector<1000xi32>
    %reduce_min3A_15 = vector.multi_reduction <minsi>, %select_n3A, %reduce_min3A [1] : vector<1000x16xi32> to vector<1000xi32>
    %broadcast_in_dim3A_16 = vector.shape_cast %reduce_min3A_15 : vector<1000xi32> to vector<1000x1xi32>
    %eq3A = vector.broadcast %broadcast_in_dim3A_16 : vector<1000x1xi32> to vector<1000x16xi32>
    %eq3A_17 = arith.cmpi eq, %iota3A, %eq3A : vector<1000x16xi32>
    %convert_element_type3A = arith.extui %eq3A_17 : vector<1000x16xi1> to vector<1000x16xi32>
    %convert_element_type3A_18 = arith.sitofp %convert_element_type3A : vector<1000x16xi32> to vector<1000x16xf32>
    %dot_general3A_19 = arith.constant dense<0.000000e+00> : vector<1000x256xf32>
    %dot_general3A_20 = tpu.matmul %convert_element_type3A_18, %squeeze3A, %dot_general3A_19 {dimension_numbers = #tpu.dot_dimension_numbers<[1], [0], [0], [1], [0, 0, 1, 1], [], []>, precision = #tpu.contract_precision<fp32>, transpose_lhs_hint = false} : vector<1000x16xf32>, vector<16x256xf32>, vector<1000x256xf32> -> vector<1000x256xf32>
    %sub3A = arith.subf %dot_general3A_20, %get3A_1 : vector<1000x256xf32>
    %mul3A_21 = arith.mulf %sub3A, %sub3A : vector<1000x256xf32>
    %reduce_sum3A_22 = vector.shape_cast %mul3A_21 : vector<1000x256xf32> to vector<1x1000x256xf32>
    %reduce_sum3A_23 = arith.constant dense<0.000000e+00> : vector<1xf32>
    %reduce_sum3A_24 = vector.multi_reduction <add>, %reduce_sum3A_22, %reduce_sum3A_23 [1, 2] : vector<1x1000x256xf32> to vector<1xf32>
    %reduce_sum3A_25 = vector.shape_cast %reduce_sum3A_24 : vector<1xf32> to vector<1x1x1xf32>
    %reduce_sum3A_26 = vector.extract %reduce_sum3A_25[0, 0, 0] : f32 from vector<1x1x1xf32>
    %add3A_27 = arith.constant 0.000000e+00 : f32
    %add3A_28 = arith.addf %add3A_27, %reduce_sum3A_26 : f32
    %sub3A_29 = arith.subf %get3A_1, %dot_general3A_20 : vector<1000x256xf32>
    %slice3A_30 = vector.extract_strided_slice %get3A_5 {offsets = [1, 0, 0], sizes = [1, 16, 256], strides = [1, 1, 1]} : vector<3x16x256xf32> to vector<1x16x256xf32>
    %squeeze3A_31 = vector.shape_cast %slice3A_30 : vector<1x16x256xf32> to vector<16x256xf32>
    %mul3A_32 = arith.mulf %sub3A_29, %sub3A_29 : vector<1000x256xf32>
    %reduce_sum3A_33 = arith.constant dense<0.000000e+00> : vector<1000xf32>
    %reduce_sum3A_34 = vector.multi_reduction <add>, %mul3A_32, %reduce_sum3A_33 [1] : vector<1000x256xf32> to vector<1000xf32>
    %broadcast_in_dim3A_35 = vector.shape_cast %reduce_sum3A_34 : vector<1000xf32> to vector<1000x1xf32>
    %sqrt3A_36 = math.sqrt %broadcast_in_dim3A_35 : vector<1000x1xf32>
    %add3A_37 = arith.constant 9.99999993E-9 : f32
    %add3A_38 = vector.broadcast %add3A_37 : f32 to vector<1000x1xf32>
    %add3A_39 = arith.addf %sqrt3A_36, %add3A_38 : vector<1000x1xf32>
    %div3A_40 = vector.broadcast %add3A_39 : vector<1000x1xf32> to vector<1000x256xf32>
    %div3A_41 = arith.divf %sub3A_29, %div3A_40 : vector<1000x256xf32>
    %dot_general3A_42 = arith.constant dense<0.000000e+00> : vector<1000x16xf32>
    %dot_general3A_43 = tpu.matmul %div3A_41, %squeeze3A_31, %dot_general3A_42 {dimension_numbers = #tpu.dot_dimension_numbers<[1], [1], [0], [0], [0, 0, 1, 0], [], []>, transpose_lhs_hint = false} : vector<1000x256xf32>, vector<16x256xf32>, vector<1000x16xf32> -> vector<1000x16xf32>
    %reduce_max3A_44 = arith.constant dense<0xFF800000> : vector<1000xf32>
    %reduce_max3A_45 = vector.multi_reduction <maximumf>, %dot_general3A_43, %reduce_max3A_44 [1] : vector<1000x16xf32> to vector<1000xf32>
    %broadcast_in_dim3A_46 = vector.shape_cast %reduce_max3A_45 : vector<1000xf32> to vector<1000x1xf32>
    %iota3A_47 = tpu.iota {dimensions = array<i32: 1>} : vector<1000x16xi32>
    %ge3A_48 = vector.broadcast %broadcast_in_dim3A_46 : vector<1000x1xf32> to vector<1000x16xf32>
    %ge3A_49 = arith.cmpf oge, %dot_general3A_43, %ge3A_48 : vector<1000x16xf32>
    %jit3A_50 = arith.constant 1073741824 : i32
    %broadcast_in_dim3A_51 = vector.broadcast %jit3A_50 : i32 to vector<1000x16xi32>
    %select_n3A_52 = arith.select %ge3A_49, %iota3A_47, %broadcast_in_dim3A_51 : vector<1000x16xi1>, vector<1000x16xi32>
    %reduce_min3A_53 = arith.constant dense<2147483647> : vector<1000xi32>
    %reduce_min3A_54 = vector.multi_reduction <minsi>, %select_n3A_52, %reduce_min3A_53 [1] : vector<1000x16xi32> to vector<1000xi32>
    %broadcast_in_dim3A_55 = vector.shape_cast %reduce_min3A_54 : vector<1000xi32> to vector<1000x1xi32>
    %eq3A_56 = vector.broadcast %broadcast_in_dim3A_55 : vector<1000x1xi32> to vector<1000x16xi32>
    %eq3A_57 = arith.cmpi eq, %iota3A_47, %eq3A_56 : vector<1000x16xi32>
    %convert_element_type3A_58 = arith.extui %eq3A_57 : vector<1000x16xi1> to vector<1000x16xi32>
    %convert_element_type3A_59 = arith.sitofp %convert_element_type3A_58 : vector<1000x16xi32> to vector<1000x16xf32>
    %dot_general3A_60 = arith.constant dense<0.000000e+00> : vector<1000x256xf32>
    %dot_general3A_61 = tpu.matmul %convert_element_type3A_59, %squeeze3A_31, %dot_general3A_60 {dimension_numbers = #tpu.dot_dimension_numbers<[1], [0], [0], [1], [0, 0, 1, 1], [], []>, precision = #tpu.contract_precision<fp32>, transpose_lhs_hint = false} : vector<1000x16xf32>, vector<16x256xf32>, vector<1000x256xf32> -> vector<1000x256xf32>
    %sub3A_62 = arith.subf %dot_general3A_61, %sub3A_29 : vector<1000x256xf32>
    %mul3A_63 = arith.mulf %sub3A_62, %sub3A_62 : vector<1000x256xf32>
    %reduce_sum3A_64 = vector.shape_cast %mul3A_63 : vector<1000x256xf32> to vector<1x1000x256xf32>
    %reduce_sum3A_65 = arith.constant dense<0.000000e+00> : vector<1xf32>
    %reduce_sum3A_66 = vector.multi_reduction <add>, %reduce_sum3A_64, %reduce_sum3A_65 [1, 2] : vector<1x1000x256xf32> to vector<1xf32>
    %reduce_sum3A_67 = vector.shape_cast %reduce_sum3A_66 : vector<1xf32> to vector<1x1x1xf32>
    %reduce_sum3A_68 = vector.extract %reduce_sum3A_67[0, 0, 0] : f32 from vector<1x1x1xf32>
    %add3A_69 = arith.addf %add3A_28, %reduce_sum3A_68 : f32
    %sub3A_70 = arith.subf %sub3A_29, %dot_general3A_61 : vector<1000x256xf32>
    %slice3A_71 = vector.extract_strided_slice %get3A_5 {offsets = [2, 0, 0], sizes = [1, 16, 256], strides = [1, 1, 1]} : vector<3x16x256xf32> to vector<1x16x256xf32>
    %squeeze3A_72 = vector.shape_cast %slice3A_71 : vector<1x16x256xf32> to vector<16x256xf32>
    %mul3A_73 = arith.mulf %sub3A_70, %sub3A_70 : vector<1000x256xf32>
    %reduce_sum3A_74 = arith.constant dense<0.000000e+00> : vector<1000xf32>
    %reduce_sum3A_75 = vector.multi_reduction <add>, %mul3A_73, %reduce_sum3A_74 [1] : vector<1000x256xf32> to vector<1000xf32>
    %broadcast_in_dim3A_76 = vector.shape_cast %reduce_sum3A_75 : vector<1000xf32> to vector<1000x1xf32>
    %sqrt3A_77 = math.sqrt %broadcast_in_dim3A_76 : vector<1000x1xf32>
    %add3A_78 = arith.constant 9.99999993E-9 : f32
    %add3A_79 = vector.broadcast %add3A_78 : f32 to vector<1000x1xf32>
    %add3A_80 = arith.addf %sqrt3A_77, %add3A_79 : vector<1000x1xf32>
    %div3A_81 = vector.broadcast %add3A_80 : vector<1000x1xf32> to vector<1000x256xf32>
    %div3A_82 = arith.divf %sub3A_70, %div3A_81 : vector<1000x256xf32>
    %dot_general3A_83 = arith.constant dense<0.000000e+00> : vector<1000x16xf32>
    %dot_general3A_84 = tpu.matmul %div3A_82, %squeeze3A_72, %dot_general3A_83 {dimension_numbers = #tpu.dot_dimension_numbers<[1], [1], [0], [0], [0, 0, 1, 0], [], []>, transpose_lhs_hint = false} : vector<1000x256xf32>, vector<16x256xf32>, vector<1000x16xf32> -> vector<1000x16xf32>
    %reduce_max3A_85 = arith.constant dense<0xFF800000> : vector<1000xf32>
    %reduce_max3A_86 = vector.multi_reduction <maximumf>, %dot_general3A_84, %reduce_max3A_85 [1] : vector<1000x16xf32> to vector<1000xf32>
    %broadcast_in_dim3A_87 = vector.shape_cast %reduce_max3A_86 : vector<1000xf32> to vector<1000x1xf32>
    %iota3A_88 = tpu.iota {dimensions = array<i32: 1>} : vector<1000x16xi32>
    %ge3A_89 = vector.broadcast %broadcast_in_dim3A_87 : vector<1000x1xf32> to vector<1000x16xf32>
    %ge3A_90 = arith.cmpf oge, %dot_general3A_84, %ge3A_89 : vector<1000x16xf32>
    %jit3A_91 = arith.constant 1073741824 : i32
    %broadcast_in_dim3A_92 = vector.broadcast %jit3A_91 : i32 to vector<1000x16xi32>
    %select_n3A_93 = arith.select %ge3A_90, %iota3A_88, %broadcast_in_dim3A_92 : vector<1000x16xi1>, vector<1000x16xi32>
    %reduce_min3A_94 = arith.constant dense<2147483647> : vector<1000xi32>
    %reduce_min3A_95 = vector.multi_reduction <minsi>, %select_n3A_93, %reduce_min3A_94 [1] : vector<1000x16xi32> to vector<1000xi32>
    %broadcast_in_dim3A_96 = vector.shape_cast %reduce_min3A_95 : vector<1000xi32> to vector<1000x1xi32>
    %eq3A_97 = vector.broadcast %broadcast_in_dim3A_96 : vector<1000x1xi32> to vector<1000x16xi32>
    %eq3A_98 = arith.cmpi eq, %iota3A_88, %eq3A_97 : vector<1000x16xi32>
    %convert_element_type3A_99 = arith.extui %eq3A_98 : vector<1000x16xi1> to vector<1000x16xi32>
    %convert_element_type3A_100 = arith.sitofp %convert_element_type3A_99 : vector<1000x16xi32> to vector<1000x16xf32>
    %dot_general3A_101 = arith.constant dense<0.000000e+00> : vector<1000x256xf32>
    %dot_general3A_102 = tpu.matmul %convert_element_type3A_100, %squeeze3A_72, %dot_general3A_101 {dimension_numbers = #tpu.dot_dimension_numbers<[1], [0], [0], [1], [0, 0, 1, 1], [], []>, precision = #tpu.contract_precision<fp32>, transpose_lhs_hint = false} : vector<1000x16xf32>, vector<16x256xf32>, vector<1000x256xf32> -> vector<1000x256xf32>
    %sub3A_103 = arith.subf %dot_general3A_102, %sub3A_70 : vector<1000x256xf32>
    %mul3A_104 = arith.mulf %sub3A_103, %sub3A_103 : vector<1000x256xf32>
    %reduce_sum3A_105 = vector.shape_cast %mul3A_104 : vector<1000x256xf32> to vector<1x1000x256xf32>
    %reduce_sum3A_106 = arith.constant dense<0.000000e+00> : vector<1xf32>
    %reduce_sum3A_107 = vector.multi_reduction <add>, %reduce_sum3A_105, %reduce_sum3A_106 [1, 2] : vector<1x1000x256xf32> to vector<1xf32>
    %reduce_sum3A_108 = vector.shape_cast %reduce_sum3A_107 : vector<1xf32> to vector<1x1x1xf32>
    %reduce_sum3A_109 = vector.extract %reduce_sum3A_108[0, 0, 0] : f32 from vector<1x1x1xf32>
    %add3A_110 = arith.addf %add3A_69, %reduce_sum3A_109 : f32
    %broadcast_in_dim3A_111 = vector.shape_cast %reduce_min3A_15 : vector<1000xi32> to vector<1000x1xi32>
    %swap3A = arith.constant 0 : index
    %swap3A_112 = arith.constant 0 : index
    %swap3A_113 = vector.load %arg5[%swap3A, %swap3A_112] : memref<1000x1xi32, #tpu.memory_space<vmem>>, vector<1000x1xi32>
    tpu.vector_store %arg5[%swap3A, %swap3A_112], %broadcast_in_dim3A_111 {strides = array<i32>} : memref<1000x1xi32, #tpu.memory_space<vmem>>, vector<1000x1xi32>,
    %broadcast_in_dim3A_114 = vector.shape_cast %reduce_min3A_54 : vector<1000xi32> to vector<1000x1xi32>
    %swap3A_115 = arith.constant 0 : index
    %swap3A_116 = arith.constant 0 : index
    %swap3A_117 = vector.load %arg6[%swap3A_115, %swap3A_116] : memref<1000x1xi32, #tpu.memory_space<vmem>>, vector<1000x1xi32>
    tpu.vector_store %arg6[%swap3A_115, %swap3A_116], %broadcast_in_dim3A_114 {strides = array<i32>} : memref<1000x1xi32, #tpu.memory_space<vmem>>, vector<1000x1xi32>,
    %broadcast_in_dim3A_118 = vector.shape_cast %reduce_min3A_95 : vector<1000xi32> to vector<1000x1xi32>
    %swap3A_119 = arith.constant 0 : index
    %swap3A_120 = arith.constant 0 : index
    %swap3A_121 = vector.load %arg7[%swap3A_119, %swap3A_120] : memref<1000x1xi32, #tpu.memory_space<vmem>>, vector<1000x1xi32>
    tpu.vector_store %arg7[%swap3A_119, %swap3A_120], %broadcast_in_dim3A_118 {strides = array<i32>} : memref<1000x1xi32, #tpu.memory_space<vmem>>, vector<1000x1xi32>,
    %eq3A_122 = arith.constant 0 : i32
    %eq3A_123 = arith.cmpi eq, %arg0, %eq3A_122 : i32
    %convert_element_type3A_124 = arith.extui %eq3A_123 : i1 to i32
    %cond3A = arith.constant 0 : i32
    %cond3A_125 = arith.cmpi ne, %convert_element_type3A_124, %cond3A : i32
    scf.if %cond3A_125 {
      %swap3A_146 = arith.constant 0.000000e+00 : f32
      %swap3A_147 = arith.constant 0 : index
      %swap3A_148 = arith.constant 0 : index
      %swap3A_149 = memref.load %arg8[%swap3A_147, %swap3A_148] : memref<1x1xf32, #tpu.memory_space<smem>>
      memref.store %swap3A_146, %arg8[%swap3A_147, %swap3A_148] : memref<1x1xf32, #tpu.memory_space<smem>>
    } else {
    }
    %get3A_126 = arith.constant 0 : index
    %get3A_127 = arith.constant 0 : index
    %get3A_128 = memref.load %arg8[%get3A_126, %get3A_127] : memref<1x1xf32, #tpu.memory_space<smem>>
    %add3A_129 = arith.addf %get3A_128, %add3A_110 : f32
    %swap3A_130 = arith.constant 0 : index
    %swap3A_131 = arith.constant 0 : index
    %swap3A_132 = memref.load %arg8[%swap3A_130, %swap3A_131] : memref<1x1xf32, #tpu.memory_space<smem>>
    memref.store %add3A_129, %arg8[%swap3A_130, %swap3A_131] : memref<1x1xf32, #tpu.memory_space<smem>>
    %get3A_133 = arith.constant 0 : index
    %get3A_134 = arith.constant 0 : index
    %get3A_135 = vector.load %arg4[%get3A_133, %get3A_134] : memref<256x128xf32, #tpu.memory_space<vmem>>, vector<256x128xf32>
    %dot_general3A_136 = arith.constant dense<0.000000e+00> : vector<1000x128xf32>
    %dot_general3A_137 = tpu.matmul %get3A_1, %get3A_135, %dot_general3A_136 {dimension_numbers = #tpu.dot_dimension_numbers<[1], [0], [0], [1], [0, 0, 1, 1], [], []>, transpose_lhs_hint = false} : vector<1000x256xf32>, vector<256x128xf32>, vector<1000x128xf32> -> vector<1000x128xf32>
    %get3A_138 = arith.constant 0 : index
    %get3A_139 = arith.constant 0 : index
    %get3A_140 = vector.load %arg1[%get3A_138, %get3A_139] : memref<1000x1xf32, #tpu.memory_space<vmem>>, vector<1000x1xf32>
    %mul3A_141 = vector.broadcast %get3A_140 : vector<1000x1xf32> to vector<1000x128xf32>
    %mul3A_142 = arith.mulf %dot_general3A_137, %mul3A_141 : vector<1000x128xf32>
    %swap3A_143 = arith.constant 0 : index
    %swap3A_144 = arith.constant 0 : index
    %swap3A_145 = vector.load %arg9[%swap3A_143, %swap3A_144] : memref<1000x128xf32, #tpu.memory_space<vmem>>, vector<1000x128xf32>
    tpu.vector_store %arg9[%swap3A_143, %swap3A_144], %mul3A_142 {strides = array<i32>} : memref<1000x128xf32, #tpu.memory_space<vmem>>, vector<1000x128xf32>,
    return
  }
  func.func @transform_0(%arg0: i32) -> (i32, i32) {
    %c0_i32 = arith.constant 0 : i32
    %c0_i32_0 = arith.constant 0 : i32
    return %arg0, %c0_i32 : i32, i32
  }
  func.func @transform_1(%arg0: i32) -> (i32, i32) {
    %c0_i32 = arith.constant 0 : i32
    %c0_i32_0 = arith.constant 0 : i32
    return %arg0, %c0_i32 : i32, i32
  }
  func.func @transform_2(%arg0: i32) -> (i32, i32, i32) {
    %c0_i32 = arith.constant 0 : i32
    %c0_i32_0 = arith.constant 0 : i32
    %c0_i32_1 = arith.constant 0 : i32
    %c0_i32_2 = arith.constant 0 : i32
    return %c0_i32, %c0_i32_0, %c0_i32_1 : i32, i32, i32
  }
  func.func @transform_3(%arg0: i32) -> (i32, i32) {
    %c0_i32 = arith.constant 0 : i32
    %c0_i32_0 = arith.constant 0 : i32
    %c0_i32_1 = arith.constant 0 : i32
    return %c0_i32, %c0_i32_0 : i32, i32
  }
  func.func @transform_4(%arg0: i32) -> (i32, i32) {
    %c0_i32 = arith.constant 0 : i32
    %c0_i32_0 = arith.constant 0 : i32
    return %arg0, %c0_i32 : i32, i32
  }
  func.func @transform_5(%arg0: i32) -> (i32, i32) {
    %c0_i32 = arith.constant 0 : i32
    %c0_i32_0 = arith.constant 0 : i32
    return %arg0, %c0_i32 : i32, i32
  }
  func.func @transform_6(%arg0: i32) -> (i32, i32) {
    %c0_i32 = arith.constant 0 : i32
    %c0_i32_0 = arith.constant 0 : i32
    return %arg0, %c0_i32 : i32, i32
  }
  func.func @transform_7(%arg0: i32) -> (i32, i32) {
    %c0_i32 = arith.constant 0 : i32
    %c0_i32_0 = arith.constant 0 : i32
    %c0_i32_1 = arith.constant 0 : i32
    return %c0_i32, %c0_i32_0 : i32, i32
  }
  func.func @transform_8(%arg0: i32) -> (i32, i32) {
    %c0_i32 = arith.constant 0 : i32
    %c0_i32_0 = arith.constant 0 : i32
    return %arg0, %c0_i32 : i32, i32
  }
}

module attributes {stable_mosaic.version = 14 : i64} {
  func.func @_pre_c_body(%arg0: i32, %arg1: memref<1000x1xf32, #tpu.memory_space<vmem>>, %arg2: memref<1000x128xf32, #tpu.memory_space<vmem>>, %arg3: memref<1x128xf32, #tpu.memory_space<vmem>>, %arg4: memref<1000x128xf32, #tpu.memory_space<vmem>>) attributes {dimension_semantics = [#tpu.dimension_semantics<arbitrary>], iteration_bounds = array<i64: 10>, scalar_prefetch = 0 : i64, scratch_operands = 0 : i64, tpu.core_type = #tpu.core_type<tc>, window_params = [{transform_indices = @transform_0, window_bounds = array<i64: 1000, 1>}, {transform_indices = @transform_1, window_bounds = array<i64: 1000, 128>}, {pipeline_mode = #tpu.pipeline_mode<synchronous>, transform_indices = @transform_2, window_bounds = array<i64: 1, 128>}, {transform_indices = @transform_3, window_bounds = array<i64: 1000, 128>}]} {
    %get3A = arith.constant 0 : index
    %get3A_0 = arith.constant 0 : index
    %get3A_1 = vector.load %arg2[%get3A, %get3A_0] : memref<1000x128xf32, #tpu.memory_space<vmem>>, vector<1000x128xf32>
    %get3A_2 = arith.constant 0 : index
    %get3A_3 = arith.constant 0 : index
    %get3A_4 = vector.load %arg1[%get3A_2, %get3A_3] : memref<1000x1xf32, #tpu.memory_space<vmem>>, vector<1000x1xf32>
    %mul3A = vector.broadcast %get3A_4 : vector<1000x1xf32> to vector<1000x128xf32>
    %mul3A_5 = arith.mulf %get3A_1, %mul3A : vector<1000x128xf32>
    %get3A_6 = arith.constant 0 : index
    %get3A_7 = arith.constant 0 : index
    %get3A_8 = vector.load %arg3[%get3A_6, %get3A_7] : memref<1x128xf32, #tpu.memory_space<vmem>>, vector<1x128xf32>
    %add3A = vector.broadcast %get3A_8 : vector<1x128xf32> to vector<1000x128xf32>
    %add3A_9 = arith.addf %mul3A_5, %add3A : vector<1000x128xf32>
    %swap3A = arith.constant 0 : index
    %swap3A_10 = arith.constant 0 : index
    %swap3A_11 = vector.load %arg4[%swap3A, %swap3A_10] : memref<1000x128xf32, #tpu.memory_space<vmem>>, vector<1000x128xf32>
    tpu.vector_store %arg4[%swap3A, %swap3A_10], %add3A_9 {strides = array<i32>} : memref<1000x128xf32, #tpu.memory_space<vmem>>, vector<1000x128xf32>,
    return
  }
  func.func @transform_0(%arg0: i32) -> (i32, i32) {
    %c0_i32 = arith.constant 0 : i32
    %c0_i32_0 = arith.constant 0 : i32
    return %arg0, %c0_i32 : i32, i32
  }
  func.func @transform_1(%arg0: i32) -> (i32, i32) {
    %c0_i32 = arith.constant 0 : i32
    %c0_i32_0 = arith.constant 0 : i32
    return %arg0, %c0_i32 : i32, i32
  }
  func.func @transform_2(%arg0: i32) -> (i32, i32) {
    %c0_i32 = arith.constant 0 : i32
    %c0_i32_0 = arith.constant 0 : i32
    %c0_i32_1 = arith.constant 0 : i32
    return %c0_i32, %c0_i32_0 : i32, i32
  }
  func.func @transform_3(%arg0: i32) -> (i32, i32) {
    %c0_i32 = arith.constant 0 : i32
    %c0_i32_0 = arith.constant 0 : i32
    return %arg0, %c0_i32 : i32, i32
  }
}

module attributes {stable_mosaic.version = 14 : i64} {
  func.func @_post_body(%arg0: i32, %arg1: memref<1000x1xf32, #tpu.memory_space<vmem>>, %arg2: memref<1000x128xf32, #tpu.memory_space<vmem>>, %arg3: memref<3x16x128xf32, #tpu.memory_space<vmem>>, %arg4: memref<128x128xf32, #tpu.memory_space<vmem>>, %arg5: memref<1000x1xi32, #tpu.memory_space<vmem>>, %arg6: memref<1000x1xi32, #tpu.memory_space<vmem>>, %arg7: memref<1000x1xi32, #tpu.memory_space<vmem>>, %arg8: memref<1x1xf32, #tpu.memory_space<smem>>, %arg9: memref<1000x128xf32, #tpu.memory_space<vmem>>) attributes {dimension_semantics = [#tpu.dimension_semantics<arbitrary>], iteration_bounds = array<i64: 10>, scalar_prefetch = 0 : i64, scratch_operands = 0 : i64, tpu.core_type = #tpu.core_type<tc>, window_params = [{transform_indices = @transform_0, window_bounds = array<i64: 1000, 1>}, {transform_indices = @transform_1, window_bounds = array<i64: 1000, 128>}, {pipeline_mode = #tpu.pipeline_mode<synchronous>, transform_indices = @transform_2, window_bounds = array<i64: 3, 16, 128>}, {pipeline_mode = #tpu.pipeline_mode<synchronous>, transform_indices = @transform_3, window_bounds = array<i64: 128, 128>}, {transform_indices = @transform_4, window_bounds = array<i64: 1000, 1>}, {transform_indices = @transform_5, window_bounds = array<i64: 1000, 1>}, {transform_indices = @transform_6, window_bounds = array<i64: 1000, 1>}, {transform_indices = @transform_7, window_bounds = array<i64: 1, 1>}, {transform_indices = @transform_8, window_bounds = array<i64: 1000, 128>}]} {
    %get3A = arith.constant 0 : index
    %get3A_0 = arith.constant 0 : index
    %get3A_1 = vector.load %arg2[%get3A, %get3A_0] : memref<1000x128xf32, #tpu.memory_space<vmem>>, vector<1000x128xf32>
    %get3A_2 = arith.constant 0 : index
    %get3A_3 = arith.constant 0 : index
    %get3A_4 = arith.constant 0 : index
    %get3A_5 = vector.load %arg3[%get3A_2, %get3A_3, %get3A_4] : memref<3x16x128xf32, #tpu.memory_space<vmem>>, vector<3x16x128xf32>
    %slice3A = vector.extract_strided_slice %get3A_5 {offsets = [0, 0, 0], sizes = [1, 16, 128], strides = [1, 1, 1]} : vector<3x16x128xf32> to vector<1x16x128xf32>
    %squeeze3A = vector.shape_cast %slice3A : vector<1x16x128xf32> to vector<16x128xf32>
    %mul3A = arith.mulf %get3A_1, %get3A_1 : vector<1000x128xf32>
    %reduce_sum3A = arith.constant dense<0.000000e+00> : vector<1000xf32>
    %reduce_sum3A_6 = vector.multi_reduction <add>, %mul3A, %reduce_sum3A [1] : vector<1000x128xf32> to vector<1000xf32>
    %broadcast_in_dim3A = vector.shape_cast %reduce_sum3A_6 : vector<1000xf32> to vector<1000x1xf32>
    %sqrt3A = math.sqrt %broadcast_in_dim3A : vector<1000x1xf32>
    %add3A = arith.constant 9.99999993E-9 : f32
    %add3A_7 = vector.broadcast %add3A : f32 to vector<1000x1xf32>
    %add3A_8 = arith.addf %sqrt3A, %add3A_7 : vector<1000x1xf32>
    %div3A = vector.broadcast %add3A_8 : vector<1000x1xf32> to vector<1000x128xf32>
    %div3A_9 = arith.divf %get3A_1, %div3A : vector<1000x128xf32>
    %dot_general3A = arith.constant dense<0.000000e+00> : vector<1000x16xf32>
    %dot_general3A_10 = tpu.matmul %div3A_9, %squeeze3A, %dot_general3A {dimension_numbers = #tpu.dot_dimension_numbers<[1], [1], [0], [0], [0, 0, 1, 0], [], []>, transpose_lhs_hint = false} : vector<1000x128xf32>, vector<16x128xf32>, vector<1000x16xf32> -> vector<1000x16xf32>
    %reduce_max3A = arith.constant dense<0xFF800000> : vector<1000xf32>
    %reduce_max3A_11 = vector.multi_reduction <maximumf>, %dot_general3A_10, %reduce_max3A [1] : vector<1000x16xf32> to vector<1000xf32>
    %broadcast_in_dim3A_12 = vector.shape_cast %reduce_max3A_11 : vector<1000xf32> to vector<1000x1xf32>
    %iota3A = tpu.iota {dimensions = array<i32: 1>} : vector<1000x16xi32>
    %ge3A = vector.broadcast %broadcast_in_dim3A_12 : vector<1000x1xf32> to vector<1000x16xf32>
    %ge3A_13 = arith.cmpf oge, %dot_general3A_10, %ge3A : vector<1000x16xf32>
    %jit3A = arith.constant 1073741824 : i32
    %broadcast_in_dim3A_14 = vector.broadcast %jit3A : i32 to vector<1000x16xi32>
    %select_n3A = arith.select %ge3A_13, %iota3A, %broadcast_in_dim3A_14 : vector<1000x16xi1>, vector<1000x16xi32>
    %reduce_min3A = arith.constant dense<2147483647> : vector<1000xi32>
    %reduce_min3A_15 = vector.multi_reduction <minsi>, %select_n3A, %reduce_min3A [1] : vector<1000x16xi32> to vector<1000xi32>
    %broadcast_in_dim3A_16 = vector.shape_cast %reduce_min3A_15 : vector<1000xi32> to vector<1000x1xi32>
    %eq3A = vector.broadcast %broadcast_in_dim3A_16 : vector<1000x1xi32> to vector<1000x16xi32>
    %eq3A_17 = arith.cmpi eq, %iota3A, %eq3A : vector<1000x16xi32>
    %convert_element_type3A = arith.extui %eq3A_17 : vector<1000x16xi1> to vector<1000x16xi32>
    %convert_element_type3A_18 = arith.sitofp %convert_element_type3A : vector<1000x16xi32> to vector<1000x16xf32>
    %dot_general3A_19 = arith.constant dense<0.000000e+00> : vector<1000x128xf32>
    %dot_general3A_20 = tpu.matmul %convert_element_type3A_18, %squeeze3A, %dot_general3A_19 {dimension_numbers = #tpu.dot_dimension_numbers<[1], [0], [0], [1], [0, 0, 1, 1], [], []>, precision = #tpu.contract_precision<fp32>, transpose_lhs_hint = false} : vector<1000x16xf32>, vector<16x128xf32>, vector<1000x128xf32> -> vector<1000x128xf32>
    %sub3A = arith.subf %dot_general3A_20, %get3A_1 : vector<1000x128xf32>
    %mul3A_21 = arith.mulf %sub3A, %sub3A : vector<1000x128xf32>
    %reduce_sum3A_22 = vector.shape_cast %mul3A_21 : vector<1000x128xf32> to vector<1x1000x128xf32>
    %reduce_sum3A_23 = arith.constant dense<0.000000e+00> : vector<1xf32>
    %reduce_sum3A_24 = vector.multi_reduction <add>, %reduce_sum3A_22, %reduce_sum3A_23 [1, 2] : vector<1x1000x128xf32> to vector<1xf32>
    %reduce_sum3A_25 = vector.shape_cast %reduce_sum3A_24 : vector<1xf32> to vector<1x1x1xf32>
    %reduce_sum3A_26 = vector.extract %reduce_sum3A_25[0, 0, 0] : f32 from vector<1x1x1xf32>
    %add3A_27 = arith.constant 0.000000e+00 : f32
    %add3A_28 = arith.addf %add3A_27, %reduce_sum3A_26 : f32
    %sub3A_29 = arith.subf %get3A_1, %dot_general3A_20 : vector<1000x128xf32>
    %slice3A_30 = vector.extract_strided_slice %get3A_5 {offsets = [1, 0, 0], sizes = [1, 16, 128], strides = [1, 1, 1]} : vector<3x16x128xf32> to vector<1x16x128xf32>
    %squeeze3A_31 = vector.shape_cast %slice3A_30 : vector<1x16x128xf32> to vector<16x128xf32>
    %mul3A_32 = arith.mulf %sub3A_29, %sub3A_29 : vector<1000x128xf32>
    %reduce_sum3A_33 = arith.constant dense<0.000000e+00> : vector<1000xf32>
    %reduce_sum3A_34 = vector.multi_reduction <add>, %mul3A_32, %reduce_sum3A_33 [1] : vector<1000x128xf32> to vector<1000xf32>
    %broadcast_in_dim3A_35 = vector.shape_cast %reduce_sum3A_34 : vector<1000xf32> to vector<1000x1xf32>
    %sqrt3A_36 = math.sqrt %broadcast_in_dim3A_35 : vector<1000x1xf32>
    %add3A_37 = arith.constant 9.99999993E-9 : f32
    %add3A_38 = vector.broadcast %add3A_37 : f32 to vector<1000x1xf32>
    %add3A_39 = arith.addf %sqrt3A_36, %add3A_38 : vector<1000x1xf32>
    %div3A_40 = vector.broadcast %add3A_39 : vector<1000x1xf32> to vector<1000x128xf32>
    %div3A_41 = arith.divf %sub3A_29, %div3A_40 : vector<1000x128xf32>
    %dot_general3A_42 = arith.constant dense<0.000000e+00> : vector<1000x16xf32>
    %dot_general3A_43 = tpu.matmul %div3A_41, %squeeze3A_31, %dot_general3A_42 {dimension_numbers = #tpu.dot_dimension_numbers<[1], [1], [0], [0], [0, 0, 1, 0], [], []>, transpose_lhs_hint = false} : vector<1000x128xf32>, vector<16x128xf32>, vector<1000x16xf32> -> vector<1000x16xf32>
    %reduce_max3A_44 = arith.constant dense<0xFF800000> : vector<1000xf32>
    %reduce_max3A_45 = vector.multi_reduction <maximumf>, %dot_general3A_43, %reduce_max3A_44 [1] : vector<1000x16xf32> to vector<1000xf32>
    %broadcast_in_dim3A_46 = vector.shape_cast %reduce_max3A_45 : vector<1000xf32> to vector<1000x1xf32>
    %iota3A_47 = tpu.iota {dimensions = array<i32: 1>} : vector<1000x16xi32>
    %ge3A_48 = vector.broadcast %broadcast_in_dim3A_46 : vector<1000x1xf32> to vector<1000x16xf32>
    %ge3A_49 = arith.cmpf oge, %dot_general3A_43, %ge3A_48 : vector<1000x16xf32>
    %jit3A_50 = arith.constant 1073741824 : i32
    %broadcast_in_dim3A_51 = vector.broadcast %jit3A_50 : i32 to vector<1000x16xi32>
    %select_n3A_52 = arith.select %ge3A_49, %iota3A_47, %broadcast_in_dim3A_51 : vector<1000x16xi1>, vector<1000x16xi32>
    %reduce_min3A_53 = arith.constant dense<2147483647> : vector<1000xi32>
    %reduce_min3A_54 = vector.multi_reduction <minsi>, %select_n3A_52, %reduce_min3A_53 [1] : vector<1000x16xi32> to vector<1000xi32>
    %broadcast_in_dim3A_55 = vector.shape_cast %reduce_min3A_54 : vector<1000xi32> to vector<1000x1xi32>
    %eq3A_56 = vector.broadcast %broadcast_in_dim3A_55 : vector<1000x1xi32> to vector<1000x16xi32>
    %eq3A_57 = arith.cmpi eq, %iota3A_47, %eq3A_56 : vector<1000x16xi32>
    %convert_element_type3A_58 = arith.extui %eq3A_57 : vector<1000x16xi1> to vector<1000x16xi32>
    %convert_element_type3A_59 = arith.sitofp %convert_element_type3A_58 : vector<1000x16xi32> to vector<1000x16xf32>
    %dot_general3A_60 = arith.constant dense<0.000000e+00> : vector<1000x128xf32>
    %dot_general3A_61 = tpu.matmul %convert_element_type3A_59, %squeeze3A_31, %dot_general3A_60 {dimension_numbers = #tpu.dot_dimension_numbers<[1], [0], [0], [1], [0, 0, 1, 1], [], []>, precision = #tpu.contract_precision<fp32>, transpose_lhs_hint = false} : vector<1000x16xf32>, vector<16x128xf32>, vector<1000x128xf32> -> vector<1000x128xf32>
    %sub3A_62 = arith.subf %dot_general3A_61, %sub3A_29 : vector<1000x128xf32>
    %mul3A_63 = arith.mulf %sub3A_62, %sub3A_62 : vector<1000x128xf32>
    %reduce_sum3A_64 = vector.shape_cast %mul3A_63 : vector<1000x128xf32> to vector<1x1000x128xf32>
    %reduce_sum3A_65 = arith.constant dense<0.000000e+00> : vector<1xf32>
    %reduce_sum3A_66 = vector.multi_reduction <add>, %reduce_sum3A_64, %reduce_sum3A_65 [1, 2] : vector<1x1000x128xf32> to vector<1xf32>
    %reduce_sum3A_67 = vector.shape_cast %reduce_sum3A_66 : vector<1xf32> to vector<1x1x1xf32>
    %reduce_sum3A_68 = vector.extract %reduce_sum3A_67[0, 0, 0] : f32 from vector<1x1x1xf32>
    %add3A_69 = arith.addf %add3A_28, %reduce_sum3A_68 : f32
    %sub3A_70 = arith.subf %sub3A_29, %dot_general3A_61 : vector<1000x128xf32>
    %slice3A_71 = vector.extract_strided_slice %get3A_5 {offsets = [2, 0, 0], sizes = [1, 16, 128], strides = [1, 1, 1]} : vector<3x16x128xf32> to vector<1x16x128xf32>
    %squeeze3A_72 = vector.shape_cast %slice3A_71 : vector<1x16x128xf32> to vector<16x128xf32>
    %mul3A_73 = arith.mulf %sub3A_70, %sub3A_70 : vector<1000x128xf32>
    %reduce_sum3A_74 = arith.constant dense<0.000000e+00> : vector<1000xf32>
    %reduce_sum3A_75 = vector.multi_reduction <add>, %mul3A_73, %reduce_sum3A_74 [1] : vector<1000x128xf32> to vector<1000xf32>
    %broadcast_in_dim3A_76 = vector.shape_cast %reduce_sum3A_75 : vector<1000xf32> to vector<1000x1xf32>
    %sqrt3A_77 = math.sqrt %broadcast_in_dim3A_76 : vector<1000x1xf32>
    %add3A_78 = arith.constant 9.99999993E-9 : f32
    %add3A_79 = vector.broadcast %add3A_78 : f32 to vector<1000x1xf32>
    %add3A_80 = arith.addf %sqrt3A_77, %add3A_79 : vector<1000x1xf32>
    %div3A_81 = vector.broadcast %add3A_80 : vector<1000x1xf32> to vector<1000x128xf32>
    %div3A_82 = arith.divf %sub3A_70, %div3A_81 : vector<1000x128xf32>
    %dot_general3A_83 = arith.constant dense<0.000000e+00> : vector<1000x16xf32>
    %dot_general3A_84 = tpu.matmul %div3A_82, %squeeze3A_72, %dot_general3A_83 {dimension_numbers = #tpu.dot_dimension_numbers<[1], [1], [0], [0], [0, 0, 1, 0], [], []>, transpose_lhs_hint = false} : vector<1000x128xf32>, vector<16x128xf32>, vector<1000x16xf32> -> vector<1000x16xf32>
    %reduce_max3A_85 = arith.constant dense<0xFF800000> : vector<1000xf32>
    %reduce_max3A_86 = vector.multi_reduction <maximumf>, %dot_general3A_84, %reduce_max3A_85 [1] : vector<1000x16xf32> to vector<1000xf32>
    %broadcast_in_dim3A_87 = vector.shape_cast %reduce_max3A_86 : vector<1000xf32> to vector<1000x1xf32>
    %iota3A_88 = tpu.iota {dimensions = array<i32: 1>} : vector<1000x16xi32>
    %ge3A_89 = vector.broadcast %broadcast_in_dim3A_87 : vector<1000x1xf32> to vector<1000x16xf32>
    %ge3A_90 = arith.cmpf oge, %dot_general3A_84, %ge3A_89 : vector<1000x16xf32>
    %jit3A_91 = arith.constant 1073741824 : i32
    %broadcast_in_dim3A_92 = vector.broadcast %jit3A_91 : i32 to vector<1000x16xi32>
    %select_n3A_93 = arith.select %ge3A_90, %iota3A_88, %broadcast_in_dim3A_92 : vector<1000x16xi1>, vector<1000x16xi32>
    %reduce_min3A_94 = arith.constant dense<2147483647> : vector<1000xi32>
    %reduce_min3A_95 = vector.multi_reduction <minsi>, %select_n3A_93, %reduce_min3A_94 [1] : vector<1000x16xi32> to vector<1000xi32>
    %broadcast_in_dim3A_96 = vector.shape_cast %reduce_min3A_95 : vector<1000xi32> to vector<1000x1xi32>
    %eq3A_97 = vector.broadcast %broadcast_in_dim3A_96 : vector<1000x1xi32> to vector<1000x16xi32>
    %eq3A_98 = arith.cmpi eq, %iota3A_88, %eq3A_97 : vector<1000x16xi32>
    %convert_element_type3A_99 = arith.extui %eq3A_98 : vector<1000x16xi1> to vector<1000x16xi32>
    %convert_element_type3A_100 = arith.sitofp %convert_element_type3A_99 : vector<1000x16xi32> to vector<1000x16xf32>
    %dot_general3A_101 = arith.constant dense<0.000000e+00> : vector<1000x128xf32>
    %dot_general3A_102 = tpu.matmul %convert_element_type3A_100, %squeeze3A_72, %dot_general3A_101 {dimension_numbers = #tpu.dot_dimension_numbers<[1], [0], [0], [1], [0, 0, 1, 1], [], []>, precision = #tpu.contract_precision<fp32>, transpose_lhs_hint = false} : vector<1000x16xf32>, vector<16x128xf32>, vector<1000x128xf32> -> vector<1000x128xf32>
    %sub3A_103 = arith.subf %dot_general3A_102, %sub3A_70 : vector<1000x128xf32>
    %mul3A_104 = arith.mulf %sub3A_103, %sub3A_103 : vector<1000x128xf32>
    %reduce_sum3A_105 = vector.shape_cast %mul3A_104 : vector<1000x128xf32> to vector<1x1000x128xf32>
    %reduce_sum3A_106 = arith.constant dense<0.000000e+00> : vector<1xf32>
    %reduce_sum3A_107 = vector.multi_reduction <add>, %reduce_sum3A_105, %reduce_sum3A_106 [1, 2] : vector<1x1000x128xf32> to vector<1xf32>
    %reduce_sum3A_108 = vector.shape_cast %reduce_sum3A_107 : vector<1xf32> to vector<1x1x1xf32>
    %reduce_sum3A_109 = vector.extract %reduce_sum3A_108[0, 0, 0] : f32 from vector<1x1x1xf32>
    %add3A_110 = arith.addf %add3A_69, %reduce_sum3A_109 : f32
    %broadcast_in_dim3A_111 = vector.shape_cast %reduce_min3A_15 : vector<1000xi32> to vector<1000x1xi32>
    %swap3A = arith.constant 0 : index
    %swap3A_112 = arith.constant 0 : index
    %swap3A_113 = vector.load %arg5[%swap3A, %swap3A_112] : memref<1000x1xi32, #tpu.memory_space<vmem>>, vector<1000x1xi32>
    tpu.vector_store %arg5[%swap3A, %swap3A_112], %broadcast_in_dim3A_111 {strides = array<i32>} : memref<1000x1xi32, #tpu.memory_space<vmem>>, vector<1000x1xi32>,
    %broadcast_in_dim3A_114 = vector.shape_cast %reduce_min3A_54 : vector<1000xi32> to vector<1000x1xi32>
    %swap3A_115 = arith.constant 0 : index
    %swap3A_116 = arith.constant 0 : index
    %swap3A_117 = vector.load %arg6[%swap3A_115, %swap3A_116] : memref<1000x1xi32, #tpu.memory_space<vmem>>, vector<1000x1xi32>
    tpu.vector_store %arg6[%swap3A_115, %swap3A_116], %broadcast_in_dim3A_114 {strides = array<i32>} : memref<1000x1xi32, #tpu.memory_space<vmem>>, vector<1000x1xi32>,
    %broadcast_in_dim3A_118 = vector.shape_cast %reduce_min3A_95 : vector<1000xi32> to vector<1000x1xi32>
    %swap3A_119 = arith.constant 0 : index
    %swap3A_120 = arith.constant 0 : index
    %swap3A_121 = vector.load %arg7[%swap3A_119, %swap3A_120] : memref<1000x1xi32, #tpu.memory_space<vmem>>, vector<1000x1xi32>
    tpu.vector_store %arg7[%swap3A_119, %swap3A_120], %broadcast_in_dim3A_118 {strides = array<i32>} : memref<1000x1xi32, #tpu.memory_space<vmem>>, vector<1000x1xi32>,
    %eq3A_122 = arith.constant 0 : i32
    %eq3A_123 = arith.cmpi eq, %arg0, %eq3A_122 : i32
    %convert_element_type3A_124 = arith.extui %eq3A_123 : i1 to i32
    %cond3A = arith.constant 0 : i32
    %cond3A_125 = arith.cmpi ne, %convert_element_type3A_124, %cond3A : i32
    scf.if %cond3A_125 {
      %swap3A_146 = arith.constant 0.000000e+00 : f32
      %swap3A_147 = arith.constant 0 : index
      %swap3A_148 = arith.constant 0 : index
      %swap3A_149 = memref.load %arg8[%swap3A_147, %swap3A_148] : memref<1x1xf32, #tpu.memory_space<smem>>
      memref.store %swap3A_146, %arg8[%swap3A_147, %swap3A_148] : memref<1x1xf32, #tpu.memory_space<smem>>
    } else {
    }
    %get3A_126 = arith.constant 0 : index
    %get3A_127 = arith.constant 0 : index
    %get3A_128 = memref.load %arg8[%get3A_126, %get3A_127] : memref<1x1xf32, #tpu.memory_space<smem>>
    %add3A_129 = arith.addf %get3A_128, %add3A_110 : f32
    %swap3A_130 = arith.constant 0 : index
    %swap3A_131 = arith.constant 0 : index
    %swap3A_132 = memref.load %arg8[%swap3A_130, %swap3A_131] : memref<1x1xf32, #tpu.memory_space<smem>>
    memref.store %add3A_129, %arg8[%swap3A_130, %swap3A_131] : memref<1x1xf32, #tpu.memory_space<smem>>
    %get3A_133 = arith.constant 0 : index
    %get3A_134 = arith.constant 0 : index
    %get3A_135 = vector.load %arg4[%get3A_133, %get3A_134] : memref<128x128xf32, #tpu.memory_space<vmem>>, vector<128x128xf32>
    %dot_general3A_136 = arith.constant dense<0.000000e+00> : vector<1000x128xf32>
    %dot_general3A_137 = tpu.matmul %get3A_1, %get3A_135, %dot_general3A_136 {dimension_numbers = #tpu.dot_dimension_numbers<[1], [0], [0], [1], [0, 0, 1, 1], [], []>, transpose_lhs_hint = false} : vector<1000x128xf32>, vector<128x128xf32>, vector<1000x128xf32> -> vector<1000x128xf32>
    %get3A_138 = arith.constant 0 : index
    %get3A_139 = arith.constant 0 : index
    %get3A_140 = vector.load %arg1[%get3A_138, %get3A_139] : memref<1000x1xf32, #tpu.memory_space<vmem>>, vector<1000x1xf32>
    %mul3A_141 = vector.broadcast %get3A_140 : vector<1000x1xf32> to vector<1000x128xf32>
    %mul3A_142 = arith.mulf %dot_general3A_137, %mul3A_141 : vector<1000x128xf32>
    %swap3A_143 = arith.constant 0 : index
    %swap3A_144 = arith.constant 0 : index
    %swap3A_145 = vector.load %arg9[%swap3A_143, %swap3A_144] : memref<1000x128xf32, #tpu.memory_space<vmem>>, vector<1000x128xf32>
    tpu.vector_store %arg9[%swap3A_143, %swap3A_144], %mul3A_142 {strides = array<i32>} : memref<1000x128xf32, #tpu.memory_space<vmem>>, vector<1000x128xf32>,
    return
  }
  func.func @transform_0(%arg0: i32) -> (i32, i32) {
    %c0_i32 = arith.constant 0 : i32
    %c0_i32_0 = arith.constant 0 : i32
    return %arg0, %c0_i32 : i32, i32
  }
  func.func @transform_1(%arg0: i32) -> (i32, i32) {
    %c0_i32 = arith.constant 0 : i32
    %c0_i32_0 = arith.constant 0 : i32
    return %arg0, %c0_i32 : i32, i32
  }
  func.func @transform_2(%arg0: i32) -> (i32, i32, i32) {
    %c0_i32 = arith.constant 0 : i32
    %c0_i32_0 = arith.constant 0 : i32
    %c0_i32_1 = arith.constant 0 : i32
    %c0_i32_2 = arith.constant 0 : i32
    return %c0_i32, %c0_i32_0, %c0_i32_1 : i32, i32, i32
  }
  func.func @transform_3(%arg0: i32) -> (i32, i32) {
    %c0_i32 = arith.constant 0 : i32
    %c0_i32_0 = arith.constant 0 : i32
    %c0_i32_1 = arith.constant 0 : i32
    return %c0_i32, %c0_i32_0 : i32, i32
  }
  func.func @transform_4(%arg0: i32) -> (i32, i32) {
    %c0_i32 = arith.constant 0 : i32
    %c0_i32_0 = arith.constant 0 : i32
    return %arg0, %c0_i32 : i32, i32
  }
  func.func @transform_5(%arg0: i32) -> (i32, i32) {
    %c0_i32 = arith.constant 0 : i32
    %c0_i32_0 = arith.constant 0 : i32
    return %arg0, %c0_i32 : i32, i32
  }
  func.func @transform_6(%arg0: i32) -> (i32, i32) {
    %c0_i32 = arith.constant 0 : i32
    %c0_i32_0 = arith.constant 0 : i32
    return %arg0, %c0_i32 : i32, i32
  }
  func.func @transform_7(%arg0: i32) -> (i32, i32) {
    %c0_i32 = arith.constant 0 : i32
    %c0_i32_0 = arith.constant 0 : i32
    %c0_i32_1 = arith.constant 0 : i32
    return %c0_i32, %c0_i32_0 : i32, i32
  }
  func.func @transform_8(%arg0: i32) -> (i32, i32) {
    %c0_i32 = arith.constant 0 : i32
    %c0_i32_0 = arith.constant 0 : i32
    return %arg0, %c0_i32 : i32, i32
  }
}

module attributes {stable_mosaic.version = 14 : i64} {
  func.func @_final_stage_body(%arg0: i32, %arg1: memref<1000x1xf32, #tpu.memory_space<vmem>>, %arg2: memref<1000x128xf32, #tpu.memory_space<vmem>>, %arg3: memref<1x128xf32, #tpu.memory_space<vmem>>, %arg4: memref<3x16x128xf32, #tpu.memory_space<vmem>>, %arg5: memref<1000x1xi32, #tpu.memory_space<vmem>>, %arg6: memref<1000x1xi32, #tpu.memory_space<vmem>>, %arg7: memref<1000x1xi32, #tpu.memory_space<vmem>>, %arg8: memref<1x1xf32, #tpu.memory_space<smem>>, %arg9: memref<1000x128xf32, #tpu.memory_space<vmem>>, %arg10: memref<1x1xf32, #tpu.memory_space<smem>>) attributes {dimension_semantics = [#tpu.dimension_semantics<arbitrary>], iteration_bounds = array<i64: 10>, scalar_prefetch = 0 : i64, scratch_operands = 0 : i64, tpu.core_type = #tpu.core_type<tc>, window_params = [{transform_indices = @transform_0, window_bounds = array<i64: 1000, 1>}, {transform_indices = @transform_1, window_bounds = array<i64: 1000, 128>}, {pipeline_mode = #tpu.pipeline_mode<synchronous>, transform_indices = @transform_2, window_bounds = array<i64: 1, 128>}, {pipeline_mode = #tpu.pipeline_mode<synchronous>, transform_indices = @transform_3, window_bounds = array<i64: 3, 16, 128>}, {transform_indices = @transform_4, window_bounds = array<i64: 1000, 1>}, {transform_indices = @transform_5, window_bounds = array<i64: 1000, 1>}, {transform_indices = @transform_6, window_bounds = array<i64: 1000, 1>}, {transform_indices = @transform_7, window_bounds = array<i64: 1, 1>}, {transform_indices = @transform_8, window_bounds = array<i64: 1000, 128>}, {transform_indices = @transform_9, window_bounds = array<i64: 1, 1>}]} {
    %get3A = arith.constant 0 : index
    %get3A_0 = arith.constant 0 : index
    %get3A_1 = vector.load %arg2[%get3A, %get3A_0] : memref<1000x128xf32, #tpu.memory_space<vmem>>, vector<1000x128xf32>
    %get3A_2 = arith.constant 0 : index
    %get3A_3 = arith.constant 0 : index
    %get3A_4 = vector.load %arg1[%get3A_2, %get3A_3] : memref<1000x1xf32, #tpu.memory_space<vmem>>, vector<1000x1xf32>
    %mul3A = vector.broadcast %get3A_4 : vector<1000x1xf32> to vector<1000x128xf32>
    %mul3A_5 = arith.mulf %get3A_1, %mul3A : vector<1000x128xf32>
    %get3A_6 = arith.constant 0 : index
    %get3A_7 = arith.constant 0 : index
    %get3A_8 = vector.load %arg3[%get3A_6, %get3A_7] : memref<1x128xf32, #tpu.memory_space<vmem>>, vector<1x128xf32>
    %add3A = vector.broadcast %get3A_8 : vector<1x128xf32> to vector<1000x128xf32>
    %add3A_9 = arith.addf %mul3A_5, %add3A : vector<1000x128xf32>
    %get3A_10 = arith.constant 0 : index
    %get3A_11 = arith.constant 0 : index
    %get3A_12 = arith.constant 0 : index
    %get3A_13 = vector.load %arg4[%get3A_10, %get3A_11, %get3A_12] : memref<3x16x128xf32, #tpu.memory_space<vmem>>, vector<3x16x128xf32>
    %slice3A = vector.extract_strided_slice %get3A_13 {offsets = [0, 0, 0], sizes = [1, 16, 128], strides = [1, 1, 1]} : vector<3x16x128xf32> to vector<1x16x128xf32>
    %squeeze3A = vector.shape_cast %slice3A : vector<1x16x128xf32> to vector<16x128xf32>
    %mul3A_14 = arith.mulf %add3A_9, %add3A_9 : vector<1000x128xf32>
    %reduce_sum3A = arith.constant dense<0.000000e+00> : vector<1000xf32>
    %reduce_sum3A_15 = vector.multi_reduction <add>, %mul3A_14, %reduce_sum3A [1] : vector<1000x128xf32> to vector<1000xf32>
    %broadcast_in_dim3A = vector.shape_cast %reduce_sum3A_15 : vector<1000xf32> to vector<1000x1xf32>
    %sqrt3A = math.sqrt %broadcast_in_dim3A : vector<1000x1xf32>
    %add3A_16 = arith.constant 9.99999993E-9 : f32
    %add3A_17 = vector.broadcast %add3A_16 : f32 to vector<1000x1xf32>
    %add3A_18 = arith.addf %sqrt3A, %add3A_17 : vector<1000x1xf32>
    %div3A = vector.broadcast %add3A_18 : vector<1000x1xf32> to vector<1000x128xf32>
    %div3A_19 = arith.divf %add3A_9, %div3A : vector<1000x128xf32>
    %dot_general3A = arith.constant dense<0.000000e+00> : vector<1000x16xf32>
    %dot_general3A_20 = tpu.matmul %div3A_19, %squeeze3A, %dot_general3A {dimension_numbers = #tpu.dot_dimension_numbers<[1], [1], [0], [0], [0, 0, 1, 0], [], []>, transpose_lhs_hint = false} : vector<1000x128xf32>, vector<16x128xf32>, vector<1000x16xf32> -> vector<1000x16xf32>
    %reduce_max3A = arith.constant dense<0xFF800000> : vector<1000xf32>
    %reduce_max3A_21 = vector.multi_reduction <maximumf>, %dot_general3A_20, %reduce_max3A [1] : vector<1000x16xf32> to vector<1000xf32>
    %broadcast_in_dim3A_22 = vector.shape_cast %reduce_max3A_21 : vector<1000xf32> to vector<1000x1xf32>
    %iota3A = tpu.iota {dimensions = array<i32: 1>} : vector<1000x16xi32>
    %ge3A = vector.broadcast %broadcast_in_dim3A_22 : vector<1000x1xf32> to vector<1000x16xf32>
    %ge3A_23 = arith.cmpf oge, %dot_general3A_20, %ge3A : vector<1000x16xf32>
    %jit3A = arith.constant 1073741824 : i32
    %broadcast_in_dim3A_24 = vector.broadcast %jit3A : i32 to vector<1000x16xi32>
    %select_n3A = arith.select %ge3A_23, %iota3A, %broadcast_in_dim3A_24 : vector<1000x16xi1>, vector<1000x16xi32>
    %reduce_min3A = arith.constant dense<2147483647> : vector<1000xi32>
    %reduce_min3A_25 = vector.multi_reduction <minsi>, %select_n3A, %reduce_min3A [1] : vector<1000x16xi32> to vector<1000xi32>
    %broadcast_in_dim3A_26 = vector.shape_cast %reduce_min3A_25 : vector<1000xi32> to vector<1000x1xi32>
    %eq3A = vector.broadcast %broadcast_in_dim3A_26 : vector<1000x1xi32> to vector<1000x16xi32>
    %eq3A_27 = arith.cmpi eq, %iota3A, %eq3A : vector<1000x16xi32>
    %convert_element_type3A = arith.extui %eq3A_27 : vector<1000x16xi1> to vector<1000x16xi32>
    %convert_element_type3A_28 = arith.sitofp %convert_element_type3A : vector<1000x16xi32> to vector<1000x16xf32>
    %dot_general3A_29 = arith.constant dense<0.000000e+00> : vector<1000x128xf32>
    %dot_general3A_30 = tpu.matmul %convert_element_type3A_28, %squeeze3A, %dot_general3A_29 {dimension_numbers = #tpu.dot_dimension_numbers<[1], [0], [0], [1], [0, 0, 1, 1], [], []>, precision = #tpu.contract_precision<fp32>, transpose_lhs_hint = false} : vector<1000x16xf32>, vector<16x128xf32>, vector<1000x128xf32> -> vector<1000x128xf32>
    %sub3A = arith.subf %dot_general3A_30, %add3A_9 : vector<1000x128xf32>
    %mul3A_31 = arith.mulf %sub3A, %sub3A : vector<1000x128xf32>
    %reduce_sum3A_32 = vector.shape_cast %mul3A_31 : vector<1000x128xf32> to vector<1x1000x128xf32>
    %reduce_sum3A_33 = arith.constant dense<0.000000e+00> : vector<1xf32>
    %reduce_sum3A_34 = vector.multi_reduction <add>, %reduce_sum3A_32, %reduce_sum3A_33 [1, 2] : vector<1x1000x128xf32> to vector<1xf32>
    %reduce_sum3A_35 = vector.shape_cast %reduce_sum3A_34 : vector<1xf32> to vector<1x1x1xf32>
    %reduce_sum3A_36 = vector.extract %reduce_sum3A_35[0, 0, 0] : f32 from vector<1x1x1xf32>
    %add3A_37 = arith.constant 0.000000e+00 : f32
    %add3A_38 = arith.addf %add3A_37, %reduce_sum3A_36 : f32
    %sub3A_39 = arith.subf %add3A_9, %dot_general3A_30 : vector<1000x128xf32>
    %slice3A_40 = vector.extract_strided_slice %get3A_13 {offsets = [1, 0, 0], sizes = [1, 16, 128], strides = [1, 1, 1]} : vector<3x16x128xf32> to vector<1x16x128xf32>
    %squeeze3A_41 = vector.shape_cast %slice3A_40 : vector<1x16x128xf32> to vector<16x128xf32>
    %mul3A_42 = arith.mulf %sub3A_39, %sub3A_39 : vector<1000x128xf32>
    %reduce_sum3A_43 = arith.constant dense<0.000000e+00> : vector<1000xf32>
    %reduce_sum3A_44 = vector.multi_reduction <add>, %mul3A_42, %reduce_sum3A_43 [1] : vector<1000x128xf32> to vector<1000xf32>
    %broadcast_in_dim3A_45 = vector.shape_cast %reduce_sum3A_44 : vector<1000xf32> to vector<1000x1xf32>
    %sqrt3A_46 = math.sqrt %broadcast_in_dim3A_45 : vector<1000x1xf32>
    %add3A_47 = arith.constant 9.99999993E-9 : f32
    %add3A_48 = vector.broadcast %add3A_47 : f32 to vector<1000x1xf32>
    %add3A_49 = arith.addf %sqrt3A_46, %add3A_48 : vector<1000x1xf32>
    %div3A_50 = vector.broadcast %add3A_49 : vector<1000x1xf32> to vector<1000x128xf32>
    %div3A_51 = arith.divf %sub3A_39, %div3A_50 : vector<1000x128xf32>
    %dot_general3A_52 = arith.constant dense<0.000000e+00> : vector<1000x16xf32>
    %dot_general3A_53 = tpu.matmul %div3A_51, %squeeze3A_41, %dot_general3A_52 {dimension_numbers = #tpu.dot_dimension_numbers<[1], [1], [0], [0], [0, 0, 1, 0], [], []>, transpose_lhs_hint = false} : vector<1000x128xf32>, vector<16x128xf32>, vector<1000x16xf32> -> vector<1000x16xf32>
    %reduce_max3A_54 = arith.constant dense<0xFF800000> : vector<1000xf32>
    %reduce_max3A_55 = vector.multi_reduction <maximumf>, %dot_general3A_53, %reduce_max3A_54 [1] : vector<1000x16xf32> to vector<1000xf32>
    %broadcast_in_dim3A_56 = vector.shape_cast %reduce_max3A_55 : vector<1000xf32> to vector<1000x1xf32>
    %iota3A_57 = tpu.iota {dimensions = array<i32: 1>} : vector<1000x16xi32>
    %ge3A_58 = vector.broadcast %broadcast_in_dim3A_56 : vector<1000x1xf32> to vector<1000x16xf32>
    %ge3A_59 = arith.cmpf oge, %dot_general3A_53, %ge3A_58 : vector<1000x16xf32>
    %jit3A_60 = arith.constant 1073741824 : i32
    %broadcast_in_dim3A_61 = vector.broadcast %jit3A_60 : i32 to vector<1000x16xi32>
    %select_n3A_62 = arith.select %ge3A_59, %iota3A_57, %broadcast_in_dim3A_61 : vector<1000x16xi1>, vector<1000x16xi32>
    %reduce_min3A_63 = arith.constant dense<2147483647> : vector<1000xi32>
    %reduce_min3A_64 = vector.multi_reduction <minsi>, %select_n3A_62, %reduce_min3A_63 [1] : vector<1000x16xi32> to vector<1000xi32>
    %broadcast_in_dim3A_65 = vector.shape_cast %reduce_min3A_64 : vector<1000xi32> to vector<1000x1xi32>
    %eq3A_66 = vector.broadcast %broadcast_in_dim3A_65 : vector<1000x1xi32> to vector<1000x16xi32>
    %eq3A_67 = arith.cmpi eq, %iota3A_57, %eq3A_66 : vector<1000x16xi32>
    %convert_element_type3A_68 = arith.extui %eq3A_67 : vector<1000x16xi1> to vector<1000x16xi32>
    %convert_element_type3A_69 = arith.sitofp %convert_element_type3A_68 : vector<1000x16xi32> to vector<1000x16xf32>
    %dot_general3A_70 = arith.constant dense<0.000000e+00> : vector<1000x128xf32>
    %dot_general3A_71 = tpu.matmul %convert_element_type3A_69, %squeeze3A_41, %dot_general3A_70 {dimension_numbers = #tpu.dot_dimension_numbers<[1], [0], [0], [1], [0, 0, 1, 1], [], []>, precision = #tpu.contract_precision<fp32>, transpose_lhs_hint = false} : vector<1000x16xf32>, vector<16x128xf32>, vector<1000x128xf32> -> vector<1000x128xf32>
    %sub3A_72 = arith.subf %dot_general3A_71, %sub3A_39 : vector<1000x128xf32>
    %mul3A_73 = arith.mulf %sub3A_72, %sub3A_72 : vector<1000x128xf32>
    %reduce_sum3A_74 = vector.shape_cast %mul3A_73 : vector<1000x128xf32> to vector<1x1000x128xf32>
    %reduce_sum3A_75 = arith.constant dense<0.000000e+00> : vector<1xf32>
    %reduce_sum3A_76 = vector.multi_reduction <add>, %reduce_sum3A_74, %reduce_sum3A_75 [1, 2] : vector<1x1000x128xf32> to vector<1xf32>
    %reduce_sum3A_77 = vector.shape_cast %reduce_sum3A_76 : vector<1xf32> to vector<1x1x1xf32>
    %reduce_sum3A_78 = vector.extract %reduce_sum3A_77[0, 0, 0] : f32 from vector<1x1x1xf32>
    %add3A_79 = arith.addf %add3A_38, %reduce_sum3A_78 : f32
    %sub3A_80 = arith.subf %sub3A_39, %dot_general3A_71 : vector<1000x128xf32>
    %slice3A_81 = vector.extract_strided_slice %get3A_13 {offsets = [2, 0, 0], sizes = [1, 16, 128], strides = [1, 1, 1]} : vector<3x16x128xf32> to vector<1x16x128xf32>
    %squeeze3A_82 = vector.shape_cast %slice3A_81 : vector<1x16x128xf32> to vector<16x128xf32>
    %mul3A_83 = arith.mulf %sub3A_80, %sub3A_80 : vector<1000x128xf32>
    %reduce_sum3A_84 = arith.constant dense<0.000000e+00> : vector<1000xf32>
    %reduce_sum3A_85 = vector.multi_reduction <add>, %mul3A_83, %reduce_sum3A_84 [1] : vector<1000x128xf32> to vector<1000xf32>
    %broadcast_in_dim3A_86 = vector.shape_cast %reduce_sum3A_85 : vector<1000xf32> to vector<1000x1xf32>
    %sqrt3A_87 = math.sqrt %broadcast_in_dim3A_86 : vector<1000x1xf32>
    %add3A_88 = arith.constant 9.99999993E-9 : f32
    %add3A_89 = vector.broadcast %add3A_88 : f32 to vector<1000x1xf32>
    %add3A_90 = arith.addf %sqrt3A_87, %add3A_89 : vector<1000x1xf32>
    %div3A_91 = vector.broadcast %add3A_90 : vector<1000x1xf32> to vector<1000x128xf32>
    %div3A_92 = arith.divf %sub3A_80, %div3A_91 : vector<1000x128xf32>
    %dot_general3A_93 = arith.constant dense<0.000000e+00> : vector<1000x16xf32>
    %dot_general3A_94 = tpu.matmul %div3A_92, %squeeze3A_82, %dot_general3A_93 {dimension_numbers = #tpu.dot_dimension_numbers<[1], [1], [0], [0], [0, 0, 1, 0], [], []>, transpose_lhs_hint = false} : vector<1000x128xf32>, vector<16x128xf32>, vector<1000x16xf32> -> vector<1000x16xf32>
    %reduce_max3A_95 = arith.constant dense<0xFF800000> : vector<1000xf32>
    %reduce_max3A_96 = vector.multi_reduction <maximumf>, %dot_general3A_94, %reduce_max3A_95 [1] : vector<1000x16xf32> to vector<1000xf32>
    %broadcast_in_dim3A_97 = vector.shape_cast %reduce_max3A_96 : vector<1000xf32> to vector<1000x1xf32>
    %iota3A_98 = tpu.iota {dimensions = array<i32: 1>} : vector<1000x16xi32>
    %ge3A_99 = vector.broadcast %broadcast_in_dim3A_97 : vector<1000x1xf32> to vector<1000x16xf32>
    %ge3A_100 = arith.cmpf oge, %dot_general3A_94, %ge3A_99 : vector<1000x16xf32>
    %jit3A_101 = arith.constant 1073741824 : i32
    %broadcast_in_dim3A_102 = vector.broadcast %jit3A_101 : i32 to vector<1000x16xi32>
    %select_n3A_103 = arith.select %ge3A_100, %iota3A_98, %broadcast_in_dim3A_102 : vector<1000x16xi1>, vector<1000x16xi32>
    %reduce_min3A_104 = arith.constant dense<2147483647> : vector<1000xi32>
    %reduce_min3A_105 = vector.multi_reduction <minsi>, %select_n3A_103, %reduce_min3A_104 [1] : vector<1000x16xi32> to vector<1000xi32>
    %broadcast_in_dim3A_106 = vector.shape_cast %reduce_min3A_105 : vector<1000xi32> to vector<1000x1xi32>
    %eq3A_107 = vector.broadcast %broadcast_in_dim3A_106 : vector<1000x1xi32> to vector<1000x16xi32>
    %eq3A_108 = arith.cmpi eq, %iota3A_98, %eq3A_107 : vector<1000x16xi32>
    %convert_element_type3A_109 = arith.extui %eq3A_108 : vector<1000x16xi1> to vector<1000x16xi32>
    %convert_element_type3A_110 = arith.sitofp %convert_element_type3A_109 : vector<1000x16xi32> to vector<1000x16xf32>
    %dot_general3A_111 = arith.constant dense<0.000000e+00> : vector<1000x128xf32>
    %dot_general3A_112 = tpu.matmul %convert_element_type3A_110, %squeeze3A_82, %dot_general3A_111 {dimension_numbers = #tpu.dot_dimension_numbers<[1], [0], [0], [1], [0, 0, 1, 1], [], []>, precision = #tpu.contract_precision<fp32>, transpose_lhs_hint = false} : vector<1000x16xf32>, vector<16x128xf32>, vector<1000x128xf32> -> vector<1000x128xf32>
    %sub3A_113 = arith.subf %dot_general3A_112, %sub3A_80 : vector<1000x128xf32>
    %mul3A_114 = arith.mulf %sub3A_113, %sub3A_113 : vector<1000x128xf32>
    %reduce_sum3A_115 = vector.shape_cast %mul3A_114 : vector<1000x128xf32> to vector<1x1000x128xf32>
    %reduce_sum3A_116 = arith.constant dense<0.000000e+00> : vector<1xf32>
    %reduce_sum3A_117 = vector.multi_reduction <add>, %reduce_sum3A_115, %reduce_sum3A_116 [1, 2] : vector<1x1000x128xf32> to vector<1xf32>
    %reduce_sum3A_118 = vector.shape_cast %reduce_sum3A_117 : vector<1xf32> to vector<1x1x1xf32>
    %reduce_sum3A_119 = vector.extract %reduce_sum3A_118[0, 0, 0] : f32 from vector<1x1x1xf32>
    %add3A_120 = arith.addf %add3A_79, %reduce_sum3A_119 : f32
    %broadcast_in_dim3A_121 = vector.shape_cast %reduce_min3A_25 : vector<1000xi32> to vector<1000x1xi32>
    %swap3A = arith.constant 0 : index
    %swap3A_122 = arith.constant 0 : index
    %swap3A_123 = vector.load %arg5[%swap3A, %swap3A_122] : memref<1000x1xi32, #tpu.memory_space<vmem>>, vector<1000x1xi32>
    tpu.vector_store %arg5[%swap3A, %swap3A_122], %broadcast_in_dim3A_121 {strides = array<i32>} : memref<1000x1xi32, #tpu.memory_space<vmem>>, vector<1000x1xi32>,
    %broadcast_in_dim3A_124 = vector.shape_cast %reduce_min3A_64 : vector<1000xi32> to vector<1000x1xi32>
    %swap3A_125 = arith.constant 0 : index
    %swap3A_126 = arith.constant 0 : index
    %swap3A_127 = vector.load %arg6[%swap3A_125, %swap3A_126] : memref<1000x1xi32, #tpu.memory_space<vmem>>, vector<1000x1xi32>
    tpu.vector_store %arg6[%swap3A_125, %swap3A_126], %broadcast_in_dim3A_124 {strides = array<i32>} : memref<1000x1xi32, #tpu.memory_space<vmem>>, vector<1000x1xi32>,
    %broadcast_in_dim3A_128 = vector.shape_cast %reduce_min3A_105 : vector<1000xi32> to vector<1000x1xi32>
    %swap3A_129 = arith.constant 0 : index
    %swap3A_130 = arith.constant 0 : index
    %swap3A_131 = vector.load %arg7[%swap3A_129, %swap3A_130] : memref<1000x1xi32, #tpu.memory_space<vmem>>, vector<1000x1xi32>
    tpu.vector_store %arg7[%swap3A_129, %swap3A_130], %broadcast_in_dim3A_128 {strides = array<i32>} : memref<1000x1xi32, #tpu.memory_space<vmem>>, vector<1000x1xi32>,
    %eq3A_132 = arith.constant 0 : i32
    %eq3A_133 = arith.cmpi eq, %arg0, %eq3A_132 : i32
    %convert_element_type3A_134 = arith.extui %eq3A_133 : i1 to i32
    %cond3A = arith.constant 0 : i32
    %cond3A_135 = arith.cmpi ne, %convert_element_type3A_134, %cond3A : i32
    scf.if %cond3A_135 {
      %swap3A_158 = arith.constant 0.000000e+00 : f32
      %swap3A_159 = arith.constant 0 : index
      %swap3A_160 = arith.constant 0 : index
      %swap3A_161 = memref.load %arg8[%swap3A_159, %swap3A_160] : memref<1x1xf32, #tpu.memory_space<smem>>
      memref.store %swap3A_158, %arg8[%swap3A_159, %swap3A_160] : memref<1x1xf32, #tpu.memory_space<smem>>
      %swap3A_162 = arith.constant 0.000000e+00 : f32
      %swap3A_163 = arith.constant 0 : index
      %swap3A_164 = arith.constant 0 : index
      %swap3A_165 = memref.load %arg10[%swap3A_163, %swap3A_164] : memref<1x1xf32, #tpu.memory_space<smem>>
      memref.store %swap3A_162, %arg10[%swap3A_163, %swap3A_164] : memref<1x1xf32, #tpu.memory_space<smem>>
    } else {
    }
    %get3A_136 = arith.constant 0 : index
    %get3A_137 = arith.constant 0 : index
    %get3A_138 = memref.load %arg8[%get3A_136, %get3A_137] : memref<1x1xf32, #tpu.memory_space<smem>>
    %add3A_139 = arith.addf %get3A_138, %add3A_120 : f32
    %swap3A_140 = arith.constant 0 : index
    %swap3A_141 = arith.constant 0 : index
    %swap3A_142 = memref.load %arg8[%swap3A_140, %swap3A_141] : memref<1x1xf32, #tpu.memory_space<smem>>
    memref.store %add3A_139, %arg8[%swap3A_140, %swap3A_141] : memref<1x1xf32, #tpu.memory_space<smem>>
    %get3A_143 = arith.constant 0 : index
    %get3A_144 = arith.constant 0 : index
    %get3A_145 = memref.load %arg10[%get3A_143, %get3A_144] : memref<1x1xf32, #tpu.memory_space<smem>>
    %reduce_sum3A_146 = vector.shape_cast %add3A_9 : vector<1000x128xf32> to vector<1x1000x128xf32>
    %reduce_sum3A_147 = arith.constant dense<0.000000e+00> : vector<1xf32>
    %reduce_sum3A_148 = vector.multi_reduction <add>, %reduce_sum3A_146, %reduce_sum3A_147 [1, 2] : vector<1x1000x128xf32> to vector<1xf32>
    %reduce_sum3A_149 = vector.shape_cast %reduce_sum3A_148 : vector<1xf32> to vector<1x1x1xf32>
    %reduce_sum3A_150 = vector.extract %reduce_sum3A_149[0, 0, 0] : f32 from vector<1x1x1xf32>
    %add3A_151 = arith.addf %get3A_145, %reduce_sum3A_150 : f32
    %swap3A_152 = arith.constant 0 : index
    %swap3A_153 = arith.constant 0 : index
    %swap3A_154 = memref.load %arg10[%swap3A_152, %swap3A_153] : memref<1x1xf32, #tpu.memory_space<smem>>
    memref.store %add3A_151, %arg10[%swap3A_152, %swap3A_153] : memref<1x1xf32, #tpu.memory_space<smem>>
    %swap3A_155 = arith.constant 0 : index
    %swap3A_156 = arith.constant 0 : index
    %swap3A_157 = vector.load %arg9[%swap3A_155, %swap3A_156] : memref<1000x128xf32, #tpu.memory_space<vmem>>, vector<1000x128xf32>
    tpu.vector_store %arg9[%swap3A_155, %swap3A_156], %add3A_9 {strides = array<i32>} : memref<1000x128xf32, #tpu.memory_space<vmem>>, vector<1000x128xf32>,
    return
  }
  func.func @transform_0(%arg0: i32) -> (i32, i32) {
    %c0_i32 = arith.constant 0 : i32
    %c0_i32_0 = arith.constant 0 : i32
    return %arg0, %c0_i32 : i32, i32
  }
  func.func @transform_1(%arg0: i32) -> (i32, i32) {
    %c0_i32 = arith.constant 0 : i32
    %c0_i32_0 = arith.constant 0 : i32
    return %arg0, %c0_i32 : i32, i32
  }
  func.func @transform_2(%arg0: i32) -> (i32, i32) {
    %c0_i32 = arith.constant 0 : i32
    %c0_i32_0 = arith.constant 0 : i32
    %c0_i32_1 = arith.constant 0 : i32
    return %c0_i32, %c0_i32_0 : i32, i32
  }
  func.func @transform_3(%arg0: i32) -> (i32, i32, i32) {
    %c0_i32 = arith.constant 0 : i32
    %c0_i32_0 = arith.constant 0 : i32
    %c0_i32_1 = arith.constant 0 : i32
    %c0_i32_2 = arith.constant 0 : i32
    return %c0_i32, %c0_i32_0, %c0_i32_1 : i32, i32, i32
  }
  func.func @transform_4(%arg0: i32) -> (i32, i32) {
    %c0_i32 = arith.constant 0 : i32
    %c0_i32_0 = arith.constant 0 : i32
    return %arg0, %c0_i32 : i32, i32
  }
  func.func @transform_5(%arg0: i32) -> (i32, i32) {
    %c0_i32 = arith.constant 0 : i32
    %c0_i32_0 = arith.constant 0 : i32
    return %arg0, %c0_i32 : i32, i32
  }
  func.func @transform_6(%arg0: i32) -> (i32, i32) {
    %c0_i32 = arith.constant 0 : i32
    %c0_i32_0 = arith.constant 0 : i32
    return %arg0, %c0_i32 : i32, i32
  }
  func.func @transform_7(%arg0: i32) -> (i32, i32) {
    %c0_i32 = arith.constant 0 : i32
    %c0_i32_0 = arith.constant 0 : i32
    %c0_i32_1 = arith.constant 0 : i32
    return %c0_i32, %c0_i32_0 : i32, i32
  }
  func.func @transform_8(%arg0: i32) -> (i32, i32) {
    %c0_i32 = arith.constant 0 : i32
    %c0_i32_0 = arith.constant 0 : i32
    return %arg0, %c0_i32 : i32, i32
  }
  func.func @transform_9(%arg0: i32) -> (i32, i32) {
    %c0_i32 = arith.constant 0 : i32
    %c0_i32_0 = arith.constant 0 : i32
    %c0_i32_1 = arith.constant 0 : i32
    return %c0_i32, %c0_i32_0 : i32, i32
  }
}

module attributes {stable_mosaic.version = 14 : i64} {
  func.func @_out_body(%arg0: i32, %arg1: memref<1000x128xf32, #tpu.memory_space<vmem>>, %arg2: memref<1x1xf32, #tpu.memory_space<smem>>, %arg3: memref<1000x128xf32, #tpu.memory_space<vmem>>) attributes {dimension_semantics = [#tpu.dimension_semantics<arbitrary>], iteration_bounds = array<i64: 10>, scalar_prefetch = 0 : i64, scratch_operands = 0 : i64, tpu.core_type = #tpu.core_type<tc>, window_params = [{transform_indices = @transform_0, window_bounds = array<i64: 1000, 128>}, {transform_indices = @transform_1, window_bounds = array<i64: 1, 1>}, {transform_indices = @transform_2, window_bounds = array<i64: 1000, 128>}]} {
    %get3A = arith.constant 0 : index
    %get3A_0 = arith.constant 0 : index
    %get3A_1 = vector.load %arg1[%get3A, %get3A_0] : memref<1000x128xf32, #tpu.memory_space<vmem>>, vector<1000x128xf32>
    %get3A_2 = arith.constant 0 : index
    %get3A_3 = arith.constant 0 : index
    %get3A_4 = memref.load %arg2[%get3A_2, %get3A_3] : memref<1x1xf32, #tpu.memory_space<smem>>
    %div3A = vector.broadcast %get3A_4 : f32 to vector<1000x128xf32>
    %div3A_5 = arith.divf %get3A_1, %div3A : vector<1000x128xf32>
    %tanh3A = math.tanh %div3A_5 : vector<1000x128xf32>
    %integer_pow3A = arith.mulf %tanh3A, %tanh3A : vector<1000x128xf32>
    %mul3A = arith.mulf %integer_pow3A, %integer_pow3A : vector<1000x128xf32>
    %reduce_sum3A = arith.constant dense<0.000000e+00> : vector<1000xf32>
    %reduce_sum3A_6 = vector.multi_reduction <add>, %mul3A, %reduce_sum3A [1] : vector<1000x128xf32> to vector<1000xf32>
    %broadcast_in_dim3A = vector.shape_cast %reduce_sum3A_6 : vector<1000xf32> to vector<1000x1xf32>
    %sqrt3A = math.sqrt %broadcast_in_dim3A : vector<1000x1xf32>
    %max3A = arith.constant 9.99999996E-13 : f32
    %max3A_7 = vector.broadcast %max3A : f32 to vector<1000x1xf32>
    %max3A_8 = arith.maximumf %sqrt3A, %max3A_7 : vector<1000x1xf32>
    %div3A_9 = vector.broadcast %max3A_8 : vector<1000x1xf32> to vector<1000x128xf32>
    %div3A_10 = arith.divf %integer_pow3A, %div3A_9 : vector<1000x128xf32>
    %swap3A = arith.constant 0 : index
    %swap3A_11 = arith.constant 0 : index
    %swap3A_12 = vector.load %arg3[%swap3A, %swap3A_11] : memref<1000x128xf32, #tpu.memory_space<vmem>>, vector<1000x128xf32>
    tpu.vector_store %arg3[%swap3A, %swap3A_11], %div3A_10 {strides = array<i32>} : memref<1000x128xf32, #tpu.memory_space<vmem>>, vector<1000x128xf32>,
    return
  }
  func.func @transform_0(%arg0: i32) -> (i32, i32) {
    %c0_i32 = arith.constant 0 : i32
    %c0_i32_0 = arith.constant 0 : i32
    return %arg0, %c0_i32 : i32, i32
  }
  func.func @transform_1(%arg0: i32) -> (i32, i32) {
    %c0_i32 = arith.constant 0 : i32
    %c0_i32_0 = arith.constant 0 : i32
    %c0_i32_1 = arith.constant 0 : i32
    return %c0_i32, %c0_i32_0 : i32, i32
  }
  func.func @transform_2(%arg0: i32) -> (i32, i32) {
    %c0_i32 = arith.constant 0 : i32
    %c0_i32_0 = arith.constant 0 : i32
    return %arg0, %c0_i32 : i32, i32
  }
}

</mosaic_0001>

<sc_bundles>
// kernel: kernel.14.cloned.1.call-start
scs
__scs_entry_jumppad:
0x0: {  	(pc) =	sbr.rel $0x88, $3  }
0x1: {  	(tag) =	ssettag $0x0;
	lr =	simm.s32 $0x1  }
0x2: {  	[smem:$0x3F96] =	sst lr;
	_ =	strace $0xD0000000  }
0x3: {  	_ = 	snop  }
0x4: {  	_ = 	snop  }
0x5: {  	_ = 	snop  }
0x6: {  	_ = 	snop  }
0x7: {  	_ = 	snop  }
__scs_overlays_trampoline_lowered:
0x8: {  	[smem:$0x3FA5] =	sst s0  }
0x9: {  	[smem:$0x3FA6] =	sst s1  }
0xa: {  	[smem:$0x3FA7] =	sst s2  }
0xb: {  	[smem:$0x3FA8] =	sst s3  }
0xc: {  	[smem:$0x3FA9] =	sst s4  }
0xd: {  	[smem:$0x3FAA] =	sst s5  }
0xe: {  	[smem:$0x3FAB] =	sst s6  }
0xf: {  	[smem:$0x3FAC] =	sst s7  }
0x10: {  	[smem:$0x3FAD] =	sst s8  }
0x11: {  	[smem:$0x3FAE] =	sst s9;
	s0 =	simm.s32 @!p0 $0x0  }
0x12: {  	s1 =	sld [smem:$0x3F94];
	s0 =	simm.s32 @p0 $0x1  }
0x13: {  	[smem:$0x3FAF] =	sst s0;
	s0 =	simm.s32 @!p1 $0x0  }
0x14: {  	s2 =	sld [smem:$0x3F93];
	s0 =	simm.s32 @p1 $0x1  }
0x15: {  	[smem:$0x3FB0] =	sst s0;
	s0 =	simm.s32 @!p2 $0x0  }
0x16: {  	s3 =	sld [smem:$0x3FDB];
	s0 =	simm.s32 @p2 $0x1  }
0x17: {  	s4 =	simm.s32 $0x1BF5;
	[smem:$0x3FB2] =	sst s0  }
0x18: {  	s0 =	sld [smem:$0x3F95];
	_ =	swait.ge [sflag:s4], $0x0  }
0x19: {  	s7 =	sld [smem:$0x3F96]  }
0x1a: {  	s8 =	sadd.s32 $0xFFFFE003, lr  }
0x1b: {  	s9 =	sadd.s32 $0xFFFFFEF7, lr;
	s5 =	simm.s32 $0xFFFFFFFF;
	p2 =	slt.u32 s8, $0xFFFFF086  }
0x1c: {  	p1 =	slt.u32 s9, $0xF7A;
	s5 =	simm.s32 @!p2 $0x0  }
0x1d: {  	s5 =	simm.s32 @p1 $0x1;
	p0 =	seq.s32 s7, s2  }
0x1e: {  	s7 =	smul.u32 @!p0 $0xF7A, s2;
	p2 =	seq.s32 @!p0 s5, $0x0  }
0x1f: {  	s9 =	smul.u32 $0xF7A, s1;
	s8 =	simm.s32 @!p0 $0x1BF5;
	p2 =	por !p2, p0  }
0x20: {  	[sflag:s8] =	ssyncset.s32 @!p0 $0xFFFFF086;
	s6 =	sadd.s32 @!p0 s3, s7;
	s7 =	simm.s32 @!p0 $0x108  }
0x21: {  	s3 =	sadd.s32 s3, s9;
	s6 =	sadd.s32 @!p0 $0x88, s6;
	s7 =	simm.s32 @p2 $0x1082  }
0x22: {  	[simem:s7], [sflag:s8] =	dma.local @!p0 [hbm:s6], $0xF7A  }
0x23: {  	s9 =	sor.u32 $0xD0000000, s2;
	s6 =	simm.s32 $0x108;
	_ =	swait.ge @!p0 [sflag:s8], $0x0  }
0x24: {  	s3 =	sadd.s32 $0x88, s3;
	s6 =	simm.s32 @!p1 $0x1082;
	[sflag:s4] =	ssyncset.s32 $0xFFFFF086  }
0x25: {  	[simem:s6], [sflag:s4] =	dma.local [hbm:s3], $0xF7A  }
0x26: {  	[smem:$0x3F96] =	sst s1;
	(tag) =	ssettag s2;
	_ =	strace s9  }
0x27: {  	s1 =	sld [smem:$0x3FA6]  }
0x28: {  	s2 =	sld [smem:$0x3FA7]  }
0x29: {  	s4 =	sld [smem:$0x3FA9]  }
0x2a: {  	p0 =	seq.s32 s5, $0x0;
	s5 =	sld [smem:$0x3FAA]  }
0x2b: {  	s6 =	sld [smem:$0x3FAB]  }
0x2c: {  	s7 =	sld [smem:$0x3FAC]  }
0x2d: {  	s3 =	simm.s32 $0x108;
	s8 =	sld [smem:$0x3FAD]  }
0x2e: {  	s3 =	simm.s32 @!p0 $0x1082;
	s9 =	sld [smem:$0x3FAE]  }
0x2f: {  	lr =	sadd.s32 s0, s3;
	s0 =	sld [smem:$0x3FA5]  }
0x30: {  	s3 =	sld [smem:$0x3FA8]  }
0x31: {  	[smem:$0x3FB1] =	sst s10  }
0x32: {  	s10 =	sld [smem:$0x3FAF];
	_ =	sdelay $0x3  }
0x33: {  	p0 =	seq.s32 s10, $0x1;
	s10 =	sld [smem:$0x3FB1];
	_ =	sdelay $0x3  }
0x34: {  	[smem:$0x3FB1] =	sst s10  }
0x35: {  	s10 =	sld [smem:$0x3FB0];
	_ =	sdelay $0x3  }
0x36: {  	p1 =	seq.s32 s10, $0x1;
	s10 =	sld [smem:$0x3FB1];
	_ =	sdelay $0x3  }
0x37: {  	[smem:$0x3FB1] =	sst s10  }
0x38: {  	s10 =	sld [smem:$0x3FB2]  }
0x39: {  	_ = 	snop;
	(pc) =	sbr.ind lr, $3  }
0x3a: {  	_ = 	snop  }
0x3b: {  	_ = 	snop  }
0x3c: {  	p2 =	seq.s32 s10, $0x1;
	s10 =	sld [smem:$0x3FB1]  }
0x3d: {  	_ =	shalt  }
0x3e: {  	_ =	shalt  }
0x3f: {  	_ =	shalt  }
0x40: {  	_ =	shalt  }
0x41: {  	_ =	shalt  }
0x42: {  	_ =	shalt  }
0x43: {  	_ =	shalt  }
0x44: {  	_ =	shalt  }
0x45: {  	_ =	shalt  }
0x46: {  	_ =	shalt  }
0x47: {  	_ =	shalt  }
0x48: {  	_ =	shalt  }
0x49: {  	_ =	shalt  }
0x4a: {  	_ =	shalt  }
0x4b: {  	_ =	shalt  }
0x4c: {  	_ =	shalt  }
0x4d: {  	_ =	shalt  }
0x4e: {  	_ =	shalt  }
0x4f: {  	_ =	shalt  }
0x50: {  	_ =	shalt  }
0x51: {  	_ =	shalt  }
0x52: {  	_ =	shalt  }
0x53: {  	_ =	shalt  }
0x54: {  	_ =	shalt  }
0x55: {  	_ =	shalt  }
0x56: {  	_ =	shalt  }
0x57: {  	_ =	shalt  }
0x58: {  	_ =	shalt  }
0x59: {  	_ =	shalt  }
0x5a: {  	_ =	shalt  }
0x5b: {  	_ =	shalt  }
0x5c: {  	_ =	shalt  }
0x5d: {  	_ =	shalt  }
0x5e: {  	_ =	shalt  }
0x5f: {  	_ =	shalt  }
0x60: {  	_ =	shalt  }
0x61: {  	_ =	shalt  }
0x62: {  	_ =	shalt  }
0x63: {  	_ =	shalt  }
0x64: {  	_ =	shalt  }
0x65: {  	_ =	shalt  }
0x66: {  	_ =	shalt  }
0x67: {  	_ =	shalt  }
0x68: {  	_ =	shalt  }
0x69: {  	_ =	shalt  }
0x6a: {  	_ =	shalt  }
0x6b: {  	_ =	shalt  }
0x6c: {  	_ =	shalt  }
0x6d: {  	_ =	shalt  }
0x6e: {  	_ =	shalt  }
0x6f: {  	_ =	shalt  }
0x70: {  	_ =	shalt  }
0x71: {  	_ =	shalt  }
0x72: {  	_ =	shalt  }
0x73: {  	_ =	shalt  }
0x74: {  	_ =	shalt  }
0x75: {  	_ =	shalt  }
0x76: {  	_ =	shalt  }
0x77: {  	_ =	shalt  }
0x78: {  	_ =	shalt  }
0x79: {  	_ =	shalt  }
0x7a: {  	_ =	shalt  }
0x7b: {  	_ =	shalt  }
0x7c: {  	_ =	shalt  }
0x7d: {  	_ =	shalt  }
0x7e: {  	_ =	shalt  }
0x7f: {  	_ =	shalt  }
0x80: {  	_ =	shalt  }
0x81: {  	_ =	shalt  }
0x82: {  	_ =	shalt  }
0x83: {  	_ =	shalt  }
0x84: {  	_ =	shalt  }
0x85: {  	_ =	shalt  }
0x86: {  	_ =	shalt  }
0x87: {  	_ =	shalt  }
.Lfunc_end0:
.L_simem_size_0:
called_computation_lowered:
.L_overlay_start_0:
0x88: {  	s2 =	sld [smem:$0x3FD9]  }
0x89: {  	s3 =	sld [smem:$0x3FFE];
	_ =	sdelay $0x1  }
0x8a: {  	s1 =	srdreg.scid  }
0x8b: {  	s0 =	sand.u32 $0x1, s1  }
0x8c: {  	s14 =	sshll.u32 s0, $0xA;
	s2 =	sadd.s32 s3, s2  }
0x8d: {  	s2 =	sadd.s32 s2, s14  }
0x8e: {  	[smem:$0x3FBD] =	sst s2  }
0x8f: {  	_ = 	snop  }
0x90: {  	s2 =	sld [smem:$0x3FD0];
	_ =	sdelay $0x2  }
0x91: {  	s15 =	simm.s32 $0xA;
	s4 =	simm.s32 $0x10  }
0x92: {  	[smem:s4], [sflag:s15] =	dma.local [hbm:s2], $0x1  }
0x93: {  	_ =	swait.eq [sflag:s15], $0x1  }
0x94: {  	[sflag:s15] =	ssyncset.done $0x0  }
0x95: {  	s16 =	sld [smem:$0x10];
	[sflag:s15] =	ssyncadd.s32 $0xFFFFFFFF  }
0x96: {  	s17 =	sld [smem:$0x12];
	(tm) =	ssettm $0x1  }
0x97: {  	s18 =	sld [smem:$0x3FFB];
	_ =	sdelay $0x3  }
0x98: {  	_ =	strace s18  }
0x99: {  	s4 =	sld [smem:$0x3FFC];
	_ =	sdelay $0x3  }
0x9a: {  	_ =	strace s4  }
0x9b: {  	s4 =	sld [smem:$0x3FFD];
	_ =	sdelay $0x3  }
0x9c: {  	_ =	strace s4  }
0x9d: {  	_ =	strace $0x8FFFFFFF  }
0x9e: {  	s19 =	sld [smem:$0x3FDB];
	_ =	sdelay $0x1  }
0x9f: {  	s5 =	simm.s32 $_scs_section_size  }
0xa0: {  	s6 =	simm.s32 $_size__tile_overlayer_lowered;
	s7 =	simm.s32 $_tile_overlayer_lowered  }
0xa1: {  	s22 =	simm.s32 $0x1BFF;
	s21 =	sshll.u32 s7, $0x1;
	s4 =	sadd.s32 s5, s19  }
0xa2: {  	s8 =	simm.s32 $0x0;
	s20 =	sshll.u32 s6, $0x1;
	s6 =	sadd.s32 s21, s4  }
0xa3: {  	[timem:s8], [sflag:s22] =	dma.local [hbm:s6], s20  }
0xa4: {  	_ =	swait.ge [sflag:s22], s20  }
0xa5: {  	s5 =	ssub.s32 $0x0, s20;
	[sflag:s22] =	ssyncset.done $0x0  }
0xa6: {  	[sflag:s22] =	ssyncadd.s32 s5;
	_ =	sdelay $0x1  }
0xa7: {  	s23 =	simm.s32 $0x1B8B  }
0xa8: {  	_ =	swait.ge [sflag:s23], $0x1  }
0xa9: {  	[sflag:s23] =	ssyncset.done $0x0  }
0xaa: {  	s25 =	simm.s32 $0x1B8E;
	s24 =	sld [smem:$0x3FFE];
	[sflag:s23] =	ssyncadd.s32 $0xFFFFFFFF  }
0xab: {  	s26 =	simm.s32 $execute0_lowered;
	[smem:$0x3FD2] =	sst s25  }
0xac: {  	s6 =	sshll.u32 s26, $0x1;
	_ =	strace $0x80000046;
	[dreg:$0x1] =	wrdreg $0xFFFFFFFF  }
0xad: {  	s28 =	simm.s32 $_size_execute0_lowered;
	s4 =	sadd.s32 s4, s6;
	[dreg:$0x0] =	wrdreg $0x0  }
0xae: {  	s6 =	sshll.u32 s28, $0x1;
	[dreg:$0x2] =	wrdreg s4  }
0xaf: {  	[dreg:$0x3] =	wrdreg s6  }
0xb0: {  	[dreg:$0x4] =	wrdreg $0xC0  }
0xb1: {  	_ =	task [dreg:s8], $0x5FFFF  }
0xb2: {  	[dreg:$0x1] =	wrdreg $0xFFFFFFFF  }
0xb3: {  	[dreg:$0x0] =	wrdreg $0x60  }
0xb4: {  	[dreg:$0x2] =	wrdreg s24  }
0xb5: {  	[dreg:$0x3] =	wrdreg s17  }
0xb6: {  	[dreg:$0x4] =	wrdreg s16  }
0xb7: {  	[dreg:$0x5] =	wrdreg $0x42000  }
0xb8: {  	[dreg:$0x6] =	wrdreg $0x9  }
0xb9: {  	_ =	task.clear_ibuf [dreg:s8], $0x7FFFF;
	_ =	strace $0x90000046  }
0xba: {  	s29 =	simm.s32 $0x9;
	_ =	strace $0x80000048  }
0xbb: {  	_ =	swait.ge [sflag:s29], $0x1  }
0xbc: {  	[sflag:s29] =	ssyncadd.s32 $0xFFFFFFFF  }
0xbd: {  	_ =	strace $0x90000048  }
0xbe: {  	_ =	sfence  }
0xbf: {  	s30 =	sld [smem:$0x0];
	_ =	sdelay $0x2  }
0xc0: {  	s31 =	sshll.u32 s1, $0xD;
	s1 =	sshrl.u32 s1, $0x2  }
0xc1: {  	s3 =	sand.u32 $0x4000, s31;
	s1 =	sadd.s32 s1, s30  }
0xc2: {  	s0 =	sor.u32 s3, s0;
	s1 =	sshll.u32 s1, $0x11  }
0xc3: {  	s0 =	sor.u32 s1, s0  }
0xc4: {  	s0 =	sadd.s32 $0x8F2B, s0  }
0xc5: {  	[sflag:s0] =	ssyncadd.remote.s32 $0x1  }
0xc6: {  	_ =	sfence.sel $0xFFFF  }
0xc7: {  	[dreg:$0x0] =	wrdreg $0xFFFFFFFF;
	(pc) =	sbr.abs _section_cstart, $3  }
0xc8: {  	[dreg:$0x1] =	wrdreg $0xFFFFFFFF  }
0xc9: {  	_ =	task.clear_ibuf [dreg:s8], $0x2FFFF;
	_ =	strace $0x9FFFFFFF  }
0xca: {  	(tm) =	ssettm $0x7FFFFFFF  }
0xcb: {  	_ =	shalt  }
tec
execute0_lowered:
.L_overlay_start_1:
0x0: {  	(tag) =	ssettag $0x1  }
0x1: {  	s1 =	srdreg.scid  }
0x2: {  	s1 =	sand.u32 $0x1, s1  }
0x3: {  	s6 =	rddreg [dreg:$0x0];
	p0 =	seq.s32 s1, $0x1  }
.Ltmp0:
0x4: {  	s5 =	rddreg [dreg:$0x1];
	(pc) =	sbr.rel @p0 .LBB2_5-.Ltmp0, $4  }
0x5: {  	s8 =	rddreg [dreg:$0x2]  }
0x6: {  	s3 =	rddreg [dreg:$0x3];
	s4 =	simm.s32 $0x0  }
0x7: {  	[smem:$0x7FF] =	sst s4  }
0x8: {  	s0 =	rddreg [dreg:$0x4];
	_ =	strace $0x80000047;
	s1 =	stileid.u32  }
0x9: {  	s2 =	smul.u32 $0x4F000, s1;
	_ =	sdelay $0x1  }
0xa: {  	s2 =	sshrl.u32 s2, $0x2  }
0xb: {  	s24 =	sshll.u32 s1, $0x6;
	s7 =	sadd.s32 s2, s3  }
0xc: {  	s25 =	simm.s32 $0x7;
	s2 =	sor.u32 $0x1C07, s24;
	s7 =	sshrl.u32 s7, $0x3  }
0xd: {  	[spmem:s7], [sflag:s2] =	dma.local [hbm:s5], $0x2780  }
0xe: {  	_ =	swait.ge [sflag:s25], $0x2780  }
0xf: {  	[sflag:s25] =	ssyncset.done $0x0  }
0x10: {  	s9 =	sadd.s32 $0xAC00, s6;
	s5 =	simm.s32 $0x200;
	[sflag:s25] =	ssyncadd.s32 $0xFFFFD880  }
0x11: {  	[tilespmem:s5], [sflag:$0x7] =	stream.linear.gather [hbm4b:s9+s4], $0x4000, $0x38;
	[tilespmem:$0x17E00] =	vst v63  }
0x12: {  	s13 =	smul.u32 $0x2A00, s1;
	_ =	swait.ge [sflag:s25], $0x4000  }
0x13: {  	[sflag:s25] =	ssyncset.done $0x0  }
0x14: {  	s18 =	sadd.s32 $0x5800, s6;
	s26 =	sshrl.u32 s13, $0x3;
	[sflag:s25] =	ssyncadd.s32 $0xFFFFC000  }
0x15: {  	s6 =	sadd.s32 s18, s26;
	[bflag:$0x0] =	sbarrier.arrive $0xFFFF  }
0x16: {  	[tilespmem:s4], [sflag:$0x1] =	stream.linear.gather [hbm4b:s6+s4], $0x80, $0x38;
	[tilespmem:$0x17E00] =	vst v63  }
0x17: {  	s28 =	sadd.s32 $0x10, s6;
	s7 =	simm.s32 $0x1;
	s6 =	simm.s32 $0x80  }
0x18: {  	[tilespmem:s6], [sflag:$0x2] =	stream.linear.gather [hbm4b:s28+s4], $0x80, $0x38;
	[tilespmem:$0x17E00] =	vst v63  }
0x19: {  	_ =	swait.ge [sflag:s7], $0x80  }
0x1a: {  	s29 =	sor.u32 $0x100, s13;
	[sflag:s7] =	ssyncset.done $0x0  }
0x1b: {  	s9 =	sshrl.u32 s29, $0x3;
	[sflag:s7] =	ssyncadd.s32 $0xFFFFFF80  }
0x1c: {  	[spmem:s3] =	stream.indirect.scatter.add.f32 [tilespmem:s5], [sflag:$0x5], $0x80, s4, s6, $0xb8;
	[tilespmem:$0x17E00] =	vst v63  }
0x1d: {  	s10 =	sadd.s32 s18, s9;
	s9 =	simm.s32 $0x100  }
0x1e: {  	[tilespmem:s9], [sflag:$0x3] =	stream.linear.gather [hbm4b:s10+s4], $0x80, $0x38;
	[tilespmem:$0x17E00] =	vst v63  }
0x1f: {  	s10 =	simm.s32 $0x2  }
0x20: {  	_ =	swait.ge [sflag:s10], $0x80  }
0x21: {  	s11 =	sor.u32 $0x180, s13;
	[sflag:s10] =	ssyncset.done $0x0  }
0x22: {  	s11 =	sshrl.u32 s11, $0x3;
	[sflag:s10] =	ssyncadd.s32 $0xFFFFFF80  }
0x23: {  	[spmem:s3] =	stream.indirect.scatter.add.f32 [tilespmem:s5], [sflag:$0x6], $0x80, s6, s6, $0xb8;
	[tilespmem:$0x17E00] =	vst v63  }
0x24: {  	s12 =	sadd.s32 s18, s11;
	s11 =	simm.s32 $0x180  }
0x25: {  	[tilespmem:s11], [sflag:$0x4] =	stream.linear.gather [hbm4b:s12+s4], $0x80, $0x38;
	[tilespmem:$0x17E00] =	vst v63  }
0x26: {  	s12 =	simm.s32 $0x5  }
0x27: {  	_ =	swait.ge [sflag:s12], $0x4000  }
0x28: {  	[sflag:s12] =	ssyncset.done $0x0  }
0x29: {  	s15 =	simm.s32 $0x3;
	[sflag:s12] =	ssyncadd.s32 $0xFFFFC000  }
0x2a: {  	_ =	swait.ge [sflag:s15], $0x80  }
0x2b: {  	s14 =	sadd.s32 $0x200, s13;
	[sflag:s15] =	ssyncset.done $0x0  }
0x2c: {  	s14 =	sshrl.u32 s14, $0x3;
	[sflag:s15] =	ssyncadd.s32 $0xFFFFFF80  }
0x2d: {  	[spmem:s3] =	stream.indirect.scatter.add.f32 [tilespmem:s5], [sflag:$0x5], $0x80, s9, s6, $0xb8;
	[tilespmem:$0x17E00] =	vst v63  }
0x2e: {  	s17 =	simm.s32 $0x6;
	s14 =	sadd.s32 s18, s14  }
0x2f: {  	[tilespmem:s4], [sflag:$0x1] =	stream.linear.gather [hbm4b:s14+s4], $0x80, $0x38;
	[tilespmem:$0x17E00] =	vst v63  }
0x30: {  	_ =	swait.ge [sflag:s17], $0x4000  }
0x31: {  	[sflag:s17] =	ssyncset.done $0x0  }
0x32: {  	s19 =	simm.s32 $0x4;
	s30 =	smul.u32 $0x4E000, s1;
	[sflag:s17] =	ssyncadd.s32 $0xFFFFC000  }
0x33: {  	s16 =	smul.u32 $0x2700, s1;
	s13 =	sadd.s32 $0x280, s13;
	_ =	swait.ge [sflag:s19], $0x80  }
0x34: {  	s20 =	smul.u32 $0x540, s1;
	s13 =	sshrl.u32 s13, $0x3;
	[sflag:s19] =	ssyncset.done $0x0  }
0x35: {  	s31 =	sshrl.u32 s30, $0x2;
	s13 =	sadd.s32 s18, s13;
	[sflag:s19] =	ssyncadd.s32 $0xFFFFFF80  }
0x36: {  	[spmem:s3] =	stream.indirect.scatter.add.f32 [tilespmem:s5], [sflag:$0x6], $0x80, s11, s6, $0xb8;
	[tilespmem:$0x17E00] =	vst v63  }
0x37: {  	s18 =	sadd.s32 s20, s18;
	s20 =	simm.s32 $0xFFFFFB40;
	s14 =	sadd.s32 s8, s16  }
0x38: {  	[tilespmem:s6], [sflag:$0x2] =	stream.linear.gather [hbm4b:s13+s4], $0x80, $0x38;
	[tilespmem:$0x17E00] =	vst v63  }
0x39: {  	s16 =	sadd.s32 $0x124800, s3;
	s8 =	sadd.s32 $0x24900, s8;
	s13 =	sadd.s32 s31, s3  }
.LBB2_2:
0x3a: {  	_ =	swait.ge [sflag:s12], $0x4000  }
0x3b: {  	[sflag:s12] =	ssyncset.done $0x0  }
0x3c: {  	[sflag:s12] =	ssyncadd.s32 $0xFFFFC000  }
0x3d: {  	_ =	swait.ge [sflag:s7], $0x80  }
0x3e: {  	[sflag:s7] =	ssyncset.done $0x0  }
0x3f: {  	s21 =	sadd.s32 s20, s18;
	[sflag:s7] =	ssyncadd.s32 $0xFFFFFF80  }
0x40: {  	[spmem:s3] =	stream.indirect.scatter.add.f32 [tilespmem:s5], [sflag:$0x5], $0x80, s4, s6, $0xb8;
	[tilespmem:$0x17E00] =	vst v63  }
0x41: {  	s22 =	sadd.s32 $0x520, s21  }
0x42: {  	[tilespmem:s9], [sflag:$0x3] =	stream.linear.gather [hbm4b:s22+s4], $0x80, $0x38;
	[tilespmem:$0x17E00] =	vst v63  }
0x43: {  	_ =	swait.ge [sflag:s17], $0x4000  }
0x44: {  	[sflag:s17] =	ssyncset.done $0x0  }
0x45: {  	[sflag:s17] =	ssyncadd.s32 $0xFFFFC000  }
0x46: {  	_ =	swait.ge [sflag:s10], $0x80  }
0x47: {  	[sflag:s10] =	ssyncset.done $0x0  }
0x48: {  	[sflag:s10] =	ssyncadd.s32 $0xFFFFFF80  }
0x49: {  	[spmem:s3] =	stream.indirect.scatter.add.f32 [tilespmem:s5], [sflag:$0x6], $0x80, s6, s6, $0xb8;
	[tilespmem:$0x17E00] =	vst v63  }
0x4a: {  	s31 =	sadd.s32 $0x530, s21  }
0x4b: {  	[tilespmem:s11], [sflag:$0x4] =	stream.linear.gather [hbm4b:s31+s4], $0x80, $0x38;
	[tilespmem:$0x17E00] =	vst v63  }
0x4c: {  	_ =	swait.ge [sflag:s12], $0x4000  }
0x4d: {  	p0 =	seq.s32 s20, $0x0;
	[sflag:s12] =	ssyncset.done $0x0  }
.Ltmp1:
0x4e: {  	[sflag:s12] =	ssyncadd.s32 $0xFFFFC000;
	(pc) =	sbr.rel @p0 .LBB2_4-.Ltmp1, $4  }
0x4f: {  	_ =	swait.ge [sflag:s15], $0x80  }
0x50: {  	[sflag:s15] =	ssyncset.done $0x0  }
0x51: {  	[sflag:s15] =	ssyncadd.s32 $0xFFFFFF80  }
0x52: {  	[spmem:s3] =	stream.indirect.scatter.add.f32 [tilespmem:s5], [sflag:$0x5], $0x80, s9, s6, $0xb8;
	[tilespmem:$0x17E00] =	vst v63  }
0x53: {  	s22 =	sadd.s32 $0x540, s21  }
0x54: {  	[tilespmem:s4], [sflag:$0x1] =	stream.linear.gather [hbm4b:s22+s4], $0x80, $0x38;
	[tilespmem:$0x17E00] =	vst v63  }
0x55: {  	_ =	swait.ge [sflag:s17], $0x4000  }
0x56: {  	[sflag:s17] =	ssyncset.done $0x0  }
0x57: {  	[sflag:s17] =	ssyncadd.s32 $0xFFFFC000  }
0x58: {  	_ =	swait.ge [sflag:s19], $0x80  }
.Ltmp2:
0x59: {  	[sflag:s19] =	ssyncset.done $0x0;
	(pc) =	sbr.rel .LBB2_2-.Ltmp2, $4  }
0x5a: {  	[sflag:s19] =	ssyncadd.s32 $0xFFFFFF80  }
0x5b: {  	[spmem:s3] =	stream.indirect.scatter.add.f32 [tilespmem:s5], [sflag:$0x6], $0x80, s11, s6, $0xb8;
	[tilespmem:$0x17E00] =	vst v63  }
0x5c: {  	s31 =	sadd.s32 $0x550, s21;
	s20 =	sadd.s32 $0x40, s20  }
0x5d: {  	[tilespmem:s6], [sflag:$0x2] =	stream.linear.gather [hbm4b:s31+s4], $0x80, $0x38;
	[tilespmem:$0x17E00] =	vst v63  }
.LBB2_4:
0x5e: {  	s4 =	simm.s32 $0x6  }
0x5f: {  	_ =	swait.ge [sflag:s4], $0x4000  }
0x60: {  	[sflag:s4] =	ssyncset.done $0x0  }
0x61: {  	s5 =	simm.s32 $0x4;
	[sflag:s4] =	ssyncadd.s32 $0xFFFFC000  }
0x62: {  	_ =	swait.ge [sflag:s5], $0x80  }
0x63: {  	s30 =	simm.s32 $0x80;
	s6 =	simm.s32 $0x180;
	[sflag:s5] =	ssyncset.done $0x0  }
0x64: {  	s7 =	simm.s32 $0x200;
	s31 =	simm.s32 $0x5;
	[sflag:s5] =	ssyncadd.s32 $0xFFFFFF80  }
0x65: {  	[spmem:s3] =	stream.indirect.scatter.add.f32 [tilespmem:s7], [sflag:$0x6], $0x80, s6, s30, $0xb8;
	[tilespmem:$0x17E00] =	vst v63  }
0x66: {  	_ =	swait.ge [sflag:s31], $0x4000  }
0x67: {  	[sflag:s31] =	ssyncset.done $0x0  }
0x68: {  	[sflag:s31] =	ssyncadd.s32 $0xFFFFC000  }
0x69: {  	_ =	swait.ge [sflag:s4], $0x4000  }
0x6a: {  	[sflag:s4] =	ssyncset.done $0x0  }
0x6b: {  	p0 =	seq.s32 s1, $0xF;
	[sflag:s4] =	ssyncadd.s32 $0xFFFFC000  }
0x6c: {  	s3 =	sshrl.u32 @p0 s16, $0x3;
	[bflag:$0x0] =	sbarrier.arrive $0xFFFF  }
0x6d: {  	[hbm:s8], [sflag:s2] =	dma.local @p0 [spmem:s3], $0x2800  }
0x6e: {  	s3 =	simm.s32 @p0 $0x7  }
0x6f: {  	_ =	swait.ge @p0 [sflag:s3], $0x2800  }
0x70: {  	[sflag:s3] =	ssyncset.done @p0 $0x0  }
0x71: {  	[sflag:s3] =	ssyncadd.s32 @p0 $0xFFFFD800;
	s3 =	sshrl.u32 @!p0 s13, $0x3  }
0x72: {  	[hbm:s14], [sflag:s2] =	dma.local @!p0 [spmem:s3], $0x2700  }
0x73: {  	s2 =	simm.s32 @!p0 $0x7  }
0x74: {  	_ =	swait.ge @!p0 [sflag:s2], $0x2700  }
0x75: {  	[sflag:s2] =	ssyncset.done @!p0 $0x0  }
0x76: {  	[sflag:s2] =	ssyncadd.s32 @!p0 $0xFFFFD900  }
.LBB2_5:
0x77: {  	_ =	sfence.sel $0x180000  }
0x78: {  	[bflag:$0x0] =	sbarrier.arrive $0xFFFF  }
0x79: {  	p0 =	sne.s32 s1, $0x0;
	_ =	strace $0x90000047  }
0x7a: {  	s0 =	sadd.s32 @!p0 $0x100000, s0;
	[bflag:$0x2] =	sbarrier.arrive $0xFFFF  }
0x7b: {  	[sflag:s0] =	ssyncadd.tile.s32 @!p0 $0x1;
	_ =	shalt  }
.Lfunc_end2:
_tile_overlayer_lowered:
.L_overlay_start_2:
0x7c: {  	(tag) =	ssettag $0x2  }
0x7d: {  	s0 =	rddreg [dreg:$0x0];
	s2 =	stileid.u32  }
0x7e: {  	s1 =	rddreg [dreg:$0x1];
	p0 =	sne.s32 s2, $0x0  }
0x7f: {  	s3 =	rddreg [dreg:$0x2];
	[bflag:$0x3] =	sbarrier.arrive $0xFFFF;
	s2 =	simm.s32 @!p0 $0x1C07  }
0x80: {  	[timem:s3], [sflag:s2] =	dma.local @!p0 [hbm:s0], s1  }
0x81: {  	s0 =	simm.s32 @!p0 $0x7  }
0x82: {  	_ =	swait.ge @!p0 [sflag:s0], s1  }
0x83: {  	s1 =	ssub.s32 @!p0 $0x0, s1;
	[sflag:s0] =	ssyncset.done @!p0 $0x0  }
0x84: {  	[sflag:s0] =	ssyncadd.s32 @!p0 s1  }
0x85: {  	[bflag:$0x3] =	sbarrier.arrive $0xFFFF  }
0x86: {  	_ =	shalt  }

// kernel: kernel.17.cloned.1.call-start
scs
__scs_entry_jumppad:
0x0: {  	(pc) =	sbr.rel $0x88, $3  }
0x1: {  	(tag) =	ssettag $0x0;
	lr =	simm.s32 $0x1  }
0x2: {  	[smem:$0x3F96] =	sst lr;
	_ =	strace $0xD0000000  }
0x3: {  	_ = 	snop  }
0x4: {  	_ = 	snop  }
0x5: {  	_ = 	snop  }
0x6: {  	_ = 	snop  }
0x7: {  	_ = 	snop  }
__scs_overlays_trampoline_lowered:
0x8: {  	[smem:$0x3FA5] =	sst s0  }
0x9: {  	[smem:$0x3FA6] =	sst s1  }
0xa: {  	[smem:$0x3FA7] =	sst s2  }
0xb: {  	[smem:$0x3FA8] =	sst s3  }
0xc: {  	[smem:$0x3FA9] =	sst s4  }
0xd: {  	[smem:$0x3FAA] =	sst s5  }
0xe: {  	[smem:$0x3FAB] =	sst s6  }
0xf: {  	[smem:$0x3FAC] =	sst s7  }
0x10: {  	[smem:$0x3FAD] =	sst s8  }
0x11: {  	[smem:$0x3FAE] =	sst s9;
	s0 =	simm.s32 @!p0 $0x0  }
0x12: {  	s1 =	sld [smem:$0x3F94];
	s0 =	simm.s32 @p0 $0x1  }
0x13: {  	[smem:$0x3FAF] =	sst s0;
	s0 =	simm.s32 @!p1 $0x0  }
0x14: {  	s2 =	sld [smem:$0x3F93];
	s0 =	simm.s32 @p1 $0x1  }
0x15: {  	[smem:$0x3FB0] =	sst s0;
	s0 =	simm.s32 @!p2 $0x0  }
0x16: {  	s3 =	sld [smem:$0x3FDB];
	s0 =	simm.s32 @p2 $0x1  }
0x17: {  	s4 =	simm.s32 $0x1BF5;
	[smem:$0x3FB2] =	sst s0  }
0x18: {  	s0 =	sld [smem:$0x3F95];
	_ =	swait.ge [sflag:s4], $0x0  }
0x19: {  	s7 =	sld [smem:$0x3F96]  }
0x1a: {  	s8 =	sadd.s32 $0xFFFFE003, lr  }
0x1b: {  	s9 =	sadd.s32 $0xFFFFFEF7, lr;
	s5 =	simm.s32 $0xFFFFFFFF;
	p2 =	slt.u32 s8, $0xFFFFF086  }
0x1c: {  	p1 =	slt.u32 s9, $0xF7A;
	s5 =	simm.s32 @!p2 $0x0  }
0x1d: {  	s5 =	simm.s32 @p1 $0x1;
	p0 =	seq.s32 s7, s2  }
0x1e: {  	s7 =	smul.u32 @!p0 $0xF7A, s2;
	p2 =	seq.s32 @!p0 s5, $0x0  }
0x1f: {  	s9 =	smul.u32 $0xF7A, s1;
	s8 =	simm.s32 @!p0 $0x1BF5;
	p2 =	por !p2, p0  }
0x20: {  	[sflag:s8] =	ssyncset.s32 @!p0 $0xFFFFF086;
	s6 =	sadd.s32 @!p0 s3, s7;
	s7 =	simm.s32 @!p0 $0x108  }
0x21: {  	s3 =	sadd.s32 s3, s9;
	s6 =	sadd.s32 @!p0 $0x88, s6;
	s7 =	simm.s32 @p2 $0x1082  }
0x22: {  	[simem:s7], [sflag:s8] =	dma.local @!p0 [hbm:s6], $0xF7A  }
0x23: {  	s9 =	sor.u32 $0xD0000000, s2;
	s6 =	simm.s32 $0x108;
	_ =	swait.ge @!p0 [sflag:s8], $0x0  }
0x24: {  	s3 =	sadd.s32 $0x88, s3;
	s6 =	simm.s32 @!p1 $0x1082;
	[sflag:s4] =	ssyncset.s32 $0xFFFFF086  }
0x25: {  	[simem:s6], [sflag:s4] =	dma.local [hbm:s3], $0xF7A  }
0x26: {  	[smem:$0x3F96] =	sst s1;
	(tag) =	ssettag s2;
	_ =	strace s9  }
0x27: {  	s1 =	sld [smem:$0x3FA6]  }
0x28: {  	s2 =	sld [smem:$0x3FA7]  }
0x29: {  	s4 =	sld [smem:$0x3FA9]  }
0x2a: {  	p0 =	seq.s32 s5, $0x0;
	s5 =	sld [smem:$0x3FAA]  }
0x2b: {  	s6 =	sld [smem:$0x3FAB]  }
0x2c: {  	s7 =	sld [smem:$0x3FAC]  }
0x2d: {  	s3 =	simm.s32 $0x108;
	s8 =	sld [smem:$0x3FAD]  }
0x2e: {  	s3 =	simm.s32 @!p0 $0x1082;
	s9 =	sld [smem:$0x3FAE]  }
0x2f: {  	lr =	sadd.s32 s0, s3;
	s0 =	sld [smem:$0x3FA5]  }
0x30: {  	s3 =	sld [smem:$0x3FA8]  }
0x31: {  	[smem:$0x3FB1] =	sst s10  }
0x32: {  	s10 =	sld [smem:$0x3FAF];
	_ =	sdelay $0x3  }
0x33: {  	p0 =	seq.s32 s10, $0x1;
	s10 =	sld [smem:$0x3FB1];
	_ =	sdelay $0x3  }
0x34: {  	[smem:$0x3FB1] =	sst s10  }
0x35: {  	s10 =	sld [smem:$0x3FB0];
	_ =	sdelay $0x3  }
0x36: {  	p1 =	seq.s32 s10, $0x1;
	s10 =	sld [smem:$0x3FB1];
	_ =	sdelay $0x3  }
0x37: {  	[smem:$0x3FB1] =	sst s10  }
0x38: {  	s10 =	sld [smem:$0x3FB2]  }
0x39: {  	_ = 	snop;
	(pc) =	sbr.ind lr, $3  }
0x3a: {  	_ = 	snop  }
0x3b: {  	_ = 	snop  }
0x3c: {  	p2 =	seq.s32 s10, $0x1;
	s10 =	sld [smem:$0x3FB1]  }
0x3d: {  	_ =	shalt  }
0x3e: {  	_ =	shalt  }
0x3f: {  	_ =	shalt  }
0x40: {  	_ =	shalt  }
0x41: {  	_ =	shalt  }
0x42: {  	_ =	shalt  }
0x43: {  	_ =	shalt  }
0x44: {  	_ =	shalt  }
0x45: {  	_ =	shalt  }
0x46: {  	_ =	shalt  }
0x47: {  	_ =	shalt  }
0x48: {  	_ =	shalt  }
0x49: {  	_ =	shalt  }
0x4a: {  	_ =	shalt  }
0x4b: {  	_ =	shalt  }
0x4c: {  	_ =	shalt  }
0x4d: {  	_ =	shalt  }
0x4e: {  	_ =	shalt  }
0x4f: {  	_ =	shalt  }
0x50: {  	_ =	shalt  }
0x51: {  	_ =	shalt  }
0x52: {  	_ =	shalt  }
0x53: {  	_ =	shalt  }
0x54: {  	_ =	shalt  }
0x55: {  	_ =	shalt  }
0x56: {  	_ =	shalt  }
0x57: {  	_ =	shalt  }
0x58: {  	_ =	shalt  }
0x59: {  	_ =	shalt  }
0x5a: {  	_ =	shalt  }
0x5b: {  	_ =	shalt  }
0x5c: {  	_ =	shalt  }
0x5d: {  	_ =	shalt  }
0x5e: {  	_ =	shalt  }
0x5f: {  	_ =	shalt  }
0x60: {  	_ =	shalt  }
0x61: {  	_ =	shalt  }
0x62: {  	_ =	shalt  }
0x63: {  	_ =	shalt  }
0x64: {  	_ =	shalt  }
0x65: {  	_ =	shalt  }
0x66: {  	_ =	shalt  }
0x67: {  	_ =	shalt  }
0x68: {  	_ =	shalt  }
0x69: {  	_ =	shalt  }
0x6a: {  	_ =	shalt  }
0x6b: {  	_ =	shalt  }
0x6c: {  	_ =	shalt  }
0x6d: {  	_ =	shalt  }
0x6e: {  	_ =	shalt  }
0x6f: {  	_ =	shalt  }
0x70: {  	_ =	shalt  }
0x71: {  	_ =	shalt  }
0x72: {  	_ =	shalt  }
0x73: {  	_ =	shalt  }
0x74: {  	_ =	shalt  }
0x75: {  	_ =	shalt  }
0x76: {  	_ =	shalt  }
0x77: {  	_ =	shalt  }
0x78: {  	_ =	shalt  }
0x79: {  	_ =	shalt  }
0x7a: {  	_ =	shalt  }
0x7b: {  	_ =	shalt  }
0x7c: {  	_ =	shalt  }
0x7d: {  	_ =	shalt  }
0x7e: {  	_ =	shalt  }
0x7f: {  	_ =	shalt  }
0x80: {  	_ =	shalt  }
0x81: {  	_ =	shalt  }
0x82: {  	_ =	shalt  }
0x83: {  	_ =	shalt  }
0x84: {  	_ =	shalt  }
0x85: {  	_ =	shalt  }
0x86: {  	_ =	shalt  }
0x87: {  	_ =	shalt  }
.Lfunc_end0:
.L_simem_size_0:
called_computation.1_lowered:
.L_overlay_start_0:
0x88: {  	s2 =	sld [smem:$0x3FD9]  }
0x89: {  	s3 =	sld [smem:$0x3FFE];
	_ =	sdelay $0x1  }
0x8a: {  	s1 =	srdreg.scid  }
0x8b: {  	s0 =	sand.u32 $0x1, s1  }
0x8c: {  	s14 =	sshll.u32 s0, $0xA;
	s2 =	sadd.s32 s3, s2  }
0x8d: {  	s2 =	sadd.s32 s2, s14  }
0x8e: {  	[smem:$0x3FBD] =	sst s2  }
0x8f: {  	_ = 	snop  }
0x90: {  	s2 =	sld [smem:$0x3FD0];
	_ =	sdelay $0x2  }
0x91: {  	s15 =	simm.s32 $0xA;
	s4 =	simm.s32 $0x10  }
0x92: {  	[smem:s4], [sflag:s15] =	dma.local [hbm:s2], $0x1  }
0x93: {  	_ =	swait.eq [sflag:s15], $0x1  }
0x94: {  	[sflag:s15] =	ssyncset.done $0x0  }
0x95: {  	[sflag:s15] =	ssyncadd.s32 $0xFFFFFFFF  }
0x96: {  	s16 =	sld [smem:$0x12];
	(tm) =	ssettm $0x1  }
0x97: {  	s17 =	sld [smem:$0x3FFB];
	_ =	sdelay $0x3  }
0x98: {  	_ =	strace s17  }
0x99: {  	s3 =	sld [smem:$0x3FFC];
	_ =	sdelay $0x3  }
0x9a: {  	_ =	strace s3  }
0x9b: {  	s3 =	sld [smem:$0x3FFD];
	_ =	sdelay $0x3  }
0x9c: {  	_ =	strace s3  }
0x9d: {  	_ =	strace $0x8FFFFFFF  }
0x9e: {  	s18 =	sld [smem:$0x3FDB];
	_ =	sdelay $0x1  }
0x9f: {  	s19 =	simm.s32 $_scs_section_size  }
0xa0: {  	s5 =	simm.s32 $_size__tile_overlayer_lowered;
	s6 =	simm.s32 $_tile_overlayer_lowered  }
0xa1: {  	s22 =	simm.s32 $0x1BFF;
	s21 =	sshll.u32 s6, $0x1;
	s3 =	sadd.s32 s19, s18  }
0xa2: {  	s7 =	simm.s32 $0x0;
	s20 =	sshll.u32 s5, $0x1;
	s5 =	sadd.s32 s21, s3  }
0xa3: {  	[timem:s7], [sflag:s22] =	dma.local [hbm:s5], s20  }
0xa4: {  	_ =	swait.ge [sflag:s22], s20  }
0xa5: {  	s4 =	ssub.s32 $0x0, s20;
	[sflag:s22] =	ssyncset.done $0x0  }
0xa6: {  	[sflag:s22] =	ssyncadd.s32 s4;
	_ =	sdelay $0x1  }
0xa7: {  	s23 =	simm.s32 $0x1B8B  }
0xa8: {  	_ =	swait.ge [sflag:s23], $0x1  }
0xa9: {  	[sflag:s23] =	ssyncset.done $0x0  }
0xaa: {  	s25 =	simm.s32 $0x1B8E;
	s24 =	sld [smem:$0x3FFE];
	[sflag:s23] =	ssyncadd.s32 $0xFFFFFFFF  }
0xab: {  	s26 =	simm.s32 $execute0_lowered;
	[smem:$0x3FD2] =	sst s25  }
0xac: {  	s5 =	sshll.u32 s26, $0x1;
	_ =	strace $0x80000049;
	[dreg:$0x1] =	wrdreg $0xFFFFFFFF  }
0xad: {  	s28 =	simm.s32 $_size_execute0_lowered;
	s3 =	sadd.s32 s3, s5;
	[dreg:$0x0] =	wrdreg $0x0  }
0xae: {  	s5 =	sshll.u32 s28, $0x1;
	[dreg:$0x2] =	wrdreg s3  }
0xaf: {  	[dreg:$0x3] =	wrdreg s5  }
0xb0: {  	[dreg:$0x4] =	wrdreg $0xC0  }
0xb1: {  	_ =	task [dreg:s7], $0x5FFFF  }
0xb2: {  	[dreg:$0x1] =	wrdreg $0xFFFFFFFF  }
0xb3: {  	[dreg:$0x0] =	wrdreg $0x60  }
0xb4: {  	[dreg:$0x2] =	wrdreg s24  }
0xb5: {  	[dreg:$0x3] =	wrdreg s16  }
0xb6: {  	[dreg:$0x4] =	wrdreg $0x84000  }
0xb7: {  	[dreg:$0x5] =	wrdreg $0x9  }
0xb8: {  	_ =	task.clear_ibuf [dreg:s7], $0x6FFFF;
	_ =	strace $0x90000049  }
0xb9: {  	s29 =	simm.s32 $0x9;
	_ =	strace $0x8000004B  }
0xba: {  	_ =	swait.ge [sflag:s29], $0x1  }
0xbb: {  	[sflag:s29] =	ssyncadd.s32 $0xFFFFFFFF  }
0xbc: {  	_ =	strace $0x9000004B  }
0xbd: {  	_ =	sfence  }
0xbe: {  	s30 =	sld [smem:$0x0];
	_ =	sdelay $0x2  }
0xbf: {  	s31 =	sshll.u32 s1, $0xD;
	s1 =	sshrl.u32 s1, $0x2  }
0xc0: {  	s3 =	sand.u32 $0x4000, s31;
	s1 =	sadd.s32 s1, s30  }
0xc1: {  	s0 =	sor.u32 s3, s0;
	s1 =	sshll.u32 s1, $0x11  }
0xc2: {  	s0 =	sor.u32 s1, s0  }
0xc3: {  	s0 =	sadd.s32 $0x8F2B, s0  }
0xc4: {  	[sflag:s0] =	ssyncadd.remote.s32 $0x1  }
0xc5: {  	_ =	sfence.sel $0xFFFF  }
0xc6: {  	[dreg:$0x0] =	wrdreg $0xFFFFFFFF;
	(pc) =	sbr.abs _section_cstart, $3  }
0xc7: {  	[dreg:$0x1] =	wrdreg $0xFFFFFFFF  }
0xc8: {  	_ =	task.clear_ibuf [dreg:s7], $0x2FFFF;
	_ =	strace $0x9FFFFFFF  }
0xc9: {  	(tm) =	ssettm $0x7FFFFFFF  }
tec
execute0_lowered:
.L_overlay_start_1:
0x0: {  	(tag) =	ssettag $0x1  }
0x1: {  	s0 =	rddreg [dreg:$0x0]  }
0x2: {  	s2 =	rddreg [dreg:$0x2];
	s3 =	simm.s32 $0x0  }
0x3: {  	s13 =	stileid.u32;
	s1 =	srdreg.scid;
	s28 =	simm.s32 $0x400  }
0x4: {  	s29 =	simm.s32 $0x5;
	s30 =	simm.s32 $0x2;
	s31 =	simm.s32 $0x4400  }
0x5: {  	[smem:$0x7FF] =	sst s3;
	s5 =	sadd.s32 $0x10800, s0;
	s7 =	smul.u32 $0x2700, s13  }
0x6: {  	s6 =	sadd.s32 $0x37A00, s0;
	s4 =	sadd.s32 $0xB400, s0;
	s10 =	smul.u32 $0x4F000, s13  }
0x7: {  	s1 =	sand.u32 $0x1, s1;
	s8 =	sadd.s32 $0x5800, s0;
	s12 =	smul.u32 $0x2A00, s13  }
0x8: {  	s16 =	smul.u32 $0x4E000, s13;
	s21 =	sadd.s32 $0x124800, s2;
	s22 =	sadd.s32 $0x83500, s0  }
0x9: {  	s23 =	smul.u32 $0x540, s13;
	s25 =	sshll.u32 s13, $0x6;
	p1 =	seq.s32 s13, $0xF  }
0xa: {  	_ =	strace $0x8000004A;
	s9 =	ssub.s32 $0x2, s1;
	[dreg:$0xa] =	wrdreg s21  }
0xb: {  	p0 =	seq.s32 s1, $0x1;
	[dreg:$0xb] =	wrdreg s22;
	s7 =	sadd.s32 s7, s0  }
0xc: {  	s11 =	sshrl.u32 s9, $0x1;
	s14 =	sshrl.u32 s10, $0x2;
	s15 =	sshrl.u32 s12, $0x3  }
0xd: {  	s19 =	sshrl.u32 s16, $0x2;
	s0 =	sadd.s32 $0xAA700, s0;
	s16 =	simm.s32 $0x380  }
0xe: {  	s9 =	ssub.s32 s9, s11;
	s1 =	sadd.s32 s14, s2;
	s12 =	sadd.s32 s4, s15  }
0xf: {  	s17 =	sadd.s32 s8, s15;
	s10 =	sor.u32 $0x10, s15;
	[dreg:$0xd] =	wrdreg s0  }
0x10: {  	s20 =	sadd.s32 $0x5EC00, s7;
	s7 =	sadd.s32 $0x85E00, s7;
	[dreg:$0x4] =	wrdreg s12  }
0x11: {  	s0 =	simm.s32 $0x100;
	s14 =	simm.s32 $0x3;
	[dreg:$0x5] =	wrdreg s17  }
0x12: {  	s15 =	simm.s32 $0x180;
	s18 =	sadd.s32 s4, s10;
	[dreg:$0x9] =	wrdreg s20  }
0x13: {  	s10 =	sadd.s32 s8, s10;
	[dreg:$0xc] =	wrdreg s7;
	s24 =	smax.u32 s9, $0x1  }
0x14: {  	s20 =	sadd.s32 s23, s4;
	s26 =	sshrl.u32 s1, $0x3;
	s4 =	simm.s32 $0x300  }
0x15: {  	s1 =	simm.s32 $0x6;
	s12 =	simm.s32 $0x7;
	[dreg:$0x6] =	wrdreg s18  }
.Ltmp0:
0x16: {  	s7 =	simm.s32 $0x8;
	[dreg:$0x7] =	wrdreg s10;
	(pc) =	sbr.rel .LBB2_1-.Ltmp0, $4  }
0x17: {  	s9 =	simm.s32 $0x0;
	s10 =	sadd.s32 s19, s2;
	[dreg:$0xe] =	wrdreg s24  }
0x18: {  	s18 =	sor.u32 $0x1C09, s25;
	s19 =	sadd.s32 s23, s8;
	[dreg:$0xf] =	wrdreg s26  }
0x19: {  	s23 =	simm.s32 $0x200;
	s24 =	simm.s32 $0x80;
	s25 =	simm.s32 $0x280  }
0x1a: {  	s26 =	simm.s32 $0x1;
	s8 =	simm.s32 $0x4;
	[dreg:$0x8] =	wrdreg s10  }
.LBB2_9:
0x1b: {  	_ =	swait.ge [sflag:s1], $0x4000  }
0x1c: {  	[sflag:s1] =	ssyncset.done $0x0  }
0x1d: {  	[sflag:s1] =	ssyncadd.s32 $0xFFFFC000  }
0x1e: {  	[spmem:s2] =	stream.indirect.scatter.add.f32 [tilespmem:s31], [sflag:$0x8], $0x80, s16, s24, $0xb8;
	[tilespmem:$0x1C000] =	vst v63  }
0x1f: {  	_ =	swait.ge [sflag:s12], $0x4000  }
0x20: {  	[sflag:s12] =	ssyncset.done $0x0  }
0x21: {  	[sflag:s12] =	ssyncadd.s32 $0xFFFFC000  }
0x22: {  	_ =	swait.ge [sflag:s7], $0x4000  }
0x23: {  	[sflag:s7] =	ssyncset.done $0x0  }
0x24: {  	[sflag:s7] =	ssyncadd.s32 $0xFFFFC000  }
0x25: {  	[bflag:$0x0] =	sbarrier.arrive $0xFFFF  }
0x26: {  	s13 =	rddreg [dreg:$0xd]  }
0x27: {  	[hbm:s13], [sflag:s18] =	dma.local @p1 [spmem:s11], $0x2800  }
0x28: {  	s11 =	simm.s32 @p1 $0x9  }
0x29: {  	_ =	swait.ge @p1 [sflag:s11], $0x2800  }
0x2a: {  	[sflag:s11] =	ssyncset.done @p1 $0x0  }
0x2b: {  	[sflag:s11] =	ssyncadd.s32 @p1 $0xFFFFD800;
	s11 =	rddreg [dreg:$0xc]  }
0x2c: {  	[hbm:s11], [sflag:s18] =	dma.local @!p1 [spmem:s10], $0x2700  }
0x2d: {  	s10 =	simm.s32 @!p1 $0x9  }
0x2e: {  	_ =	swait.ge @!p1 [sflag:s10], $0x2700  }
0x2f: {  	[sflag:s10] =	ssyncset.done @!p1 $0x0  }
0x30: {  	[sflag:s10] =	ssyncadd.s32 @!p1 $0xFFFFD900  }
.LBB2_10:
0x31: {  	s9 =	sadd.s32 $0x1, s9;
	s10 =	rddreg [dreg:$0xe]  }
0x32: {  	p2 =	sne.s32 s9, s10  }
.Ltmp1:
0x33: {  	_ = 	snop;
	(pc) =	sbr.rel @!p2 .LBB2_11-.Ltmp1, $1  }
0x34: {  	_ =	sdelay $0x3  }
.LBB2_1:
0x35: {  	s10 =	rddreg [dreg:$0x1]  }
0x36: {  	s11 =	rddreg [dreg:$0xf]  }
0x37: {  	[spmem:s11], [sflag:s18] =	dma.local [hbm:s10], $0x2780  }
0x38: {  	s11 =	simm.s32 $0x9  }
0x39: {  	_ =	swait.ge [sflag:s11], $0x2780  }
0x3a: {  	[sflag:s11] =	ssyncset.done $0x0  }
0x3b: {  	[sflag:s11] =	ssyncadd.s32 $0xFFFFD880  }
0x3c: {  	[bflag:$0x0] =	sbarrier.arrive $0xFFFF  }
0x3d: {  	s13 =	rddreg [dreg:$0x4]  }
0x3e: {  	[tilespmem:s3], [sflag:$0x1] =	stream.linear.gather [hbm4b:s13+s3], $0x80, $0x38;
	[tilespmem:$0x1C000] =	vst v63  }
0x3f: {  	s17 =	rddreg [dreg:$0x5]  }
0x40: {  	[tilespmem:s23], [sflag:$0x1] =	stream.linear.gather [hbm4b:s17+s3], $0x80, $0x38;
	[tilespmem:$0x1C000] =	vst v63  }
0x41: {  	s21 =	rddreg [dreg:$0x6]  }
0x42: {  	[tilespmem:s24], [sflag:$0x2] =	stream.linear.gather [hbm4b:s21+s3], $0x80, $0x38;
	[tilespmem:$0x1C000] =	vst v63  }
0x43: {  	s22 =	rddreg [dreg:$0x7]  }
0x44: {  	[tilespmem:s25], [sflag:$0x2] =	stream.linear.gather [hbm4b:s22+s3], $0x80, $0x38;
	[tilespmem:$0x1C000] =	vst v63  }
0x45: {  	_ =	swait.ge [sflag:s26], $0x80  }
0x46: {  	[sflag:s26] =	ssyncset.done $0x0  }
.Ltmp2:
0x47: {  	[sflag:s26] =	ssyncadd.s32 $0xFFFFFF80;
	(pc) =	sbr.rel @!p0 .LBB2_2-.Ltmp2, $4  }
0x48: {  	_ =	swait.ge [sflag:s26], $0x80  }
0x49: {  	s10 =	rddreg [dreg:$0xa]  }
0x4a: {  	[sflag:s26] =	ssyncset.done $0x0;
	s11 =	sshrl.u32 @p1 s10, $0x3;
	s10 =	rddreg [dreg:$0x8]  }
0x4b: {  	s13 =	simm.s32 $0x0;
	[sflag:s26] =	ssyncadd.s32 $0xFFFFFF80;
	s10 =	sshrl.u32 @!p1 s10, $0x3  }
0x4c: {  	[tilespmem:s28], [sflag:$0x5] =	stream.indirect.gather [hbm4b:s6+s24], $0x80, s13, s24, $0xb8;
	[tilespmem:$0x1C000] =	vst v63  }
.LBB2_7:
0x4d: {  	_ =	swait.ge [sflag:s29], $0x4000  }
0x4e: {  	p2 =	seq.s32 s13, $0x0;
	[sflag:s29] =	ssyncset.done $0x0  }
0x4f: {  	s17 =	simm.s32 @!p2 $0x8;
	[sflag:s29] =	ssyncadd.s32 $0xFFFFC000  }
0x50: {  	[spmem:s2] =	stream.indirect.scatter.add.f32 [tilespmem:s28], [sflag:$0x7], $0x80, s23, s24, $0xb8;
	[tilespmem:$0x1C000] =	vst v63  }
0x51: {  	_ =	swait.ge @!p2 [sflag:s17], $0x4000  }
0x52: {  	[sflag:s17] =	ssyncset.done @!p2 $0x0  }
0x53: {  	[sflag:s17] =	ssyncadd.s32 @!p2 $0xFFFFC000  }
0x54: {  	_ =	swait.ge [sflag:s30], $0x80  }
0x55: {  	[sflag:s30] =	ssyncset.done $0x0  }
0x56: {  	[sflag:s30] =	ssyncadd.s32 $0xFFFFFF80  }
0x57: {  	_ =	swait.ge [sflag:s30], $0x80  }
0x58: {  	[sflag:s30] =	ssyncset.done $0x0  }
0x59: {  	s17 =	sadd.s32 s13, s20;
	[sflag:s30] =	ssyncadd.s32 $0xFFFFFF80  }
0x5a: {  	[tilespmem:s31], [sflag:$0x6] =	stream.indirect.gather [hbm4b:s6+s24], $0x80, s24, s24, $0xb8;
	[tilespmem:$0x1C000] =	vst v63  }
0x5b: {  	s21 =	sadd.s32 $0x20, s17  }
0x5c: {  	[tilespmem:s0], [sflag:$0x3] =	stream.linear.gather [hbm4b:s21+s3], $0x80, $0x38;
	[tilespmem:$0x1C000] =	vst v63  }
0x5d: {  	s21 =	sadd.s32 s13, s19  }
0x5e: {  	s22 =	sadd.s32 $0x20, s21  }
0x5f: {  	[tilespmem:s4], [sflag:$0x3] =	stream.linear.gather [hbm4b:s22+s3], $0x80, $0x38;
	[tilespmem:$0x1C000] =	vst v63  }
0x60: {  	_ =	swait.ge [sflag:s1], $0x4000  }
0x61: {  	[sflag:s1] =	ssyncset.done $0x0  }
0x62: {  	[sflag:s1] =	ssyncadd.s32 $0xFFFFC000  }
0x63: {  	[spmem:s2] =	stream.indirect.scatter.add.f32 [tilespmem:s31], [sflag:$0x8], $0x80, s25, s24, $0xb8;
	[tilespmem:$0x1C000] =	vst v63  }
0x64: {  	_ =	swait.ge [sflag:s12], $0x4000  }
0x65: {  	[sflag:s12] =	ssyncset.done $0x0  }
0x66: {  	[sflag:s12] =	ssyncadd.s32 $0xFFFFC000  }
0x67: {  	_ =	swait.ge [sflag:s14], $0x80  }
0x68: {  	[sflag:s14] =	ssyncset.done $0x0  }
0x69: {  	[sflag:s14] =	ssyncadd.s32 $0xFFFFFF80  }
0x6a: {  	_ =	swait.ge [sflag:s14], $0x80  }
0x6b: {  	[sflag:s14] =	ssyncset.done $0x0  }
0x6c: {  	[sflag:s14] =	ssyncadd.s32 $0xFFFFFF80  }
0x6d: {  	[tilespmem:s28], [sflag:$0x5] =	stream.indirect.gather [hbm4b:s6+s24], $0x80, s0, s24, $0xb8;
	[tilespmem:$0x1C000] =	vst v63  }
0x6e: {  	s22 =	sadd.s32 $0x30, s17  }
0x6f: {  	[tilespmem:s15], [sflag:$0x4] =	stream.linear.gather [hbm4b:s22+s3], $0x80, $0x38;
	[tilespmem:$0x1C000] =	vst v63  }
0x70: {  	s22 =	sadd.s32 $0x30, s21  }
0x71: {  	[tilespmem:s16], [sflag:$0x4] =	stream.linear.gather [hbm4b:s22+s3], $0x80, $0x38;
	[tilespmem:$0x1C000] =	vst v63  }
0x72: {  	_ =	swait.ge [sflag:s29], $0x4000  }
0x73: {  	[sflag:s29] =	ssyncset.done $0x0  }
0x74: {  	[sflag:s29] =	ssyncadd.s32 $0xFFFFC000  }
0x75: {  	[spmem:s2] =	stream.indirect.scatter.add.f32 [tilespmem:s28], [sflag:$0x7], $0x80, s4, s24, $0xb8;
	[tilespmem:$0x1C000] =	vst v63  }
0x76: {  	_ =	swait.ge [sflag:s7], $0x4000  }
0x77: {  	[sflag:s7] =	ssyncset.done $0x0  }
0x78: {  	[sflag:s7] =	ssyncadd.s32 $0xFFFFC000  }
0x79: {  	_ =	swait.ge [sflag:s8], $0x80  }
0x7a: {  	p2 =	seq.s32 s13, $0x500;
	[sflag:s8] =	ssyncset.done $0x0  }
.Ltmp3:
0x7b: {  	[sflag:s8] =	ssyncadd.s32 $0xFFFFFF80;
	(pc) =	sbr.rel @p2 .LBB2_9-.Ltmp3, $4  }
0x7c: {  	_ =	swait.ge [sflag:s8], $0x80  }
0x7d: {  	[sflag:s8] =	ssyncset.done $0x0  }
0x7e: {  	[sflag:s8] =	ssyncadd.s32 $0xFFFFFF80  }
0x7f: {  	[tilespmem:s31], [sflag:$0x6] =	stream.indirect.gather [hbm4b:s6+s24], $0x80, s15, s24, $0xb8;
	[tilespmem:$0x1C000] =	vst v63  }
0x80: {  	s22 =	sadd.s32 $0x40, s17  }
0x81: {  	[tilespmem:s3], [sflag:$0x1] =	stream.linear.gather [hbm4b:s22+s3], $0x80, $0x38;
	[tilespmem:$0x1C000] =	vst v63  }
0x82: {  	s22 =	sadd.s32 $0x40, s21  }
0x83: {  	[tilespmem:s23], [sflag:$0x1] =	stream.linear.gather [hbm4b:s22+s3], $0x80, $0x38;
	[tilespmem:$0x1C000] =	vst v63  }
0x84: {  	_ =	swait.ge [sflag:s1], $0x4000  }
0x85: {  	[sflag:s1] =	ssyncset.done $0x0  }
0x86: {  	[sflag:s1] =	ssyncadd.s32 $0xFFFFC000  }
0x87: {  	[spmem:s2] =	stream.indirect.scatter.add.f32 [tilespmem:s31], [sflag:$0x8], $0x80, s16, s24, $0xb8;
	[tilespmem:$0x1C000] =	vst v63  }
0x88: {  	_ =	swait.ge [sflag:s12], $0x4000  }
0x89: {  	[sflag:s12] =	ssyncset.done $0x0  }
0x8a: {  	[sflag:s12] =	ssyncadd.s32 $0xFFFFC000  }
0x8b: {  	_ =	swait.ge [sflag:s26], $0x80  }
0x8c: {  	[sflag:s26] =	ssyncset.done $0x0  }
0x8d: {  	[sflag:s26] =	ssyncadd.s32 $0xFFFFFF80  }
0x8e: {  	_ =	swait.ge [sflag:s26], $0x80  }
0x8f: {  	[sflag:s26] =	ssyncset.done $0x0  }
0x90: {  	[sflag:s26] =	ssyncadd.s32 $0xFFFFFF80  }
0x91: {  	[tilespmem:s28], [sflag:$0x5] =	stream.indirect.gather [hbm4b:s6+s24], $0x80, s3, s24, $0xb8;
	[tilespmem:$0x1C000] =	vst v63  }
.Ltmp4:
0x92: {  	_ = 	snop;
	(pc) =	sbr.rel .LBB2_7-.Ltmp4, $4  }
0x93: {  	s22 =	sadd.s32 $0x50, s17  }
0x94: {  	[tilespmem:s24], [sflag:$0x2] =	stream.linear.gather [hbm4b:s22+s3], $0x80, $0x38;
	[tilespmem:$0x1C000] =	vst v63  }
0x95: {  	s13 =	sadd.s32 $0x40, s13;
	s22 =	sadd.s32 $0x50, s21  }
0x96: {  	[tilespmem:s25], [sflag:$0x2] =	stream.linear.gather [hbm4b:s22+s3], $0x80, $0x38;
	[tilespmem:$0x1C000] =	vst v63  }
.LBB2_2:
0x97: {  	[tilespmem:s28], [sflag:$0x5] =	stream.indirect.gather [hbm4b:s5+s24], $0x80, s13, s24, $0xb8;
	[tilespmem:$0x1C000] =	vst v63  }
.LBB2_3:
0x98: {  	_ =	swait.ge [sflag:s29], $0x4000  }
0x99: {  	p2 =	seq.s32 s13, $0x0;
	[sflag:s29] =	ssyncset.done $0x0  }
0x9a: {  	s17 =	simm.s32 @!p2 $0x8;
	[sflag:s29] =	ssyncadd.s32 $0xFFFFC000  }
0x9b: {  	[spmem:s2] =	stream.indirect.scatter.add.f32 [tilespmem:s28], [sflag:$0x7], $0x80, s23, s24, $0xb8;
	[tilespmem:$0x1C000] =	vst v63  }
0x9c: {  	_ =	swait.ge @!p2 [sflag:s17], $0x4000  }
0x9d: {  	[sflag:s17] =	ssyncset.done @!p2 $0x0  }
0x9e: {  	[sflag:s17] =	ssyncadd.s32 @!p2 $0xFFFFC000  }
0x9f: {  	_ =	swait.ge [sflag:s30], $0x80  }
0xa0: {  	[sflag:s30] =	ssyncset.done $0x0  }
0xa1: {  	[sflag:s30] =	ssyncadd.s32 $0xFFFFFF80  }
0xa2: {  	_ =	swait.ge [sflag:s30], $0x80  }
0xa3: {  	[sflag:s30] =	ssyncset.done $0x0  }
0xa4: {  	s17 =	sadd.s32 s13, s20;
	[sflag:s30] =	ssyncadd.s32 $0xFFFFFF80  }
0xa5: {  	[tilespmem:s31], [sflag:$0x6] =	stream.indirect.gather [hbm4b:s5+s24], $0x80, s24, s24, $0xb8;
	[tilespmem:$0x1C000] =	vst v63  }
0xa6: {  	s21 =	sadd.s32 $0x20, s17  }
0xa7: {  	[tilespmem:s0], [sflag:$0x3] =	stream.linear.gather [hbm4b:s21+s3], $0x80, $0x38;
	[tilespmem:$0x1C000] =	vst v63  }
0xa8: {  	s21 =	sadd.s32 s13, s19  }
0xa9: {  	s22 =	sadd.s32 $0x20, s21  }
0xaa: {  	[tilespmem:s4], [sflag:$0x3] =	stream.linear.gather [hbm4b:s22+s3], $0x80, $0x38;
	[tilespmem:$0x1C000] =	vst v63  }
0xab: {  	_ =	swait.ge [sflag:s1], $0x4000  }
0xac: {  	[sflag:s1] =	ssyncset.done $0x0  }
0xad: {  	[sflag:s1] =	ssyncadd.s32 $0xFFFFC000  }
0xae: {  	[spmem:s2] =	stream.indirect.scatter.add.f32 [tilespmem:s31], [sflag:$0x8], $0x80, s25, s24, $0xb8;
	[tilespmem:$0x1C000] =	vst v63  }
0xaf: {  	_ =	swait.ge [sflag:s12], $0x4000  }
0xb0: {  	[sflag:s12] =	ssyncset.done $0x0  }
0xb1: {  	[sflag:s12] =	ssyncadd.s32 $0xFFFFC000  }
0xb2: {  	_ =	swait.ge [sflag:s14], $0x80  }
0xb3: {  	[sflag:s14] =	ssyncset.done $0x0  }
0xb4: {  	[sflag:s14] =	ssyncadd.s32 $0xFFFFFF80  }
0xb5: {  	_ =	swait.ge [sflag:s14], $0x80  }
0xb6: {  	[sflag:s14] =	ssyncset.done $0x0  }
0xb7: {  	[sflag:s14] =	ssyncadd.s32 $0xFFFFFF80  }
0xb8: {  	[tilespmem:s28], [sflag:$0x5] =	stream.indirect.gather [hbm4b:s5+s24], $0x80, s0, s24, $0xb8;
	[tilespmem:$0x1C000] =	vst v63  }
0xb9: {  	s22 =	sadd.s32 $0x30, s17  }
0xba: {  	[tilespmem:s15], [sflag:$0x4] =	stream.linear.gather [hbm4b:s22+s3], $0x80, $0x38;
	[tilespmem:$0x1C000] =	vst v63  }
0xbb: {  	s22 =	sadd.s32 $0x30, s21  }
0xbc: {  	[tilespmem:s16], [sflag:$0x4] =	stream.linear.gather [hbm4b:s22+s3], $0x80, $0x38;
	[tilespmem:$0x1C000] =	vst v63  }
0xbd: {  	_ =	swait.ge [sflag:s29], $0x4000  }
0xbe: {  	[sflag:s29] =	ssyncset.done $0x0  }
0xbf: {  	[sflag:s29] =	ssyncadd.s32 $0xFFFFC000  }
0xc0: {  	[spmem:s2] =	stream.indirect.scatter.add.f32 [tilespmem:s28], [sflag:$0x7], $0x80, s4, s24, $0xb8;
	[tilespmem:$0x1C000] =	vst v63  }
0xc1: {  	_ =	swait.ge [sflag:s7], $0x4000  }
0xc2: {  	[sflag:s7] =	ssyncset.done $0x0  }
0xc3: {  	[sflag:s7] =	ssyncadd.s32 $0xFFFFC000  }
0xc4: {  	_ =	swait.ge [sflag:s8], $0x80  }
0xc5: {  	p2 =	seq.s32 s13, $0x500;
	[sflag:s8] =	ssyncset.done $0x0  }
.Ltmp5:
0xc6: {  	[sflag:s8] =	ssyncadd.s32 $0xFFFFFF80;
	(pc) =	sbr.rel @p2 .LBB2_5-.Ltmp5, $4  }
0xc7: {  	_ =	swait.ge [sflag:s8], $0x80  }
0xc8: {  	[sflag:s8] =	ssyncset.done $0x0  }
0xc9: {  	[sflag:s8] =	ssyncadd.s32 $0xFFFFFF80  }
0xca: {  	[tilespmem:s31], [sflag:$0x6] =	stream.indirect.gather [hbm4b:s5+s24], $0x80, s15, s24, $0xb8;
	[tilespmem:$0x1C000] =	vst v63  }
0xcb: {  	s22 =	sadd.s32 $0x40, s17  }
0xcc: {  	[tilespmem:s3], [sflag:$0x1] =	stream.linear.gather [hbm4b:s22+s3], $0x80, $0x38;
	[tilespmem:$0x1C000] =	vst v63  }
0xcd: {  	s22 =	sadd.s32 $0x40, s21  }
0xce: {  	[tilespmem:s23], [sflag:$0x1] =	stream.linear.gather [hbm4b:s22+s3], $0x80, $0x38;
	[tilespmem:$0x1C000] =	vst v63  }
0xcf: {  	_ =	swait.ge [sflag:s1], $0x4000  }
0xd0: {  	[sflag:s1] =	ssyncset.done $0x0  }
0xd1: {  	[sflag:s1] =	ssyncadd.s32 $0xFFFFC000  }
0xd2: {  	[spmem:s2] =	stream.indirect.scatter.add.f32 [tilespmem:s31], [sflag:$0x8], $0x80, s16, s24, $0xb8;
	[tilespmem:$0x1C000] =	vst v63  }
0xd3: {  	_ =	swait.ge [sflag:s12], $0x4000  }
0xd4: {  	[sflag:s12] =	ssyncset.done $0x0  }
0xd5: {  	[sflag:s12] =	ssyncadd.s32 $0xFFFFC000  }
0xd6: {  	_ =	swait.ge [sflag:s26], $0x80  }
0xd7: {  	[sflag:s26] =	ssyncset.done $0x0  }
0xd8: {  	[sflag:s26] =	ssyncadd.s32 $0xFFFFFF80  }
0xd9: {  	_ =	swait.ge [sflag:s26], $0x80  }
0xda: {  	[sflag:s26] =	ssyncset.done $0x0  }
0xdb: {  	[sflag:s26] =	ssyncadd.s32 $0xFFFFFF80  }
0xdc: {  	[tilespmem:s28], [sflag:$0x5] =	stream.indirect.gather [hbm4b:s5+s24], $0x80, s3, s24, $0xb8;
	[tilespmem:$0x1C000] =	vst v63  }
.Ltmp6:
0xdd: {  	_ = 	snop;
	(pc) =	sbr.rel .LBB2_3-.Ltmp6, $4  }
0xde: {  	s22 =	sadd.s32 $0x50, s17  }
0xdf: {  	[tilespmem:s24], [sflag:$0x2] =	stream.linear.gather [hbm4b:s22+s3], $0x80, $0x38;
	[tilespmem:$0x1C000] =	vst v63  }
0xe0: {  	s13 =	sadd.s32 $0x40, s13;
	s22 =	sadd.s32 $0x50, s21  }
0xe1: {  	[tilespmem:s25], [sflag:$0x2] =	stream.linear.gather [hbm4b:s22+s3], $0x80, $0x38;
	[tilespmem:$0x1C000] =	vst v63  }
.LBB2_5:
0xe2: {  	_ =	swait.ge [sflag:s1], $0x4000  }
0xe3: {  	[sflag:s1] =	ssyncset.done $0x0  }
0xe4: {  	[sflag:s1] =	ssyncadd.s32 $0xFFFFC000  }
0xe5: {  	[spmem:s2] =	stream.indirect.scatter.add.f32 [tilespmem:s31], [sflag:$0x8], $0x80, s16, s24, $0xb8;
	[tilespmem:$0x1C000] =	vst v63  }
0xe6: {  	_ =	swait.ge [sflag:s12], $0x4000  }
0xe7: {  	[sflag:s12] =	ssyncset.done $0x0  }
0xe8: {  	[sflag:s12] =	ssyncadd.s32 $0xFFFFC000  }
0xe9: {  	_ =	swait.ge [sflag:s7], $0x4000  }
0xea: {  	[sflag:s7] =	ssyncset.done $0x0  }
0xeb: {  	[sflag:s7] =	ssyncadd.s32 $0xFFFFC000  }
0xec: {  	[bflag:$0x0] =	sbarrier.arrive $0xFFFF  }
0xed: {  	s13 =	rddreg [dreg:$0xb]  }
0xee: {  	[hbm:s13], [sflag:s18] =	dma.local @p1 [spmem:s11], $0x2800  }
0xef: {  	s11 =	simm.s32 @p1 $0x9  }
0xf0: {  	_ =	swait.ge @p1 [sflag:s11], $0x2800  }
0xf1: {  	[sflag:s11] =	ssyncset.done @p1 $0x0  }
0xf2: {  	[sflag:s11] =	ssyncadd.s32 @p1 $0xFFFFD800;
	s11 =	rddreg [dreg:$0x9]  }
0xf3: {  	[hbm:s11], [sflag:s18] =	dma.local @!p1 [spmem:s10], $0x2700  }
.Ltmp7:
0xf4: {  	_ = 	snop;
	(pc) =	sbr.rel .LBB2_10-.Ltmp7, $4  }
0xf5: {  	s10 =	simm.s32 @!p1 $0x9  }
0xf6: {  	_ =	swait.ge @!p1 [sflag:s10], $0x2700  }
0xf7: {  	[sflag:s10] =	ssyncset.done @!p1 $0x0  }
0xf8: {  	[sflag:s10] =	ssyncadd.s32 @!p1 $0xFFFFD900  }
.LBB2_11:
0xf9: {  	_ =	sfence.sel $0x180000  }
0xfa: {  	[bflag:$0x0] =	sbarrier.arrive $0xFFFF  }
0xfb: {  	_ =	strace $0x9000004A  }
0xfc: {  	s0 =	stileid.u32;
	[bflag:$0x2] =	sbarrier.arrive $0xFFFF  }
0xfd: {  	p0 =	sne.s32 s0, $0x0;
	s0 =	rddreg [dreg:$0x3]  }
0xfe: {  	s0 =	sadd.s32 @!p0 $0x100000, s0  }
0xff: {  	[sflag:s0] =	ssyncadd.tile.s32 @!p0 $0x1;
	_ =	shalt  }
.Lfunc_end2:
_tile_overlayer_lowered:
.L_overlay_start_2:
0x100: {  	(tag) =	ssettag $0x2  }
0x101: {  	s0 =	rddreg [dreg:$0x0];
	s2 =	stileid.u32  }
0x102: {  	s1 =	rddreg [dreg:$0x1];
	p0 =	sne.s32 s2, $0x0  }
0x103: {  	s3 =	rddreg [dreg:$0x2];
	[bflag:$0x3] =	sbarrier.arrive $0xFFFF;
	s2 =	simm.s32 @!p0 $0x1C09  }
0x104: {  	[timem:s3], [sflag:s2] =	dma.local @!p0 [hbm:s0], s1  }
0x105: {  	s0 =	simm.s32 @!p0 $0x9  }
0x106: {  	_ =	swait.ge @!p0 [sflag:s0], s1  }
0x107: {  	s1 =	ssub.s32 @!p0 $0x0, s1;
	[sflag:s0] =	ssyncset.done @!p0 $0x0  }
0x108: {  	[sflag:s0] =	ssyncadd.s32 @!p0 s1  }
0x109: {  	[bflag:$0x3] =	sbarrier.arrive $0xFFFF  }
0x10a: {  	_ =	shalt  }

// kernel: kernel.20.cloned.1.call-start
scs
__scs_entry_jumppad:
0x0: {  	(pc) =	sbr.rel $0x88, $3  }
0x1: {  	(tag) =	ssettag $0x0;
	lr =	simm.s32 $0x1  }
0x2: {  	[smem:$0x3F96] =	sst lr;
	_ =	strace $0xD0000000  }
0x3: {  	_ = 	snop  }
0x4: {  	_ = 	snop  }
0x5: {  	_ = 	snop  }
0x6: {  	_ = 	snop  }
0x7: {  	_ = 	snop  }
__scs_overlays_trampoline_lowered:
0x8: {  	[smem:$0x3FA5] =	sst s0  }
0x9: {  	[smem:$0x3FA6] =	sst s1  }
0xa: {  	[smem:$0x3FA7] =	sst s2  }
0xb: {  	[smem:$0x3FA8] =	sst s3  }
0xc: {  	[smem:$0x3FA9] =	sst s4  }
0xd: {  	[smem:$0x3FAA] =	sst s5  }
0xe: {  	[smem:$0x3FAB] =	sst s6  }
0xf: {  	[smem:$0x3FAC] =	sst s7  }
0x10: {  	[smem:$0x3FAD] =	sst s8  }
0x11: {  	[smem:$0x3FAE] =	sst s9;
	s0 =	simm.s32 @!p0 $0x0  }
0x12: {  	s1 =	sld [smem:$0x3F94];
	s0 =	simm.s32 @p0 $0x1  }
0x13: {  	[smem:$0x3FAF] =	sst s0;
	s0 =	simm.s32 @!p1 $0x0  }
0x14: {  	s2 =	sld [smem:$0x3F93];
	s0 =	simm.s32 @p1 $0x1  }
0x15: {  	[smem:$0x3FB0] =	sst s0;
	s0 =	simm.s32 @!p2 $0x0  }
0x16: {  	s3 =	sld [smem:$0x3FDB];
	s0 =	simm.s32 @p2 $0x1  }
0x17: {  	s4 =	simm.s32 $0x1BF5;
	[smem:$0x3FB2] =	sst s0  }
0x18: {  	s0 =	sld [smem:$0x3F95];
	_ =	swait.ge [sflag:s4], $0x0  }
0x19: {  	s7 =	sld [smem:$0x3F96]  }
0x1a: {  	s8 =	sadd.s32 $0xFFFFE003, lr  }
0x1b: {  	s9 =	sadd.s32 $0xFFFFFEF7, lr;
	s5 =	simm.s32 $0xFFFFFFFF;
	p2 =	slt.u32 s8, $0xFFFFF086  }
0x1c: {  	p1 =	slt.u32 s9, $0xF7A;
	s5 =	simm.s32 @!p2 $0x0  }
0x1d: {  	s5 =	simm.s32 @p1 $0x1;
	p0 =	seq.s32 s7, s2  }
0x1e: {  	s7 =	smul.u32 @!p0 $0xF7A, s2;
	p2 =	seq.s32 @!p0 s5, $0x0  }
0x1f: {  	s9 =	smul.u32 $0xF7A, s1;
	s8 =	simm.s32 @!p0 $0x1BF5;
	p2 =	por !p2, p0  }
0x20: {  	[sflag:s8] =	ssyncset.s32 @!p0 $0xFFFFF086;
	s6 =	sadd.s32 @!p0 s3, s7;
	s7 =	simm.s32 @!p0 $0x108  }
0x21: {  	s3 =	sadd.s32 s3, s9;
	s6 =	sadd.s32 @!p0 $0x88, s6;
	s7 =	simm.s32 @p2 $0x1082  }
0x22: {  	[simem:s7], [sflag:s8] =	dma.local @!p0 [hbm:s6], $0xF7A  }
0x23: {  	s9 =	sor.u32 $0xD0000000, s2;
	s6 =	simm.s32 $0x108;
	_ =	swait.ge @!p0 [sflag:s8], $0x0  }
0x24: {  	s3 =	sadd.s32 $0x88, s3;
	s6 =	simm.s32 @!p1 $0x1082;
	[sflag:s4] =	ssyncset.s32 $0xFFFFF086  }
0x25: {  	[simem:s6], [sflag:s4] =	dma.local [hbm:s3], $0xF7A  }
0x26: {  	[smem:$0x3F96] =	sst s1;
	(tag) =	ssettag s2;
	_ =	strace s9  }
0x27: {  	s1 =	sld [smem:$0x3FA6]  }
0x28: {  	s2 =	sld [smem:$0x3FA7]  }
0x29: {  	s4 =	sld [smem:$0x3FA9]  }
0x2a: {  	p0 =	seq.s32 s5, $0x0;
	s5 =	sld [smem:$0x3FAA]  }
0x2b: {  	s6 =	sld [smem:$0x3FAB]  }
0x2c: {  	s7 =	sld [smem:$0x3FAC]  }
0x2d: {  	s3 =	simm.s32 $0x108;
	s8 =	sld [smem:$0x3FAD]  }
0x2e: {  	s3 =	simm.s32 @!p0 $0x1082;
	s9 =	sld [smem:$0x3FAE]  }
0x2f: {  	lr =	sadd.s32 s0, s3;
	s0 =	sld [smem:$0x3FA5]  }
0x30: {  	s3 =	sld [smem:$0x3FA8]  }
0x31: {  	[smem:$0x3FB1] =	sst s10  }
0x32: {  	s10 =	sld [smem:$0x3FAF];
	_ =	sdelay $0x3  }
0x33: {  	p0 =	seq.s32 s10, $0x1;
	s10 =	sld [smem:$0x3FB1];
	_ =	sdelay $0x3  }
0x34: {  	[smem:$0x3FB1] =	sst s10  }
0x35: {  	s10 =	sld [smem:$0x3FB0];
	_ =	sdelay $0x3  }
0x36: {  	p1 =	seq.s32 s10, $0x1;
	s10 =	sld [smem:$0x3FB1];
	_ =	sdelay $0x3  }
0x37: {  	[smem:$0x3FB1] =	sst s10  }
0x38: {  	s10 =	sld [smem:$0x3FB2]  }
0x39: {  	_ = 	snop;
	(pc) =	sbr.ind lr, $3  }
0x3a: {  	_ = 	snop  }
0x3b: {  	_ = 	snop  }
0x3c: {  	p2 =	seq.s32 s10, $0x1;
	s10 =	sld [smem:$0x3FB1]  }
0x3d: {  	_ =	shalt  }
0x3e: {  	_ =	shalt  }
0x3f: {  	_ =	shalt  }
0x40: {  	_ =	shalt  }
0x41: {  	_ =	shalt  }
0x42: {  	_ =	shalt  }
0x43: {  	_ =	shalt  }
0x44: {  	_ =	shalt  }
0x45: {  	_ =	shalt  }
0x46: {  	_ =	shalt  }
0x47: {  	_ =	shalt  }
0x48: {  	_ =	shalt  }
0x49: {  	_ =	shalt  }
0x4a: {  	_ =	shalt  }
0x4b: {  	_ =	shalt  }
0x4c: {  	_ =	shalt  }
0x4d: {  	_ =	shalt  }
0x4e: {  	_ =	shalt  }
0x4f: {  	_ =	shalt  }
0x50: {  	_ =	shalt  }
0x51: {  	_ =	shalt  }
0x52: {  	_ =	shalt  }
0x53: {  	_ =	shalt  }
0x54: {  	_ =	shalt  }
0x55: {  	_ =	shalt  }
0x56: {  	_ =	shalt  }
0x57: {  	_ =	shalt  }
0x58: {  	_ =	shalt  }
0x59: {  	_ =	shalt  }
0x5a: {  	_ =	shalt  }
0x5b: {  	_ =	shalt  }
0x5c: {  	_ =	shalt  }
0x5d: {  	_ =	shalt  }
0x5e: {  	_ =	shalt  }
0x5f: {  	_ =	shalt  }
0x60: {  	_ =	shalt  }
0x61: {  	_ =	shalt  }
0x62: {  	_ =	shalt  }
0x63: {  	_ =	shalt  }
0x64: {  	_ =	shalt  }
0x65: {  	_ =	shalt  }
0x66: {  	_ =	shalt  }
0x67: {  	_ =	shalt  }
0x68: {  	_ =	shalt  }
0x69: {  	_ =	shalt  }
0x6a: {  	_ =	shalt  }
0x6b: {  	_ =	shalt  }
0x6c: {  	_ =	shalt  }
0x6d: {  	_ =	shalt  }
0x6e: {  	_ =	shalt  }
0x6f: {  	_ =	shalt  }
0x70: {  	_ =	shalt  }
0x71: {  	_ =	shalt  }
0x72: {  	_ =	shalt  }
0x73: {  	_ =	shalt  }
0x74: {  	_ =	shalt  }
0x75: {  	_ =	shalt  }
0x76: {  	_ =	shalt  }
0x77: {  	_ =	shalt  }
0x78: {  	_ =	shalt  }
0x79: {  	_ =	shalt  }
0x7a: {  	_ =	shalt  }
0x7b: {  	_ =	shalt  }
0x7c: {  	_ =	shalt  }
0x7d: {  	_ =	shalt  }
0x7e: {  	_ =	shalt  }
0x7f: {  	_ =	shalt  }
0x80: {  	_ =	shalt  }
0x81: {  	_ =	shalt  }
0x82: {  	_ =	shalt  }
0x83: {  	_ =	shalt  }
0x84: {  	_ =	shalt  }
0x85: {  	_ =	shalt  }
0x86: {  	_ =	shalt  }
0x87: {  	_ =	shalt  }
.Lfunc_end0:
.L_simem_size_0:
called_computation.2_lowered:
.L_overlay_start_0:
0x88: {  	s2 =	sld [smem:$0x3FD9]  }
0x89: {  	s3 =	sld [smem:$0x3FFE];
	_ =	sdelay $0x1  }
0x8a: {  	s1 =	srdreg.scid  }
0x8b: {  	s0 =	sand.u32 $0x1, s1  }
0x8c: {  	s14 =	sshll.u32 s0, $0xA;
	s2 =	sadd.s32 s3, s2  }
0x8d: {  	s2 =	sadd.s32 s2, s14  }
0x8e: {  	[smem:$0x3FBD] =	sst s2  }
0x8f: {  	_ = 	snop  }
0x90: {  	s2 =	sld [smem:$0x3FD0];
	_ =	sdelay $0x2  }
0x91: {  	s15 =	simm.s32 $0xA;
	s4 =	simm.s32 $0x10  }
0x92: {  	[smem:s4], [sflag:s15] =	dma.local [hbm:s2], $0x1  }
0x93: {  	_ =	swait.eq [sflag:s15], $0x1  }
0x94: {  	[sflag:s15] =	ssyncset.done $0x0  }
0x95: {  	[sflag:s15] =	ssyncadd.s32 $0xFFFFFFFF  }
0x96: {  	s16 =	sld [smem:$0x12];
	(tm) =	ssettm $0x1  }
0x97: {  	s17 =	sld [smem:$0x3FFB];
	_ =	sdelay $0x3  }
0x98: {  	_ =	strace s17  }
0x99: {  	s3 =	sld [smem:$0x3FFC];
	_ =	sdelay $0x3  }
0x9a: {  	_ =	strace s3  }
0x9b: {  	s3 =	sld [smem:$0x3FFD];
	_ =	sdelay $0x3  }
0x9c: {  	_ =	strace s3  }
0x9d: {  	_ =	strace $0x8FFFFFFF  }
0x9e: {  	s18 =	sld [smem:$0x3FDB];
	_ =	sdelay $0x1  }
0x9f: {  	s19 =	simm.s32 $_scs_section_size  }
0xa0: {  	s5 =	simm.s32 $_size__tile_overlayer_lowered;
	s6 =	simm.s32 $_tile_overlayer_lowered  }
0xa1: {  	s22 =	simm.s32 $0x1BFF;
	s21 =	sshll.u32 s6, $0x1;
	s3 =	sadd.s32 s19, s18  }
0xa2: {  	s7 =	simm.s32 $0x0;
	s20 =	sshll.u32 s5, $0x1;
	s5 =	sadd.s32 s21, s3  }
0xa3: {  	[timem:s7], [sflag:s22] =	dma.local [hbm:s5], s20  }
0xa4: {  	_ =	swait.ge [sflag:s22], s20  }
0xa5: {  	s4 =	ssub.s32 $0x0, s20;
	[sflag:s22] =	ssyncset.done $0x0  }
0xa6: {  	[sflag:s22] =	ssyncadd.s32 s4;
	_ =	sdelay $0x1  }
0xa7: {  	s23 =	simm.s32 $0x1B8B  }
0xa8: {  	_ =	swait.ge [sflag:s23], $0x1  }
0xa9: {  	[sflag:s23] =	ssyncset.done $0x0  }
0xaa: {  	s25 =	simm.s32 $0x1B8E;
	s24 =	sld [smem:$0x3FFE];
	[sflag:s23] =	ssyncadd.s32 $0xFFFFFFFF  }
0xab: {  	s26 =	simm.s32 $execute0_lowered;
	[smem:$0x3FD2] =	sst s25  }
0xac: {  	s5 =	sshll.u32 s26, $0x1;
	_ =	strace $0x8000004C;
	[dreg:$0x1] =	wrdreg $0xFFFFFFFF  }
0xad: {  	s28 =	simm.s32 $_size_execute0_lowered;
	s3 =	sadd.s32 s3, s5;
	[dreg:$0x0] =	wrdreg $0x0  }
0xae: {  	s5 =	sshll.u32 s28, $0x1;
	[dreg:$0x2] =	wrdreg s3  }
0xaf: {  	[dreg:$0x3] =	wrdreg s5  }
0xb0: {  	[dreg:$0x4] =	wrdreg $0xC0  }
0xb1: {  	_ =	task [dreg:s7], $0x5FFFF  }
0xb2: {  	[dreg:$0x1] =	wrdreg $0xFFFFFFFF  }
0xb3: {  	[dreg:$0x0] =	wrdreg $0x60  }
0xb4: {  	[dreg:$0x2] =	wrdreg s24  }
0xb5: {  	[dreg:$0x3] =	wrdreg s16  }
0xb6: {  	[dreg:$0x4] =	wrdreg $0x84000  }
0xb7: {  	[dreg:$0x5] =	wrdreg $0x9  }
0xb8: {  	_ =	task.clear_ibuf [dreg:s7], $0x6FFFF;
	_ =	strace $0x9000004C  }
0xb9: {  	s29 =	simm.s32 $0x9;
	_ =	strace $0x8000004E  }
0xba: {  	_ =	swait.ge [sflag:s29], $0x1  }
0xbb: {  	[sflag:s29] =	ssyncadd.s32 $0xFFFFFFFF  }
0xbc: {  	_ =	strace $0x9000004E  }
0xbd: {  	_ =	sfence  }
0xbe: {  	s30 =	sld [smem:$0x0];
	_ =	sdelay $0x2  }
0xbf: {  	s31 =	sshll.u32 s1, $0xD;
	s1 =	sshrl.u32 s1, $0x2  }
0xc0: {  	s3 =	sand.u32 $0x4000, s31;
	s1 =	sadd.s32 s1, s30  }
0xc1: {  	s0 =	sor.u32 s3, s0;
	s1 =	sshll.u32 s1, $0x11  }
0xc2: {  	s0 =	sor.u32 s1, s0  }
0xc3: {  	s0 =	sadd.s32 $0x8F2B, s0  }
0xc4: {  	[sflag:s0] =	ssyncadd.remote.s32 $0x1  }
0xc5: {  	_ =	sfence.sel $0xFFFF  }
0xc6: {  	[dreg:$0x0] =	wrdreg $0xFFFFFFFF;
	(pc) =	sbr.abs _section_cstart, $3  }
0xc7: {  	[dreg:$0x1] =	wrdreg $0xFFFFFFFF  }
0xc8: {  	_ =	task.clear_ibuf [dreg:s7], $0x2FFFF;
	_ =	strace $0x9FFFFFFF  }
0xc9: {  	(tm) =	ssettm $0x7FFFFFFF  }
tec
execute0_lowered:
.L_overlay_start_1:
0x0: {  	(tag) =	ssettag $0x1  }
0x1: {  	s1 =	srdreg.scid  }
0x2: {  	s1 =	sand.u32 $0x1, s1  }
0x3: {  	p0 =	seq.s32 s1, $0x1  }
.Ltmp0:
0x4: {  	s0 =	rddreg [dreg:$0x0];
	(pc) =	sbr.rel @p0 .LBB2_5-.Ltmp0, $4  }
0x5: {  	s5 =	rddreg [dreg:$0x1]  }
0x6: {  	s3 =	rddreg [dreg:$0x2];
	s4 =	simm.s32 $0x0  }
0x7: {  	[smem:$0x7FF] =	sst s4  }
0x8: {  	s2 =	rddreg [dreg:$0x3];
	_ =	strace $0x8000004D;
	s1 =	stileid.u32  }
0x9: {  	s2 =	smul.u32 $0x4F000, s1;
	s18 =	sshll.u32 s1, $0x6;
	s19 =	simm.s32 $0x9  }
0xa: {  	s20 =	smul.u32 $0x2A00, s1;
	s16 =	sadd.s32 $0xB400, s0;
	s15 =	sadd.s32 $0x5800, s0  }
0xb: {  	s7 =	simm.s32 $0x200;
	s10 =	simm.s32 $0x80;
	s11 =	simm.s32 $0x280  }
0xc: {  	s24 =	smul.u32 $0x2700, s1;
	s12 =	simm.s32 $0x1;
	s2 =	sshrl.u32 s2, $0x2  }
0xd: {  	s25 =	smul.u32 $0x4E000, s1;
	s13 =	sadd.s32 $0x10800, s0;
	s6 =	sadd.s32 s2, s3  }
0xe: {  	s9 =	sadd.s32 $0xAA700, s0;
	s2 =	sor.u32 $0x1C09, s18;
	s6 =	sshrl.u32 s6, $0x3  }
0xf: {  	[spmem:s6], [sflag:s2] =	dma.local [hbm:s5], $0x2780  }
0x10: {  	s14 =	simm.s32 $0x400;
	s31 =	smul.u32 $0x540, s1;
	_ =	swait.ge [sflag:s19], $0x2780  }
0x11: {  	s17 =	simm.s32 $0x5;
	s28 =	simm.s32 $0x8;
	[sflag:s19] =	ssyncset.done $0x0  }
0x12: {  	s29 =	simm.s32 $0x4;
	s6 =	sshrl.u32 s20, $0x3;
	[sflag:s19] =	ssyncadd.s32 $0xFFFFD880  }
0x13: {  	s30 =	simm.s32 $0x0;
	s21 =	sadd.s32 s16, s6;
	[bflag:$0x0] =	sbarrier.arrive $0xFFFF  }
0x14: {  	[tilespmem:s4], [sflag:$0x1] =	stream.linear.gather [hbm4b:s21+s4], $0x80, $0x38;
	[tilespmem:$0x1C000] =	vst v63  }
0x15: {  	s8 =	sadd.s32 s24, s0;
	s22 =	sor.u32 $0x10, s6;
	s6 =	sadd.s32 s15, s6  }
0x16: {  	[tilespmem:s7], [sflag:$0x1] =	stream.linear.gather [hbm4b:s6+s4], $0x80, $0x38;
	[tilespmem:$0x1C000] =	vst v63  }
0x17: {  	s26 =	sshrl.u32 s25, $0x2;
	s24 =	simm.s32 $0x3;
	s23 =	sadd.s32 s16, s22  }
0x18: {  	[tilespmem:s10], [sflag:$0x2] =	stream.linear.gather [hbm4b:s23+s4], $0x80, $0x38;
	[tilespmem:$0x1C000] =	vst v63  }
0x19: {  	s25 =	simm.s32 $0x180;
	s18 =	simm.s32 $0x2;
	s5 =	sadd.s32 s15, s22  }
0x1a: {  	[tilespmem:s11], [sflag:$0x2] =	stream.linear.gather [hbm4b:s5+s4], $0x80, $0x38;
	[tilespmem:$0x1C000] =	vst v63  }
0x1b: {  	s20 =	simm.s32 $0x100;
	s15 =	sadd.s32 s31, s15;
	_ =	swait.ge [sflag:s12], $0x80  }
0x1c: {  	s16 =	sadd.s32 s31, s16;
	s5 =	sadd.s32 s26, s3;
	[sflag:s12] =	ssyncset.done $0x0  }
0x1d: {  	s22 =	simm.s32 $0x6;
	[dreg:$0x4] =	wrdreg s5;
	[sflag:s12] =	ssyncadd.s32 $0xFFFFFF80  }
0x1e: {  	s19 =	simm.s32 $0x4400;
	s21 =	simm.s32 $0x300;
	_ =	swait.ge [sflag:s12], $0x80  }
0x1f: {  	s6 =	sadd.s32 $0x85E00, s8;
	s8 =	sadd.s32 $0x124800, s3;
	[sflag:s12] =	ssyncset.done $0x0  }
0x20: {  	s23 =	simm.s32 $0x7;
	s26 =	simm.s32 $0x380;
	[sflag:s12] =	ssyncadd.s32 $0xFFFFFF80  }
0x21: {  	[tilespmem:s14], [sflag:$0x5] =	stream.indirect.gather [hbm4b:s13+s10], $0x80, s4, s10, $0xb8;
	[tilespmem:$0x1C000] =	vst v63  }
.LBB2_2:
0x22: {  	_ =	swait.ge [sflag:s17], $0x4000  }
0x23: {  	p0 =	seq.s32 s30, $0x0;
	[sflag:s17] =	ssyncset.done $0x0  }
0x24: {  	s0 =	simm.s32 @!p0 $0x8;
	[sflag:s17] =	ssyncadd.s32 $0xFFFFC000  }
0x25: {  	[spmem:s3] =	stream.indirect.scatter.add.f32 [tilespmem:s14], [sflag:$0x7], $0x80, s7, s10, $0xb8;
	[tilespmem:$0x1C000] =	vst v63  }
0x26: {  	_ =	swait.ge @!p0 [sflag:s0], $0x4000  }
0x27: {  	[sflag:s0] =	ssyncset.done @!p0 $0x0  }
0x28: {  	[sflag:s0] =	ssyncadd.s32 @!p0 $0xFFFFC000  }
0x29: {  	_ =	swait.ge [sflag:s18], $0x80  }
0x2a: {  	[sflag:s18] =	ssyncset.done $0x0  }
0x2b: {  	[sflag:s18] =	ssyncadd.s32 $0xFFFFFF80  }
0x2c: {  	_ =	swait.ge [sflag:s18], $0x80  }
0x2d: {  	[sflag:s18] =	ssyncset.done $0x0  }
0x2e: {  	s31 =	sadd.s32 s30, s16;
	[sflag:s18] =	ssyncadd.s32 $0xFFFFFF80  }
0x2f: {  	[tilespmem:s19], [sflag:$0x6] =	stream.indirect.gather [hbm4b:s13+s10], $0x80, s10, s10, $0xb8;
	[tilespmem:$0x1C000] =	vst v63  }
0x30: {  	s5 =	sadd.s32 $0x20, s31;
	s0 =	sadd.s32 s30, s15  }
0x31: {  	[tilespmem:s20], [sflag:$0x3] =	stream.linear.gather [hbm4b:s5+s4], $0x80, $0x38;
	[tilespmem:$0x1C000] =	vst v63  }
0x32: {  	s5 =	sadd.s32 $0x20, s0  }
0x33: {  	[tilespmem:s21], [sflag:$0x3] =	stream.linear.gather [hbm4b:s5+s4], $0x80, $0x38;
	[tilespmem:$0x1C000] =	vst v63  }
0x34: {  	_ =	swait.ge [sflag:s22], $0x4000  }
0x35: {  	[sflag:s22] =	ssyncset.done $0x0  }
0x36: {  	[sflag:s22] =	ssyncadd.s32 $0xFFFFC000  }
0x37: {  	[spmem:s3] =	stream.indirect.scatter.add.f32 [tilespmem:s19], [sflag:$0x8], $0x80, s11, s10, $0xb8;
	[tilespmem:$0x1C000] =	vst v63  }
0x38: {  	_ =	swait.ge [sflag:s23], $0x4000  }
0x39: {  	[sflag:s23] =	ssyncset.done $0x0  }
0x3a: {  	[sflag:s23] =	ssyncadd.s32 $0xFFFFC000  }
0x3b: {  	_ =	swait.ge [sflag:s24], $0x80  }
0x3c: {  	[sflag:s24] =	ssyncset.done $0x0  }
0x3d: {  	[sflag:s24] =	ssyncadd.s32 $0xFFFFFF80  }
0x3e: {  	_ =	swait.ge [sflag:s24], $0x80  }
0x3f: {  	[sflag:s24] =	ssyncset.done $0x0  }
0x40: {  	[sflag:s24] =	ssyncadd.s32 $0xFFFFFF80  }
0x41: {  	[tilespmem:s14], [sflag:$0x5] =	stream.indirect.gather [hbm4b:s13+s10], $0x80, s20, s10, $0xb8;
	[tilespmem:$0x1C000] =	vst v63  }
0x42: {  	s5 =	sadd.s32 $0x30, s31  }
0x43: {  	[tilespmem:s25], [sflag:$0x4] =	stream.linear.gather [hbm4b:s5+s4], $0x80, $0x38;
	[tilespmem:$0x1C000] =	vst v63  }
0x44: {  	s5 =	sadd.s32 $0x30, s0  }
0x45: {  	[tilespmem:s26], [sflag:$0x4] =	stream.linear.gather [hbm4b:s5+s4], $0x80, $0x38;
	[tilespmem:$0x1C000] =	vst v63  }
0x46: {  	_ =	swait.ge [sflag:s17], $0x4000  }
0x47: {  	[sflag:s17] =	ssyncset.done $0x0  }
0x48: {  	[sflag:s17] =	ssyncadd.s32 $0xFFFFC000  }
0x49: {  	[spmem:s3] =	stream.indirect.scatter.add.f32 [tilespmem:s14], [sflag:$0x7], $0x80, s21, s10, $0xb8;
	[tilespmem:$0x1C000] =	vst v63  }
0x4a: {  	_ =	swait.ge [sflag:s28], $0x4000  }
0x4b: {  	[sflag:s28] =	ssyncset.done $0x0  }
0x4c: {  	[sflag:s28] =	ssyncadd.s32 $0xFFFFC000  }
0x4d: {  	_ =	swait.ge [sflag:s29], $0x80  }
0x4e: {  	p0 =	seq.s32 s30, $0x500;
	[sflag:s29] =	ssyncset.done $0x0  }
.Ltmp1:
0x4f: {  	[sflag:s29] =	ssyncadd.s32 $0xFFFFFF80;
	(pc) =	sbr.rel @p0 .LBB2_4-.Ltmp1, $4  }
0x50: {  	_ =	swait.ge [sflag:s29], $0x80  }
0x51: {  	[sflag:s29] =	ssyncset.done $0x0  }
0x52: {  	[sflag:s29] =	ssyncadd.s32 $0xFFFFFF80  }
0x53: {  	[tilespmem:s19], [sflag:$0x6] =	stream.indirect.gather [hbm4b:s13+s10], $0x80, s25, s10, $0xb8;
	[tilespmem:$0x1C000] =	vst v63  }
0x54: {  	s5 =	sadd.s32 $0x40, s31  }
0x55: {  	[tilespmem:s4], [sflag:$0x1] =	stream.linear.gather [hbm4b:s5+s4], $0x80, $0x38;
	[tilespmem:$0x1C000] =	vst v63  }
0x56: {  	s5 =	sadd.s32 $0x40, s0  }
0x57: {  	[tilespmem:s7], [sflag:$0x1] =	stream.linear.gather [hbm4b:s5+s4], $0x80, $0x38;
	[tilespmem:$0x1C000] =	vst v63  }
0x58: {  	_ =	swait.ge [sflag:s22], $0x4000  }
0x59: {  	[sflag:s22] =	ssyncset.done $0x0  }
0x5a: {  	[sflag:s22] =	ssyncadd.s32 $0xFFFFC000  }
0x5b: {  	[spmem:s3] =	stream.indirect.scatter.add.f32 [tilespmem:s19], [sflag:$0x8], $0x80, s26, s10, $0xb8;
	[tilespmem:$0x1C000] =	vst v63  }
0x5c: {  	_ =	swait.ge [sflag:s23], $0x4000  }
0x5d: {  	[sflag:s23] =	ssyncset.done $0x0  }
0x5e: {  	[sflag:s23] =	ssyncadd.s32 $0xFFFFC000  }
0x5f: {  	_ =	swait.ge [sflag:s12], $0x80  }
0x60: {  	[sflag:s12] =	ssyncset.done $0x0  }
0x61: {  	[sflag:s12] =	ssyncadd.s32 $0xFFFFFF80  }
0x62: {  	_ =	swait.ge [sflag:s12], $0x80  }
0x63: {  	[sflag:s12] =	ssyncset.done $0x0  }
0x64: {  	[sflag:s12] =	ssyncadd.s32 $0xFFFFFF80  }
0x65: {  	[tilespmem:s14], [sflag:$0x5] =	stream.indirect.gather [hbm4b:s13+s10], $0x80, s4, s10, $0xb8;
	[tilespmem:$0x1C000] =	vst v63  }
.Ltmp2:
0x66: {  	_ = 	snop;
	(pc) =	sbr.rel .LBB2_2-.Ltmp2, $4  }
0x67: {  	s31 =	sadd.s32 $0x50, s31  }
0x68: {  	[tilespmem:s10], [sflag:$0x2] =	stream.linear.gather [hbm4b:s31+s4], $0x80, $0x38;
	[tilespmem:$0x1C000] =	vst v63  }
0x69: {  	s30 =	sadd.s32 $0x40, s30;
	s31 =	sadd.s32 $0x50, s0  }
0x6a: {  	[tilespmem:s11], [sflag:$0x2] =	stream.linear.gather [hbm4b:s31+s4], $0x80, $0x38;
	[tilespmem:$0x1C000] =	vst v63  }
.LBB2_4:
0x6b: {  	s0 =	simm.s32 $0x6  }
0x6c: {  	_ =	swait.ge [sflag:s0], $0x4000  }
0x6d: {  	s29 =	simm.s32 $0x80;
	s4 =	simm.s32 $0x380;
	[sflag:s0] =	ssyncset.done $0x0  }
0x6e: {  	s5 =	simm.s32 $0x4400;
	s30 =	simm.s32 $0x7;
	[sflag:s0] =	ssyncadd.s32 $0xFFFFC000  }
0x6f: {  	[spmem:s3] =	stream.indirect.scatter.add.f32 [tilespmem:s5], [sflag:$0x8], $0x80, s4, s29, $0xb8;
	[tilespmem:$0x1C000] =	vst v63  }
0x70: {  	_ =	swait.ge [sflag:s30], $0x4000  }
0x71: {  	[sflag:s30] =	ssyncset.done $0x0  }
0x72: {  	s31 =	simm.s32 $0x8;
	[sflag:s30] =	ssyncadd.s32 $0xFFFFC000  }
0x73: {  	_ =	swait.ge [sflag:s31], $0x4000  }
0x74: {  	[sflag:s31] =	ssyncset.done $0x0  }
0x75: {  	p0 =	seq.s32 s1, $0xF;
	[sflag:s31] =	ssyncadd.s32 $0xFFFFC000  }
0x76: {  	s0 =	sshrl.u32 @p0 s8, $0x3;
	[bflag:$0x0] =	sbarrier.arrive $0xFFFF  }
0x77: {  	[hbm:s9], [sflag:s2] =	dma.local @p0 [spmem:s0], $0x2800  }
0x78: {  	s0 =	simm.s32 @p0 $0x9  }
0x79: {  	_ =	swait.ge @p0 [sflag:s0], $0x2800  }
0x7a: {  	[sflag:s0] =	ssyncset.done @p0 $0x0  }
0x7b: {  	[sflag:s0] =	ssyncadd.s32 @p0 $0xFFFFD800;
	s0 =	rddreg [dreg:$0x4]  }
0x7c: {  	s0 =	sshrl.u32 @!p0 s0, $0x3  }
0x7d: {  	[hbm:s6], [sflag:s2] =	dma.local @!p0 [spmem:s0], $0x2700  }
0x7e: {  	s0 =	simm.s32 @!p0 $0x9  }
0x7f: {  	_ =	swait.ge @!p0 [sflag:s0], $0x2700  }
0x80: {  	[sflag:s0] =	ssyncset.done @!p0 $0x0  }
0x81: {  	[sflag:s0] =	ssyncadd.s32 @!p0 $0xFFFFD900  }
0x82: {  	s2 =	rddreg [dreg:$0x3]  }
.LBB2_5:
0x83: {  	_ =	sfence.sel $0x180000  }
0x84: {  	[bflag:$0x0] =	sbarrier.arrive $0xFFFF  }
0x85: {  	p0 =	sne.s32 s1, $0x0;
	_ =	strace $0x9000004D  }
0x86: {  	s0 =	sadd.s32 @!p0 $0x100000, s2;
	[bflag:$0x2] =	sbarrier.arrive $0xFFFF  }
0x87: {  	[sflag:s0] =	ssyncadd.tile.s32 @!p0 $0x1;
	_ =	shalt  }
.Lfunc_end2:
_tile_overlayer_lowered:
.L_overlay_start_2:
0x88: {  	(tag) =	ssettag $0x2  }
0x89: {  	s0 =	rddreg [dreg:$0x0];
	s2 =	stileid.u32  }
0x8a: {  	s1 =	rddreg [dreg:$0x1];
	p0 =	sne.s32 s2, $0x0  }
0x8b: {  	s3 =	rddreg [dreg:$0x2];
	[bflag:$0x3] =	sbarrier.arrive $0xFFFF;
	s2 =	simm.s32 @!p0 $0x1C09  }
0x8c: {  	[timem:s3], [sflag:s2] =	dma.local @!p0 [hbm:s0], s1  }
0x8d: {  	s0 =	simm.s32 @!p0 $0x9  }
0x8e: {  	_ =	swait.ge @!p0 [sflag:s0], s1  }
0x8f: {  	s1 =	ssub.s32 @!p0 $0x0, s1;
	[sflag:s0] =	ssyncset.done @!p0 $0x0  }
0x90: {  	[sflag:s0] =	ssyncadd.s32 @!p0 s1  }
0x91: {  	[bflag:$0x3] =	sbarrier.arrive $0xFFFF  }
0x92: {  	_ =	shalt  }

// kernel: kernel.23.cloned.1.call-start
scs
__scs_entry_jumppad:
0x0: {  	(pc) =	sbr.rel $0x88, $3  }
0x1: {  	(tag) =	ssettag $0x0;
	lr =	simm.s32 $0x1  }
0x2: {  	[smem:$0x3F96] =	sst lr;
	_ =	strace $0xD0000000  }
0x3: {  	_ = 	snop  }
0x4: {  	_ = 	snop  }
0x5: {  	_ = 	snop  }
0x6: {  	_ = 	snop  }
0x7: {  	_ = 	snop  }
__scs_overlays_trampoline_lowered:
0x8: {  	[smem:$0x3FA5] =	sst s0  }
0x9: {  	[smem:$0x3FA6] =	sst s1  }
0xa: {  	[smem:$0x3FA7] =	sst s2  }
0xb: {  	[smem:$0x3FA8] =	sst s3  }
0xc: {  	[smem:$0x3FA9] =	sst s4  }
0xd: {  	[smem:$0x3FAA] =	sst s5  }
0xe: {  	[smem:$0x3FAB] =	sst s6  }
0xf: {  	[smem:$0x3FAC] =	sst s7  }
0x10: {  	[smem:$0x3FAD] =	sst s8  }
0x11: {  	[smem:$0x3FAE] =	sst s9;
	s0 =	simm.s32 @!p0 $0x0  }
0x12: {  	s1 =	sld [smem:$0x3F94];
	s0 =	simm.s32 @p0 $0x1  }
0x13: {  	[smem:$0x3FAF] =	sst s0;
	s0 =	simm.s32 @!p1 $0x0  }
0x14: {  	s2 =	sld [smem:$0x3F93];
	s0 =	simm.s32 @p1 $0x1  }
0x15: {  	[smem:$0x3FB0] =	sst s0;
	s0 =	simm.s32 @!p2 $0x0  }
0x16: {  	s3 =	sld [smem:$0x3FDB];
	s0 =	simm.s32 @p2 $0x1  }
0x17: {  	s4 =	simm.s32 $0x1BF5;
	[smem:$0x3FB2] =	sst s0  }
0x18: {  	s0 =	sld [smem:$0x3F95];
	_ =	swait.ge [sflag:s4], $0x0  }
0x19: {  	s7 =	sld [smem:$0x3F96]  }
0x1a: {  	s8 =	sadd.s32 $0xFFFFE003, lr  }
0x1b: {  	s9 =	sadd.s32 $0xFFFFFEF7, lr;
	s5 =	simm.s32 $0xFFFFFFFF;
	p2 =	slt.u32 s8, $0xFFFFF086  }
0x1c: {  	p1 =	slt.u32 s9, $0xF7A;
	s5 =	simm.s32 @!p2 $0x0  }
0x1d: {  	s5 =	simm.s32 @p1 $0x1;
	p0 =	seq.s32 s7, s2  }
0x1e: {  	s7 =	smul.u32 @!p0 $0xF7A, s2;
	p2 =	seq.s32 @!p0 s5, $0x0  }
0x1f: {  	s9 =	smul.u32 $0xF7A, s1;
	s8 =	simm.s32 @!p0 $0x1BF5;
	p2 =	por !p2, p0  }
0x20: {  	[sflag:s8] =	ssyncset.s32 @!p0 $0xFFFFF086;
	s6 =	sadd.s32 @!p0 s3, s7;
	s7 =	simm.s32 @!p0 $0x108  }
0x21: {  	s3 =	sadd.s32 s3, s9;
	s6 =	sadd.s32 @!p0 $0x88, s6;
	s7 =	simm.s32 @p2 $0x1082  }
0x22: {  	[simem:s7], [sflag:s8] =	dma.local @!p0 [hbm:s6], $0xF7A  }
0x23: {  	s9 =	sor.u32 $0xD0000000, s2;
	s6 =	simm.s32 $0x108;
	_ =	swait.ge @!p0 [sflag:s8], $0x0  }
0x24: {  	s3 =	sadd.s32 $0x88, s3;
	s6 =	simm.s32 @!p1 $0x1082;
	[sflag:s4] =	ssyncset.s32 $0xFFFFF086  }
0x25: {  	[simem:s6], [sflag:s4] =	dma.local [hbm:s3], $0xF7A  }
0x26: {  	[smem:$0x3F96] =	sst s1;
	(tag) =	ssettag s2;
	_ =	strace s9  }
0x27: {  	s1 =	sld [smem:$0x3FA6]  }
0x28: {  	s2 =	sld [smem:$0x3FA7]  }
0x29: {  	s4 =	sld [smem:$0x3FA9]  }
0x2a: {  	p0 =	seq.s32 s5, $0x0;
	s5 =	sld [smem:$0x3FAA]  }
0x2b: {  	s6 =	sld [smem:$0x3FAB]  }
0x2c: {  	s7 =	sld [smem:$0x3FAC]  }
0x2d: {  	s3 =	simm.s32 $0x108;
	s8 =	sld [smem:$0x3FAD]  }
0x2e: {  	s3 =	simm.s32 @!p0 $0x1082;
	s9 =	sld [smem:$0x3FAE]  }
0x2f: {  	lr =	sadd.s32 s0, s3;
	s0 =	sld [smem:$0x3FA5]  }
0x30: {  	s3 =	sld [smem:$0x3FA8]  }
0x31: {  	[smem:$0x3FB1] =	sst s10  }
0x32: {  	s10 =	sld [smem:$0x3FAF];
	_ =	sdelay $0x3  }
0x33: {  	p0 =	seq.s32 s10, $0x1;
	s10 =	sld [smem:$0x3FB1];
	_ =	sdelay $0x3  }
0x34: {  	[smem:$0x3FB1] =	sst s10  }
0x35: {  	s10 =	sld [smem:$0x3FB0];
	_ =	sdelay $0x3  }
0x36: {  	p1 =	seq.s32 s10, $0x1;
	s10 =	sld [smem:$0x3FB1];
	_ =	sdelay $0x3  }
0x37: {  	[smem:$0x3FB1] =	sst s10  }
0x38: {  	s10 =	sld [smem:$0x3FB2]  }
0x39: {  	_ = 	snop;
	(pc) =	sbr.ind lr, $3  }
0x3a: {  	_ = 	snop  }
0x3b: {  	_ = 	snop  }
0x3c: {  	p2 =	seq.s32 s10, $0x1;
	s10 =	sld [smem:$0x3FB1]  }
0x3d: {  	_ =	shalt  }
0x3e: {  	_ =	shalt  }
0x3f: {  	_ =	shalt  }
0x40: {  	_ =	shalt  }
0x41: {  	_ =	shalt  }
0x42: {  	_ =	shalt  }
0x43: {  	_ =	shalt  }
0x44: {  	_ =	shalt  }
0x45: {  	_ =	shalt  }
0x46: {  	_ =	shalt  }
0x47: {  	_ =	shalt  }
0x48: {  	_ =	shalt  }
0x49: {  	_ =	shalt  }
0x4a: {  	_ =	shalt  }
0x4b: {  	_ =	shalt  }
0x4c: {  	_ =	shalt  }
0x4d: {  	_ =	shalt  }
0x4e: {  	_ =	shalt  }
0x4f: {  	_ =	shalt  }
0x50: {  	_ =	shalt  }
0x51: {  	_ =	shalt  }
0x52: {  	_ =	shalt  }
0x53: {  	_ =	shalt  }
0x54: {  	_ =	shalt  }
0x55: {  	_ =	shalt  }
0x56: {  	_ =	shalt  }
0x57: {  	_ =	shalt  }
0x58: {  	_ =	shalt  }
0x59: {  	_ =	shalt  }
0x5a: {  	_ =	shalt  }
0x5b: {  	_ =	shalt  }
0x5c: {  	_ =	shalt  }
0x5d: {  	_ =	shalt  }
0x5e: {  	_ =	shalt  }
0x5f: {  	_ =	shalt  }
0x60: {  	_ =	shalt  }
0x61: {  	_ =	shalt  }
0x62: {  	_ =	shalt  }
0x63: {  	_ =	shalt  }
0x64: {  	_ =	shalt  }
0x65: {  	_ =	shalt  }
0x66: {  	_ =	shalt  }
0x67: {  	_ =	shalt  }
0x68: {  	_ =	shalt  }
0x69: {  	_ =	shalt  }
0x6a: {  	_ =	shalt  }
0x6b: {  	_ =	shalt  }
0x6c: {  	_ =	shalt  }
0x6d: {  	_ =	shalt  }
0x6e: {  	_ =	shalt  }
0x6f: {  	_ =	shalt  }
0x70: {  	_ =	shalt  }
0x71: {  	_ =	shalt  }
0x72: {  	_ =	shalt  }
0x73: {  	_ =	shalt  }
0x74: {  	_ =	shalt  }
0x75: {  	_ =	shalt  }
0x76: {  	_ =	shalt  }
0x77: {  	_ =	shalt  }
0x78: {  	_ =	shalt  }
0x79: {  	_ =	shalt  }
0x7a: {  	_ =	shalt  }
0x7b: {  	_ =	shalt  }
0x7c: {  	_ =	shalt  }
0x7d: {  	_ =	shalt  }
0x7e: {  	_ =	shalt  }
0x7f: {  	_ =	shalt  }
0x80: {  	_ =	shalt  }
0x81: {  	_ =	shalt  }
0x82: {  	_ =	shalt  }
0x83: {  	_ =	shalt  }
0x84: {  	_ =	shalt  }
0x85: {  	_ =	shalt  }
0x86: {  	_ =	shalt  }
0x87: {  	_ =	shalt  }
.Lfunc_end0:
.L_simem_size_0:
called_computation.3_lowered:
.L_overlay_start_0:
0x88: {  	s2 =	sld [smem:$0x3FD9]  }
0x89: {  	s3 =	sld [smem:$0x3FFE];
	_ =	sdelay $0x1  }
0x8a: {  	s1 =	srdreg.scid  }
0x8b: {  	s0 =	sand.u32 $0x1, s1  }
0x8c: {  	s14 =	sshll.u32 s0, $0xA;
	s2 =	sadd.s32 s3, s2  }
0x8d: {  	s2 =	sadd.s32 s2, s14  }
0x8e: {  	[smem:$0x3FBD] =	sst s2  }
0x8f: {  	_ = 	snop  }
0x90: {  	s2 =	sld [smem:$0x3FD0];
	_ =	sdelay $0x2  }
0x91: {  	s15 =	simm.s32 $0xA;
	s4 =	simm.s32 $0x10  }
0x92: {  	[smem:s4], [sflag:s15] =	dma.local [hbm:s2], $0x1  }
0x93: {  	_ =	swait.eq [sflag:s15], $0x1  }
0x94: {  	[sflag:s15] =	ssyncset.done $0x0  }
0x95: {  	[sflag:s15] =	ssyncadd.s32 $0xFFFFFFFF  }
0x96: {  	s16 =	sld [smem:$0x12];
	(tm) =	ssettm $0x1  }
0x97: {  	s17 =	sld [smem:$0x3FFB];
	_ =	sdelay $0x3  }
0x98: {  	_ =	strace s17  }
0x99: {  	s3 =	sld [smem:$0x3FFC];
	_ =	sdelay $0x3  }
0x9a: {  	_ =	strace s3  }
0x9b: {  	s3 =	sld [smem:$0x3FFD];
	_ =	sdelay $0x3  }
0x9c: {  	_ =	strace s3  }
0x9d: {  	_ =	strace $0x8FFFFFFF  }
0x9e: {  	s18 =	sld [smem:$0x3FDB];
	_ =	sdelay $0x1  }
0x9f: {  	s19 =	simm.s32 $_scs_section_size  }
0xa0: {  	s5 =	simm.s32 $_size__tile_overlayer_lowered;
	s6 =	simm.s32 $_tile_overlayer_lowered  }
0xa1: {  	s22 =	simm.s32 $0x1BFF;
	s21 =	sshll.u32 s6, $0x1;
	s3 =	sadd.s32 s19, s18  }
0xa2: {  	s7 =	simm.s32 $0x0;
	s20 =	sshll.u32 s5, $0x1;
	s5 =	sadd.s32 s21, s3  }
0xa3: {  	[timem:s7], [sflag:s22] =	dma.local [hbm:s5], s20  }
0xa4: {  	_ =	swait.ge [sflag:s22], s20  }
0xa5: {  	s4 =	ssub.s32 $0x0, s20;
	[sflag:s22] =	ssyncset.done $0x0  }
0xa6: {  	[sflag:s22] =	ssyncadd.s32 s4;
	_ =	sdelay $0x1  }
0xa7: {  	s23 =	simm.s32 $0x1B8B  }
0xa8: {  	_ =	swait.ge [sflag:s23], $0x1  }
0xa9: {  	[sflag:s23] =	ssyncset.done $0x0  }
0xaa: {  	s25 =	simm.s32 $0x1B8E;
	s24 =	sld [smem:$0x3FFE];
	[sflag:s23] =	ssyncadd.s32 $0xFFFFFFFF  }
0xab: {  	s26 =	simm.s32 $execute0_lowered;
	[smem:$0x3FD2] =	sst s25  }
0xac: {  	s5 =	sshll.u32 s26, $0x1;
	_ =	strace $0x8000004F;
	[dreg:$0x1] =	wrdreg $0xFFFFFFFF  }
0xad: {  	s28 =	simm.s32 $_size_execute0_lowered;
	s3 =	sadd.s32 s3, s5;
	[dreg:$0x0] =	wrdreg $0x0  }
0xae: {  	s5 =	sshll.u32 s28, $0x1;
	[dreg:$0x2] =	wrdreg s3  }
0xaf: {  	[dreg:$0x3] =	wrdreg s5  }
0xb0: {  	[dreg:$0x4] =	wrdreg $0xC0  }
0xb1: {  	_ =	task [dreg:s7], $0x5FFFF  }
0xb2: {  	[dreg:$0x1] =	wrdreg $0xFFFFFFFF  }
0xb3: {  	[dreg:$0x0] =	wrdreg $0x60  }
0xb4: {  	[dreg:$0x2] =	wrdreg s24  }
0xb5: {  	[dreg:$0x3] =	wrdreg s16  }
0xb6: {  	[dreg:$0x4] =	wrdreg $0x84000  }
0xb7: {  	[dreg:$0x5] =	wrdreg $0x9  }
0xb8: {  	_ =	task.clear_ibuf [dreg:s7], $0x6FFFF;
	_ =	strace $0x9000004F  }
0xb9: {  	s29 =	simm.s32 $0x9;
	_ =	strace $0x80000051  }
0xba: {  	_ =	swait.ge [sflag:s29], $0x1  }
0xbb: {  	[sflag:s29] =	ssyncadd.s32 $0xFFFFFFFF  }
0xbc: {  	_ =	strace $0x90000051  }
0xbd: {  	_ =	sfence  }
0xbe: {  	s30 =	sld [smem:$0x0];
	_ =	sdelay $0x2  }
0xbf: {  	s31 =	sshll.u32 s1, $0xD;
	s1 =	sshrl.u32 s1, $0x2  }
0xc0: {  	s3 =	sand.u32 $0x4000, s31;
	s1 =	sadd.s32 s1, s30  }
0xc1: {  	s0 =	sor.u32 s3, s0;
	s1 =	sshll.u32 s1, $0x11  }
0xc2: {  	s0 =	sor.u32 s1, s0  }
0xc3: {  	s0 =	sadd.s32 $0x8F2B, s0  }
0xc4: {  	[sflag:s0] =	ssyncadd.remote.s32 $0x1  }
0xc5: {  	_ =	sfence.sel $0xFFFF  }
0xc6: {  	[dreg:$0x0] =	wrdreg $0xFFFFFFFF;
	(pc) =	sbr.abs _section_cstart, $3  }
0xc7: {  	[dreg:$0x1] =	wrdreg $0xFFFFFFFF  }
0xc8: {  	_ =	task.clear_ibuf [dreg:s7], $0x2FFFF;
	_ =	strace $0x9FFFFFFF  }
0xc9: {  	(tm) =	ssettm $0x7FFFFFFF  }
tec
execute0_lowered:
.L_overlay_start_1:
0x0: {  	(tag) =	ssettag $0x1  }
0x1: {  	s1 =	srdreg.scid  }
0x2: {  	s1 =	sand.u32 $0x1, s1  }
0x3: {  	p0 =	seq.s32 s1, $0x1  }
.Ltmp0:
0x4: {  	s0 =	rddreg [dreg:$0x0];
	(pc) =	sbr.rel @p0 .LBB2_5-.Ltmp0, $4  }
0x5: {  	s5 =	rddreg [dreg:$0x1]  }
0x6: {  	s3 =	rddreg [dreg:$0x2];
	s4 =	simm.s32 $0x0  }
0x7: {  	[smem:$0x7FF] =	sst s4  }
0x8: {  	s2 =	rddreg [dreg:$0x3];
	_ =	strace $0x80000050;
	s1 =	stileid.u32  }
0x9: {  	s2 =	smul.u32 $0x4F000, s1;
	s18 =	sshll.u32 s1, $0x6;
	s19 =	simm.s32 $0x9  }
0xa: {  	s20 =	smul.u32 $0x2A00, s1;
	s16 =	sadd.s32 $0xB400, s0;
	s15 =	sadd.s32 $0x5800, s0  }
0xb: {  	s7 =	simm.s32 $0x200;
	s10 =	simm.s32 $0x80;
	s11 =	simm.s32 $0x280  }
0xc: {  	s24 =	smul.u32 $0x2700, s1;
	s12 =	simm.s32 $0x1;
	s2 =	sshrl.u32 s2, $0x2  }
0xd: {  	s25 =	smul.u32 $0x4E000, s1;
	s13 =	sadd.s32 $0x10800, s0;
	s6 =	sadd.s32 s2, s3  }
0xe: {  	s9 =	sadd.s32 $0xD1900, s0;
	s2 =	sor.u32 $0x1C09, s18;
	s6 =	sshrl.u32 s6, $0x3  }
0xf: {  	[spmem:s6], [sflag:s2] =	dma.local [hbm:s5], $0x2780  }
0x10: {  	s14 =	simm.s32 $0x400;
	s31 =	smul.u32 $0x540, s1;
	_ =	swait.ge [sflag:s19], $0x2780  }
0x11: {  	s17 =	simm.s32 $0x5;
	s28 =	simm.s32 $0x8;
	[sflag:s19] =	ssyncset.done $0x0  }
0x12: {  	s29 =	simm.s32 $0x4;
	s6 =	sshrl.u32 s20, $0x3;
	[sflag:s19] =	ssyncadd.s32 $0xFFFFD880  }
0x13: {  	s30 =	simm.s32 $0x0;
	s21 =	sadd.s32 s16, s6;
	[bflag:$0x0] =	sbarrier.arrive $0xFFFF  }
0x14: {  	[tilespmem:s4], [sflag:$0x1] =	stream.linear.gather [hbm4b:s21+s4], $0x80, $0x38;
	[tilespmem:$0x1C000] =	vst v63  }
0x15: {  	s8 =	sadd.s32 s24, s0;
	s22 =	sor.u32 $0x10, s6;
	s6 =	sadd.s32 s15, s6  }
0x16: {  	[tilespmem:s7], [sflag:$0x1] =	stream.linear.gather [hbm4b:s6+s4], $0x80, $0x38;
	[tilespmem:$0x1C000] =	vst v63  }
0x17: {  	s26 =	sshrl.u32 s25, $0x2;
	s24 =	simm.s32 $0x3;
	s23 =	sadd.s32 s16, s22  }
0x18: {  	[tilespmem:s10], [sflag:$0x2] =	stream.linear.gather [hbm4b:s23+s4], $0x80, $0x38;
	[tilespmem:$0x1C000] =	vst v63  }
0x19: {  	s25 =	simm.s32 $0x180;
	s18 =	simm.s32 $0x2;
	s5 =	sadd.s32 s15, s22  }
0x1a: {  	[tilespmem:s11], [sflag:$0x2] =	stream.linear.gather [hbm4b:s5+s4], $0x80, $0x38;
	[tilespmem:$0x1C000] =	vst v63  }
0x1b: {  	s20 =	simm.s32 $0x100;
	s15 =	sadd.s32 s31, s15;
	_ =	swait.ge [sflag:s12], $0x80  }
0x1c: {  	s16 =	sadd.s32 s31, s16;
	s5 =	sadd.s32 s26, s3;
	[sflag:s12] =	ssyncset.done $0x0  }
0x1d: {  	s22 =	simm.s32 $0x6;
	[dreg:$0x4] =	wrdreg s5;
	[sflag:s12] =	ssyncadd.s32 $0xFFFFFF80  }
0x1e: {  	s19 =	simm.s32 $0x4400;
	s21 =	simm.s32 $0x300;
	_ =	swait.ge [sflag:s12], $0x80  }
0x1f: {  	s6 =	sadd.s32 $0xAD000, s8;
	s8 =	sadd.s32 $0x124800, s3;
	[sflag:s12] =	ssyncset.done $0x0  }
0x20: {  	s23 =	simm.s32 $0x7;
	s26 =	simm.s32 $0x380;
	[sflag:s12] =	ssyncadd.s32 $0xFFFFFF80  }
0x21: {  	[tilespmem:s14], [sflag:$0x5] =	stream.indirect.gather [hbm4b:s13+s10], $0x80, s4, s10, $0xb8;
	[tilespmem:$0x1C000] =	vst v63  }
.LBB2_2:
0x22: {  	_ =	swait.ge [sflag:s17], $0x4000  }
0x23: {  	p0 =	seq.s32 s30, $0x0;
	[sflag:s17] =	ssyncset.done $0x0  }
0x24: {  	s0 =	simm.s32 @!p0 $0x8;
	[sflag:s17] =	ssyncadd.s32 $0xFFFFC000  }
0x25: {  	[spmem:s3] =	stream.indirect.scatter.add.f32 [tilespmem:s14], [sflag:$0x7], $0x80, s7, s10, $0xb8;
	[tilespmem:$0x1C000] =	vst v63  }
0x26: {  	_ =	swait.ge @!p0 [sflag:s0], $0x4000  }
0x27: {  	[sflag:s0] =	ssyncset.done @!p0 $0x0  }
0x28: {  	[sflag:s0] =	ssyncadd.s32 @!p0 $0xFFFFC000  }
0x29: {  	_ =	swait.ge [sflag:s18], $0x80  }
0x2a: {  	[sflag:s18] =	ssyncset.done $0x0  }
0x2b: {  	[sflag:s18] =	ssyncadd.s32 $0xFFFFFF80  }
0x2c: {  	_ =	swait.ge [sflag:s18], $0x80  }
0x2d: {  	[sflag:s18] =	ssyncset.done $0x0  }
0x2e: {  	s31 =	sadd.s32 s30, s16;
	[sflag:s18] =	ssyncadd.s32 $0xFFFFFF80  }
0x2f: {  	[tilespmem:s19], [sflag:$0x6] =	stream.indirect.gather [hbm4b:s13+s10], $0x80, s10, s10, $0xb8;
	[tilespmem:$0x1C000] =	vst v63  }
0x30: {  	s5 =	sadd.s32 $0x20, s31;
	s0 =	sadd.s32 s30, s15  }
0x31: {  	[tilespmem:s20], [sflag:$0x3] =	stream.linear.gather [hbm4b:s5+s4], $0x80, $0x38;
	[tilespmem:$0x1C000] =	vst v63  }
0x32: {  	s5 =	sadd.s32 $0x20, s0  }
0x33: {  	[tilespmem:s21], [sflag:$0x3] =	stream.linear.gather [hbm4b:s5+s4], $0x80, $0x38;
	[tilespmem:$0x1C000] =	vst v63  }
0x34: {  	_ =	swait.ge [sflag:s22], $0x4000  }
0x35: {  	[sflag:s22] =	ssyncset.done $0x0  }
0x36: {  	[sflag:s22] =	ssyncadd.s32 $0xFFFFC000  }
0x37: {  	[spmem:s3] =	stream.indirect.scatter.add.f32 [tilespmem:s19], [sflag:$0x8], $0x80, s11, s10, $0xb8;
	[tilespmem:$0x1C000] =	vst v63  }
0x38: {  	_ =	swait.ge [sflag:s23], $0x4000  }
0x39: {  	[sflag:s23] =	ssyncset.done $0x0  }
0x3a: {  	[sflag:s23] =	ssyncadd.s32 $0xFFFFC000  }
0x3b: {  	_ =	swait.ge [sflag:s24], $0x80  }
0x3c: {  	[sflag:s24] =	ssyncset.done $0x0  }
0x3d: {  	[sflag:s24] =	ssyncadd.s32 $0xFFFFFF80  }
0x3e: {  	_ =	swait.ge [sflag:s24], $0x80  }
0x3f: {  	[sflag:s24] =	ssyncset.done $0x0  }
0x40: {  	[sflag:s24] =	ssyncadd.s32 $0xFFFFFF80  }
0x41: {  	[tilespmem:s14], [sflag:$0x5] =	stream.indirect.gather [hbm4b:s13+s10], $0x80, s20, s10, $0xb8;
	[tilespmem:$0x1C000] =	vst v63  }
0x42: {  	s5 =	sadd.s32 $0x30, s31  }
0x43: {  	[tilespmem:s25], [sflag:$0x4] =	stream.linear.gather [hbm4b:s5+s4], $0x80, $0x38;
	[tilespmem:$0x1C000] =	vst v63  }
0x44: {  	s5 =	sadd.s32 $0x30, s0  }
0x45: {  	[tilespmem:s26], [sflag:$0x4] =	stream.linear.gather [hbm4b:s5+s4], $0x80, $0x38;
	[tilespmem:$0x1C000] =	vst v63  }
0x46: {  	_ =	swait.ge [sflag:s17], $0x4000  }
0x47: {  	[sflag:s17] =	ssyncset.done $0x0  }
0x48: {  	[sflag:s17] =	ssyncadd.s32 $0xFFFFC000  }
0x49: {  	[spmem:s3] =	stream.indirect.scatter.add.f32 [tilespmem:s14], [sflag:$0x7], $0x80, s21, s10, $0xb8;
	[tilespmem:$0x1C000] =	vst v63  }
0x4a: {  	_ =	swait.ge [sflag:s28], $0x4000  }
0x4b: {  	[sflag:s28] =	ssyncset.done $0x0  }
0x4c: {  	[sflag:s28] =	ssyncadd.s32 $0xFFFFC000  }
0x4d: {  	_ =	swait.ge [sflag:s29], $0x80  }
0x4e: {  	p0 =	seq.s32 s30, $0x500;
	[sflag:s29] =	ssyncset.done $0x0  }
.Ltmp1:
0x4f: {  	[sflag:s29] =	ssyncadd.s32 $0xFFFFFF80;
	(pc) =	sbr.rel @p0 .LBB2_4-.Ltmp1, $4  }
0x50: {  	_ =	swait.ge [sflag:s29], $0x80  }
0x51: {  	[sflag:s29] =	ssyncset.done $0x0  }
0x52: {  	[sflag:s29] =	ssyncadd.s32 $0xFFFFFF80  }
0x53: {  	[tilespmem:s19], [sflag:$0x6] =	stream.indirect.gather [hbm4b:s13+s10], $0x80, s25, s10, $0xb8;
	[tilespmem:$0x1C000] =	vst v63  }
0x54: {  	s5 =	sadd.s32 $0x40, s31  }
0x55: {  	[tilespmem:s4], [sflag:$0x1] =	stream.linear.gather [hbm4b:s5+s4], $0x80, $0x38;
	[tilespmem:$0x1C000] =	vst v63  }
0x56: {  	s5 =	sadd.s32 $0x40, s0  }
0x57: {  	[tilespmem:s7], [sflag:$0x1] =	stream.linear.gather [hbm4b:s5+s4], $0x80, $0x38;
	[tilespmem:$0x1C000] =	vst v63  }
0x58: {  	_ =	swait.ge [sflag:s22], $0x4000  }
0x59: {  	[sflag:s22] =	ssyncset.done $0x0  }
0x5a: {  	[sflag:s22] =	ssyncadd.s32 $0xFFFFC000  }
0x5b: {  	[spmem:s3] =	stream.indirect.scatter.add.f32 [tilespmem:s19], [sflag:$0x8], $0x80, s26, s10, $0xb8;
	[tilespmem:$0x1C000] =	vst v63  }
0x5c: {  	_ =	swait.ge [sflag:s23], $0x4000  }
0x5d: {  	[sflag:s23] =	ssyncset.done $0x0  }
0x5e: {  	[sflag:s23] =	ssyncadd.s32 $0xFFFFC000  }
0x5f: {  	_ =	swait.ge [sflag:s12], $0x80  }
0x60: {  	[sflag:s12] =	ssyncset.done $0x0  }
0x61: {  	[sflag:s12] =	ssyncadd.s32 $0xFFFFFF80  }
0x62: {  	_ =	swait.ge [sflag:s12], $0x80  }
0x63: {  	[sflag:s12] =	ssyncset.done $0x0  }
0x64: {  	[sflag:s12] =	ssyncadd.s32 $0xFFFFFF80  }
0x65: {  	[tilespmem:s14], [sflag:$0x5] =	stream.indirect.gather [hbm4b:s13+s10], $0x80, s4, s10, $0xb8;
	[tilespmem:$0x1C000] =	vst v63  }
.Ltmp2:
0x66: {  	_ = 	snop;
	(pc) =	sbr.rel .LBB2_2-.Ltmp2, $4  }
0x67: {  	s31 =	sadd.s32 $0x50, s31  }
0x68: {  	[tilespmem:s10], [sflag:$0x2] =	stream.linear.gather [hbm4b:s31+s4], $0x80, $0x38;
	[tilespmem:$0x1C000] =	vst v63  }
0x69: {  	s30 =	sadd.s32 $0x40, s30;
	s31 =	sadd.s32 $0x50, s0  }
0x6a: {  	[tilespmem:s11], [sflag:$0x2] =	stream.linear.gather [hbm4b:s31+s4], $0x80, $0x38;
	[tilespmem:$0x1C000] =	vst v63  }
.LBB2_4:
0x6b: {  	s0 =	simm.s32 $0x6  }
0x6c: {  	_ =	swait.ge [sflag:s0], $0x4000  }
0x6d: {  	s29 =	simm.s32 $0x80;
	s4 =	simm.s32 $0x380;
	[sflag:s0] =	ssyncset.done $0x0  }
0x6e: {  	s5 =	simm.s32 $0x4400;
	s30 =	simm.s32 $0x7;
	[sflag:s0] =	ssyncadd.s32 $0xFFFFC000  }
0x6f: {  	[spmem:s3] =	stream.indirect.scatter.add.f32 [tilespmem:s5], [sflag:$0x8], $0x80, s4, s29, $0xb8;
	[tilespmem:$0x1C000] =	vst v63  }
0x70: {  	_ =	swait.ge [sflag:s30], $0x4000  }
0x71: {  	[sflag:s30] =	ssyncset.done $0x0  }
0x72: {  	s31 =	simm.s32 $0x8;
	[sflag:s30] =	ssyncadd.s32 $0xFFFFC000  }
0x73: {  	_ =	swait.ge [sflag:s31], $0x4000  }
0x74: {  	[sflag:s31] =	ssyncset.done $0x0  }
0x75: {  	p0 =	seq.s32 s1, $0xF;
	[sflag:s31] =	ssyncadd.s32 $0xFFFFC000  }
0x76: {  	s0 =	sshrl.u32 @p0 s8, $0x3;
	[bflag:$0x0] =	sbarrier.arrive $0xFFFF  }
0x77: {  	[hbm:s9], [sflag:s2] =	dma.local @p0 [spmem:s0], $0x2800  }
0x78: {  	s0 =	simm.s32 @p0 $0x9  }
0x79: {  	_ =	swait.ge @p0 [sflag:s0], $0x2800  }
0x7a: {  	[sflag:s0] =	ssyncset.done @p0 $0x0  }
0x7b: {  	[sflag:s0] =	ssyncadd.s32 @p0 $0xFFFFD800;
	s0 =	rddreg [dreg:$0x4]  }
0x7c: {  	s0 =	sshrl.u32 @!p0 s0, $0x3  }
0x7d: {  	[hbm:s6], [sflag:s2] =	dma.local @!p0 [spmem:s0], $0x2700  }
0x7e: {  	s0 =	simm.s32 @!p0 $0x9  }
0x7f: {  	_ =	swait.ge @!p0 [sflag:s0], $0x2700  }
0x80: {  	[sflag:s0] =	ssyncset.done @!p0 $0x0  }
0x81: {  	[sflag:s0] =	ssyncadd.s32 @!p0 $0xFFFFD900  }
0x82: {  	s2 =	rddreg [dreg:$0x3]  }
.LBB2_5:
0x83: {  	_ =	sfence.sel $0x180000  }
0x84: {  	[bflag:$0x0] =	sbarrier.arrive $0xFFFF  }
0x85: {  	p0 =	sne.s32 s1, $0x0;
	_ =	strace $0x90000050  }
0x86: {  	s0 =	sadd.s32 @!p0 $0x100000, s2;
	[bflag:$0x2] =	sbarrier.arrive $0xFFFF  }
0x87: {  	[sflag:s0] =	ssyncadd.tile.s32 @!p0 $0x1;
	_ =	shalt  }
.Lfunc_end2:
_tile_overlayer_lowered:
.L_overlay_start_2:
0x88: {  	(tag) =	ssettag $0x2  }
0x89: {  	s0 =	rddreg [dreg:$0x0];
	s2 =	stileid.u32  }
0x8a: {  	s1 =	rddreg [dreg:$0x1];
	p0 =	sne.s32 s2, $0x0  }
0x8b: {  	s3 =	rddreg [dreg:$0x2];
	[bflag:$0x3] =	sbarrier.arrive $0xFFFF;
	s2 =	simm.s32 @!p0 $0x1C09  }
0x8c: {  	[timem:s3], [sflag:s2] =	dma.local @!p0 [hbm:s0], s1  }
0x8d: {  	s0 =	simm.s32 @!p0 $0x9  }
0x8e: {  	_ =	swait.ge @!p0 [sflag:s0], s1  }
0x8f: {  	s1 =	ssub.s32 @!p0 $0x0, s1;
	[sflag:s0] =	ssyncset.done @!p0 $0x0  }
0x90: {  	[sflag:s0] =	ssyncadd.s32 @!p0 s1  }
0x91: {  	[bflag:$0x3] =	sbarrier.arrive $0xFFFF  }
0x92: {  	_ =	shalt  }

</sc_bundles>
